<compile_context>
chip_gen: v7x
topology: tpu7x:2x2x1
jax: 0.10.2.dev20260603
libtpu: 0.0.44.dev20260713+nightly
codegen_flags: <defaults>
</compile_context>

<pallas_src>
import dataclasses
import functools

import jax
import jax.numpy as jnp
from jax import lax
from jax.experimental import pallas as pl
from jax.experimental.pallas import tpu as pltpu
from jax.experimental.pallas import tpu_sc as plsc

N = 100000
E = 3200000
B = 16384

N_PAD = 102400
NC, NS = 2, 16
NW = NC * NS
EPT = E // NW
CH = 800
NCHUNK = EPT // CH
SLICE = N_PAD // NS
BPW = B // NW

_mesh = plsc.VectorSubcoreMesh(core_axis_name="c", subcore_axis_name="s")
_f32 = jnp.float32
_i32 = jnp.int32

_cp = pltpu.CompilerParams()
if "needs_layout_passes" in pltpu.CompilerParams.__dataclass_fields__:
    _cp = dataclasses.replace(_cp, needs_layout_passes=False)


def _wrap(chunk):
    return jnp.where(chunk >= NCHUNK, chunk - NCHUNK, chunk)


@functools.partial(
    pl.kernel,
    compiler_params=_cp,
    out_type=jax.ShapeDtypeStruct((NC, N_PAD), _f32),
    mesh=_mesh,
    scratch_types=(
        [pltpu.VMEM_SHARED((N_PAD,), _f32)]
        + [pltpu.VMEM((CH,), _i32) for _ in range(4)]
        + [pltpu.VMEM((CH,), _f32) for _ in range(4)]
        + [pltpu.SemaphoreType.DMA for _ in range(8)]
    ),
)
def _sc_deg(ei_hbm, ew_hbm, z_hbm, out_hbm, acc,
            ix0, ix1, ix2, ix3, v0, v1, v2, v3,
            sx0, sx1, sx2, sx3, ss0, ss1, ss2, ss3):
    c = lax.axis_index("c")
    s = lax.axis_index("s")
    w = c * NS + s
    IX = (ix0, ix1, ix2, ix3)
    V = (v0, v1, v2, v3)
    SX = (sx0, sx1, sx2, sx3)
    SS = (ss0, ss1, ss2, ss3)
    ebase = w * EPT

    def issue_in(chunk, bk):
        off = ebase + _wrap(chunk) * CH
        pltpu.async_copy(ei_hbm.at[pl.ds(E + off, CH)], IX[bk], SX[bk])
        pltpu.async_copy(ew_hbm.at[pl.ds(off, CH)], V[bk], SX[bk])

    def wait_in(chunk, bk):
        off = ebase + _wrap(chunk) * CH
        pltpu.make_async_copy(ei_hbm.at[pl.ds(E + off, CH)], IX[bk], SX[bk]).wait()
        pltpu.make_async_copy(ew_hbm.at[pl.ds(off, CH)], V[bk], SX[bk]).wait()

    def drain_sc(bk):
        pltpu.make_async_copy(V[bk], acc.at[IX[bk]], SS[bk]).wait()

    def process(chunk, bk, drain):
        wait_in(chunk, bk)
        if drain:
            drain_sc((bk + 2) % 4)
        issue_in(chunk + 2, (bk + 2) % 4)
        pltpu.async_copy(V[bk], acc.at[IX[bk]], SS[bk], add=True)

    issue_in(0, 0)
    issue_in(1, 1)
    pltpu.sync_copy(z_hbm.at[pl.ds(s * SLICE, SLICE)],
                    acc.at[pl.ds(s * SLICE, SLICE)])
    plsc.subcore_barrier()
    process(0, 0, False)
    process(1, 1, False)

    @pl.loop(2, NCHUNK - 3, step=4)
    def _(i0):
        for b in range(4):
            process(i0 + b, (2 + b) % 4, True)

    process(122, 2, True)
    process(123, 3, True)
    process(124, 0, True)
    drain_sc(3)
    drain_sc(0)
    wait_in(125, 1)
    wait_in(126, 2)
    plsc.subcore_barrier()
    pltpu.sync_copy(acc.at[pl.ds(s * SLICE, SLICE)],
                    out_hbm.at[c, pl.ds(s * SLICE, SLICE)])


@functools.partial(
    pl.kernel,
    compiler_params=_cp,
    out_type=jax.ShapeDtypeStruct((NC, 2, N_PAD), _f32),
    mesh=_mesh,
    scratch_types=(
        [pltpu.VMEM((N_PAD,), _i32)]
        + [pltpu.VMEM_SHARED((N_PAD,), _f32) for _ in range(2)]
        + [pltpu.VMEM((CH,), _i32) for _ in range(2)]
        + [pltpu.VMEM((CH,), _f32) for _ in range(2)]
        + [pltpu.VMEM((CH,), _i32) for _ in range(4)]
        + [pltpu.VMEM((CH,), _f32) for _ in range(4)]
        + [pltpu.SemaphoreType.DMA for _ in range(8)]
    ),
)
def _sc_prop(ei_hbm, ew_hbm, hp_hbm, z_hbm, out_hbm,
             tab, acc0, acc1, sb0, sb1, wb0, wb1, ix0, ix1, ix2, ix3,
             m00, m01, m10, m11,
             si0, si1, sx0, sx1, sx2, sx3, ss0, ss1):
    c = lax.axis_index("c")
    s = lax.axis_index("s")
    w = c * NS + s
    SB = (sb0, sb1)
    WB = (wb0, wb1)
    IX = (ix0, ix1, ix2, ix3)
    M0 = (m00, m01)
    M1 = (m10, m11)
    SI = (si0, si1)
    SX = (sx0, sx1, sx2, sx3)
    SS = (ss0, ss1)
    ebase = w * EPT

    def issue_in(chunk, bin_, bix):
        off = ebase + _wrap(chunk) * CH
        pltpu.async_copy(ei_hbm.at[pl.ds(off, CH)], SB[bin_], SI[bin_])
        pltpu.async_copy(ew_hbm.at[pl.ds(off, CH)], WB[bin_], SI[bin_])
        pltpu.async_copy(ei_hbm.at[pl.ds(E + off, CH)], IX[bix], SX[bix])

    def wait_in(chunk, bin_, bix):
        off = ebase + _wrap(chunk) * CH
        pltpu.make_async_copy(ei_hbm.at[pl.ds(off, CH)], SB[bin_], SI[bin_]).wait()
        pltpu.make_async_copy(ew_hbm.at[pl.ds(off, CH)], WB[bin_], SI[bin_]).wait()
        pltpu.make_async_copy(ei_hbm.at[pl.ds(E + off, CH)], IX[bix], SX[bix]).wait()

    def drain_sc(bin_, bix):
        pltpu.make_async_copy(M0[bin_], acc0.at[IX[bix]], SS[bin_]).wait()
        pltpu.make_async_copy(M1[bin_], acc1.at[IX[bix]], SS[bin_]).wait()

    def issue_sc(bin_, bix):
        pltpu.async_copy(M0[bin_], acc0.at[IX[bix]], SS[bin_], add=True)
        pltpu.async_copy(M1[bin_], acc1.at[IX[bix]], SS[bin_], add=True)

    def process(chunk, bin_, bix, drain):
        wait_in(chunk, bin_, bix)
        if drain:
            drain_sc(bin_, (bix + 2) % 4)
        sb, wb, m0, m1 = SB[bin_], WB[bin_], M0[bin_], M1[bin_]

        @pl.loop(0, CH, step=16)
        def _(g):
            gi = plsc.load_gather(tab, [sb[pl.ds(g, 16)]])
            w16 = wb[pl.ds(g, 16)]
            m0[pl.ds(g, 16)] = plsc.bitcast(
                lax.shift_left(gi, 16), _f32) * w16
            m1[pl.ds(g, 16)] = plsc.bitcast(
                lax.bitwise_and(gi, jnp.int32(-65536)), _f32) * w16

        issue_in(chunk + 2, bin_, (bix + 2) % 4)
        issue_sc(bin_, bix)

    issue_in(0, 0, 0)
    issue_in(1, 1, 1)
    pltpu.sync_copy(z_hbm.at[pl.ds(s * SLICE, SLICE)],
                    acc0.at[pl.ds(s * SLICE, SLICE)])
    pltpu.sync_copy(z_hbm.at[pl.ds(s * SLICE, SLICE)],
                    acc1.at[pl.ds(s * SLICE, SLICE)])
    pltpu.sync_copy(hp_hbm, tab)
    plsc.subcore_barrier()
    process(0, 0, 0, False)
    process(1, 1, 1, False)

    @pl.loop(2, NCHUNK - 3, step=4)
    def _(i0):
        for b in range(4):
            process(i0 + b, b & 1, (2 + b) % 4, True)

    process(122, 0, 2, True)
    process(123, 1, 3, True)
    process(124, 0, 0, True)
    drain_sc(1, 3)
    drain_sc(0, 0)
    wait_in(125, 1, 1)
    wait_in(126, 0, 2)
    plsc.subcore_barrier()
    pltpu.sync_copy(acc0.at[pl.ds(s * SLICE, SLICE)],
                    out_hbm.at[c, 0, pl.ds(s * SLICE, SLICE)])
    pltpu.sync_copy(acc1.at[pl.ds(s * SLICE, SLICE)],
                    out_hbm.at[c, 1, pl.ds(s * SLICE, SLICE)])


@functools.partial(
    pl.kernel,
    compiler_params=_cp,
    out_type=[jax.ShapeDtypeStruct((B,), _f32) for _ in range(4)],
    mesh=_mesh,
    scratch_types=(
        [pltpu.VMEM((BPW,), _i32) for _ in range(2)]
        + [pltpu.VMEM((BPW,), _f32) for _ in range(4)]
        + [pltpu.SemaphoreType.DMA for _ in range(2)]
    ),
)
def _sc_pairs(x0_hbm, x1_hbm, home_hbm, away_hbm,
              oh0_hbm, oh1_hbm, oa0_hbm, oa1_hbm,
              hbuf, abuf, g0, g1, g2, g3, sem_i, sem_g):
    c = lax.axis_index("c")
    s = lax.axis_index("s")
    w = c * NS + s
    sl = pl.ds(w * BPW, BPW)
    pltpu.async_copy(home_hbm.at[sl], hbuf, sem_i)
    pltpu.async_copy(away_hbm.at[sl], abuf, sem_i)
    pltpu.make_async_copy(home_hbm.at[sl], hbuf, sem_i).wait()
    pltpu.make_async_copy(away_hbm.at[sl], abuf, sem_i).wait()
    pltpu.async_copy(x0_hbm.at[hbuf], g0, sem_g)
    pltpu.async_copy(x1_hbm.at[hbuf], g1, sem_g)
    pltpu.async_copy(x0_hbm.at[abuf], g2, sem_g)
    pltpu.async_copy(x1_hbm.at[abuf], g3, sem_g)
    pltpu.make_async_copy(x0_hbm.at[hbuf], g0, sem_g).wait()
    pltpu.make_async_copy(x1_hbm.at[hbuf], g1, sem_g).wait()
    pltpu.make_async_copy(x0_hbm.at[abuf], g2, sem_g).wait()
    pltpu.make_async_copy(x1_hbm.at[abuf], g3, sem_g).wait()
    pltpu.sync_copy(g0, oh0_hbm.at[sl])
    pltpu.sync_copy(g1, oh1_hbm.at[sl])
    pltpu.sync_copy(g2, oa0_hbm.at[sl])
    pltpu.sync_copy(g3, oa1_hbm.at[sl])


def _lrelu(x):
    return jnp.where(x >= 0, x, 0.01 * x)


def _pack_pair(h0, h1):
    u0 = lax.bitcast_convert_type(h0.astype(jnp.bfloat16), jnp.uint16)
    u1 = lax.bitcast_convert_type(h1.astype(jnp.bfloat16), jnp.uint16)
    p = u0.astype(jnp.uint32) | (u1.astype(jnp.uint32) << 16)
    return lax.bitcast_convert_type(p, jnp.int32)


def _tc_prep_body(degp_ref, e0_ref, e1_ref, e2_ref, w1_ref,
                  dinv_ref, d2_ref, h0_ref, h1_ref, hp_ref):
    degp = degp_ref[...]
    deg = degp[0] + degp[1] + 1.0
    dv = lax.rsqrt(deg)
    dinv_ref[...] = dv
    d2_ref[...] = dv * dv
    w1 = w1_ref[...]
    e0, e1, e2 = e0_ref[...], e1_ref[...], e2_ref[...]
    h0 = e0 * w1[0, 0] + e1 * w1[1, 0] + e2 * w1[2, 0]
    h1 = e0 * w1[0, 1] + e1 * w1[1, 1] + e2 * w1[2, 1]
    h0_ref[...] = h0
    h1_ref[...] = h1
    hp_ref[...] = _pack_pair(dv * h0, dv * h1)


def _tc_prep(degp, e0, e1, e2, w1):
    shp = jax.ShapeDtypeStruct((800, 128), _f32)
    shpi = jax.ShapeDtypeStruct((800, 128), _i32)
    return pl.pallas_call(
        _tc_prep_body, out_shape=[shp, shp, shp, shp, shpi])(degp, e0, e1, e2, w1)


def _tc_mid_body(sp_ref, dinv_ref, d2_ref, h0_ref, h1_ref, b_ref, w2_ref,
                 o0_ref, o1_ref, hp_ref):
    sp = sp_ref[...]
    dv = dinv_ref[...]
    d2 = d2_ref[...]
    b = b_ref[...]
    x0 = _lrelu(dv * (sp[0, 0] + sp[1, 0]) + d2 * h0_ref[...] + b[0, 0])
    x1 = _lrelu(dv * (sp[0, 1] + sp[1, 1]) + d2 * h1_ref[...] + b[0, 1])
    w2 = w2_ref[...]
    h20 = x0 * w2[0, 0] + x1 * w2[1, 0]
    h21 = x0 * w2[0, 1] + x1 * w2[1, 1]
    o0_ref[...] = h20
    o1_ref[...] = h21
    hp_ref[...] = _pack_pair(dv * h20, dv * h21)


def _tc_mid(sp, dinv, d2, h0, h1, b1, w2):
    shp = jax.ShapeDtypeStruct((800, 128), _f32)
    shpi = jax.ShapeDtypeStruct((800, 128), _i32)
    return pl.pallas_call(
        _tc_mid_body, out_shape=[shp, shp, shpi])(sp, dinv, d2, h0, h1, b1, w2)


def _tc_post_body(sp_ref, dinv_ref, d2_ref, h0_ref, h1_ref, b_ref,
                  o0_ref, o1_ref):
    sp = sp_ref[...]
    dv = dinv_ref[...]
    d2 = d2_ref[...]
    b = b_ref[...]
    o0_ref[...] = _lrelu(dv * (sp[0, 0] + sp[1, 0]) + d2 * h0_ref[...] + b[0, 0])
    o1_ref[...] = _lrelu(dv * (sp[0, 1] + sp[1, 1]) + d2 * h1_ref[...] + b[0, 1])


def _tc_post(sp, dinv, d2, h0, h1, b2):
    shp = jax.ShapeDtypeStruct((800, 128), _f32)
    return pl.pallas_call(
        _tc_post_body, out_shape=[shp, shp])(sp, dinv, d2, h0, h1, b2)


def _tc_head_body(gh0_ref, gh1_ref, ga0_ref, ga1_ref,
                  wl1_ref, bl1_ref, wl3_ref, bl3_ref, o0_ref, o1_ref, o2_ref):
    xs = (gh0_ref[...], gh1_ref[...], ga0_ref[...], ga1_ref[...])
    wl1, bl1 = wl1_ref[...], bl1_ref[...]
    ys = []
    for m in range(6):
        acc = bl1[0, m]
        for k in range(4):
            acc = acc + xs[k] * wl1[k, m]
        ys.append(_lrelu(acc))
    wl3, bl3 = wl3_ref[...], bl3_ref[...]
    outs = (o0_ref, o1_ref, o2_ref)
    for t in range(3):
        acc = bl3[0, t]
        for m in range(6):
            acc = acc + ys[m] * wl3[m, t]
        y = _lrelu(acc)
        mx = jnp.max(y)
        lse = jnp.log(jnp.sum(jnp.exp(y - mx))) + mx
        outs[t][...] = y - lse


def _tc_head(gh0, gh1, ga0, ga1, wl1, bl1, wl3, bl3):
    shp = jax.ShapeDtypeStruct((128, 128), _f32)
    return pl.pallas_call(
        _tc_head_body,
        out_shape=[shp, shp, shp])(gh0, gh1, ga0, ga1, wl1, bl1, wl3, bl3)


def kernel(edge_index, edge_weight, home, away, emb,
           W1, b1, W2, b2, Wl1, bl1, Wl3, bl3):
    ei = edge_index.astype(_i32).reshape(-1)
    ew = edge_weight.astype(_f32)
    zin = jnp.zeros((N_PAD,), _f32)

    embp = jnp.pad(emb.astype(_f32), ((0, N_PAD - N), (0, 0)))
    e0 = embp[:, 0].reshape(800, 128)
    e1 = embp[:, 1].reshape(800, 128)
    e2 = embp[:, 2].reshape(800, 128)

    degp = _sc_deg(ei, ew, zin)
    dinv, d2, h10, h11, hp1 = _tc_prep(degp.reshape(2, 800, 128), e0, e1, e2, W1)

    s1 = _sc_prop(ei, ew, hp1.reshape(-1), zin).reshape(2, 2, 800, 128)
    h20, h21, hp2 = _tc_mid(s1, dinv, d2, h10, h11, b1.reshape(1, 2), W2)

    s2 = _sc_prop(ei, ew, hp2.reshape(-1), zin).reshape(2, 2, 800, 128)
    x30, x31 = _tc_post(s2, dinv, d2, h20, h21, b2.reshape(1, 2))

    gh0, gh1, ga0, ga1 = _sc_pairs(x30.reshape(-1), x31.reshape(-1),
                                   home.astype(_i32), away.astype(_i32))
    o0, o1, o2 = _tc_head(gh0.reshape(128, 128), gh1.reshape(128, 128),
                          ga0.reshape(128, 128), ga1.reshape(128, 128),
                          Wl1, bl1.reshape(1, 6), Wl3, bl3.reshape(1, 3))
    return jnp.stack(
        [o0.reshape(-1), o1.reshape(-1), o2.reshape(-1)], axis=-1)

# --- scband reference (transcript-rebuilt; emitter-appended) ---
"""Pipeline reference for scband-gnnmodel-75737453298042 (READ-ONLY COPY).

The authoritative reference and input builder live on the scoring server;
editing this copy changes nothing except your own understanding.
"""

import jax, jax.numpy as jnp
import numpy as np

N_TEAMS = 100000
EMBED_DIM = 3
TARGET_DIM = 3
N_EDGES = 3200000
B = 16384


def _gcn_conv(x, src, dst, ew, W, b, n):
    # GCNConv with edge weights: adds self-loops (weight 1), symmetric deg norm
    loop = jnp.arange(n, dtype=src.dtype)
    src2 = jnp.concatenate([src, loop])
    dst2 = jnp.concatenate([dst, loop])
    ew2 = jnp.concatenate([ew, jnp.ones((n,), dtype=ew.dtype)])
    deg = jax.ops.segment_sum(ew2, dst2, num_segments=n)
    dinv = jnp.where(deg > 0, jax.lax.rsqrt(deg), 0.0)
    norm = dinv[src2] * ew2 * dinv[dst2]
    h = x @ W
    msg = norm[:, None] * jnp.take(h, src2, axis=0)
    out = jax.ops.segment_sum(msg, dst2, num_segments=n)
    return out + b


def setup_inputs(seed: int = 0) -> dict:
    key = jax.random.key(seed)
    ks = jax.random.split(key, 12)
    edge_index = jax.random.randint(ks[0], (2, N_EDGES), 0, N_TEAMS, dtype=jnp.int64 if jax.config.read('jax_enable_x64') else jnp.int32).astype(jnp.int32)
    edge_weight = jax.random.uniform(ks[1], (N_EDGES,), dtype=jnp.float32)
    home = jax.random.randint(ks[2], (B,), 0, N_TEAMS).astype(jnp.int32)
    away = jax.random.randint(ks[3], (B,), 0, N_TEAMS).astype(jnp.int32)
    emb = jax.random.normal(ks[4], (N_TEAMS, EMBED_DIM), dtype=jnp.float32)
    W1 = jax.random.normal(ks[5], (EMBED_DIM, 2), dtype=jnp.float32) * 0.5
    b1 = jnp.zeros((2,), dtype=jnp.float32)
    W2 = jax.random.normal(ks[6], (2, 2), dtype=jnp.float32) * 0.5
    b2 = jnp.zeros((2,), dtype=jnp.float32)
    Wl1 = jax.random.normal(ks[7], (4, 6), dtype=jnp.float32) * 0.5
    bl1 = jnp.zeros((6,), dtype=jnp.float32)
    Wl3 = jax.random.normal(ks[8], (6, TARGET_DIM), dtype=jnp.float32) * 0.5
    bl3 = jnp.zeros((TARGET_DIM,), dtype=jnp.float32)
    return {"edge_index": edge_index, "edge_weight": edge_weight, "home": home, "away": away,
            "emb": emb, "W1": W1, "b1": b1, "W2": W2, "b2": b2,
            "Wl1": Wl1, "bl1": bl1, "Wl3": Wl3, "bl3": bl3}


def reference(edge_index, edge_weight, home, away, emb, W1, b1, W2, b2, Wl1, bl1, Wl3, bl3):
    n = N_TEAMS
    src, dst = edge_index[0], edge_index[1]
    # x = embedding of range(n_teams) -> whole table
    x = jnp.take(emb, jnp.arange(n), axis=0).reshape(-1, EMBED_DIM)
    x = jax.nn.leaky_relu(_gcn_conv(x, src, dst, edge_weight, W1, b1, n))
    # second hop conv (neighbour edge_index approximated by same graph, recomputed weights = same weights)
    x = jax.nn.leaky_relu(_gcn_conv(x, src, dst, edge_weight, W2, b2, n))
    x = jnp.concatenate([jnp.take(x, home, axis=0), jnp.take(x, away, axis=0)], axis=-1)
    x = jax.nn.leaky_relu(x @ Wl1 + bl1)
    x = jax.nn.leaky_relu(x @ Wl3 + bl3)
    x = jax.nn.log_softmax(x, axis=0)
    return x.reshape(-1, TARGET_DIM)

if __name__ == "__main__":
    import jax
    _d = setup_inputs()
    print(jax.jit(kernel)(*tuple(_d.values())))

</pallas_src>

<mosaic_0001>
#map = affine_map<(d0, d1) -> (0)>
module attributes {stable_mosaic.version = 14 : i64} {
  func.func @_sc_pairs(%arg0: i32, %arg1: i32, %arg2: memref<102400xf32, #tpu.memory_space<hbm>>, %arg3: memref<102400xf32, #tpu.memory_space<hbm>>, %arg4: memref<16384xi32, #tpu.memory_space<hbm>>, %arg5: memref<16384xi32, #tpu.memory_space<hbm>>, %arg6: memref<16384xf32, #tpu.memory_space<hbm>>, %arg7: memref<16384xf32, #tpu.memory_space<hbm>>, %arg8: memref<16384xf32, #tpu.memory_space<hbm>>, %arg9: memref<16384xf32, #tpu.memory_space<hbm>>, %arg10: memref<512xi32, #tpu.memory_space<vmem>>, %arg11: memref<512xi32, #tpu.memory_space<vmem>>, %arg12: memref<512xf32, #tpu.memory_space<vmem>>, %arg13: memref<512xf32, #tpu.memory_space<vmem>>, %arg14: memref<512xf32, #tpu.memory_space<vmem>>, %arg15: memref<512xf32, #tpu.memory_space<vmem>>, %arg16: memref<!tpu.dma_semaphore, #tpu.memory_space<semaphore_mem>>, %arg17: memref<!tpu.dma_semaphore, #tpu.memory_space<semaphore_mem>>) attributes {dimension_semantics = [#tpu.dimension_semantics<core_parallel>, #tpu.dimension_semantics<subcore_parallel>], iteration_bounds = array<i64: 2, 16>, scalar_prefetch = 0 : i64, scratch_operands = 8 : i64, tpu.core_type = #tpu.core_type<sc_vector_subcore>, window_params = [{transform_indices = #map}, {transform_indices = #map}, {transform_indices = #map}, {transform_indices = #map}, {transform_indices = #map}, {transform_indices = #map}, {transform_indices = #map}, {transform_indices = #map}]} {
    %mul3A = arith.constant 16 : i32
    %mul3A_0 = arith.muli %arg0, %mul3A : i32
    %add3A = arith.addi %mul3A_0, %arg1 : i32
    %mul3A_1 = arith.constant 512 : i32
    %mul3A_2 = arith.muli %add3A, %mul3A_1 : i32
    %dma_start3A = tpu.memref_slice %arg4[%mul3A_2] : memref<16384xi32, #tpu.memory_space<hbm>> -> memref<512xi32, #tpu.memory_space<hbm>>
    %dma_start3A_3 = tpu.memref_slice %arg4[%mul3A_2] : memref<16384xi32, #tpu.memory_space<hbm>> -> memref<512xi32, #tpu.memory_space<hbm>>
    tpu.enqueue_dma source(%dma_start3A_3 : memref<512xi32, #tpu.memory_space<hbm>>) target(%arg10 : memref<512xi32, #tpu.memory_space<vmem>>) target_semaphore(%arg16 : memref<!tpu.dma_semaphore, #tpu.memory_space<semaphore_mem>>)
    %dma_start3A_4 = tpu.memref_slice %arg5[%mul3A_2] : memref<16384xi32, #tpu.memory_space<hbm>> -> memref<512xi32, #tpu.memory_space<hbm>>
    %dma_start3A_5 = tpu.memref_slice %arg5[%mul3A_2] : memref<16384xi32, #tpu.memory_space<hbm>> -> memref<512xi32, #tpu.memory_space<hbm>>
    tpu.enqueue_dma source(%dma_start3A_5 : memref<512xi32, #tpu.memory_space<hbm>>) target(%arg11 : memref<512xi32, #tpu.memory_space<vmem>>) target_semaphore(%arg16 : memref<!tpu.dma_semaphore, #tpu.memory_space<semaphore_mem>>)
    %dma_wait3A = tpu.memref_slice %arg4[%mul3A_2] : memref<16384xi32, #tpu.memory_space<hbm>> -> memref<512xi32, #tpu.memory_space<hbm>>
    %dma_wait3A_6 = tpu.memref_slice %arg4[%mul3A_2] : memref<16384xi32, #tpu.memory_space<hbm>> -> memref<512xi32, #tpu.memory_space<hbm>>
    tpu.wait_dma2 semaphore(%arg16 : memref<!tpu.dma_semaphore, #tpu.memory_space<semaphore_mem>>) src(%dma_wait3A_6 : memref<512xi32, #tpu.memory_space<hbm>>) dst(%arg10 : memref<512xi32, #tpu.memory_space<vmem>>)
    %dma_wait3A_7 = tpu.memref_slice %arg5[%mul3A_2] : memref<16384xi32, #tpu.memory_space<hbm>> -> memref<512xi32, #tpu.memory_space<hbm>>
    %dma_wait3A_8 = tpu.memref_slice %arg5[%mul3A_2] : memref<16384xi32, #tpu.memory_space<hbm>> -> memref<512xi32, #tpu.memory_space<hbm>>
    tpu.wait_dma2 semaphore(%arg16 : memref<!tpu.dma_semaphore, #tpu.memory_space<semaphore_mem>>) src(%dma_wait3A_8 : memref<512xi32, #tpu.memory_space<hbm>>) dst(%arg11 : memref<512xi32, #tpu.memory_space<vmem>>)
    %dma_start3A_9 = arith.constant 0 : i32
    %dma_start3A_10 = tpu.memref_slice %arg2[%dma_start3A_9] : memref<102400xf32, #tpu.memory_space<hbm>> -> memref<102400xf32, #tpu.memory_space<hbm>>
    tpu.enqueue_indirect_dma source(%dma_start3A_10 : memref<102400xf32, #tpu.memory_space<hbm>>) target(%arg12 : memref<512xf32, #tpu.memory_space<vmem>>) offsets(%arg10 : memref<512xi32, #tpu.memory_space<vmem>>) semaphore(%arg17 : memref<!tpu.dma_semaphore, #tpu.memory_space<semaphore_mem>>)
    %dma_start3A_11 = arith.constant 0 : i32
    %dma_start3A_12 = tpu.memref_slice %arg3[%dma_start3A_11] : memref<102400xf32, #tpu.memory_space<hbm>> -> memref<102400xf32, #tpu.memory_space<hbm>>
    tpu.enqueue_indirect_dma source(%dma_start3A_12 : memref<102400xf32, #tpu.memory_space<hbm>>) target(%arg13 : memref<512xf32, #tpu.memory_space<vmem>>) offsets(%arg10 : memref<512xi32, #tpu.memory_space<vmem>>) semaphore(%arg17 : memref<!tpu.dma_semaphore, #tpu.memory_space<semaphore_mem>>)
    %dma_start3A_13 = arith.constant 0 : i32
    %dma_start3A_14 = tpu.memref_slice %arg2[%dma_start3A_13] : memref<102400xf32, #tpu.memory_space<hbm>> -> memref<102400xf32, #tpu.memory_space<hbm>>
    tpu.enqueue_indirect_dma source(%dma_start3A_14 : memref<102400xf32, #tpu.memory_space<hbm>>) target(%arg14 : memref<512xf32, #tpu.memory_space<vmem>>) offsets(%arg11 : memref<512xi32, #tpu.memory_space<vmem>>) semaphore(%arg17 : memref<!tpu.dma_semaphore, #tpu.memory_space<semaphore_mem>>)
    %dma_start3A_15 = arith.constant 0 : i32
    %dma_start3A_16 = tpu.memref_slice %arg3[%dma_start3A_15] : memref<102400xf32, #tpu.memory_space<hbm>> -> memref<102400xf32, #tpu.memory_space<hbm>>
    tpu.enqueue_indirect_dma source(%dma_start3A_16 : memref<102400xf32, #tpu.memory_space<hbm>>) target(%arg15 : memref<512xf32, #tpu.memory_space<vmem>>) offsets(%arg11 : memref<512xi32, #tpu.memory_space<vmem>>) semaphore(%arg17 : memref<!tpu.dma_semaphore, #tpu.memory_space<semaphore_mem>>)
    %dma_wait3A_17 = arith.constant 0 : i32
    %dma_wait3A_18 = tpu.memref_slice %arg2[%dma_wait3A_17] : memref<102400xf32, #tpu.memory_space<hbm>> -> memref<102400xf32, #tpu.memory_space<hbm>>
    tpu.wait_indirect_dma semaphore(%arg17 : memref<!tpu.dma_semaphore, #tpu.memory_space<semaphore_mem>>) src(%dma_wait3A_18 : memref<102400xf32, #tpu.memory_space<hbm>>) dst(%arg12 : memref<512xf32, #tpu.memory_space<vmem>>)
    %dma_wait3A_19 = arith.constant 0 : i32
    %dma_wait3A_20 = tpu.memref_slice %arg3[%dma_wait3A_19] : memref<102400xf32, #tpu.memory_space<hbm>> -> memref<102400xf32, #tpu.memory_space<hbm>>
    tpu.wait_indirect_dma semaphore(%arg17 : memref<!tpu.dma_semaphore, #tpu.memory_space<semaphore_mem>>) src(%dma_wait3A_20 : memref<102400xf32, #tpu.memory_space<hbm>>) dst(%arg13 : memref<512xf32, #tpu.memory_space<vmem>>)
    %dma_wait3A_21 = arith.constant 0 : i32
    %dma_wait3A_22 = tpu.memref_slice %arg2[%dma_wait3A_21] : memref<102400xf32, #tpu.memory_space<hbm>> -> memref<102400xf32, #tpu.memory_space<hbm>>
    tpu.wait_indirect_dma semaphore(%arg17 : memref<!tpu.dma_semaphore, #tpu.memory_space<semaphore_mem>>) src(%dma_wait3A_22 : memref<102400xf32, #tpu.memory_space<hbm>>) dst(%arg14 : memref<512xf32, #tpu.memory_space<vmem>>)
    %dma_wait3A_23 = arith.constant 0 : i32
    %dma_wait3A_24 = tpu.memref_slice %arg3[%dma_wait3A_23] : memref<102400xf32, #tpu.memory_space<hbm>> -> memref<102400xf32, #tpu.memory_space<hbm>>
    tpu.wait_indirect_dma semaphore(%arg17 : memref<!tpu.dma_semaphore, #tpu.memory_space<semaphore_mem>>) src(%dma_wait3A_24 : memref<102400xf32, #tpu.memory_space<hbm>>) dst(%arg15 : memref<512xf32, #tpu.memory_space<vmem>>)
    "tpu.region"() ({
      %run_scoped3A = tpu.sem_alloc : memref<!tpu.dma_semaphore, #tpu.memory_space<semaphore_mem>>
      %dma_start3A_25 = tpu.memref_slice %arg6[%mul3A_2] : memref<16384xf32, #tpu.memory_space<hbm>> -> memref<512xf32, #tpu.memory_space<hbm>>
      %dma_start3A_26 = tpu.memref_slice %arg6[%mul3A_2] : memref<16384xf32, #tpu.memory_space<hbm>> -> memref<512xf32, #tpu.memory_space<hbm>>
      tpu.enqueue_dma source(%arg12 : memref<512xf32, #tpu.memory_space<vmem>>) target(%dma_start3A_26 : memref<512xf32, #tpu.memory_space<hbm>>) target_semaphore(%run_scoped3A : memref<!tpu.dma_semaphore, #tpu.memory_space<semaphore_mem>>)
      %dma_wait3A_27 = tpu.memref_slice %arg6[%mul3A_2] : memref<16384xf32, #tpu.memory_space<hbm>> -> memref<512xf32, #tpu.memory_space<hbm>>
      %dma_wait3A_28 = tpu.memref_slice %arg6[%mul3A_2] : memref<16384xf32, #tpu.memory_space<hbm>> -> memref<512xf32, #tpu.memory_space<hbm>>
      tpu.wait_dma2 semaphore(%run_scoped3A : memref<!tpu.dma_semaphore, #tpu.memory_space<semaphore_mem>>) src(%arg12 : memref<512xf32, #tpu.memory_space<vmem>>) dst(%dma_wait3A_28 : memref<512xf32, #tpu.memory_space<hbm>>)
      tpu.yield
    }) : () -> ()
    "tpu.region"() ({
      %run_scoped3A = tpu.sem_alloc : memref<!tpu.dma_semaphore, #tpu.memory_space<semaphore_mem>>
      %dma_start3A_25 = tpu.memref_slice %arg7[%mul3A_2] : memref<16384xf32, #tpu.memory_space<hbm>> -> memref<512xf32, #tpu.memory_space<hbm>>
      %dma_start3A_26 = tpu.memref_slice %arg7[%mul3A_2] : memref<16384xf32, #tpu.memory_space<hbm>> -> memref<512xf32, #tpu.memory_space<hbm>>
      tpu.enqueue_dma source(%arg13 : memref<512xf32, #tpu.memory_space<vmem>>) target(%dma_start3A_26 : memref<512xf32, #tpu.memory_space<hbm>>) target_semaphore(%run_scoped3A : memref<!tpu.dma_semaphore, #tpu.memory_space<semaphore_mem>>)
      %dma_wait3A_27 = tpu.memref_slice %arg7[%mul3A_2] : memref<16384xf32, #tpu.memory_space<hbm>> -> memref<512xf32, #tpu.memory_space<hbm>>
      %dma_wait3A_28 = tpu.memref_slice %arg7[%mul3A_2] : memref<16384xf32, #tpu.memory_space<hbm>> -> memref<512xf32, #tpu.memory_space<hbm>>
      tpu.wait_dma2 semaphore(%run_scoped3A : memref<!tpu.dma_semaphore, #tpu.memory_space<semaphore_mem>>) src(%arg13 : memref<512xf32, #tpu.memory_space<vmem>>) dst(%dma_wait3A_28 : memref<512xf32, #tpu.memory_space<hbm>>)
      tpu.yield
    }) : () -> ()
    "tpu.region"() ({
      %run_scoped3A = tpu.sem_alloc : memref<!tpu.dma_semaphore, #tpu.memory_space<semaphore_mem>>
      %dma_start3A_25 = tpu.memref_slice %arg8[%mul3A_2] : memref<16384xf32, #tpu.memory_space<hbm>> -> memref<512xf32, #tpu.memory_space<hbm>>
      %dma_start3A_26 = tpu.memref_slice %arg8[%mul3A_2] : memref<16384xf32, #tpu.memory_space<hbm>> -> memref<512xf32, #tpu.memory_space<hbm>>
      tpu.enqueue_dma source(%arg14 : memref<512xf32, #tpu.memory_space<vmem>>) target(%dma_start3A_26 : memref<512xf32, #tpu.memory_space<hbm>>) target_semaphore(%run_scoped3A : memref<!tpu.dma_semaphore, #tpu.memory_space<semaphore_mem>>)
      %dma_wait3A_27 = tpu.memref_slice %arg8[%mul3A_2] : memref<16384xf32, #tpu.memory_space<hbm>> -> memref<512xf32, #tpu.memory_space<hbm>>
      %dma_wait3A_28 = tpu.memref_slice %arg8[%mul3A_2] : memref<16384xf32, #tpu.memory_space<hbm>> -> memref<512xf32, #tpu.memory_space<hbm>>
      tpu.wait_dma2 semaphore(%run_scoped3A : memref<!tpu.dma_semaphore, #tpu.memory_space<semaphore_mem>>) src(%arg14 : memref<512xf32, #tpu.memory_space<vmem>>) dst(%dma_wait3A_28 : memref<512xf32, #tpu.memory_space<hbm>>)
      tpu.yield
    }) : () -> ()
    "tpu.region"() ({
      %run_scoped3A = tpu.sem_alloc : memref<!tpu.dma_semaphore, #tpu.memory_space<semaphore_mem>>
      %dma_start3A_25 = tpu.memref_slice %arg9[%mul3A_2] : memref<16384xf32, #tpu.memory_space<hbm>> -> memref<512xf32, #tpu.memory_space<hbm>>
      %dma_start3A_26 = tpu.memref_slice %arg9[%mul3A_2] : memref<16384xf32, #tpu.memory_space<hbm>> -> memref<512xf32, #tpu.memory_space<hbm>>
      tpu.enqueue_dma source(%arg15 : memref<512xf32, #tpu.memory_space<vmem>>) target(%dma_start3A_26 : memref<512xf32, #tpu.memory_space<hbm>>) target_semaphore(%run_scoped3A : memref<!tpu.dma_semaphore, #tpu.memory_space<semaphore_mem>>)
      %dma_wait3A_27 = tpu.memref_slice %arg9[%mul3A_2] : memref<16384xf32, #tpu.memory_space<hbm>> -> memref<512xf32, #tpu.memory_space<hbm>>
      %dma_wait3A_28 = tpu.memref_slice %arg9[%mul3A_2] : memref<16384xf32, #tpu.memory_space<hbm>> -> memref<512xf32, #tpu.memory_space<hbm>>
      tpu.wait_dma2 semaphore(%run_scoped3A : memref<!tpu.dma_semaphore, #tpu.memory_space<semaphore_mem>>) src(%arg15 : memref<512xf32, #tpu.memory_space<vmem>>) dst(%dma_wait3A_28 : memref<512xf32, #tpu.memory_space<hbm>>)
      tpu.yield
    }) : () -> ()
    return
  }
}

#map = affine_map<(d0, d1) -> (0)>
#map1 = affine_map<(d0, d1) -> (0, 0, 0)>
module attributes {stable_mosaic.version = 14 : i64} {
  func.func @_sc_prop(%arg0: i32, %arg1: i32, %arg2: memref<6400000xi32, #tpu.memory_space<hbm>>, %arg3: memref<3200000xf32, #tpu.memory_space<hbm>>, %arg4: memref<102400xi32, #tpu.memory_space<hbm>>, %arg5: memref<102400xf32, #tpu.memory_space<hbm>>, %arg6: memref<2x2x102400xf32, #tpu.memory_space<hbm>>, %arg7: memref<102400xi32, #tpu.memory_space<vmem>>, %arg8: memref<102400xf32, #tpu.memory_space<vmem_shared>>, %arg9: memref<102400xf32, #tpu.memory_space<vmem_shared>>, %arg10: memref<800xi32, #tpu.memory_space<vmem>>, %arg11: memref<800xi32, #tpu.memory_space<vmem>>, %arg12: memref<800xf32, #tpu.memory_space<vmem>>, %arg13: memref<800xf32, #tpu.memory_space<vmem>>, %arg14: memref<800xi32, #tpu.memory_space<vmem>>, %arg15: memref<800xi32, #tpu.memory_space<vmem>>, %arg16: memref<800xi32, #tpu.memory_space<vmem>>, %arg17: memref<800xi32, #tpu.memory_space<vmem>>, %arg18: memref<800xf32, #tpu.memory_space<vmem>>, %arg19: memref<800xf32, #tpu.memory_space<vmem>>, %arg20: memref<800xf32, #tpu.memory_space<vmem>>, %arg21: memref<800xf32, #tpu.memory_space<vmem>>, %arg22: memref<!tpu.dma_semaphore, #tpu.memory_space<semaphore_mem>>, %arg23: memref<!tpu.dma_semaphore, #tpu.memory_space<semaphore_mem>>, %arg24: memref<!tpu.dma_semaphore, #tpu.memory_space<semaphore_mem>>, %arg25: memref<!tpu.dma_semaphore, #tpu.memory_space<semaphore_mem>>, %arg26: memref<!tpu.dma_semaphore, #tpu.memory_space<semaphore_mem>>, %arg27: memref<!tpu.dma_semaphore, #tpu.memory_space<semaphore_mem>>, %arg28: memref<!tpu.dma_semaphore, #tpu.memory_space<semaphore_mem>>, %arg29: memref<!tpu.dma_semaphore, #tpu.memory_space<semaphore_mem>>) attributes {dimension_semantics = [#tpu.dimension_semantics<core_parallel>, #tpu.dimension_semantics<subcore_parallel>], iteration_bounds = array<i64: 2, 16>, scalar_prefetch = 0 : i64, scratch_operands = 23 : i64, tpu.core_type = #tpu.core_type<sc_vector_subcore>, window_params = [{transform_indices = #map}, {transform_indices = #map}, {transform_indices = #map}, {transform_indices = #map}, {transform_indices = #map1}]} {
    %mul3A = arith.constant 16 : i32
    %mul3A_0 = arith.muli %arg0, %mul3A : i32
    %add3A = arith.addi %mul3A_0, %arg1 : i32
    %mul3A_1 = arith.constant 100000 : i32
    %mul3A_2 = arith.muli %add3A, %mul3A_1 : i32
    %jit3A = arith.constant false
    %jit3A_3 = arith.constant -125 : i32
    %jit3A_4 = arith.constant 0 : i32
    %select_n3A = arith.select %jit3A, %jit3A_3, %jit3A_4 : i32
    %mul3A_5 = arith.constant 800 : i32
    %mul3A_6 = arith.muli %select_n3A, %mul3A_5 : i32
    %add3A_7 = arith.addi %mul3A_2, %mul3A_6 : i32
    %dma_start3A = tpu.memref_slice %arg2[%add3A_7] : memref<6400000xi32, #tpu.memory_space<hbm>> -> memref<800xi32, #tpu.memory_space<hbm>>
    %dma_start3A_8 = tpu.memref_slice %arg2[%add3A_7] : memref<6400000xi32, #tpu.memory_space<hbm>> -> memref<800xi32, #tpu.memory_space<hbm>>
    tpu.enqueue_dma source(%dma_start3A_8 : memref<800xi32, #tpu.memory_space<hbm>>) target(%arg10 : memref<800xi32, #tpu.memory_space<vmem>>) target_semaphore(%arg22 : memref<!tpu.dma_semaphore, #tpu.memory_space<semaphore_mem>>)
    %dma_start3A_9 = tpu.memref_slice %arg3[%add3A_7] : memref<3200000xf32, #tpu.memory_space<hbm>> -> memref<800xf32, #tpu.memory_space<hbm>>
    %dma_start3A_10 = tpu.memref_slice %arg3[%add3A_7] : memref<3200000xf32, #tpu.memory_space<hbm>> -> memref<800xf32, #tpu.memory_space<hbm>>
    tpu.enqueue_dma source(%dma_start3A_10 : memref<800xf32, #tpu.memory_space<hbm>>) target(%arg12 : memref<800xf32, #tpu.memory_space<vmem>>) target_semaphore(%arg22 : memref<!tpu.dma_semaphore, #tpu.memory_space<semaphore_mem>>)
    %add3A_11 = arith.constant 3200000 : i32
    %add3A_12 = arith.addi %add3A_11, %add3A_7 : i32
    %dma_start3A_13 = tpu.memref_slice %arg2[%add3A_12] : memref<6400000xi32, #tpu.memory_space<hbm>> -> memref<800xi32, #tpu.memory_space<hbm>>
    %dma_start3A_14 = tpu.memref_slice %arg2[%add3A_12] : memref<6400000xi32, #tpu.memory_space<hbm>> -> memref<800xi32, #tpu.memory_space<hbm>>
    tpu.enqueue_dma source(%dma_start3A_14 : memref<800xi32, #tpu.memory_space<hbm>>) target(%arg14 : memref<800xi32, #tpu.memory_space<vmem>>) target_semaphore(%arg24 : memref<!tpu.dma_semaphore, #tpu.memory_space<semaphore_mem>>)
    %jit3A_15 = arith.constant false
    %jit3A_16 = arith.constant -124 : i32
    %jit3A_17 = arith.constant 1 : i32
    %select_n3A_18 = arith.select %jit3A_15, %jit3A_16, %jit3A_17 : i32
    %mul3A_19 = arith.constant 800 : i32
    %mul3A_20 = arith.muli %select_n3A_18, %mul3A_19 : i32
    %add3A_21 = arith.addi %mul3A_2, %mul3A_20 : i32
    %dma_start3A_22 = tpu.memref_slice %arg2[%add3A_21] : memref<6400000xi32, #tpu.memory_space<hbm>> -> memref<800xi32, #tpu.memory_space<hbm>>
    %dma_start3A_23 = tpu.memref_slice %arg2[%add3A_21] : memref<6400000xi32, #tpu.memory_space<hbm>> -> memref<800xi32, #tpu.memory_space<hbm>>
    tpu.enqueue_dma source(%dma_start3A_23 : memref<800xi32, #tpu.memory_space<hbm>>) target(%arg11 : memref<800xi32, #tpu.memory_space<vmem>>) target_semaphore(%arg23 : memref<!tpu.dma_semaphore, #tpu.memory_space<semaphore_mem>>)
    %dma_start3A_24 = tpu.memref_slice %arg3[%add3A_21] : memref<3200000xf32, #tpu.memory_space<hbm>> -> memref<800xf32, #tpu.memory_space<hbm>>
    %dma_start3A_25 = tpu.memref_slice %arg3[%add3A_21] : memref<3200000xf32, #tpu.memory_space<hbm>> -> memref<800xf32, #tpu.memory_space<hbm>>
    tpu.enqueue_dma source(%dma_start3A_25 : memref<800xf32, #tpu.memory_space<hbm>>) target(%arg13 : memref<800xf32, #tpu.memory_space<vmem>>) target_semaphore(%arg23 : memref<!tpu.dma_semaphore, #tpu.memory_space<semaphore_mem>>)
    %add3A_26 = arith.constant 3200000 : i32
    %add3A_27 = arith.addi %add3A_26, %add3A_21 : i32
    %dma_start3A_28 = tpu.memref_slice %arg2[%add3A_27] : memref<6400000xi32, #tpu.memory_space<hbm>> -> memref<800xi32, #tpu.memory_space<hbm>>
    %dma_start3A_29 = tpu.memref_slice %arg2[%add3A_27] : memref<6400000xi32, #tpu.memory_space<hbm>> -> memref<800xi32, #tpu.memory_space<hbm>>
    tpu.enqueue_dma source(%dma_start3A_29 : memref<800xi32, #tpu.memory_space<hbm>>) target(%arg15 : memref<800xi32, #tpu.memory_space<vmem>>) target_semaphore(%arg25 : memref<!tpu.dma_semaphore, #tpu.memory_space<semaphore_mem>>)
    %mul3A_30 = arith.constant 6400 : i32
    %mul3A_31 = arith.muli %arg1, %mul3A_30 : i32
    %mul3A_32 = arith.constant 6400 : i32
    %mul3A_33 = arith.muli %arg1, %mul3A_32 : i32
    "tpu.region"() ({
      %run_scoped3A_296 = tpu.sem_alloc : memref<!tpu.dma_semaphore, #tpu.memory_space<semaphore_mem>>
      %dma_start3A_297 = tpu.memref_slice %arg8[%mul3A_33] : memref<102400xf32, #tpu.memory_space<vmem_shared>> -> memref<6400xf32, #tpu.memory_space<vmem_shared>>
      %dma_start3A_298 = tpu.memref_slice %arg5[%mul3A_31] : memref<102400xf32, #tpu.memory_space<hbm>> -> memref<6400xf32, #tpu.memory_space<hbm>>
      tpu.enqueue_dma source(%dma_start3A_298 : memref<6400xf32, #tpu.memory_space<hbm>>) target(%dma_start3A_297 : memref<6400xf32, #tpu.memory_space<vmem_shared>>) target_semaphore(%run_scoped3A_296 : memref<!tpu.dma_semaphore, #tpu.memory_space<semaphore_mem>>)
      %dma_wait3A_299 = tpu.memref_slice %arg8[%mul3A_33] : memref<102400xf32, #tpu.memory_space<vmem_shared>> -> memref<6400xf32, #tpu.memory_space<vmem_shared>>
      %dma_wait3A_300 = tpu.memref_slice %arg5[%mul3A_31] : memref<102400xf32, #tpu.memory_space<hbm>> -> memref<6400xf32, #tpu.memory_space<hbm>>
      tpu.wait_dma2 semaphore(%run_scoped3A_296 : memref<!tpu.dma_semaphore, #tpu.memory_space<semaphore_mem>>) src(%dma_wait3A_300 : memref<6400xf32, #tpu.memory_space<hbm>>) dst(%dma_wait3A_299 : memref<6400xf32, #tpu.memory_space<vmem_shared>>)
      tpu.yield
    }) : () -> ()
    %mul3A_34 = arith.constant 6400 : i32
    %mul3A_35 = arith.muli %arg1, %mul3A_34 : i32
    %mul3A_36 = arith.constant 6400 : i32
    %mul3A_37 = arith.muli %arg1, %mul3A_36 : i32
    "tpu.region"() ({
      %run_scoped3A_296 = tpu.sem_alloc : memref<!tpu.dma_semaphore, #tpu.memory_space<semaphore_mem>>
      %dma_start3A_297 = tpu.memref_slice %arg9[%mul3A_37] : memref<102400xf32, #tpu.memory_space<vmem_shared>> -> memref<6400xf32, #tpu.memory_space<vmem_shared>>
      %dma_start3A_298 = tpu.memref_slice %arg5[%mul3A_35] : memref<102400xf32, #tpu.memory_space<hbm>> -> memref<6400xf32, #tpu.memory_space<hbm>>
      tpu.enqueue_dma source(%dma_start3A_298 : memref<6400xf32, #tpu.memory_space<hbm>>) target(%dma_start3A_297 : memref<6400xf32, #tpu.memory_space<vmem_shared>>) target_semaphore(%run_scoped3A_296 : memref<!tpu.dma_semaphore, #tpu.memory_space<semaphore_mem>>)
      %dma_wait3A_299 = tpu.memref_slice %arg9[%mul3A_37] : memref<102400xf32, #tpu.memory_space<vmem_shared>> -> memref<6400xf32, #tpu.memory_space<vmem_shared>>
      %dma_wait3A_300 = tpu.memref_slice %arg5[%mul3A_35] : memref<102400xf32, #tpu.memory_space<hbm>> -> memref<6400xf32, #tpu.memory_space<hbm>>
      tpu.wait_dma2 semaphore(%run_scoped3A_296 : memref<!tpu.dma_semaphore, #tpu.memory_space<semaphore_mem>>) src(%dma_wait3A_300 : memref<6400xf32, #tpu.memory_space<hbm>>) dst(%dma_wait3A_299 : memref<6400xf32, #tpu.memory_space<vmem_shared>>)
      tpu.yield
    }) : () -> ()
    "tpu.region"() ({
      %run_scoped3A_296 = tpu.sem_alloc : memref<!tpu.dma_semaphore, #tpu.memory_space<semaphore_mem>>
      tpu.enqueue_dma source(%arg4 : memref<102400xi32, #tpu.memory_space<hbm>>) target(%arg7 : memref<102400xi32, #tpu.memory_space<vmem>>) target_semaphore(%run_scoped3A_296 : memref<!tpu.dma_semaphore, #tpu.memory_space<semaphore_mem>>)
      tpu.wait_dma2 semaphore(%run_scoped3A_296 : memref<!tpu.dma_semaphore, #tpu.memory_space<semaphore_mem>>) src(%arg4 : memref<102400xi32, #tpu.memory_space<hbm>>) dst(%arg7 : memref<102400xi32, #tpu.memory_space<vmem>>)
      tpu.yield
    }) : () -> ()
    %barrier3A = arith.constant 0 : index
    tpu.barrier barrier_id(%barrier3A)
    %jit3A_38 = arith.constant false
    %jit3A_39 = arith.constant -125 : i32
    %jit3A_40 = arith.constant 0 : i32
    %select_n3A_41 = arith.select %jit3A_38, %jit3A_39, %jit3A_40 : i32
    %mul3A_42 = arith.constant 800 : i32
    %mul3A_43 = arith.muli %select_n3A_41, %mul3A_42 : i32
    %add3A_44 = arith.addi %mul3A_2, %mul3A_43 : i32
    %dma_wait3A = tpu.memref_slice %arg2[%add3A_44] : memref<6400000xi32, #tpu.memory_space<hbm>> -> memref<800xi32, #tpu.memory_space<hbm>>
    %dma_wait3A_45 = tpu.memref_slice %arg2[%add3A_44] : memref<6400000xi32, #tpu.memory_space<hbm>> -> memref<800xi32, #tpu.memory_space<hbm>>
    tpu.wait_dma2 semaphore(%arg22 : memref<!tpu.dma_semaphore, #tpu.memory_space<semaphore_mem>>) src(%dma_wait3A_45 : memref<800xi32, #tpu.memory_space<hbm>>) dst(%arg10 : memref<800xi32, #tpu.memory_space<vmem>>)
    %dma_wait3A_46 = tpu.memref_slice %arg3[%add3A_44] : memref<3200000xf32, #tpu.memory_space<hbm>> -> memref<800xf32, #tpu.memory_space<hbm>>
    %dma_wait3A_47 = tpu.memref_slice %arg3[%add3A_44] : memref<3200000xf32, #tpu.memory_space<hbm>> -> memref<800xf32, #tpu.memory_space<hbm>>
    tpu.wait_dma2 semaphore(%arg22 : memref<!tpu.dma_semaphore, #tpu.memory_space<semaphore_mem>>) src(%dma_wait3A_47 : memref<800xf32, #tpu.memory_space<hbm>>) dst(%arg12 : memref<800xf32, #tpu.memory_space<vmem>>)
    %add3A_48 = arith.constant 3200000 : i32
    %add3A_49 = arith.addi %add3A_48, %add3A_44 : i32
    %dma_wait3A_50 = tpu.memref_slice %arg2[%add3A_49] : memref<6400000xi32, #tpu.memory_space<hbm>> -> memref<800xi32, #tpu.memory_space<hbm>>
    %dma_wait3A_51 = tpu.memref_slice %arg2[%add3A_49] : memref<6400000xi32, #tpu.memory_space<hbm>> -> memref<800xi32, #tpu.memory_space<hbm>>
    tpu.wait_dma2 semaphore(%arg24 : memref<!tpu.dma_semaphore, #tpu.memory_space<semaphore_mem>>) src(%dma_wait3A_51 : memref<800xi32, #tpu.memory_space<hbm>>) dst(%arg14 : memref<800xi32, #tpu.memory_space<vmem>>)
    %scan3A = arith.constant 0 : i32
    %scan3A_52 = arith.constant 50 : i32
    %scan3A_53 = arith.addi %scan3A, %scan3A_52 : i32
    %scan3A_54 = arith.constant 1 : i32
    scf.for %scan3A_296 = %scan3A to %scan3A_53 step %scan3A_54  : i32 {
      %mul3A_297 = arith.constant 16 : i32
      %mul3A_298 = arith.muli %scan3A_296, %mul3A_297 : i32
      %add3A_299 = arith.constant 0 : i32
      %add3A_300 = arith.addi %add3A_299, %mul3A_298 : i32
      %get3A = arith.index_cast %add3A_300 : i32 to index
      %get3A_301 = tpu.vector_load %arg10[%get3A] {strides = array<i32>} : memref<800xi32, #tpu.memory_space<vmem>>, vector<16xi32>,
      %gather3A = tpu.vector_load_idx %arg7[%get3A_301] : memref<102400xi32, #tpu.memory_space<vmem>>[vector<16xi32>], vector<16xi32>,
      %get3A_302 = arith.index_cast %add3A_300 : i32 to index
      %get3A_303 = tpu.vector_load %arg12[%get3A_302] {strides = array<i32>} : memref<800xf32, #tpu.memory_space<vmem>>, vector<16xf32>,
      %shift_left3A = arith.constant 16 : i32
      %shift_left3A_304 = vector.broadcast %shift_left3A : i32 to vector<16xi32>
      %shift_left3A_305 = arith.shli %gather3A, %shift_left3A_304 : vector<16xi32>
      %bitcast3A = vector.bitcast %shift_left3A_305 : vector<16xi32> to vector<16xf32>
      %mul3A_306 = arith.mulf %bitcast3A, %get3A_303 : vector<16xf32>
      %swap3A = arith.index_cast %add3A_300 : i32 to index
      %swap3A_307 = tpu.vector_load %arg18[%swap3A] {strides = array<i32>} : memref<800xf32, #tpu.memory_space<vmem>>, vector<16xf32>,
      tpu.vector_store %arg18[%swap3A], %mul3A_306 {strides = array<i32>} : memref<800xf32, #tpu.memory_space<vmem>>, vector<16xf32>,
      %and3A = arith.constant -65536 : i32
      %and3A_308 = vector.broadcast %and3A : i32 to vector<16xi32>
      %and3A_309 = arith.andi %gather3A, %and3A_308 : vector<16xi32>
      %bitcast3A_310 = vector.bitcast %and3A_309 : vector<16xi32> to vector<16xf32>
      %mul3A_311 = arith.mulf %bitcast3A_310, %get3A_303 : vector<16xf32>
      %swap3A_312 = arith.index_cast %add3A_300 : i32 to index
      %swap3A_313 = tpu.vector_load %arg20[%swap3A_312] {strides = array<i32>} : memref<800xf32, #tpu.memory_space<vmem>>, vector<16xf32>,
      tpu.vector_store %arg20[%swap3A_312], %mul3A_311 {strides = array<i32>} : memref<800xf32, #tpu.memory_space<vmem>>, vector<16xf32>,
    }
    %scan3A_55 = arith.constant 50 : i32
    %jit3A_56 = arith.constant false
    %jit3A_57 = arith.constant -123 : i32
    %jit3A_58 = arith.constant 2 : i32
    %select_n3A_59 = arith.select %jit3A_56, %jit3A_57, %jit3A_58 : i32
    %mul3A_60 = arith.constant 800 : i32
    %mul3A_61 = arith.muli %select_n3A_59, %mul3A_60 : i32
    %add3A_62 = arith.addi %mul3A_2, %mul3A_61 : i32
    %dma_start3A_63 = tpu.memref_slice %arg2[%add3A_62] : memref<6400000xi32, #tpu.memory_space<hbm>> -> memref<800xi32, #tpu.memory_space<hbm>>
    %dma_start3A_64 = tpu.memref_slice %arg2[%add3A_62] : memref<6400000xi32, #tpu.memory_space<hbm>> -> memref<800xi32, #tpu.memory_space<hbm>>
    tpu.enqueue_dma source(%dma_start3A_64 : memref<800xi32, #tpu.memory_space<hbm>>) target(%arg10 : memref<800xi32, #tpu.memory_space<vmem>>) target_semaphore(%arg22 : memref<!tpu.dma_semaphore, #tpu.memory_space<semaphore_mem>>)
    %dma_start3A_65 = tpu.memref_slice %arg3[%add3A_62] : memref<3200000xf32, #tpu.memory_space<hbm>> -> memref<800xf32, #tpu.memory_space<hbm>>
    %dma_start3A_66 = tpu.memref_slice %arg3[%add3A_62] : memref<3200000xf32, #tpu.memory_space<hbm>> -> memref<800xf32, #tpu.memory_space<hbm>>
    tpu.enqueue_dma source(%dma_start3A_66 : memref<800xf32, #tpu.memory_space<hbm>>) target(%arg12 : memref<800xf32, #tpu.memory_space<vmem>>) target_semaphore(%arg22 : memref<!tpu.dma_semaphore, #tpu.memory_space<semaphore_mem>>)
    %add3A_67 = arith.constant 3200000 : i32
    %add3A_68 = arith.addi %add3A_67, %add3A_62 : i32
    %dma_start3A_69 = tpu.memref_slice %arg2[%add3A_68] : memref<6400000xi32, #tpu.memory_space<hbm>> -> memref<800xi32, #tpu.memory_space<hbm>>
    %dma_start3A_70 = tpu.memref_slice %arg2[%add3A_68] : memref<6400000xi32, #tpu.memory_space<hbm>> -> memref<800xi32, #tpu.memory_space<hbm>>
    tpu.enqueue_dma source(%dma_start3A_70 : memref<800xi32, #tpu.memory_space<hbm>>) target(%arg16 : memref<800xi32, #tpu.memory_space<vmem>>) target_semaphore(%arg26 : memref<!tpu.dma_semaphore, #tpu.memory_space<semaphore_mem>>)
    %dma_start3A_71 = arith.constant 0 : i32
    %dma_start3A_72 = tpu.memref_slice %arg8[%dma_start3A_71] : memref<102400xf32, #tpu.memory_space<vmem_shared>> -> memref<102400xf32, #tpu.memory_space<vmem_shared>>
    tpu.enqueue_indirect_dma source(%arg18 : memref<800xf32, #tpu.memory_space<vmem>>) target(%dma_start3A_72 : memref<102400xf32, #tpu.memory_space<vmem_shared>>) offsets(%arg14 : memref<800xi32, #tpu.memory_space<vmem>>) semaphore(%arg28 : memref<!tpu.dma_semaphore, #tpu.memory_space<semaphore_mem>>) {add = true}
    %dma_start3A_73 = arith.constant 0 : i32
    %dma_start3A_74 = tpu.memref_slice %arg9[%dma_start3A_73] : memref<102400xf32, #tpu.memory_space<vmem_shared>> -> memref<102400xf32, #tpu.memory_space<vmem_shared>>
    tpu.enqueue_indirect_dma source(%arg20 : memref<800xf32, #tpu.memory_space<vmem>>) target(%dma_start3A_74 : memref<102400xf32, #tpu.memory_space<vmem_shared>>) offsets(%arg14 : memref<800xi32, #tpu.memory_space<vmem>>) semaphore(%arg28 : memref<!tpu.dma_semaphore, #tpu.memory_space<semaphore_mem>>) {add = true}
    %jit3A_75 = arith.constant false
    %jit3A_76 = arith.constant -124 : i32
    %jit3A_77 = arith.constant 1 : i32
    %select_n3A_78 = arith.select %jit3A_75, %jit3A_76, %jit3A_77 : i32
    %mul3A_79 = arith.constant 800 : i32
    %mul3A_80 = arith.muli %select_n3A_78, %mul3A_79 : i32
    %add3A_81 = arith.addi %mul3A_2, %mul3A_80 : i32
    %dma_wait3A_82 = tpu.memref_slice %arg2[%add3A_81] : memref<6400000xi32, #tpu.memory_space<hbm>> -> memref<800xi32, #tpu.memory_space<hbm>>
    %dma_wait3A_83 = tpu.memref_slice %arg2[%add3A_81] : memref<6400000xi32, #tpu.memory_space<hbm>> -> memref<800xi32, #tpu.memory_space<hbm>>
    tpu.wait_dma2 semaphore(%arg23 : memref<!tpu.dma_semaphore, #tpu.memory_space<semaphore_mem>>) src(%dma_wait3A_83 : memref<800xi32, #tpu.memory_space<hbm>>) dst(%arg11 : memref<800xi32, #tpu.memory_space<vmem>>)
    %dma_wait3A_84 = tpu.memref_slice %arg3[%add3A_81] : memref<3200000xf32, #tpu.memory_space<hbm>> -> memref<800xf32, #tpu.memory_space<hbm>>
    %dma_wait3A_85 = tpu.memref_slice %arg3[%add3A_81] : memref<3200000xf32, #tpu.memory_space<hbm>> -> memref<800xf32, #tpu.memory_space<hbm>>
    tpu.wait_dma2 semaphore(%arg23 : memref<!tpu.dma_semaphore, #tpu.memory_space<semaphore_mem>>) src(%dma_wait3A_85 : memref<800xf32, #tpu.memory_space<hbm>>) dst(%arg13 : memref<800xf32, #tpu.memory_space<vmem>>)
    %add3A_86 = arith.constant 3200000 : i32
    %add3A_87 = arith.addi %add3A_86, %add3A_81 : i32
    %dma_wait3A_88 = tpu.memref_slice %arg2[%add3A_87] : memref<6400000xi32, #tpu.memory_space<hbm>> -> memref<800xi32, #tpu.memory_space<hbm>>
    %dma_wait3A_89 = tpu.memref_slice %arg2[%add3A_87] : memref<6400000xi32, #tpu.memory_space<hbm>> -> memref<800xi32, #tpu.memory_space<hbm>>
    tpu.wait_dma2 semaphore(%arg25 : memref<!tpu.dma_semaphore, #tpu.memory_space<semaphore_mem>>) src(%dma_wait3A_89 : memref<800xi32, #tpu.memory_space<hbm>>) dst(%arg15 : memref<800xi32, #tpu.memory_space<vmem>>)
    %scan3A_90 = arith.constant 0 : i32
    %scan3A_91 = arith.constant 50 : i32
    %scan3A_92 = arith.addi %scan3A_90, %scan3A_91 : i32
    %scan3A_93 = arith.constant 1 : i32
    scf.for %scan3A_296 = %scan3A_90 to %scan3A_92 step %scan3A_93  : i32 {
      %mul3A_297 = arith.constant 16 : i32
      %mul3A_298 = arith.muli %scan3A_296, %mul3A_297 : i32
      %add3A_299 = arith.constant 0 : i32
      %add3A_300 = arith.addi %add3A_299, %mul3A_298 : i32
      %get3A = arith.index_cast %add3A_300 : i32 to index
      %get3A_301 = tpu.vector_load %arg11[%get3A] {strides = array<i32>} : memref<800xi32, #tpu.memory_space<vmem>>, vector<16xi32>,
      %gather3A = tpu.vector_load_idx %arg7[%get3A_301] : memref<102400xi32, #tpu.memory_space<vmem>>[vector<16xi32>], vector<16xi32>,
      %get3A_302 = arith.index_cast %add3A_300 : i32 to index
      %get3A_303 = tpu.vector_load %arg13[%get3A_302] {strides = array<i32>} : memref<800xf32, #tpu.memory_space<vmem>>, vector<16xf32>,
      %shift_left3A = arith.constant 16 : i32
      %shift_left3A_304 = vector.broadcast %shift_left3A : i32 to vector<16xi32>
      %shift_left3A_305 = arith.shli %gather3A, %shift_left3A_304 : vector<16xi32>
      %bitcast3A = vector.bitcast %shift_left3A_305 : vector<16xi32> to vector<16xf32>
      %mul3A_306 = arith.mulf %bitcast3A, %get3A_303 : vector<16xf32>
      %swap3A = arith.index_cast %add3A_300 : i32 to index
      %swap3A_307 = tpu.vector_load %arg19[%swap3A] {strides = array<i32>} : memref<800xf32, #tpu.memory_space<vmem>>, vector<16xf32>,
      tpu.vector_store %arg19[%swap3A], %mul3A_306 {strides = array<i32>} : memref<800xf32, #tpu.memory_space<vmem>>, vector<16xf32>,
      %and3A = arith.constant -65536 : i32
      %and3A_308 = vector.broadcast %and3A : i32 to vector<16xi32>
      %and3A_309 = arith.andi %gather3A, %and3A_308 : vector<16xi32>
      %bitcast3A_310 = vector.bitcast %and3A_309 : vector<16xi32> to vector<16xf32>
      %mul3A_311 = arith.mulf %bitcast3A_310, %get3A_303 : vector<16xf32>
      %swap3A_312 = arith.index_cast %add3A_300 : i32 to index
      %swap3A_313 = tpu.vector_load %arg21[%swap3A_312] {strides = array<i32>} : memref<800xf32, #tpu.memory_space<vmem>>, vector<16xf32>,
      tpu.vector_store %arg21[%swap3A_312], %mul3A_311 {strides = array<i32>} : memref<800xf32, #tpu.memory_space<vmem>>, vector<16xf32>,
    }
    %scan3A_94 = arith.constant 50 : i32
    %jit3A_95 = arith.constant false
    %jit3A_96 = arith.constant -122 : i32
    %jit3A_97 = arith.constant 3 : i32
    %select_n3A_98 = arith.select %jit3A_95, %jit3A_96, %jit3A_97 : i32
    %mul3A_99 = arith.constant 800 : i32
    %mul3A_100 = arith.muli %select_n3A_98, %mul3A_99 : i32
    %add3A_101 = arith.addi %mul3A_2, %mul3A_100 : i32
    %dma_start3A_102 = tpu.memref_slice %arg2[%add3A_101] : memref<6400000xi32, #tpu.memory_space<hbm>> -> memref<800xi32, #tpu.memory_space<hbm>>
    %dma_start3A_103 = tpu.memref_slice %arg2[%add3A_101] : memref<6400000xi32, #tpu.memory_space<hbm>> -> memref<800xi32, #tpu.memory_space<hbm>>
    tpu.enqueue_dma source(%dma_start3A_103 : memref<800xi32, #tpu.memory_space<hbm>>) target(%arg11 : memref<800xi32, #tpu.memory_space<vmem>>) target_semaphore(%arg23 : memref<!tpu.dma_semaphore, #tpu.memory_space<semaphore_mem>>)
    %dma_start3A_104 = tpu.memref_slice %arg3[%add3A_101] : memref<3200000xf32, #tpu.memory_space<hbm>> -> memref<800xf32, #tpu.memory_space<hbm>>
    %dma_start3A_105 = tpu.memref_slice %arg3[%add3A_101] : memref<3200000xf32, #tpu.memory_space<hbm>> -> memref<800xf32, #tpu.memory_space<hbm>>
    tpu.enqueue_dma source(%dma_start3A_105 : memref<800xf32, #tpu.memory_space<hbm>>) target(%arg13 : memref<800xf32, #tpu.memory_space<vmem>>) target_semaphore(%arg23 : memref<!tpu.dma_semaphore, #tpu.memory_space<semaphore_mem>>)
    %add3A_106 = arith.constant 3200000 : i32
    %add3A_107 = arith.addi %add3A_106, %add3A_101 : i32
    %dma_start3A_108 = tpu.memref_slice %arg2[%add3A_107] : memref<6400000xi32, #tpu.memory_space<hbm>> -> memref<800xi32, #tpu.memory_space<hbm>>
    %dma_start3A_109 = tpu.memref_slice %arg2[%add3A_107] : memref<6400000xi32, #tpu.memory_space<hbm>> -> memref<800xi32, #tpu.memory_space<hbm>>
    tpu.enqueue_dma source(%dma_start3A_109 : memref<800xi32, #tpu.memory_space<hbm>>) target(%arg17 : memref<800xi32, #tpu.memory_space<vmem>>) target_semaphore(%arg27 : memref<!tpu.dma_semaphore, #tpu.memory_space<semaphore_mem>>)
    %dma_start3A_110 = arith.constant 0 : i32
    %dma_start3A_111 = tpu.memref_slice %arg8[%dma_start3A_110] : memref<102400xf32, #tpu.memory_space<vmem_shared>> -> memref<102400xf32, #tpu.memory_space<vmem_shared>>
    tpu.enqueue_indirect_dma source(%arg19 : memref<800xf32, #tpu.memory_space<vmem>>) target(%dma_start3A_111 : memref<102400xf32, #tpu.memory_space<vmem_shared>>) offsets(%arg15 : memref<800xi32, #tpu.memory_space<vmem>>) semaphore(%arg29 : memref<!tpu.dma_semaphore, #tpu.memory_space<semaphore_mem>>) {add = true}
    %dma_start3A_112 = arith.constant 0 : i32
    %dma_start3A_113 = tpu.memref_slice %arg9[%dma_start3A_112] : memref<102400xf32, #tpu.memory_space<vmem_shared>> -> memref<102400xf32, #tpu.memory_space<vmem_shared>>
    tpu.enqueue_indirect_dma source(%arg21 : memref<800xf32, #tpu.memory_space<vmem>>) target(%dma_start3A_113 : memref<102400xf32, #tpu.memory_space<vmem_shared>>) offsets(%arg15 : memref<800xi32, #tpu.memory_space<vmem>>) semaphore(%arg29 : memref<!tpu.dma_semaphore, #tpu.memory_space<semaphore_mem>>) {add = true}
    %scan3A_114 = arith.constant 0 : i32
    %scan3A_115 = arith.constant 30 : i32
    %scan3A_116 = arith.addi %scan3A_114, %scan3A_115 : i32
    %scan3A_117 = arith.constant 1 : i32
    scf.for %scan3A_296 = %scan3A_114 to %scan3A_116 step %scan3A_117  : i32 {
      %mul3A_297 = arith.constant 4 : i32
      %mul3A_298 = arith.muli %scan3A_296, %mul3A_297 : i32
      %add3A_299 = arith.constant 2 : i32
      %add3A_300 = arith.addi %add3A_299, %mul3A_298 : i32
      %add3A_301 = arith.constant 0 : i32
      %add3A_302 = arith.addi %add3A_300, %add3A_301 : i32
      %ge3A = arith.constant 125 : i32
      %ge3A_303 = arith.cmpi sge, %add3A_302, %ge3A : i32
      %sub3A = arith.constant 125 : i32
      %sub3A_304 = arith.subi %add3A_302, %sub3A : i32
      %select_n3A_305 = arith.select %ge3A_303, %sub3A_304, %add3A_302 : i32
      %mul3A_306 = arith.constant 800 : i32
      %mul3A_307 = arith.muli %select_n3A_305, %mul3A_306 : i32
      %add3A_308 = arith.addi %mul3A_2, %mul3A_307 : i32
      %dma_wait3A_309 = tpu.memref_slice %arg2[%add3A_308] : memref<6400000xi32, #tpu.memory_space<hbm>> -> memref<800xi32, #tpu.memory_space<hbm>>
      %dma_wait3A_310 = tpu.memref_slice %arg2[%add3A_308] : memref<6400000xi32, #tpu.memory_space<hbm>> -> memref<800xi32, #tpu.memory_space<hbm>>
      tpu.wait_dma2 semaphore(%arg22 : memref<!tpu.dma_semaphore, #tpu.memory_space<semaphore_mem>>) src(%dma_wait3A_310 : memref<800xi32, #tpu.memory_space<hbm>>) dst(%arg10 : memref<800xi32, #tpu.memory_space<vmem>>)
      %dma_wait3A_311 = tpu.memref_slice %arg3[%add3A_308] : memref<3200000xf32, #tpu.memory_space<hbm>> -> memref<800xf32, #tpu.memory_space<hbm>>
      %dma_wait3A_312 = tpu.memref_slice %arg3[%add3A_308] : memref<3200000xf32, #tpu.memory_space<hbm>> -> memref<800xf32, #tpu.memory_space<hbm>>
      tpu.wait_dma2 semaphore(%arg22 : memref<!tpu.dma_semaphore, #tpu.memory_space<semaphore_mem>>) src(%dma_wait3A_312 : memref<800xf32, #tpu.memory_space<hbm>>) dst(%arg12 : memref<800xf32, #tpu.memory_space<vmem>>)
      %add3A_313 = arith.constant 3200000 : i32
      %add3A_314 = arith.addi %add3A_313, %add3A_308 : i32
      %dma_wait3A_315 = tpu.memref_slice %arg2[%add3A_314] : memref<6400000xi32, #tpu.memory_space<hbm>> -> memref<800xi32, #tpu.memory_space<hbm>>
      %dma_wait3A_316 = tpu.memref_slice %arg2[%add3A_314] : memref<6400000xi32, #tpu.memory_space<hbm>> -> memref<800xi32, #tpu.memory_space<hbm>>
      tpu.wait_dma2 semaphore(%arg26 : memref<!tpu.dma_semaphore, #tpu.memory_space<semaphore_mem>>) src(%dma_wait3A_316 : memref<800xi32, #tpu.memory_space<hbm>>) dst(%arg16 : memref<800xi32, #tpu.memory_space<vmem>>)
      %dma_wait3A_317 = arith.constant 0 : i32
      %dma_wait3A_318 = tpu.memref_slice %arg8[%dma_wait3A_317] : memref<102400xf32, #tpu.memory_space<vmem_shared>> -> memref<102400xf32, #tpu.memory_space<vmem_shared>>
      tpu.wait_indirect_dma semaphore(%arg28 : memref<!tpu.dma_semaphore, #tpu.memory_space<semaphore_mem>>) src(%arg18 : memref<800xf32, #tpu.memory_space<vmem>>) dst(%dma_wait3A_318 : memref<102400xf32, #tpu.memory_space<vmem_shared>>)
      %dma_wait3A_319 = arith.constant 0 : i32
      %dma_wait3A_320 = tpu.memref_slice %arg9[%dma_wait3A_319] : memref<102400xf32, #tpu.memory_space<vmem_shared>> -> memref<102400xf32, #tpu.memory_space<vmem_shared>>
      tpu.wait_indirect_dma semaphore(%arg28 : memref<!tpu.dma_semaphore, #tpu.memory_space<semaphore_mem>>) src(%arg20 : memref<800xf32, #tpu.memory_space<vmem>>) dst(%dma_wait3A_320 : memref<102400xf32, #tpu.memory_space<vmem_shared>>)
      %scan3A_321 = arith.constant 0 : i32
      %scan3A_322 = arith.constant 50 : i32
      %scan3A_323 = arith.addi %scan3A_321, %scan3A_322 : i32
      %scan3A_324 = arith.constant 1 : i32
      scf.for %scan3A_495 = %scan3A_321 to %scan3A_323 step %scan3A_324  : i32 {
        %mul3A_496 = arith.constant 16 : i32
        %mul3A_497 = arith.muli %scan3A_495, %mul3A_496 : i32
        %add3A_498 = arith.constant 0 : i32
        %add3A_499 = arith.addi %add3A_498, %mul3A_497 : i32
        %get3A = arith.index_cast %add3A_499 : i32 to index
        %get3A_500 = tpu.vector_load %arg10[%get3A] {strides = array<i32>} : memref<800xi32, #tpu.memory_space<vmem>>, vector<16xi32>,
        %gather3A = tpu.vector_load_idx %arg7[%get3A_500] : memref<102400xi32, #tpu.memory_space<vmem>>[vector<16xi32>], vector<16xi32>,
        %get3A_501 = arith.index_cast %add3A_499 : i32 to index
        %get3A_502 = tpu.vector_load %arg12[%get3A_501] {strides = array<i32>} : memref<800xf32, #tpu.memory_space<vmem>>, vector<16xf32>,
        %shift_left3A = arith.constant 16 : i32
        %shift_left3A_503 = vector.broadcast %shift_left3A : i32 to vector<16xi32>
        %shift_left3A_504 = arith.shli %gather3A, %shift_left3A_503 : vector<16xi32>
        %bitcast3A = vector.bitcast %shift_left3A_504 : vector<16xi32> to vector<16xf32>
        %mul3A_505 = arith.mulf %bitcast3A, %get3A_502 : vector<16xf32>
        %swap3A = arith.index_cast %add3A_499 : i32 to index
        %swap3A_506 = tpu.vector_load %arg18[%swap3A] {strides = array<i32>} : memref<800xf32, #tpu.memory_space<vmem>>, vector<16xf32>,
        tpu.vector_store %arg18[%swap3A], %mul3A_505 {strides = array<i32>} : memref<800xf32, #tpu.memory_space<vmem>>, vector<16xf32>,
        %and3A = arith.constant -65536 : i32
        %and3A_507 = vector.broadcast %and3A : i32 to vector<16xi32>
        %and3A_508 = arith.andi %gather3A, %and3A_507 : vector<16xi32>
        %bitcast3A_509 = vector.bitcast %and3A_508 : vector<16xi32> to vector<16xf32>
        %mul3A_510 = arith.mulf %bitcast3A_509, %get3A_502 : vector<16xf32>
        %swap3A_511 = arith.index_cast %add3A_499 : i32 to index
        %swap3A_512 = tpu.vector_load %arg20[%swap3A_511] {strides = array<i32>} : memref<800xf32, #tpu.memory_space<vmem>>, vector<16xf32>,
        tpu.vector_store %arg20[%swap3A_511], %mul3A_510 {strides = array<i32>} : memref<800xf32, #tpu.memory_space<vmem>>, vector<16xf32>,
      }
      %scan3A_325 = arith.constant 50 : i32
      %add3A_326 = arith.constant 2 : i32
      %add3A_327 = arith.addi %add3A_302, %add3A_326 : i32
      %ge3A_328 = arith.constant 125 : i32
      %ge3A_329 = arith.cmpi sge, %add3A_327, %ge3A_328 : i32
      %sub3A_330 = arith.constant 125 : i32
      %sub3A_331 = arith.subi %add3A_327, %sub3A_330 : i32
      %select_n3A_332 = arith.select %ge3A_329, %sub3A_331, %add3A_327 : i32
      %mul3A_333 = arith.constant 800 : i32
      %mul3A_334 = arith.muli %select_n3A_332, %mul3A_333 : i32
      %add3A_335 = arith.addi %mul3A_2, %mul3A_334 : i32
      %dma_start3A_336 = tpu.memref_slice %arg2[%add3A_335] : memref<6400000xi32, #tpu.memory_space<hbm>> -> memref<800xi32, #tpu.memory_space<hbm>>
      %dma_start3A_337 = tpu.memref_slice %arg2[%add3A_335] : memref<6400000xi32, #tpu.memory_space<hbm>> -> memref<800xi32, #tpu.memory_space<hbm>>
      tpu.enqueue_dma source(%dma_start3A_337 : memref<800xi32, #tpu.memory_space<hbm>>) target(%arg10 : memref<800xi32, #tpu.memory_space<vmem>>) target_semaphore(%arg22 : memref<!tpu.dma_semaphore, #tpu.memory_space<semaphore_mem>>)
      %dma_start3A_338 = tpu.memref_slice %arg3[%add3A_335] : memref<3200000xf32, #tpu.memory_space<hbm>> -> memref<800xf32, #tpu.memory_space<hbm>>
      %dma_start3A_339 = tpu.memref_slice %arg3[%add3A_335] : memref<3200000xf32, #tpu.memory_space<hbm>> -> memref<800xf32, #tpu.memory_space<hbm>>
      tpu.enqueue_dma source(%dma_start3A_339 : memref<800xf32, #tpu.memory_space<hbm>>) target(%arg12 : memref<800xf32, #tpu.memory_space<vmem>>) target_semaphore(%arg22 : memref<!tpu.dma_semaphore, #tpu.memory_space<semaphore_mem>>)
      %add3A_340 = arith.constant 3200000 : i32
      %add3A_341 = arith.addi %add3A_340, %add3A_335 : i32
      %dma_start3A_342 = tpu.memref_slice %arg2[%add3A_341] : memref<6400000xi32, #tpu.memory_space<hbm>> -> memref<800xi32, #tpu.memory_space<hbm>>
      %dma_start3A_343 = tpu.memref_slice %arg2[%add3A_341] : memref<6400000xi32, #tpu.memory_space<hbm>> -> memref<800xi32, #tpu.memory_space<hbm>>
      tpu.enqueue_dma source(%dma_start3A_343 : memref<800xi32, #tpu.memory_space<hbm>>) target(%arg14 : memref<800xi32, #tpu.memory_space<vmem>>) target_semaphore(%arg24 : memref<!tpu.dma_semaphore, #tpu.memory_space<semaphore_mem>>)
      %dma_start3A_344 = arith.constant 0 : i32
      %dma_start3A_345 = tpu.memref_slice %arg8[%dma_start3A_344] : memref<102400xf32, #tpu.memory_space<vmem_shared>> -> memref<102400xf32, #tpu.memory_space<vmem_shared>>
      tpu.enqueue_indirect_dma source(%arg18 : memref<800xf32, #tpu.memory_space<vmem>>) target(%dma_start3A_345 : memref<102400xf32, #tpu.memory_space<vmem_shared>>) offsets(%arg16 : memref<800xi32, #tpu.memory_space<vmem>>) semaphore(%arg28 : memref<!tpu.dma_semaphore, #tpu.memory_space<semaphore_mem>>) {add = true}
      %dma_start3A_346 = arith.constant 0 : i32
      %dma_start3A_347 = tpu.memref_slice %arg9[%dma_start3A_346] : memref<102400xf32, #tpu.memory_space<vmem_shared>> -> memref<102400xf32, #tpu.memory_space<vmem_shared>>
      tpu.enqueue_indirect_dma source(%arg20 : memref<800xf32, #tpu.memory_space<vmem>>) target(%dma_start3A_347 : memref<102400xf32, #tpu.memory_space<vmem_shared>>) offsets(%arg16 : memref<800xi32, #tpu.memory_space<vmem>>) semaphore(%arg28 : memref<!tpu.dma_semaphore, #tpu.memory_space<semaphore_mem>>) {add = true}
      %add3A_348 = arith.constant 1 : i32
      %add3A_349 = arith.addi %add3A_300, %add3A_348 : i32
      %ge3A_350 = arith.constant 125 : i32
      %ge3A_351 = arith.cmpi sge, %add3A_349, %ge3A_350 : i32
      %sub3A_352 = arith.constant 125 : i32
      %sub3A_353 = arith.subi %add3A_349, %sub3A_352 : i32
      %select_n3A_354 = arith.select %ge3A_351, %sub3A_353, %add3A_349 : i32
      %mul3A_355 = arith.constant 800 : i32
      %mul3A_356 = arith.muli %select_n3A_354, %mul3A_355 : i32
      %add3A_357 = arith.addi %mul3A_2, %mul3A_356 : i32
      %dma_wait3A_358 = tpu.memref_slice %arg2[%add3A_357] : memref<6400000xi32, #tpu.memory_space<hbm>> -> memref<800xi32, #tpu.memory_space<hbm>>
      %dma_wait3A_359 = tpu.memref_slice %arg2[%add3A_357] : memref<6400000xi32, #tpu.memory_space<hbm>> -> memref<800xi32, #tpu.memory_space<hbm>>
      tpu.wait_dma2 semaphore(%arg23 : memref<!tpu.dma_semaphore, #tpu.memory_space<semaphore_mem>>) src(%dma_wait3A_359 : memref<800xi32, #tpu.memory_space<hbm>>) dst(%arg11 : memref<800xi32, #tpu.memory_space<vmem>>)
      %dma_wait3A_360 = tpu.memref_slice %arg3[%add3A_357] : memref<3200000xf32, #tpu.memory_space<hbm>> -> memref<800xf32, #tpu.memory_space<hbm>>
      %dma_wait3A_361 = tpu.memref_slice %arg3[%add3A_357] : memref<3200000xf32, #tpu.memory_space<hbm>> -> memref<800xf32, #tpu.memory_space<hbm>>
      tpu.wait_dma2 semaphore(%arg23 : memref<!tpu.dma_semaphore, #tpu.memory_space<semaphore_mem>>) src(%dma_wait3A_361 : memref<800xf32, #tpu.memory_space<hbm>>) dst(%arg13 : memref<800xf32, #tpu.memory_space<vmem>>)
      %add3A_362 = arith.constant 3200000 : i32
      %add3A_363 = arith.addi %add3A_362, %add3A_357 : i32
      %dma_wait3A_364 = tpu.memref_slice %arg2[%add3A_363] : memref<6400000xi32, #tpu.memory_space<hbm>> -> memref<800xi32, #tpu.memory_space<hbm>>
      %dma_wait3A_365 = tpu.memref_slice %arg2[%add3A_363] : memref<6400000xi32, #tpu.memory_space<hbm>> -> memref<800xi32, #tpu.memory_space<hbm>>
      tpu.wait_dma2 semaphore(%arg27 : memref<!tpu.dma_semaphore, #tpu.memory_space<semaphore_mem>>) src(%dma_wait3A_365 : memref<800xi32, #tpu.memory_space<hbm>>) dst(%arg17 : memref<800xi32, #tpu.memory_space<vmem>>)
      %dma_wait3A_366 = arith.constant 0 : i32
      %dma_wait3A_367 = tpu.memref_slice %arg8[%dma_wait3A_366] : memref<102400xf32, #tpu.memory_space<vmem_shared>> -> memref<102400xf32, #tpu.memory_space<vmem_shared>>
      tpu.wait_indirect_dma semaphore(%arg29 : memref<!tpu.dma_semaphore, #tpu.memory_space<semaphore_mem>>) src(%arg19 : memref<800xf32, #tpu.memory_space<vmem>>) dst(%dma_wait3A_367 : memref<102400xf32, #tpu.memory_space<vmem_shared>>)
      %dma_wait3A_368 = arith.constant 0 : i32
      %dma_wait3A_369 = tpu.memref_slice %arg9[%dma_wait3A_368] : memref<102400xf32, #tpu.memory_space<vmem_shared>> -> memref<102400xf32, #tpu.memory_space<vmem_shared>>
      tpu.wait_indirect_dma semaphore(%arg29 : memref<!tpu.dma_semaphore, #tpu.memory_space<semaphore_mem>>) src(%arg21 : memref<800xf32, #tpu.memory_space<vmem>>) dst(%dma_wait3A_369 : memref<102400xf32, #tpu.memory_space<vmem_shared>>)
      %scan3A_370 = arith.constant 0 : i32
      %scan3A_371 = arith.constant 50 : i32
      %scan3A_372 = arith.addi %scan3A_370, %scan3A_371 : i32
      %scan3A_373 = arith.constant 1 : i32
      scf.for %scan3A_495 = %scan3A_370 to %scan3A_372 step %scan3A_373  : i32 {
        %mul3A_496 = arith.constant 16 : i32
        %mul3A_497 = arith.muli %scan3A_495, %mul3A_496 : i32
        %add3A_498 = arith.constant 0 : i32
        %add3A_499 = arith.addi %add3A_498, %mul3A_497 : i32
        %get3A = arith.index_cast %add3A_499 : i32 to index
        %get3A_500 = tpu.vector_load %arg11[%get3A] {strides = array<i32>} : memref<800xi32, #tpu.memory_space<vmem>>, vector<16xi32>,
        %gather3A = tpu.vector_load_idx %arg7[%get3A_500] : memref<102400xi32, #tpu.memory_space<vmem>>[vector<16xi32>], vector<16xi32>,
        %get3A_501 = arith.index_cast %add3A_499 : i32 to index
        %get3A_502 = tpu.vector_load %arg13[%get3A_501] {strides = array<i32>} : memref<800xf32, #tpu.memory_space<vmem>>, vector<16xf32>,
        %shift_left3A = arith.constant 16 : i32
        %shift_left3A_503 = vector.broadcast %shift_left3A : i32 to vector<16xi32>
        %shift_left3A_504 = arith.shli %gather3A, %shift_left3A_503 : vector<16xi32>
        %bitcast3A = vector.bitcast %shift_left3A_504 : vector<16xi32> to vector<16xf32>
        %mul3A_505 = arith.mulf %bitcast3A, %get3A_502 : vector<16xf32>
        %swap3A = arith.index_cast %add3A_499 : i32 to index
        %swap3A_506 = tpu.vector_load %arg19[%swap3A] {strides = array<i32>} : memref<800xf32, #tpu.memory_space<vmem>>, vector<16xf32>,
        tpu.vector_store %arg19[%swap3A], %mul3A_505 {strides = array<i32>} : memref<800xf32, #tpu.memory_space<vmem>>, vector<16xf32>,
        %and3A = arith.constant -65536 : i32
        %and3A_507 = vector.broadcast %and3A : i32 to vector<16xi32>
        %and3A_508 = arith.andi %gather3A, %and3A_507 : vector<16xi32>
        %bitcast3A_509 = vector.bitcast %and3A_508 : vector<16xi32> to vector<16xf32>
        %mul3A_510 = arith.mulf %bitcast3A_509, %get3A_502 : vector<16xf32>
        %swap3A_511 = arith.index_cast %add3A_499 : i32 to index
        %swap3A_512 = tpu.vector_load %arg21[%swap3A_511] {strides = array<i32>} : memref<800xf32, #tpu.memory_space<vmem>>, vector<16xf32>,
        tpu.vector_store %arg21[%swap3A_511], %mul3A_510 {strides = array<i32>} : memref<800xf32, #tpu.memory_space<vmem>>, vector<16xf32>,
      }
      %scan3A_374 = arith.constant 50 : i32
      %add3A_375 = arith.constant 2 : i32
      %add3A_376 = arith.addi %add3A_349, %add3A_375 : i32
      %ge3A_377 = arith.constant 125 : i32
      %ge3A_378 = arith.cmpi sge, %add3A_376, %ge3A_377 : i32
      %sub3A_379 = arith.constant 125 : i32
      %sub3A_380 = arith.subi %add3A_376, %sub3A_379 : i32
      %select_n3A_381 = arith.select %ge3A_378, %sub3A_380, %add3A_376 : i32
      %mul3A_382 = arith.constant 800 : i32
      %mul3A_383 = arith.muli %select_n3A_381, %mul3A_382 : i32
      %add3A_384 = arith.addi %mul3A_2, %mul3A_383 : i32
      %dma_start3A_385 = tpu.memref_slice %arg2[%add3A_384] : memref<6400000xi32, #tpu.memory_space<hbm>> -> memref<800xi32, #tpu.memory_space<hbm>>
      %dma_start3A_386 = tpu.memref_slice %arg2[%add3A_384] : memref<6400000xi32, #tpu.memory_space<hbm>> -> memref<800xi32, #tpu.memory_space<hbm>>
      tpu.enqueue_dma source(%dma_start3A_386 : memref<800xi32, #tpu.memory_space<hbm>>) target(%arg11 : memref<800xi32, #tpu.memory_space<vmem>>) target_semaphore(%arg23 : memref<!tpu.dma_semaphore, #tpu.memory_space<semaphore_mem>>)
      %dma_start3A_387 = tpu.memref_slice %arg3[%add3A_384] : memref<3200000xf32, #tpu.memory_space<hbm>> -> memref<800xf32, #tpu.memory_space<hbm>>
      %dma_start3A_388 = tpu.memref_slice %arg3[%add3A_384] : memref<3200000xf32, #tpu.memory_space<hbm>> -> memref<800xf32, #tpu.memory_space<hbm>>
      tpu.enqueue_dma source(%dma_start3A_388 : memref<800xf32, #tpu.memory_space<hbm>>) target(%arg13 : memref<800xf32, #tpu.memory_space<vmem>>) target_semaphore(%arg23 : memref<!tpu.dma_semaphore, #tpu.memory_space<semaphore_mem>>)
      %add3A_389 = arith.constant 3200000 : i32
      %add3A_390 = arith.addi %add3A_389, %add3A_384 : i32
      %dma_start3A_391 = tpu.memref_slice %arg2[%add3A_390] : memref<6400000xi32, #tpu.memory_space<hbm>> -> memref<800xi32, #tpu.memory_space<hbm>>
      %dma_start3A_392 = tpu.memref_slice %arg2[%add3A_390] : memref<6400000xi32, #tpu.memory_space<hbm>> -> memref<800xi32, #tpu.memory_space<hbm>>
      tpu.enqueue_dma source(%dma_start3A_392 : memref<800xi32, #tpu.memory_space<hbm>>) target(%arg15 : memref<800xi32, #tpu.memory_space<vmem>>) target_semaphore(%arg25 : memref<!tpu.dma_semaphore, #tpu.memory_space<semaphore_mem>>)
      %dma_start3A_393 = arith.constant 0 : i32
      %dma_start3A_394 = tpu.memref_slice %arg8[%dma_start3A_393] : memref<102400xf32, #tpu.memory_space<vmem_shared>> -> memref<102400xf32, #tpu.memory_space<vmem_shared>>
      tpu.enqueue_indirect_dma source(%arg19 : memref<800xf32, #tpu.memory_space<vmem>>) target(%dma_start3A_394 : memref<102400xf32, #tpu.memory_space<vmem_shared>>) offsets(%arg17 : memref<800xi32, #tpu.memory_space<vmem>>) semaphore(%arg29 : memref<!tpu.dma_semaphore, #tpu.memory_space<semaphore_mem>>) {add = true}
      %dma_start3A_395 = arith.constant 0 : i32
      %dma_start3A_396 = tpu.memref_slice %arg9[%dma_start3A_395] : memref<102400xf32, #tpu.memory_space<vmem_shared>> -> memref<102400xf32, #tpu.memory_space<vmem_shared>>
      tpu.enqueue_indirect_dma source(%arg21 : memref<800xf32, #tpu.memory_space<vmem>>) target(%dma_start3A_396 : memref<102400xf32, #tpu.memory_space<vmem_shared>>) offsets(%arg17 : memref<800xi32, #tpu.memory_space<vmem>>) semaphore(%arg29 : memref<!tpu.dma_semaphore, #tpu.memory_space<semaphore_mem>>) {add = true}
      %add3A_397 = arith.constant 2 : i32
      %add3A_398 = arith.addi %add3A_300, %add3A_397 : i32
      %ge3A_399 = arith.constant 125 : i32
      %ge3A_400 = arith.cmpi sge, %add3A_398, %ge3A_399 : i32
      %sub3A_401 = arith.constant 125 : i32
      %sub3A_402 = arith.subi %add3A_398, %sub3A_401 : i32
      %select_n3A_403 = arith.select %ge3A_400, %sub3A_402, %add3A_398 : i32
      %mul3A_404 = arith.constant 800 : i32
      %mul3A_405 = arith.muli %select_n3A_403, %mul3A_404 : i32
      %add3A_406 = arith.addi %mul3A_2, %mul3A_405 : i32
      %dma_wait3A_407 = tpu.memref_slice %arg2[%add3A_406] : memref<6400000xi32, #tpu.memory_space<hbm>> -> memref<800xi32, #tpu.memory_space<hbm>>
      %dma_wait3A_408 = tpu.memref_slice %arg2[%add3A_406] : memref<6400000xi32, #tpu.memory_space<hbm>> -> memref<800xi32, #tpu.memory_space<hbm>>
      tpu.wait_dma2 semaphore(%arg22 : memref<!tpu.dma_semaphore, #tpu.memory_space<semaphore_mem>>) src(%dma_wait3A_408 : memref<800xi32, #tpu.memory_space<hbm>>) dst(%arg10 : memref<800xi32, #tpu.memory_space<vmem>>)
      %dma_wait3A_409 = tpu.memref_slice %arg3[%add3A_406] : memref<3200000xf32, #tpu.memory_space<hbm>> -> memref<800xf32, #tpu.memory_space<hbm>>
      %dma_wait3A_410 = tpu.memref_slice %arg3[%add3A_406] : memref<3200000xf32, #tpu.memory_space<hbm>> -> memref<800xf32, #tpu.memory_space<hbm>>
      tpu.wait_dma2 semaphore(%arg22 : memref<!tpu.dma_semaphore, #tpu.memory_space<semaphore_mem>>) src(%dma_wait3A_410 : memref<800xf32, #tpu.memory_space<hbm>>) dst(%arg12 : memref<800xf32, #tpu.memory_space<vmem>>)
      %add3A_411 = arith.constant 3200000 : i32
      %add3A_412 = arith.addi %add3A_411, %add3A_406 : i32
      %dma_wait3A_413 = tpu.memref_slice %arg2[%add3A_412] : memref<6400000xi32, #tpu.memory_space<hbm>> -> memref<800xi32, #tpu.memory_space<hbm>>
      %dma_wait3A_414 = tpu.memref_slice %arg2[%add3A_412] : memref<6400000xi32, #tpu.memory_space<hbm>> -> memref<800xi32, #tpu.memory_space<hbm>>
      tpu.wait_dma2 semaphore(%arg24 : memref<!tpu.dma_semaphore, #tpu.memory_space<semaphore_mem>>) src(%dma_wait3A_414 : memref<800xi32, #tpu.memory_space<hbm>>) dst(%arg14 : memref<800xi32, #tpu.memory_space<vmem>>)
      %dma_wait3A_415 = arith.constant 0 : i32
      %dma_wait3A_416 = tpu.memref_slice %arg8[%dma_wait3A_415] : memref<102400xf32, #tpu.memory_space<vmem_shared>> -> memref<102400xf32, #tpu.memory_space<vmem_shared>>
      tpu.wait_indirect_dma semaphore(%arg28 : memref<!tpu.dma_semaphore, #tpu.memory_space<semaphore_mem>>) src(%arg18 : memref<800xf32, #tpu.memory_space<vmem>>) dst(%dma_wait3A_416 : memref<102400xf32, #tpu.memory_space<vmem_shared>>)
      %dma_wait3A_417 = arith.constant 0 : i32
      %dma_wait3A_418 = tpu.memref_slice %arg9[%dma_wait3A_417] : memref<102400xf32, #tpu.memory_space<vmem_shared>> -> memref<102400xf32, #tpu.memory_space<vmem_shared>>
      tpu.wait_indirect_dma semaphore(%arg28 : memref<!tpu.dma_semaphore, #tpu.memory_space<semaphore_mem>>) src(%arg20 : memref<800xf32, #tpu.memory_space<vmem>>) dst(%dma_wait3A_418 : memref<102400xf32, #tpu.memory_space<vmem_shared>>)
      %scan3A_419 = arith.constant 0 : i32
      %scan3A_420 = arith.constant 50 : i32
      %scan3A_421 = arith.addi %scan3A_419, %scan3A_420 : i32
      %scan3A_422 = arith.constant 1 : i32
      scf.for %scan3A_495 = %scan3A_419 to %scan3A_421 step %scan3A_422  : i32 {
        %mul3A_496 = arith.constant 16 : i32
        %mul3A_497 = arith.muli %scan3A_495, %mul3A_496 : i32
        %add3A_498 = arith.constant 0 : i32
        %add3A_499 = arith.addi %add3A_498, %mul3A_497 : i32
        %get3A = arith.index_cast %add3A_499 : i32 to index
        %get3A_500 = tpu.vector_load %arg10[%get3A] {strides = array<i32>} : memref<800xi32, #tpu.memory_space<vmem>>, vector<16xi32>,
        %gather3A = tpu.vector_load_idx %arg7[%get3A_500] : memref<102400xi32, #tpu.memory_space<vmem>>[vector<16xi32>], vector<16xi32>,
        %get3A_501 = arith.index_cast %add3A_499 : i32 to index
        %get3A_502 = tpu.vector_load %arg12[%get3A_501] {strides = array<i32>} : memref<800xf32, #tpu.memory_space<vmem>>, vector<16xf32>,
        %shift_left3A = arith.constant 16 : i32
        %shift_left3A_503 = vector.broadcast %shift_left3A : i32 to vector<16xi32>
        %shift_left3A_504 = arith.shli %gather3A, %shift_left3A_503 : vector<16xi32>
        %bitcast3A = vector.bitcast %shift_left3A_504 : vector<16xi32> to vector<16xf32>
        %mul3A_505 = arith.mulf %bitcast3A, %get3A_502 : vector<16xf32>
        %swap3A = arith.index_cast %add3A_499 : i32 to index
        %swap3A_506 = tpu.vector_load %arg18[%swap3A] {strides = array<i32>} : memref<800xf32, #tpu.memory_space<vmem>>, vector<16xf32>,
        tpu.vector_store %arg18[%swap3A], %mul3A_505 {strides = array<i32>} : memref<800xf32, #tpu.memory_space<vmem>>, vector<16xf32>,
        %and3A = arith.constant -65536 : i32
        %and3A_507 = vector.broadcast %and3A : i32 to vector<16xi32>
        %and3A_508 = arith.andi %gather3A, %and3A_507 : vector<16xi32>
        %bitcast3A_509 = vector.bitcast %and3A_508 : vector<16xi32> to vector<16xf32>
        %mul3A_510 = arith.mulf %bitcast3A_509, %get3A_502 : vector<16xf32>
        %swap3A_511 = arith.index_cast %add3A_499 : i32 to index
        %swap3A_512 = tpu.vector_load %arg20[%swap3A_511] {strides = array<i32>} : memref<800xf32, #tpu.memory_space<vmem>>, vector<16xf32>,
        tpu.vector_store %arg20[%swap3A_511], %mul3A_510 {strides = array<i32>} : memref<800xf32, #tpu.memory_space<vmem>>, vector<16xf32>,
      }
      %scan3A_423 = arith.constant 50 : i32
      %add3A_424 = arith.constant 2 : i32
      %add3A_425 = arith.addi %add3A_398, %add3A_424 : i32
      %ge3A_426 = arith.constant 125 : i32
      %ge3A_427 = arith.cmpi sge, %add3A_425, %ge3A_426 : i32
      %sub3A_428 = arith.constant 125 : i32
      %sub3A_429 = arith.subi %add3A_425, %sub3A_428 : i32
      %select_n3A_430 = arith.select %ge3A_427, %sub3A_429, %add3A_425 : i32
      %mul3A_431 = arith.constant 800 : i32
      %mul3A_432 = arith.muli %select_n3A_430, %mul3A_431 : i32
      %add3A_433 = arith.addi %mul3A_2, %mul3A_432 : i32
      %dma_start3A_434 = tpu.memref_slice %arg2[%add3A_433] : memref<6400000xi32, #tpu.memory_space<hbm>> -> memref<800xi32, #tpu.memory_space<hbm>>
      %dma_start3A_435 = tpu.memref_slice %arg2[%add3A_433] : memref<6400000xi32, #tpu.memory_space<hbm>> -> memref<800xi32, #tpu.memory_space<hbm>>
      tpu.enqueue_dma source(%dma_start3A_435 : memref<800xi32, #tpu.memory_space<hbm>>) target(%arg10 : memref<800xi32, #tpu.memory_space<vmem>>) target_semaphore(%arg22 : memref<!tpu.dma_semaphore, #tpu.memory_space<semaphore_mem>>)
      %dma_start3A_436 = tpu.memref_slice %arg3[%add3A_433] : memref<3200000xf32, #tpu.memory_space<hbm>> -> memref<800xf32, #tpu.memory_space<hbm>>
      %dma_start3A_437 = tpu.memref_slice %arg3[%add3A_433] : memref<3200000xf32, #tpu.memory_space<hbm>> -> memref<800xf32, #tpu.memory_space<hbm>>
      tpu.enqueue_dma source(%dma_start3A_437 : memref<800xf32, #tpu.memory_space<hbm>>) target(%arg12 : memref<800xf32, #tpu.memory_space<vmem>>) target_semaphore(%arg22 : memref<!tpu.dma_semaphore, #tpu.memory_space<semaphore_mem>>)
      %add3A_438 = arith.constant 3200000 : i32
      %add3A_439 = arith.addi %add3A_438, %add3A_433 : i32
      %dma_start3A_440 = tpu.memref_slice %arg2[%add3A_439] : memref<6400000xi32, #tpu.memory_space<hbm>> -> memref<800xi32, #tpu.memory_space<hbm>>
      %dma_start3A_441 = tpu.memref_slice %arg2[%add3A_439] : memref<6400000xi32, #tpu.memory_space<hbm>> -> memref<800xi32, #tpu.memory_space<hbm>>
      tpu.enqueue_dma source(%dma_start3A_441 : memref<800xi32, #tpu.memory_space<hbm>>) target(%arg16 : memref<800xi32, #tpu.memory_space<vmem>>) target_semaphore(%arg26 : memref<!tpu.dma_semaphore, #tpu.memory_space<semaphore_mem>>)
      %dma_start3A_442 = arith.constant 0 : i32
      %dma_start3A_443 = tpu.memref_slice %arg8[%dma_start3A_442] : memref<102400xf32, #tpu.memory_space<vmem_shared>> -> memref<102400xf32, #tpu.memory_space<vmem_shared>>
      tpu.enqueue_indirect_dma source(%arg18 : memref<800xf32, #tpu.memory_space<vmem>>) target(%dma_start3A_443 : memref<102400xf32, #tpu.memory_space<vmem_shared>>) offsets(%arg14 : memref<800xi32, #tpu.memory_space<vmem>>) semaphore(%arg28 : memref<!tpu.dma_semaphore, #tpu.memory_space<semaphore_mem>>) {add = true}
      %dma_start3A_444 = arith.constant 0 : i32
      %dma_start3A_445 = tpu.memref_slice %arg9[%dma_start3A_444] : memref<102400xf32, #tpu.memory_space<vmem_shared>> -> memref<102400xf32, #tpu.memory_space<vmem_shared>>
      tpu.enqueue_indirect_dma source(%arg20 : memref<800xf32, #tpu.memory_space<vmem>>) target(%dma_start3A_445 : memref<102400xf32, #tpu.memory_space<vmem_shared>>) offsets(%arg14 : memref<800xi32, #tpu.memory_space<vmem>>) semaphore(%arg28 : memref<!tpu.dma_semaphore, #tpu.memory_space<semaphore_mem>>) {add = true}
      %add3A_446 = arith.constant 3 : i32
      %add3A_447 = arith.addi %add3A_300, %add3A_446 : i32
      %ge3A_448 = arith.constant 125 : i32
      %ge3A_449 = arith.cmpi sge, %add3A_447, %ge3A_448 : i32
      %sub3A_450 = arith.constant 125 : i32
      %sub3A_451 = arith.subi %add3A_447, %sub3A_450 : i32
      %select_n3A_452 = arith.select %ge3A_449, %sub3A_451, %add3A_447 : i32
      %mul3A_453 = arith.constant 800 : i32
      %mul3A_454 = arith.muli %select_n3A_452, %mul3A_453 : i32
      %add3A_455 = arith.addi %mul3A_2, %mul3A_454 : i32
      %dma_wait3A_456 = tpu.memref_slice %arg2[%add3A_455] : memref<6400000xi32, #tpu.memory_space<hbm>> -> memref<800xi32, #tpu.memory_space<hbm>>
      %dma_wait3A_457 = tpu.memref_slice %arg2[%add3A_455] : memref<6400000xi32, #tpu.memory_space<hbm>> -> memref<800xi32, #tpu.memory_space<hbm>>
      tpu.wait_dma2 semaphore(%arg23 : memref<!tpu.dma_semaphore, #tpu.memory_space<semaphore_mem>>) src(%dma_wait3A_457 : memref<800xi32, #tpu.memory_space<hbm>>) dst(%arg11 : memref<800xi32, #tpu.memory_space<vmem>>)
      %dma_wait3A_458 = tpu.memref_slice %arg3[%add3A_455] : memref<3200000xf32, #tpu.memory_space<hbm>> -> memref<800xf32, #tpu.memory_space<hbm>>
      %dma_wait3A_459 = tpu.memref_slice %arg3[%add3A_455] : memref<3200000xf32, #tpu.memory_space<hbm>> -> memref<800xf32, #tpu.memory_space<hbm>>
      tpu.wait_dma2 semaphore(%arg23 : memref<!tpu.dma_semaphore, #tpu.memory_space<semaphore_mem>>) src(%dma_wait3A_459 : memref<800xf32, #tpu.memory_space<hbm>>) dst(%arg13 : memref<800xf32, #tpu.memory_space<vmem>>)
      %add3A_460 = arith.constant 3200000 : i32
      %add3A_461 = arith.addi %add3A_460, %add3A_455 : i32
      %dma_wait3A_462 = tpu.memref_slice %arg2[%add3A_461] : memref<6400000xi32, #tpu.memory_space<hbm>> -> memref<800xi32, #tpu.memory_space<hbm>>
      %dma_wait3A_463 = tpu.memref_slice %arg2[%add3A_461] : memref<6400000xi32, #tpu.memory_space<hbm>> -> memref<800xi32, #tpu.memory_space<hbm>>
      tpu.wait_dma2 semaphore(%arg25 : memref<!tpu.dma_semaphore, #tpu.memory_space<semaphore_mem>>) src(%dma_wait3A_463 : memref<800xi32, #tpu.memory_space<hbm>>) dst(%arg15 : memref<800xi32, #tpu.memory_space<vmem>>)
      %dma_wait3A_464 = arith.constant 0 : i32
      %dma_wait3A_465 = tpu.memref_slice %arg8[%dma_wait3A_464] : memref<102400xf32, #tpu.memory_space<vmem_shared>> -> memref<102400xf32, #tpu.memory_space<vmem_shared>>
      tpu.wait_indirect_dma semaphore(%arg29 : memref<!tpu.dma_semaphore, #tpu.memory_space<semaphore_mem>>) src(%arg19 : memref<800xf32, #tpu.memory_space<vmem>>) dst(%dma_wait3A_465 : memref<102400xf32, #tpu.memory_space<vmem_shared>>)
      %dma_wait3A_466 = arith.constant 0 : i32
      %dma_wait3A_467 = tpu.memref_slice %arg9[%dma_wait3A_466] : memref<102400xf32, #tpu.memory_space<vmem_shared>> -> memref<102400xf32, #tpu.memory_space<vmem_shared>>
      tpu.wait_indirect_dma semaphore(%arg29 : memref<!tpu.dma_semaphore, #tpu.memory_space<semaphore_mem>>) src(%arg21 : memref<800xf32, #tpu.memory_space<vmem>>) dst(%dma_wait3A_467 : memref<102400xf32, #tpu.memory_space<vmem_shared>>)
      %scan3A_468 = arith.constant 0 : i32
      %scan3A_469 = arith.constant 50 : i32
      %scan3A_470 = arith.addi %scan3A_468, %scan3A_469 : i32
      %scan3A_471 = arith.constant 1 : i32
      scf.for %scan3A_495 = %scan3A_468 to %scan3A_470 step %scan3A_471  : i32 {
        %mul3A_496 = arith.constant 16 : i32
        %mul3A_497 = arith.muli %scan3A_495, %mul3A_496 : i32
        %add3A_498 = arith.constant 0 : i32
        %add3A_499 = arith.addi %add3A_498, %mul3A_497 : i32
        %get3A = arith.index_cast %add3A_499 : i32 to index
        %get3A_500 = tpu.vector_load %arg11[%get3A] {strides = array<i32>} : memref<800xi32, #tpu.memory_space<vmem>>, vector<16xi32>,
        %gather3A = tpu.vector_load_idx %arg7[%get3A_500] : memref<102400xi32, #tpu.memory_space<vmem>>[vector<16xi32>], vector<16xi32>,
        %get3A_501 = arith.index_cast %add3A_499 : i32 to index
        %get3A_502 = tpu.vector_load %arg13[%get3A_501] {strides = array<i32>} : memref<800xf32, #tpu.memory_space<vmem>>, vector<16xf32>,
        %shift_left3A = arith.constant 16 : i32
        %shift_left3A_503 = vector.broadcast %shift_left3A : i32 to vector<16xi32>
        %shift_left3A_504 = arith.shli %gather3A, %shift_left3A_503 : vector<16xi32>
        %bitcast3A = vector.bitcast %shift_left3A_504 : vector<16xi32> to vector<16xf32>
        %mul3A_505 = arith.mulf %bitcast3A, %get3A_502 : vector<16xf32>
        %swap3A = arith.index_cast %add3A_499 : i32 to index
        %swap3A_506 = tpu.vector_load %arg19[%swap3A] {strides = array<i32>} : memref<800xf32, #tpu.memory_space<vmem>>, vector<16xf32>,
        tpu.vector_store %arg19[%swap3A], %mul3A_505 {strides = array<i32>} : memref<800xf32, #tpu.memory_space<vmem>>, vector<16xf32>,
        %and3A = arith.constant -65536 : i32
        %and3A_507 = vector.broadcast %and3A : i32 to vector<16xi32>
        %and3A_508 = arith.andi %gather3A, %and3A_507 : vector<16xi32>
        %bitcast3A_509 = vector.bitcast %and3A_508 : vector<16xi32> to vector<16xf32>
        %mul3A_510 = arith.mulf %bitcast3A_509, %get3A_502 : vector<16xf32>
        %swap3A_511 = arith.index_cast %add3A_499 : i32 to index
        %swap3A_512 = tpu.vector_load %arg21[%swap3A_511] {strides = array<i32>} : memref<800xf32, #tpu.memory_space<vmem>>, vector<16xf32>,
        tpu.vector_store %arg21[%swap3A_511], %mul3A_510 {strides = array<i32>} : memref<800xf32, #tpu.memory_space<vmem>>, vector<16xf32>,
      }
      %scan3A_472 = arith.constant 50 : i32
      %add3A_473 = arith.constant 2 : i32
      %add3A_474 = arith.addi %add3A_447, %add3A_473 : i32
      %ge3A_475 = arith.constant 125 : i32
      %ge3A_476 = arith.cmpi sge, %add3A_474, %ge3A_475 : i32
      %sub3A_477 = arith.constant 125 : i32
      %sub3A_478 = arith.subi %add3A_474, %sub3A_477 : i32
      %select_n3A_479 = arith.select %ge3A_476, %sub3A_478, %add3A_474 : i32
      %mul3A_480 = arith.constant 800 : i32
      %mul3A_481 = arith.muli %select_n3A_479, %mul3A_480 : i32
      %add3A_482 = arith.addi %mul3A_2, %mul3A_481 : i32
      %dma_start3A_483 = tpu.memref_slice %arg2[%add3A_482] : memref<6400000xi32, #tpu.memory_space<hbm>> -> memref<800xi32, #tpu.memory_space<hbm>>
      %dma_start3A_484 = tpu.memref_slice %arg2[%add3A_482] : memref<6400000xi32, #tpu.memory_space<hbm>> -> memref<800xi32, #tpu.memory_space<hbm>>
      tpu.enqueue_dma source(%dma_start3A_484 : memref<800xi32, #tpu.memory_space<hbm>>) target(%arg11 : memref<800xi32, #tpu.memory_space<vmem>>) target_semaphore(%arg23 : memref<!tpu.dma_semaphore, #tpu.memory_space<semaphore_mem>>)
      %dma_start3A_485 = tpu.memref_slice %arg3[%add3A_482] : memref<3200000xf32, #tpu.memory_space<hbm>> -> memref<800xf32, #tpu.memory_space<hbm>>
      %dma_start3A_486 = tpu.memref_slice %arg3[%add3A_482] : memref<3200000xf32, #tpu.memory_space<hbm>> -> memref<800xf32, #tpu.memory_space<hbm>>
      tpu.enqueue_dma source(%dma_start3A_486 : memref<800xf32, #tpu.memory_space<hbm>>) target(%arg13 : memref<800xf32, #tpu.memory_space<vmem>>) target_semaphore(%arg23 : memref<!tpu.dma_semaphore, #tpu.memory_space<semaphore_mem>>)
      %add3A_487 = arith.constant 3200000 : i32
      %add3A_488 = arith.addi %add3A_487, %add3A_482 : i32
      %dma_start3A_489 = tpu.memref_slice %arg2[%add3A_488] : memref<6400000xi32, #tpu.memory_space<hbm>> -> memref<800xi32, #tpu.memory_space<hbm>>
      %dma_start3A_490 = tpu.memref_slice %arg2[%add3A_488] : memref<6400000xi32, #tpu.memory_space<hbm>> -> memref<800xi32, #tpu.memory_space<hbm>>
      tpu.enqueue_dma source(%dma_start3A_490 : memref<800xi32, #tpu.memory_space<hbm>>) target(%arg17 : memref<800xi32, #tpu.memory_space<vmem>>) target_semaphore(%arg27 : memref<!tpu.dma_semaphore, #tpu.memory_space<semaphore_mem>>)
      %dma_start3A_491 = arith.constant 0 : i32
      %dma_start3A_492 = tpu.memref_slice %arg8[%dma_start3A_491] : memref<102400xf32, #tpu.memory_space<vmem_shared>> -> memref<102400xf32, #tpu.memory_space<vmem_shared>>
      tpu.enqueue_indirect_dma source(%arg19 : memref<800xf32, #tpu.memory_space<vmem>>) target(%dma_start3A_492 : memref<102400xf32, #tpu.memory_space<vmem_shared>>) offsets(%arg15 : memref<800xi32, #tpu.memory_space<vmem>>) semaphore(%arg29 : memref<!tpu.dma_semaphore, #tpu.memory_space<semaphore_mem>>) {add = true}
      %dma_start3A_493 = arith.constant 0 : i32
      %dma_start3A_494 = tpu.memref_slice %arg9[%dma_start3A_493] : memref<102400xf32, #tpu.memory_space<vmem_shared>> -> memref<102400xf32, #tpu.memory_space<vmem_shared>>
      tpu.enqueue_indirect_dma source(%arg21 : memref<800xf32, #tpu.memory_space<vmem>>) target(%dma_start3A_494 : memref<102400xf32, #tpu.memory_space<vmem_shared>>) offsets(%arg15 : memref<800xi32, #tpu.memory_space<vmem>>) semaphore(%arg29 : memref<!tpu.dma_semaphore, #tpu.memory_space<semaphore_mem>>) {add = true}
    }
    %scan3A_118 = arith.constant 30 : i32
    %jit3A_119 = arith.constant false
    %jit3A_120 = arith.constant -3 : i32
    %jit3A_121 = arith.constant 122 : i32
    %select_n3A_122 = arith.select %jit3A_119, %jit3A_120, %jit3A_121 : i32
    %mul3A_123 = arith.constant 800 : i32
    %mul3A_124 = arith.muli %select_n3A_122, %mul3A_123 : i32
    %add3A_125 = arith.addi %mul3A_2, %mul3A_124 : i32
    %dma_wait3A_126 = tpu.memref_slice %arg2[%add3A_125] : memref<6400000xi32, #tpu.memory_space<hbm>> -> memref<800xi32, #tpu.memory_space<hbm>>
    %dma_wait3A_127 = tpu.memref_slice %arg2[%add3A_125] : memref<6400000xi32, #tpu.memory_space<hbm>> -> memref<800xi32, #tpu.memory_space<hbm>>
    tpu.wait_dma2 semaphore(%arg22 : memref<!tpu.dma_semaphore, #tpu.memory_space<semaphore_mem>>) src(%dma_wait3A_127 : memref<800xi32, #tpu.memory_space<hbm>>) dst(%arg10 : memref<800xi32, #tpu.memory_space<vmem>>)
    %dma_wait3A_128 = tpu.memref_slice %arg3[%add3A_125] : memref<3200000xf32, #tpu.memory_space<hbm>> -> memref<800xf32, #tpu.memory_space<hbm>>
    %dma_wait3A_129 = tpu.memref_slice %arg3[%add3A_125] : memref<3200000xf32, #tpu.memory_space<hbm>> -> memref<800xf32, #tpu.memory_space<hbm>>
    tpu.wait_dma2 semaphore(%arg22 : memref<!tpu.dma_semaphore, #tpu.memory_space<semaphore_mem>>) src(%dma_wait3A_129 : memref<800xf32, #tpu.memory_space<hbm>>) dst(%arg12 : memref<800xf32, #tpu.memory_space<vmem>>)
    %add3A_130 = arith.constant 3200000 : i32
    %add3A_131 = arith.addi %add3A_130, %add3A_125 : i32
    %dma_wait3A_132 = tpu.memref_slice %arg2[%add3A_131] : memref<6400000xi32, #tpu.memory_space<hbm>> -> memref<800xi32, #tpu.memory_space<hbm>>
    %dma_wait3A_133 = tpu.memref_slice %arg2[%add3A_131] : memref<6400000xi32, #tpu.memory_space<hbm>> -> memref<800xi32, #tpu.memory_space<hbm>>
    tpu.wait_dma2 semaphore(%arg26 : memref<!tpu.dma_semaphore, #tpu.memory_space<semaphore_mem>>) src(%dma_wait3A_133 : memref<800xi32, #tpu.memory_space<hbm>>) dst(%arg16 : memref<800xi32, #tpu.memory_space<vmem>>)
    %dma_wait3A_134 = arith.constant 0 : i32
    %dma_wait3A_135 = tpu.memref_slice %arg8[%dma_wait3A_134] : memref<102400xf32, #tpu.memory_space<vmem_shared>> -> memref<102400xf32, #tpu.memory_space<vmem_shared>>
    tpu.wait_indirect_dma semaphore(%arg28 : memref<!tpu.dma_semaphore, #tpu.memory_space<semaphore_mem>>) src(%arg18 : memref<800xf32, #tpu.memory_space<vmem>>) dst(%dma_wait3A_135 : memref<102400xf32, #tpu.memory_space<vmem_shared>>)
    %dma_wait3A_136 = arith.constant 0 : i32
    %dma_wait3A_137 = tpu.memref_slice %arg9[%dma_wait3A_136] : memref<102400xf32, #tpu.memory_space<vmem_shared>> -> memref<102400xf32, #tpu.memory_space<vmem_shared>>
    tpu.wait_indirect_dma semaphore(%arg28 : memref<!tpu.dma_semaphore, #tpu.memory_space<semaphore_mem>>) src(%arg20 : memref<800xf32, #tpu.memory_space<vmem>>) dst(%dma_wait3A_137 : memref<102400xf32, #tpu.memory_space<vmem_shared>>)
    %scan3A_138 = arith.constant 0 : i32
    %scan3A_139 = arith.constant 50 : i32
    %scan3A_140 = arith.addi %scan3A_138, %scan3A_139 : i32
    %scan3A_141 = arith.constant 1 : i32
    scf.for %scan3A_296 = %scan3A_138 to %scan3A_140 step %scan3A_141  : i32 {
      %mul3A_297 = arith.constant 16 : i32
      %mul3A_298 = arith.muli %scan3A_296, %mul3A_297 : i32
      %add3A_299 = arith.constant 0 : i32
      %add3A_300 = arith.addi %add3A_299, %mul3A_298 : i32
      %get3A = arith.index_cast %add3A_300 : i32 to index
      %get3A_301 = tpu.vector_load %arg10[%get3A] {strides = array<i32>} : memref<800xi32, #tpu.memory_space<vmem>>, vector<16xi32>,
      %gather3A = tpu.vector_load_idx %arg7[%get3A_301] : memref<102400xi32, #tpu.memory_space<vmem>>[vector<16xi32>], vector<16xi32>,
      %get3A_302 = arith.index_cast %add3A_300 : i32 to index
      %get3A_303 = tpu.vector_load %arg12[%get3A_302] {strides = array<i32>} : memref<800xf32, #tpu.memory_space<vmem>>, vector<16xf32>,
      %shift_left3A = arith.constant 16 : i32
      %shift_left3A_304 = vector.broadcast %shift_left3A : i32 to vector<16xi32>
      %shift_left3A_305 = arith.shli %gather3A, %shift_left3A_304 : vector<16xi32>
      %bitcast3A = vector.bitcast %shift_left3A_305 : vector<16xi32> to vector<16xf32>
      %mul3A_306 = arith.mulf %bitcast3A, %get3A_303 : vector<16xf32>
      %swap3A = arith.index_cast %add3A_300 : i32 to index
      %swap3A_307 = tpu.vector_load %arg18[%swap3A] {strides = array<i32>} : memref<800xf32, #tpu.memory_space<vmem>>, vector<16xf32>,
      tpu.vector_store %arg18[%swap3A], %mul3A_306 {strides = array<i32>} : memref<800xf32, #tpu.memory_space<vmem>>, vector<16xf32>,
      %and3A = arith.constant -65536 : i32
      %and3A_308 = vector.broadcast %and3A : i32 to vector<16xi32>
      %and3A_309 = arith.andi %gather3A, %and3A_308 : vector<16xi32>
      %bitcast3A_310 = vector.bitcast %and3A_309 : vector<16xi32> to vector<16xf32>
      %mul3A_311 = arith.mulf %bitcast3A_310, %get3A_303 : vector<16xf32>
      %swap3A_312 = arith.index_cast %add3A_300 : i32 to index
      %swap3A_313 = tpu.vector_load %arg20[%swap3A_312] {strides = array<i32>} : memref<800xf32, #tpu.memory_space<vmem>>, vector<16xf32>,
      tpu.vector_store %arg20[%swap3A_312], %mul3A_311 {strides = array<i32>} : memref<800xf32, #tpu.memory_space<vmem>>, vector<16xf32>,
    }
    %scan3A_142 = arith.constant 50 : i32
    %jit3A_143 = arith.constant false
    %jit3A_144 = arith.constant -1 : i32
    %jit3A_145 = arith.constant 124 : i32
    %select_n3A_146 = arith.select %jit3A_143, %jit3A_144, %jit3A_145 : i32
    %mul3A_147 = arith.constant 800 : i32
    %mul3A_148 = arith.muli %select_n3A_146, %mul3A_147 : i32
    %add3A_149 = arith.addi %mul3A_2, %mul3A_148 : i32
    %dma_start3A_150 = tpu.memref_slice %arg2[%add3A_149] : memref<6400000xi32, #tpu.memory_space<hbm>> -> memref<800xi32, #tpu.memory_space<hbm>>
    %dma_start3A_151 = tpu.memref_slice %arg2[%add3A_149] : memref<6400000xi32, #tpu.memory_space<hbm>> -> memref<800xi32, #tpu.memory_space<hbm>>
    tpu.enqueue_dma source(%dma_start3A_151 : memref<800xi32, #tpu.memory_space<hbm>>) target(%arg10 : memref<800xi32, #tpu.memory_space<vmem>>) target_semaphore(%arg22 : memref<!tpu.dma_semaphore, #tpu.memory_space<semaphore_mem>>)
    %dma_start3A_152 = tpu.memref_slice %arg3[%add3A_149] : memref<3200000xf32, #tpu.memory_space<hbm>> -> memref<800xf32, #tpu.memory_space<hbm>>
    %dma_start3A_153 = tpu.memref_slice %arg3[%add3A_149] : memref<3200000xf32, #tpu.memory_space<hbm>> -> memref<800xf32, #tpu.memory_space<hbm>>
    tpu.enqueue_dma source(%dma_start3A_153 : memref<800xf32, #tpu.memory_space<hbm>>) target(%arg12 : memref<800xf32, #tpu.memory_space<vmem>>) target_semaphore(%arg22 : memref<!tpu.dma_semaphore, #tpu.memory_space<semaphore_mem>>)
    %add3A_154 = arith.constant 3200000 : i32
    %add3A_155 = arith.addi %add3A_154, %add3A_149 : i32
    %dma_start3A_156 = tpu.memref_slice %arg2[%add3A_155] : memref<6400000xi32, #tpu.memory_space<hbm>> -> memref<800xi32, #tpu.memory_space<hbm>>
    %dma_start3A_157 = tpu.memref_slice %arg2[%add3A_155] : memref<6400000xi32, #tpu.memory_space<hbm>> -> memref<800xi32, #tpu.memory_space<hbm>>
    tpu.enqueue_dma source(%dma_start3A_157 : memref<800xi32, #tpu.memory_space<hbm>>) target(%arg14 : memref<800xi32, #tpu.memory_space<vmem>>) target_semaphore(%arg24 : memref<!tpu.dma_semaphore, #tpu.memory_space<semaphore_mem>>)
    %dma_start3A_158 = arith.constant 0 : i32
    %dma_start3A_159 = tpu.memref_slice %arg8[%dma_start3A_158] : memref<102400xf32, #tpu.memory_space<vmem_shared>> -> memref<102400xf32, #tpu.memory_space<vmem_shared>>
    tpu.enqueue_indirect_dma source(%arg18 : memref<800xf32, #tpu.memory_space<vmem>>) target(%dma_start3A_159 : memref<102400xf32, #tpu.memory_space<vmem_shared>>) offsets(%arg16 : memref<800xi32, #tpu.memory_space<vmem>>) semaphore(%arg28 : memref<!tpu.dma_semaphore, #tpu.memory_space<semaphore_mem>>) {add = true}
    %dma_start3A_160 = arith.constant 0 : i32
    %dma_start3A_161 = tpu.memref_slice %arg9[%dma_start3A_160] : memref<102400xf32, #tpu.memory_space<vmem_shared>> -> memref<102400xf32, #tpu.memory_space<vmem_shared>>
    tpu.enqueue_indirect_dma source(%arg20 : memref<800xf32, #tpu.memory_space<vmem>>) target(%dma_start3A_161 : memref<102400xf32, #tpu.memory_space<vmem_shared>>) offsets(%arg16 : memref<800xi32, #tpu.memory_space<vmem>>) semaphore(%arg28 : memref<!tpu.dma_semaphore, #tpu.memory_space<semaphore_mem>>) {add = true}
    %jit3A_162 = arith.constant false
    %jit3A_163 = arith.constant -2 : i32
    %jit3A_164 = arith.constant 123 : i32
    %select_n3A_165 = arith.select %jit3A_162, %jit3A_163, %jit3A_164 : i32
    %mul3A_166 = arith.constant 800 : i32
    %mul3A_167 = arith.muli %select_n3A_165, %mul3A_166 : i32
    %add3A_168 = arith.addi %mul3A_2, %mul3A_167 : i32
    %dma_wait3A_169 = tpu.memref_slice %arg2[%add3A_168] : memref<6400000xi32, #tpu.memory_space<hbm>> -> memref<800xi32, #tpu.memory_space<hbm>>
    %dma_wait3A_170 = tpu.memref_slice %arg2[%add3A_168] : memref<6400000xi32, #tpu.memory_space<hbm>> -> memref<800xi32, #tpu.memory_space<hbm>>
    tpu.wait_dma2 semaphore(%arg23 : memref<!tpu.dma_semaphore, #tpu.memory_space<semaphore_mem>>) src(%dma_wait3A_170 : memref<800xi32, #tpu.memory_space<hbm>>) dst(%arg11 : memref<800xi32, #tpu.memory_space<vmem>>)
    %dma_wait3A_171 = tpu.memref_slice %arg3[%add3A_168] : memref<3200000xf32, #tpu.memory_space<hbm>> -> memref<800xf32, #tpu.memory_space<hbm>>
    %dma_wait3A_172 = tpu.memref_slice %arg3[%add3A_168] : memref<3200000xf32, #tpu.memory_space<hbm>> -> memref<800xf32, #tpu.memory_space<hbm>>
    tpu.wait_dma2 semaphore(%arg23 : memref<!tpu.dma_semaphore, #tpu.memory_space<semaphore_mem>>) src(%dma_wait3A_172 : memref<800xf32, #tpu.memory_space<hbm>>) dst(%arg13 : memref<800xf32, #tpu.memory_space<vmem>>)
    %add3A_173 = arith.constant 3200000 : i32
    %add3A_174 = arith.addi %add3A_173, %add3A_168 : i32
    %dma_wait3A_175 = tpu.memref_slice %arg2[%add3A_174] : memref<6400000xi32, #tpu.memory_space<hbm>> -> memref<800xi32, #tpu.memory_space<hbm>>
    %dma_wait3A_176 = tpu.memref_slice %arg2[%add3A_174] : memref<6400000xi32, #tpu.memory_space<hbm>> -> memref<800xi32, #tpu.memory_space<hbm>>
    tpu.wait_dma2 semaphore(%arg27 : memref<!tpu.dma_semaphore, #tpu.memory_space<semaphore_mem>>) src(%dma_wait3A_176 : memref<800xi32, #tpu.memory_space<hbm>>) dst(%arg17 : memref<800xi32, #tpu.memory_space<vmem>>)
    %dma_wait3A_177 = arith.constant 0 : i32
    %dma_wait3A_178 = tpu.memref_slice %arg8[%dma_wait3A_177] : memref<102400xf32, #tpu.memory_space<vmem_shared>> -> memref<102400xf32, #tpu.memory_space<vmem_shared>>
    tpu.wait_indirect_dma semaphore(%arg29 : memref<!tpu.dma_semaphore, #tpu.memory_space<semaphore_mem>>) src(%arg19 : memref<800xf32, #tpu.memory_space<vmem>>) dst(%dma_wait3A_178 : memref<102400xf32, #tpu.memory_space<vmem_shared>>)
    %dma_wait3A_179 = arith.constant 0 : i32
    %dma_wait3A_180 = tpu.memref_slice %arg9[%dma_wait3A_179] : memref<102400xf32, #tpu.memory_space<vmem_shared>> -> memref<102400xf32, #tpu.memory_space<vmem_shared>>
    tpu.wait_indirect_dma semaphore(%arg29 : memref<!tpu.dma_semaphore, #tpu.memory_space<semaphore_mem>>) src(%arg21 : memref<800xf32, #tpu.memory_space<vmem>>) dst(%dma_wait3A_180 : memref<102400xf32, #tpu.memory_space<vmem_shared>>)
    %scan3A_181 = arith.constant 0 : i32
    %scan3A_182 = arith.constant 50 : i32
    %scan3A_183 = arith.addi %scan3A_181, %scan3A_182 : i32
    %scan3A_184 = arith.constant 1 : i32
    scf.for %scan3A_296 = %scan3A_181 to %scan3A_183 step %scan3A_184  : i32 {
      %mul3A_297 = arith.constant 16 : i32
      %mul3A_298 = arith.muli %scan3A_296, %mul3A_297 : i32
      %add3A_299 = arith.constant 0 : i32
      %add3A_300 = arith.addi %add3A_299, %mul3A_298 : i32
      %get3A = arith.index_cast %add3A_300 : i32 to index
      %get3A_301 = tpu.vector_load %arg11[%get3A] {strides = array<i32>} : memref<800xi32, #tpu.memory_space<vmem>>, vector<16xi32>,
      %gather3A = tpu.vector_load_idx %arg7[%get3A_301] : memref<102400xi32, #tpu.memory_space<vmem>>[vector<16xi32>], vector<16xi32>,
      %get3A_302 = arith.index_cast %add3A_300 : i32 to index
      %get3A_303 = tpu.vector_load %arg13[%get3A_302] {strides = array<i32>} : memref<800xf32, #tpu.memory_space<vmem>>, vector<16xf32>,
      %shift_left3A = arith.constant 16 : i32
      %shift_left3A_304 = vector.broadcast %shift_left3A : i32 to vector<16xi32>
      %shift_left3A_305 = arith.shli %gather3A, %shift_left3A_304 : vector<16xi32>
      %bitcast3A = vector.bitcast %shift_left3A_305 : vector<16xi32> to vector<16xf32>
      %mul3A_306 = arith.mulf %bitcast3A, %get3A_303 : vector<16xf32>
      %swap3A = arith.index_cast %add3A_300 : i32 to index
      %swap3A_307 = tpu.vector_load %arg19[%swap3A] {strides = array<i32>} : memref<800xf32, #tpu.memory_space<vmem>>, vector<16xf32>,
      tpu.vector_store %arg19[%swap3A], %mul3A_306 {strides = array<i32>} : memref<800xf32, #tpu.memory_space<vmem>>, vector<16xf32>,
      %and3A = arith.constant -65536 : i32
      %and3A_308 = vector.broadcast %and3A : i32 to vector<16xi32>
      %and3A_309 = arith.andi %gather3A, %and3A_308 : vector<16xi32>
      %bitcast3A_310 = vector.bitcast %and3A_309 : vector<16xi32> to vector<16xf32>
      %mul3A_311 = arith.mulf %bitcast3A_310, %get3A_303 : vector<16xf32>
      %swap3A_312 = arith.index_cast %add3A_300 : i32 to index
      %swap3A_313 = tpu.vector_load %arg21[%swap3A_312] {strides = array<i32>} : memref<800xf32, #tpu.memory_space<vmem>>, vector<16xf32>,
      tpu.vector_store %arg21[%swap3A_312], %mul3A_311 {strides = array<i32>} : memref<800xf32, #tpu.memory_space<vmem>>, vector<16xf32>,
    }
    %scan3A_185 = arith.constant 50 : i32
    %jit3A_186 = arith.constant true
    %jit3A_187 = arith.constant 0 : i32
    %jit3A_188 = arith.constant 125 : i32
    %select_n3A_189 = arith.select %jit3A_186, %jit3A_187, %jit3A_188 : i32
    %mul3A_190 = arith.constant 800 : i32
    %mul3A_191 = arith.muli %select_n3A_189, %mul3A_190 : i32
    %add3A_192 = arith.addi %mul3A_2, %mul3A_191 : i32
    %dma_start3A_193 = tpu.memref_slice %arg2[%add3A_192] : memref<6400000xi32, #tpu.memory_space<hbm>> -> memref<800xi32, #tpu.memory_space<hbm>>
    %dma_start3A_194 = tpu.memref_slice %arg2[%add3A_192] : memref<6400000xi32, #tpu.memory_space<hbm>> -> memref<800xi32, #tpu.memory_space<hbm>>
    tpu.enqueue_dma source(%dma_start3A_194 : memref<800xi32, #tpu.memory_space<hbm>>) target(%arg11 : memref<800xi32, #tpu.memory_space<vmem>>) target_semaphore(%arg23 : memref<!tpu.dma_semaphore, #tpu.memory_space<semaphore_mem>>)
    %dma_start3A_195 = tpu.memref_slice %arg3[%add3A_192] : memref<3200000xf32, #tpu.memory_space<hbm>> -> memref<800xf32, #tpu.memory_space<hbm>>
    %dma_start3A_196 = tpu.memref_slice %arg3[%add3A_192] : memref<3200000xf32, #tpu.memory_space<hbm>> -> memref<800xf32, #tpu.memory_space<hbm>>
    tpu.enqueue_dma source(%dma_start3A_196 : memref<800xf32, #tpu.memory_space<hbm>>) target(%arg13 : memref<800xf32, #tpu.memory_space<vmem>>) target_semaphore(%arg23 : memref<!tpu.dma_semaphore, #tpu.memory_space<semaphore_mem>>)
    %add3A_197 = arith.constant 3200000 : i32
    %add3A_198 = arith.addi %add3A_197, %add3A_192 : i32
    %dma_start3A_199 = tpu.memref_slice %arg2[%add3A_198] : memref<6400000xi32, #tpu.memory_space<hbm>> -> memref<800xi32, #tpu.memory_space<hbm>>
    %dma_start3A_200 = tpu.memref_slice %arg2[%add3A_198] : memref<6400000xi32, #tpu.memory_space<hbm>> -> memref<800xi32, #tpu.memory_space<hbm>>
    tpu.enqueue_dma source(%dma_start3A_200 : memref<800xi32, #tpu.memory_space<hbm>>) target(%arg15 : memref<800xi32, #tpu.memory_space<vmem>>) target_semaphore(%arg25 : memref<!tpu.dma_semaphore, #tpu.memory_space<semaphore_mem>>)
    %dma_start3A_201 = arith.constant 0 : i32
    %dma_start3A_202 = tpu.memref_slice %arg8[%dma_start3A_201] : memref<102400xf32, #tpu.memory_space<vmem_shared>> -> memref<102400xf32, #tpu.memory_space<vmem_shared>>
    tpu.enqueue_indirect_dma source(%arg19 : memref<800xf32, #tpu.memory_space<vmem>>) target(%dma_start3A_202 : memref<102400xf32, #tpu.memory_space<vmem_shared>>) offsets(%arg17 : memref<800xi32, #tpu.memory_space<vmem>>) semaphore(%arg29 : memref<!tpu.dma_semaphore, #tpu.memory_space<semaphore_mem>>) {add = true}
    %dma_start3A_203 = arith.constant 0 : i32
    %dma_start3A_204 = tpu.memref_slice %arg9[%dma_start3A_203] : memref<102400xf32, #tpu.memory_space<vmem_shared>> -> memref<102400xf32, #tpu.memory_space<vmem_shared>>
    tpu.enqueue_indirect_dma source(%arg21 : memref<800xf32, #tpu.memory_space<vmem>>) target(%dma_start3A_204 : memref<102400xf32, #tpu.memory_space<vmem_shared>>) offsets(%arg17 : memref<800xi32, #tpu.memory_space<vmem>>) semaphore(%arg29 : memref<!tpu.dma_semaphore, #tpu.memory_space<semaphore_mem>>) {add = true}
    %jit3A_205 = arith.constant false
    %jit3A_206 = arith.constant -1 : i32
    %jit3A_207 = arith.constant 124 : i32
    %select_n3A_208 = arith.select %jit3A_205, %jit3A_206, %jit3A_207 : i32
    %mul3A_209 = arith.constant 800 : i32
    %mul3A_210 = arith.muli %select_n3A_208, %mul3A_209 : i32
    %add3A_211 = arith.addi %mul3A_2, %mul3A_210 : i32
    %dma_wait3A_212 = tpu.memref_slice %arg2[%add3A_211] : memref<6400000xi32, #tpu.memory_space<hbm>> -> memref<800xi32, #tpu.memory_space<hbm>>
    %dma_wait3A_213 = tpu.memref_slice %arg2[%add3A_211] : memref<6400000xi32, #tpu.memory_space<hbm>> -> memref<800xi32, #tpu.memory_space<hbm>>
    tpu.wait_dma2 semaphore(%arg22 : memref<!tpu.dma_semaphore, #tpu.memory_space<semaphore_mem>>) src(%dma_wait3A_213 : memref<800xi32, #tpu.memory_space<hbm>>) dst(%arg10 : memref<800xi32, #tpu.memory_space<vmem>>)
    %dma_wait3A_214 = tpu.memref_slice %arg3[%add3A_211] : memref<3200000xf32, #tpu.memory_space<hbm>> -> memref<800xf32, #tpu.memory_space<hbm>>
    %dma_wait3A_215 = tpu.memref_slice %arg3[%add3A_211] : memref<3200000xf32, #tpu.memory_space<hbm>> -> memref<800xf32, #tpu.memory_space<hbm>>
    tpu.wait_dma2 semaphore(%arg22 : memref<!tpu.dma_semaphore, #tpu.memory_space<semaphore_mem>>) src(%dma_wait3A_215 : memref<800xf32, #tpu.memory_space<hbm>>) dst(%arg12 : memref<800xf32, #tpu.memory_space<vmem>>)
    %add3A_216 = arith.constant 3200000 : i32
    %add3A_217 = arith.addi %add3A_216, %add3A_211 : i32
    %dma_wait3A_218 = tpu.memref_slice %arg2[%add3A_217] : memref<6400000xi32, #tpu.memory_space<hbm>> -> memref<800xi32, #tpu.memory_space<hbm>>
    %dma_wait3A_219 = tpu.memref_slice %arg2[%add3A_217] : memref<6400000xi32, #tpu.memory_space<hbm>> -> memref<800xi32, #tpu.memory_space<hbm>>
    tpu.wait_dma2 semaphore(%arg24 : memref<!tpu.dma_semaphore, #tpu.memory_space<semaphore_mem>>) src(%dma_wait3A_219 : memref<800xi32, #tpu.memory_space<hbm>>) dst(%arg14 : memref<800xi32, #tpu.memory_space<vmem>>)
    %dma_wait3A_220 = arith.constant 0 : i32
    %dma_wait3A_221 = tpu.memref_slice %arg8[%dma_wait3A_220] : memref<102400xf32, #tpu.memory_space<vmem_shared>> -> memref<102400xf32, #tpu.memory_space<vmem_shared>>
    tpu.wait_indirect_dma semaphore(%arg28 : memref<!tpu.dma_semaphore, #tpu.memory_space<semaphore_mem>>) src(%arg18 : memref<800xf32, #tpu.memory_space<vmem>>) dst(%dma_wait3A_221 : memref<102400xf32, #tpu.memory_space<vmem_shared>>)
    %dma_wait3A_222 = arith.constant 0 : i32
    %dma_wait3A_223 = tpu.memref_slice %arg9[%dma_wait3A_222] : memref<102400xf32, #tpu.memory_space<vmem_shared>> -> memref<102400xf32, #tpu.memory_space<vmem_shared>>
    tpu.wait_indirect_dma semaphore(%arg28 : memref<!tpu.dma_semaphore, #tpu.memory_space<semaphore_mem>>) src(%arg20 : memref<800xf32, #tpu.memory_space<vmem>>) dst(%dma_wait3A_223 : memref<102400xf32, #tpu.memory_space<vmem_shared>>)
    %scan3A_224 = arith.constant 0 : i32
    %scan3A_225 = arith.constant 50 : i32
    %scan3A_226 = arith.addi %scan3A_224, %scan3A_225 : i32
    %scan3A_227 = arith.constant 1 : i32
    scf.for %scan3A_296 = %scan3A_224 to %scan3A_226 step %scan3A_227  : i32 {
      %mul3A_297 = arith.constant 16 : i32
      %mul3A_298 = arith.muli %scan3A_296, %mul3A_297 : i32
      %add3A_299 = arith.constant 0 : i32
      %add3A_300 = arith.addi %add3A_299, %mul3A_298 : i32
      %get3A = arith.index_cast %add3A_300 : i32 to index
      %get3A_301 = tpu.vector_load %arg10[%get3A] {strides = array<i32>} : memref<800xi32, #tpu.memory_space<vmem>>, vector<16xi32>,
      %gather3A = tpu.vector_load_idx %arg7[%get3A_301] : memref<102400xi32, #tpu.memory_space<vmem>>[vector<16xi32>], vector<16xi32>,
      %get3A_302 = arith.index_cast %add3A_300 : i32 to index
      %get3A_303 = tpu.vector_load %arg12[%get3A_302] {strides = array<i32>} : memref<800xf32, #tpu.memory_space<vmem>>, vector<16xf32>,
      %shift_left3A = arith.constant 16 : i32
      %shift_left3A_304 = vector.broadcast %shift_left3A : i32 to vector<16xi32>
      %shift_left3A_305 = arith.shli %gather3A, %shift_left3A_304 : vector<16xi32>
      %bitcast3A = vector.bitcast %shift_left3A_305 : vector<16xi32> to vector<16xf32>
      %mul3A_306 = arith.mulf %bitcast3A, %get3A_303 : vector<16xf32>
      %swap3A = arith.index_cast %add3A_300 : i32 to index
      %swap3A_307 = tpu.vector_load %arg18[%swap3A] {strides = array<i32>} : memref<800xf32, #tpu.memory_space<vmem>>, vector<16xf32>,
      tpu.vector_store %arg18[%swap3A], %mul3A_306 {strides = array<i32>} : memref<800xf32, #tpu.memory_space<vmem>>, vector<16xf32>,
      %and3A = arith.constant -65536 : i32
      %and3A_308 = vector.broadcast %and3A : i32 to vector<16xi32>
      %and3A_309 = arith.andi %gather3A, %and3A_308 : vector<16xi32>
      %bitcast3A_310 = vector.bitcast %and3A_309 : vector<16xi32> to vector<16xf32>
      %mul3A_311 = arith.mulf %bitcast3A_310, %get3A_303 : vector<16xf32>
      %swap3A_312 = arith.index_cast %add3A_300 : i32 to index
      %swap3A_313 = tpu.vector_load %arg20[%swap3A_312] {strides = array<i32>} : memref<800xf32, #tpu.memory_space<vmem>>, vector<16xf32>,
      tpu.vector_store %arg20[%swap3A_312], %mul3A_311 {strides = array<i32>} : memref<800xf32, #tpu.memory_space<vmem>>, vector<16xf32>,
    }
    %scan3A_228 = arith.constant 50 : i32
    %jit3A_229 = arith.constant true
    %jit3A_230 = arith.constant 1 : i32
    %jit3A_231 = arith.constant 126 : i32
    %select_n3A_232 = arith.select %jit3A_229, %jit3A_230, %jit3A_231 : i32
    %mul3A_233 = arith.constant 800 : i32
    %mul3A_234 = arith.muli %select_n3A_232, %mul3A_233 : i32
    %add3A_235 = arith.addi %mul3A_2, %mul3A_234 : i32
    %dma_start3A_236 = tpu.memref_slice %arg2[%add3A_235] : memref<6400000xi32, #tpu.memory_space<hbm>> -> memref<800xi32, #tpu.memory_space<hbm>>
    %dma_start3A_237 = tpu.memref_slice %arg2[%add3A_235] : memref<6400000xi32, #tpu.memory_space<hbm>> -> memref<800xi32, #tpu.memory_space<hbm>>
    tpu.enqueue_dma source(%dma_start3A_237 : memref<800xi32, #tpu.memory_space<hbm>>) target(%arg10 : memref<800xi32, #tpu.memory_space<vmem>>) target_semaphore(%arg22 : memref<!tpu.dma_semaphore, #tpu.memory_space<semaphore_mem>>)
    %dma_start3A_238 = tpu.memref_slice %arg3[%add3A_235] : memref<3200000xf32, #tpu.memory_space<hbm>> -> memref<800xf32, #tpu.memory_space<hbm>>
    %dma_start3A_239 = tpu.memref_slice %arg3[%add3A_235] : memref<3200000xf32, #tpu.memory_space<hbm>> -> memref<800xf32, #tpu.memory_space<hbm>>
    tpu.enqueue_dma source(%dma_start3A_239 : memref<800xf32, #tpu.memory_space<hbm>>) target(%arg12 : memref<800xf32, #tpu.memory_space<vmem>>) target_semaphore(%arg22 : memref<!tpu.dma_semaphore, #tpu.memory_space<semaphore_mem>>)
    %add3A_240 = arith.constant 3200000 : i32
    %add3A_241 = arith.addi %add3A_240, %add3A_235 : i32
    %dma_start3A_242 = tpu.memref_slice %arg2[%add3A_241] : memref<6400000xi32, #tpu.memory_space<hbm>> -> memref<800xi32, #tpu.memory_space<hbm>>
    %dma_start3A_243 = tpu.memref_slice %arg2[%add3A_241] : memref<6400000xi32, #tpu.memory_space<hbm>> -> memref<800xi32, #tpu.memory_space<hbm>>
    tpu.enqueue_dma source(%dma_start3A_243 : memref<800xi32, #tpu.memory_space<hbm>>) target(%arg16 : memref<800xi32, #tpu.memory_space<vmem>>) target_semaphore(%arg26 : memref<!tpu.dma_semaphore, #tpu.memory_space<semaphore_mem>>)
    %dma_start3A_244 = arith.constant 0 : i32
    %dma_start3A_245 = tpu.memref_slice %arg8[%dma_start3A_244] : memref<102400xf32, #tpu.memory_space<vmem_shared>> -> memref<102400xf32, #tpu.memory_space<vmem_shared>>
    tpu.enqueue_indirect_dma source(%arg18 : memref<800xf32, #tpu.memory_space<vmem>>) target(%dma_start3A_245 : memref<102400xf32, #tpu.memory_space<vmem_shared>>) offsets(%arg14 : memref<800xi32, #tpu.memory_space<vmem>>) semaphore(%arg28 : memref<!tpu.dma_semaphore, #tpu.memory_space<semaphore_mem>>) {add = true}
    %dma_start3A_246 = arith.constant 0 : i32
    %dma_start3A_247 = tpu.memref_slice %arg9[%dma_start3A_246] : memref<102400xf32, #tpu.memory_space<vmem_shared>> -> memref<102400xf32, #tpu.memory_space<vmem_shared>>
    tpu.enqueue_indirect_dma source(%arg20 : memref<800xf32, #tpu.memory_space<vmem>>) target(%dma_start3A_247 : memref<102400xf32, #tpu.memory_space<vmem_shared>>) offsets(%arg14 : memref<800xi32, #tpu.memory_space<vmem>>) semaphore(%arg28 : memref<!tpu.dma_semaphore, #tpu.memory_space<semaphore_mem>>) {add = true}
    %dma_wait3A_248 = arith.constant 0 : i32
    %dma_wait3A_249 = tpu.memref_slice %arg8[%dma_wait3A_248] : memref<102400xf32, #tpu.memory_space<vmem_shared>> -> memref<102400xf32, #tpu.memory_space<vmem_shared>>
    tpu.wait_indirect_dma semaphore(%arg29 : memref<!tpu.dma_semaphore, #tpu.memory_space<semaphore_mem>>) src(%arg19 : memref<800xf32, #tpu.memory_space<vmem>>) dst(%dma_wait3A_249 : memref<102400xf32, #tpu.memory_space<vmem_shared>>)
    %dma_wait3A_250 = arith.constant 0 : i32
    %dma_wait3A_251 = tpu.memref_slice %arg9[%dma_wait3A_250] : memref<102400xf32, #tpu.memory_space<vmem_shared>> -> memref<102400xf32, #tpu.memory_space<vmem_shared>>
    tpu.wait_indirect_dma semaphore(%arg29 : memref<!tpu.dma_semaphore, #tpu.memory_space<semaphore_mem>>) src(%arg21 : memref<800xf32, #tpu.memory_space<vmem>>) dst(%dma_wait3A_251 : memref<102400xf32, #tpu.memory_space<vmem_shared>>)
    %dma_wait3A_252 = arith.constant 0 : i32
    %dma_wait3A_253 = tpu.memref_slice %arg8[%dma_wait3A_252] : memref<102400xf32, #tpu.memory_space<vmem_shared>> -> memref<102400xf32, #tpu.memory_space<vmem_shared>>
    tpu.wait_indirect_dma semaphore(%arg28 : memref<!tpu.dma_semaphore, #tpu.memory_space<semaphore_mem>>) src(%arg18 : memref<800xf32, #tpu.memory_space<vmem>>) dst(%dma_wait3A_253 : memref<102400xf32, #tpu.memory_space<vmem_shared>>)
    %dma_wait3A_254 = arith.constant 0 : i32
    %dma_wait3A_255 = tpu.memref_slice %arg9[%dma_wait3A_254] : memref<102400xf32, #tpu.memory_space<vmem_shared>> -> memref<102400xf32, #tpu.memory_space<vmem_shared>>
    tpu.wait_indirect_dma semaphore(%arg28 : memref<!tpu.dma_semaphore, #tpu.memory_space<semaphore_mem>>) src(%arg20 : memref<800xf32, #tpu.memory_space<vmem>>) dst(%dma_wait3A_255 : memref<102400xf32, #tpu.memory_space<vmem_shared>>)
    %jit3A_256 = arith.constant true
    %jit3A_257 = arith.constant 0 : i32
    %jit3A_258 = arith.constant 125 : i32
    %select_n3A_259 = arith.select %jit3A_256, %jit3A_257, %jit3A_258 : i32
    %mul3A_260 = arith.constant 800 : i32
    %mul3A_261 = arith.muli %select_n3A_259, %mul3A_260 : i32
    %add3A_262 = arith.addi %mul3A_2, %mul3A_261 : i32
    %dma_wait3A_263 = tpu.memref_slice %arg2[%add3A_262] : memref<6400000xi32, #tpu.memory_space<hbm>> -> memref<800xi32, #tpu.memory_space<hbm>>
    %dma_wait3A_264 = tpu.memref_slice %arg2[%add3A_262] : memref<6400000xi32, #tpu.memory_space<hbm>> -> memref<800xi32, #tpu.memory_space<hbm>>
    tpu.wait_dma2 semaphore(%arg23 : memref<!tpu.dma_semaphore, #tpu.memory_space<semaphore_mem>>) src(%dma_wait3A_264 : memref<800xi32, #tpu.memory_space<hbm>>) dst(%arg11 : memref<800xi32, #tpu.memory_space<vmem>>)
    %dma_wait3A_265 = tpu.memref_slice %arg3[%add3A_262] : memref<3200000xf32, #tpu.memory_space<hbm>> -> memref<800xf32, #tpu.memory_space<hbm>>
    %dma_wait3A_266 = tpu.memref_slice %arg3[%add3A_262] : memref<3200000xf32, #tpu.memory_space<hbm>> -> memref<800xf32, #tpu.memory_space<hbm>>
    tpu.wait_dma2 semaphore(%arg23 : memref<!tpu.dma_semaphore, #tpu.memory_space<semaphore_mem>>) src(%dma_wait3A_266 : memref<800xf32, #tpu.memory_space<hbm>>) dst(%arg13 : memref<800xf32, #tpu.memory_space<vmem>>)
    %add3A_267 = arith.constant 3200000 : i32
    %add3A_268 = arith.addi %add3A_267, %add3A_262 : i32
    %dma_wait3A_269 = tpu.memref_slice %arg2[%add3A_268] : memref<6400000xi32, #tpu.memory_space<hbm>> -> memref<800xi32, #tpu.memory_space<hbm>>
    %dma_wait3A_270 = tpu.memref_slice %arg2[%add3A_268] : memref<6400000xi32, #tpu.memory_space<hbm>> -> memref<800xi32, #tpu.memory_space<hbm>>
    tpu.wait_dma2 semaphore(%arg25 : memref<!tpu.dma_semaphore, #tpu.memory_space<semaphore_mem>>) src(%dma_wait3A_270 : memref<800xi32, #tpu.memory_space<hbm>>) dst(%arg15 : memref<800xi32, #tpu.memory_space<vmem>>)
    %jit3A_271 = arith.constant true
    %jit3A_272 = arith.constant 1 : i32
    %jit3A_273 = arith.constant 126 : i32
    %select_n3A_274 = arith.select %jit3A_271, %jit3A_272, %jit3A_273 : i32
    %mul3A_275 = arith.constant 800 : i32
    %mul3A_276 = arith.muli %select_n3A_274, %mul3A_275 : i32
    %add3A_277 = arith.addi %mul3A_2, %mul3A_276 : i32
    %dma_wait3A_278 = tpu.memref_slice %arg2[%add3A_277] : memref<6400000xi32, #tpu.memory_space<hbm>> -> memref<800xi32, #tpu.memory_space<hbm>>
    %dma_wait3A_279 = tpu.memref_slice %arg2[%add3A_277] : memref<6400000xi32, #tpu.memory_space<hbm>> -> memref<800xi32, #tpu.memory_space<hbm>>
    tpu.wait_dma2 semaphore(%arg22 : memref<!tpu.dma_semaphore, #tpu.memory_space<semaphore_mem>>) src(%dma_wait3A_279 : memref<800xi32, #tpu.memory_space<hbm>>) dst(%arg10 : memref<800xi32, #tpu.memory_space<vmem>>)
    %dma_wait3A_280 = tpu.memref_slice %arg3[%add3A_277] : memref<3200000xf32, #tpu.memory_space<hbm>> -> memref<800xf32, #tpu.memory_space<hbm>>
    %dma_wait3A_281 = tpu.memref_slice %arg3[%add3A_277] : memref<3200000xf32, #tpu.memory_space<hbm>> -> memref<800xf32, #tpu.memory_space<hbm>>
    tpu.wait_dma2 semaphore(%arg22 : memref<!tpu.dma_semaphore, #tpu.memory_space<semaphore_mem>>) src(%dma_wait3A_281 : memref<800xf32, #tpu.memory_space<hbm>>) dst(%arg12 : memref<800xf32, #tpu.memory_space<vmem>>)
    %add3A_282 = arith.constant 3200000 : i32
    %add3A_283 = arith.addi %add3A_282, %add3A_277 : i32
    %dma_wait3A_284 = tpu.memref_slice %arg2[%add3A_283] : memref<6400000xi32, #tpu.memory_space<hbm>> -> memref<800xi32, #tpu.memory_space<hbm>>
    %dma_wait3A_285 = tpu.memref_slice %arg2[%add3A_283] : memref<6400000xi32, #tpu.memory_space<hbm>> -> memref<800xi32, #tpu.memory_space<hbm>>
    tpu.wait_dma2 semaphore(%arg26 : memref<!tpu.dma_semaphore, #tpu.memory_space<semaphore_mem>>) src(%dma_wait3A_285 : memref<800xi32, #tpu.memory_space<hbm>>) dst(%arg16 : memref<800xi32, #tpu.memory_space<vmem>>)
    %barrier3A_286 = arith.constant 0 : index
    tpu.barrier barrier_id(%barrier3A_286)
    %mul3A_287 = arith.constant 6400 : i32
    %mul3A_288 = arith.muli %arg1, %mul3A_287 : i32
    %mul3A_289 = arith.constant 6400 : i32
    %mul3A_290 = arith.muli %arg1, %mul3A_289 : i32
    %run_scoped3A = arith.constant 0 : i32
    "tpu.region"() ({
      %run_scoped3A_296 = tpu.sem_alloc : memref<!tpu.dma_semaphore, #tpu.memory_space<semaphore_mem>>
      %dma_start3A_297 = tpu.memref_slice %arg6[%arg0, %run_scoped3A, %mul3A_290] : memref<2x2x102400xf32, #tpu.memory_space<hbm>> -> memref<1x1x6400xf32, #tpu.memory_space<hbm>>
      %dma_start3A_298 = tpu.memref_squeeze %dma_start3A_297 : memref<1x1x6400xf32, #tpu.memory_space<hbm>> -> memref<6400xf32, #tpu.memory_space<hbm>>
      %dma_start3A_299 = tpu.memref_slice %arg8[%mul3A_288] : memref<102400xf32, #tpu.memory_space<vmem_shared>> -> memref<6400xf32, #tpu.memory_space<vmem_shared>>
      tpu.enqueue_dma source(%dma_start3A_299 : memref<6400xf32, #tpu.memory_space<vmem_shared>>) target(%dma_start3A_298 : memref<6400xf32, #tpu.memory_space<hbm>>) target_semaphore(%run_scoped3A_296 : memref<!tpu.dma_semaphore, #tpu.memory_space<semaphore_mem>>)
      %dma_wait3A_300 = tpu.memref_slice %arg6[%arg0, %run_scoped3A, %mul3A_290] : memref<2x2x102400xf32, #tpu.memory_space<hbm>> -> memref<1x1x6400xf32, #tpu.memory_space<hbm>>
      %dma_wait3A_301 = tpu.memref_squeeze %dma_wait3A_300 : memref<1x1x6400xf32, #tpu.memory_space<hbm>> -> memref<6400xf32, #tpu.memory_space<hbm>>
      %dma_wait3A_302 = tpu.memref_slice %arg8[%mul3A_288] : memref<102400xf32, #tpu.memory_space<vmem_shared>> -> memref<6400xf32, #tpu.memory_space<vmem_shared>>
      tpu.wait_dma2 semaphore(%run_scoped3A_296 : memref<!tpu.dma_semaphore, #tpu.memory_space<semaphore_mem>>) src(%dma_wait3A_302 : memref<6400xf32, #tpu.memory_space<vmem_shared>>) dst(%dma_wait3A_301 : memref<6400xf32, #tpu.memory_space<hbm>>)
      tpu.yield
    }) : () -> ()
    %mul3A_291 = arith.constant 6400 : i32
    %mul3A_292 = arith.muli %arg1, %mul3A_291 : i32
    %mul3A_293 = arith.constant 6400 : i32
    %mul3A_294 = arith.muli %arg1, %mul3A_293 : i32
    %run_scoped3A_295 = arith.constant 1 : i32
    "tpu.region"() ({
      %run_scoped3A_296 = tpu.sem_alloc : memref<!tpu.dma_semaphore, #tpu.memory_space<semaphore_mem>>
      %dma_start3A_297 = tpu.memref_slice %arg6[%arg0, %run_scoped3A_295, %mul3A_294] : memref<2x2x102400xf32, #tpu.memory_space<hbm>> -> memref<1x1x6400xf32, #tpu.memory_space<hbm>>
      %dma_start3A_298 = tpu.memref_squeeze %dma_start3A_297 : memref<1x1x6400xf32, #tpu.memory_space<hbm>> -> memref<6400xf32, #tpu.memory_space<hbm>>
      %dma_start3A_299 = tpu.memref_slice %arg9[%mul3A_292] : memref<102400xf32, #tpu.memory_space<vmem_shared>> -> memref<6400xf32, #tpu.memory_space<vmem_shared>>
      tpu.enqueue_dma source(%dma_start3A_299 : memref<6400xf32, #tpu.memory_space<vmem_shared>>) target(%dma_start3A_298 : memref<6400xf32, #tpu.memory_space<hbm>>) target_semaphore(%run_scoped3A_296 : memref<!tpu.dma_semaphore, #tpu.memory_space<semaphore_mem>>)
      %dma_wait3A_300 = tpu.memref_slice %arg6[%arg0, %run_scoped3A_295, %mul3A_294] : memref<2x2x102400xf32, #tpu.memory_space<hbm>> -> memref<1x1x6400xf32, #tpu.memory_space<hbm>>
      %dma_wait3A_301 = tpu.memref_squeeze %dma_wait3A_300 : memref<1x1x6400xf32, #tpu.memory_space<hbm>> -> memref<6400xf32, #tpu.memory_space<hbm>>
      %dma_wait3A_302 = tpu.memref_slice %arg9[%mul3A_292] : memref<102400xf32, #tpu.memory_space<vmem_shared>> -> memref<6400xf32, #tpu.memory_space<vmem_shared>>
      tpu.wait_dma2 semaphore(%run_scoped3A_296 : memref<!tpu.dma_semaphore, #tpu.memory_space<semaphore_mem>>) src(%dma_wait3A_302 : memref<6400xf32, #tpu.memory_space<vmem_shared>>) dst(%dma_wait3A_301 : memref<6400xf32, #tpu.memory_space<hbm>>)
      tpu.yield
    }) : () -> ()
    return
  }
}

#map = affine_map<(d0, d1) -> (0)>
#map1 = affine_map<(d0, d1) -> (0, 0)>
module attributes {stable_mosaic.version = 14 : i64} {
  func.func @_sc_deg(%arg0: i32, %arg1: i32, %arg2: memref<6400000xi32, #tpu.memory_space<hbm>>, %arg3: memref<3200000xf32, #tpu.memory_space<hbm>>, %arg4: memref<102400xf32, #tpu.memory_space<hbm>>, %arg5: memref<2x102400xf32, #tpu.memory_space<hbm>>, %arg6: memref<102400xf32, #tpu.memory_space<vmem_shared>>, %arg7: memref<800xi32, #tpu.memory_space<vmem>>, %arg8: memref<800xi32, #tpu.memory_space<vmem>>, %arg9: memref<800xi32, #tpu.memory_space<vmem>>, %arg10: memref<800xi32, #tpu.memory_space<vmem>>, %arg11: memref<800xf32, #tpu.memory_space<vmem>>, %arg12: memref<800xf32, #tpu.memory_space<vmem>>, %arg13: memref<800xf32, #tpu.memory_space<vmem>>, %arg14: memref<800xf32, #tpu.memory_space<vmem>>, %arg15: memref<!tpu.dma_semaphore, #tpu.memory_space<semaphore_mem>>, %arg16: memref<!tpu.dma_semaphore, #tpu.memory_space<semaphore_mem>>, %arg17: memref<!tpu.dma_semaphore, #tpu.memory_space<semaphore_mem>>, %arg18: memref<!tpu.dma_semaphore, #tpu.memory_space<semaphore_mem>>, %arg19: memref<!tpu.dma_semaphore, #tpu.memory_space<semaphore_mem>>, %arg20: memref<!tpu.dma_semaphore, #tpu.memory_space<semaphore_mem>>, %arg21: memref<!tpu.dma_semaphore, #tpu.memory_space<semaphore_mem>>, %arg22: memref<!tpu.dma_semaphore, #tpu.memory_space<semaphore_mem>>) attributes {dimension_semantics = [#tpu.dimension_semantics<core_parallel>, #tpu.dimension_semantics<subcore_parallel>], iteration_bounds = array<i64: 2, 16>, scalar_prefetch = 0 : i64, scratch_operands = 17 : i64, tpu.core_type = #tpu.core_type<sc_vector_subcore>, window_params = [{transform_indices = #map}, {transform_indices = #map}, {transform_indices = #map}, {transform_indices = #map1}]} {
    %mul3A = arith.constant 16 : i32
    %mul3A_0 = arith.muli %arg0, %mul3A : i32
    %add3A = arith.addi %mul3A_0, %arg1 : i32
    %mul3A_1 = arith.constant 100000 : i32
    %mul3A_2 = arith.muli %add3A, %mul3A_1 : i32
    %jit3A = arith.constant false
    %jit3A_3 = arith.constant -125 : i32
    %jit3A_4 = arith.constant 0 : i32
    %select_n3A = arith.select %jit3A, %jit3A_3, %jit3A_4 : i32
    %mul3A_5 = arith.constant 800 : i32
    %mul3A_6 = arith.muli %select_n3A, %mul3A_5 : i32
    %add3A_7 = arith.addi %mul3A_2, %mul3A_6 : i32
    %add3A_8 = arith.constant 3200000 : i32
    %add3A_9 = arith.addi %add3A_8, %add3A_7 : i32
    %dma_start3A = tpu.memref_slice %arg2[%add3A_9] : memref<6400000xi32, #tpu.memory_space<hbm>> -> memref<800xi32, #tpu.memory_space<hbm>>
    %dma_start3A_10 = tpu.memref_slice %arg2[%add3A_9] : memref<6400000xi32, #tpu.memory_space<hbm>> -> memref<800xi32, #tpu.memory_space<hbm>>
    tpu.enqueue_dma source(%dma_start3A_10 : memref<800xi32, #tpu.memory_space<hbm>>) target(%arg7 : memref<800xi32, #tpu.memory_space<vmem>>) target_semaphore(%arg15 : memref<!tpu.dma_semaphore, #tpu.memory_space<semaphore_mem>>)
    %dma_start3A_11 = tpu.memref_slice %arg3[%add3A_7] : memref<3200000xf32, #tpu.memory_space<hbm>> -> memref<800xf32, #tpu.memory_space<hbm>>
    %dma_start3A_12 = tpu.memref_slice %arg3[%add3A_7] : memref<3200000xf32, #tpu.memory_space<hbm>> -> memref<800xf32, #tpu.memory_space<hbm>>
    tpu.enqueue_dma source(%dma_start3A_12 : memref<800xf32, #tpu.memory_space<hbm>>) target(%arg11 : memref<800xf32, #tpu.memory_space<vmem>>) target_semaphore(%arg15 : memref<!tpu.dma_semaphore, #tpu.memory_space<semaphore_mem>>)
    %jit3A_13 = arith.constant false
    %jit3A_14 = arith.constant -124 : i32
    %jit3A_15 = arith.constant 1 : i32
    %select_n3A_16 = arith.select %jit3A_13, %jit3A_14, %jit3A_15 : i32
    %mul3A_17 = arith.constant 800 : i32
    %mul3A_18 = arith.muli %select_n3A_16, %mul3A_17 : i32
    %add3A_19 = arith.addi %mul3A_2, %mul3A_18 : i32
    %add3A_20 = arith.constant 3200000 : i32
    %add3A_21 = arith.addi %add3A_20, %add3A_19 : i32
    %dma_start3A_22 = tpu.memref_slice %arg2[%add3A_21] : memref<6400000xi32, #tpu.memory_space<hbm>> -> memref<800xi32, #tpu.memory_space<hbm>>
    %dma_start3A_23 = tpu.memref_slice %arg2[%add3A_21] : memref<6400000xi32, #tpu.memory_space<hbm>> -> memref<800xi32, #tpu.memory_space<hbm>>
    tpu.enqueue_dma source(%dma_start3A_23 : memref<800xi32, #tpu.memory_space<hbm>>) target(%arg8 : memref<800xi32, #tpu.memory_space<vmem>>) target_semaphore(%arg16 : memref<!tpu.dma_semaphore, #tpu.memory_space<semaphore_mem>>)
    %dma_start3A_24 = tpu.memref_slice %arg3[%add3A_19] : memref<3200000xf32, #tpu.memory_space<hbm>> -> memref<800xf32, #tpu.memory_space<hbm>>
    %dma_start3A_25 = tpu.memref_slice %arg3[%add3A_19] : memref<3200000xf32, #tpu.memory_space<hbm>> -> memref<800xf32, #tpu.memory_space<hbm>>
    tpu.enqueue_dma source(%dma_start3A_25 : memref<800xf32, #tpu.memory_space<hbm>>) target(%arg12 : memref<800xf32, #tpu.memory_space<vmem>>) target_semaphore(%arg16 : memref<!tpu.dma_semaphore, #tpu.memory_space<semaphore_mem>>)
    %mul3A_26 = arith.constant 6400 : i32
    %mul3A_27 = arith.muli %arg1, %mul3A_26 : i32
    %mul3A_28 = arith.constant 6400 : i32
    %mul3A_29 = arith.muli %arg1, %mul3A_28 : i32
    "tpu.region"() ({
      %run_scoped3A = tpu.sem_alloc : memref<!tpu.dma_semaphore, #tpu.memory_space<semaphore_mem>>
      %dma_start3A_214 = tpu.memref_slice %arg6[%mul3A_29] : memref<102400xf32, #tpu.memory_space<vmem_shared>> -> memref<6400xf32, #tpu.memory_space<vmem_shared>>
      %dma_start3A_215 = tpu.memref_slice %arg4[%mul3A_27] : memref<102400xf32, #tpu.memory_space<hbm>> -> memref<6400xf32, #tpu.memory_space<hbm>>
      tpu.enqueue_dma source(%dma_start3A_215 : memref<6400xf32, #tpu.memory_space<hbm>>) target(%dma_start3A_214 : memref<6400xf32, #tpu.memory_space<vmem_shared>>) target_semaphore(%run_scoped3A : memref<!tpu.dma_semaphore, #tpu.memory_space<semaphore_mem>>)
      %dma_wait3A_216 = tpu.memref_slice %arg6[%mul3A_29] : memref<102400xf32, #tpu.memory_space<vmem_shared>> -> memref<6400xf32, #tpu.memory_space<vmem_shared>>
      %dma_wait3A_217 = tpu.memref_slice %arg4[%mul3A_27] : memref<102400xf32, #tpu.memory_space<hbm>> -> memref<6400xf32, #tpu.memory_space<hbm>>
      tpu.wait_dma2 semaphore(%run_scoped3A : memref<!tpu.dma_semaphore, #tpu.memory_space<semaphore_mem>>) src(%dma_wait3A_217 : memref<6400xf32, #tpu.memory_space<hbm>>) dst(%dma_wait3A_216 : memref<6400xf32, #tpu.memory_space<vmem_shared>>)
      tpu.yield
    }) : () -> ()
    %barrier3A = arith.constant 0 : index
    tpu.barrier barrier_id(%barrier3A)
    %jit3A_30 = arith.constant false
    %jit3A_31 = arith.constant -125 : i32
    %jit3A_32 = arith.constant 0 : i32
    %select_n3A_33 = arith.select %jit3A_30, %jit3A_31, %jit3A_32 : i32
    %mul3A_34 = arith.constant 800 : i32
    %mul3A_35 = arith.muli %select_n3A_33, %mul3A_34 : i32
    %add3A_36 = arith.addi %mul3A_2, %mul3A_35 : i32
    %add3A_37 = arith.constant 3200000 : i32
    %add3A_38 = arith.addi %add3A_37, %add3A_36 : i32
    %dma_wait3A = tpu.memref_slice %arg2[%add3A_38] : memref<6400000xi32, #tpu.memory_space<hbm>> -> memref<800xi32, #tpu.memory_space<hbm>>
    %dma_wait3A_39 = tpu.memref_slice %arg2[%add3A_38] : memref<6400000xi32, #tpu.memory_space<hbm>> -> memref<800xi32, #tpu.memory_space<hbm>>
    tpu.wait_dma2 semaphore(%arg15 : memref<!tpu.dma_semaphore, #tpu.memory_space<semaphore_mem>>) src(%dma_wait3A_39 : memref<800xi32, #tpu.memory_space<hbm>>) dst(%arg7 : memref<800xi32, #tpu.memory_space<vmem>>)
    %dma_wait3A_40 = tpu.memref_slice %arg3[%add3A_36] : memref<3200000xf32, #tpu.memory_space<hbm>> -> memref<800xf32, #tpu.memory_space<hbm>>
    %dma_wait3A_41 = tpu.memref_slice %arg3[%add3A_36] : memref<3200000xf32, #tpu.memory_space<hbm>> -> memref<800xf32, #tpu.memory_space<hbm>>
    tpu.wait_dma2 semaphore(%arg15 : memref<!tpu.dma_semaphore, #tpu.memory_space<semaphore_mem>>) src(%dma_wait3A_41 : memref<800xf32, #tpu.memory_space<hbm>>) dst(%arg11 : memref<800xf32, #tpu.memory_space<vmem>>)
    %jit3A_42 = arith.constant false
    %jit3A_43 = arith.constant -123 : i32
    %jit3A_44 = arith.constant 2 : i32
    %select_n3A_45 = arith.select %jit3A_42, %jit3A_43, %jit3A_44 : i32
    %mul3A_46 = arith.constant 800 : i32
    %mul3A_47 = arith.muli %select_n3A_45, %mul3A_46 : i32
    %add3A_48 = arith.addi %mul3A_2, %mul3A_47 : i32
    %add3A_49 = arith.constant 3200000 : i32
    %add3A_50 = arith.addi %add3A_49, %add3A_48 : i32
    %dma_start3A_51 = tpu.memref_slice %arg2[%add3A_50] : memref<6400000xi32, #tpu.memory_space<hbm>> -> memref<800xi32, #tpu.memory_space<hbm>>
    %dma_start3A_52 = tpu.memref_slice %arg2[%add3A_50] : memref<6400000xi32, #tpu.memory_space<hbm>> -> memref<800xi32, #tpu.memory_space<hbm>>
    tpu.enqueue_dma source(%dma_start3A_52 : memref<800xi32, #tpu.memory_space<hbm>>) target(%arg9 : memref<800xi32, #tpu.memory_space<vmem>>) target_semaphore(%arg17 : memref<!tpu.dma_semaphore, #tpu.memory_space<semaphore_mem>>)
    %dma_start3A_53 = tpu.memref_slice %arg3[%add3A_48] : memref<3200000xf32, #tpu.memory_space<hbm>> -> memref<800xf32, #tpu.memory_space<hbm>>
    %dma_start3A_54 = tpu.memref_slice %arg3[%add3A_48] : memref<3200000xf32, #tpu.memory_space<hbm>> -> memref<800xf32, #tpu.memory_space<hbm>>
    tpu.enqueue_dma source(%dma_start3A_54 : memref<800xf32, #tpu.memory_space<hbm>>) target(%arg13 : memref<800xf32, #tpu.memory_space<vmem>>) target_semaphore(%arg17 : memref<!tpu.dma_semaphore, #tpu.memory_space<semaphore_mem>>)
    %dma_start3A_55 = arith.constant 0 : i32
    %dma_start3A_56 = tpu.memref_slice %arg6[%dma_start3A_55] : memref<102400xf32, #tpu.memory_space<vmem_shared>> -> memref<102400xf32, #tpu.memory_space<vmem_shared>>
    tpu.enqueue_indirect_dma source(%arg11 : memref<800xf32, #tpu.memory_space<vmem>>) target(%dma_start3A_56 : memref<102400xf32, #tpu.memory_space<vmem_shared>>) offsets(%arg7 : memref<800xi32, #tpu.memory_space<vmem>>) semaphore(%arg19 : memref<!tpu.dma_semaphore, #tpu.memory_space<semaphore_mem>>) {add = true}
    %jit3A_57 = arith.constant false
    %jit3A_58 = arith.constant -124 : i32
    %jit3A_59 = arith.constant 1 : i32
    %select_n3A_60 = arith.select %jit3A_57, %jit3A_58, %jit3A_59 : i32
    %mul3A_61 = arith.constant 800 : i32
    %mul3A_62 = arith.muli %select_n3A_60, %mul3A_61 : i32
    %add3A_63 = arith.addi %mul3A_2, %mul3A_62 : i32
    %add3A_64 = arith.constant 3200000 : i32
    %add3A_65 = arith.addi %add3A_64, %add3A_63 : i32
    %dma_wait3A_66 = tpu.memref_slice %arg2[%add3A_65] : memref<6400000xi32, #tpu.memory_space<hbm>> -> memref<800xi32, #tpu.memory_space<hbm>>
    %dma_wait3A_67 = tpu.memref_slice %arg2[%add3A_65] : memref<6400000xi32, #tpu.memory_space<hbm>> -> memref<800xi32, #tpu.memory_space<hbm>>
    tpu.wait_dma2 semaphore(%arg16 : memref<!tpu.dma_semaphore, #tpu.memory_space<semaphore_mem>>) src(%dma_wait3A_67 : memref<800xi32, #tpu.memory_space<hbm>>) dst(%arg8 : memref<800xi32, #tpu.memory_space<vmem>>)
    %dma_wait3A_68 = tpu.memref_slice %arg3[%add3A_63] : memref<3200000xf32, #tpu.memory_space<hbm>> -> memref<800xf32, #tpu.memory_space<hbm>>
    %dma_wait3A_69 = tpu.memref_slice %arg3[%add3A_63] : memref<3200000xf32, #tpu.memory_space<hbm>> -> memref<800xf32, #tpu.memory_space<hbm>>
    tpu.wait_dma2 semaphore(%arg16 : memref<!tpu.dma_semaphore, #tpu.memory_space<semaphore_mem>>) src(%dma_wait3A_69 : memref<800xf32, #tpu.memory_space<hbm>>) dst(%arg12 : memref<800xf32, #tpu.memory_space<vmem>>)
    %jit3A_70 = arith.constant false
    %jit3A_71 = arith.constant -122 : i32
    %jit3A_72 = arith.constant 3 : i32
    %select_n3A_73 = arith.select %jit3A_70, %jit3A_71, %jit3A_72 : i32
    %mul3A_74 = arith.constant 800 : i32
    %mul3A_75 = arith.muli %select_n3A_73, %mul3A_74 : i32
    %add3A_76 = arith.addi %mul3A_2, %mul3A_75 : i32
    %add3A_77 = arith.constant 3200000 : i32
    %add3A_78 = arith.addi %add3A_77, %add3A_76 : i32
    %dma_start3A_79 = tpu.memref_slice %arg2[%add3A_78] : memref<6400000xi32, #tpu.memory_space<hbm>> -> memref<800xi32, #tpu.memory_space<hbm>>
    %dma_start3A_80 = tpu.memref_slice %arg2[%add3A_78] : memref<6400000xi32, #tpu.memory_space<hbm>> -> memref<800xi32, #tpu.memory_space<hbm>>
    tpu.enqueue_dma source(%dma_start3A_80 : memref<800xi32, #tpu.memory_space<hbm>>) target(%arg10 : memref<800xi32, #tpu.memory_space<vmem>>) target_semaphore(%arg18 : memref<!tpu.dma_semaphore, #tpu.memory_space<semaphore_mem>>)
    %dma_start3A_81 = tpu.memref_slice %arg3[%add3A_76] : memref<3200000xf32, #tpu.memory_space<hbm>> -> memref<800xf32, #tpu.memory_space<hbm>>
    %dma_start3A_82 = tpu.memref_slice %arg3[%add3A_76] : memref<3200000xf32, #tpu.memory_space<hbm>> -> memref<800xf32, #tpu.memory_space<hbm>>
    tpu.enqueue_dma source(%dma_start3A_82 : memref<800xf32, #tpu.memory_space<hbm>>) target(%arg14 : memref<800xf32, #tpu.memory_space<vmem>>) target_semaphore(%arg18 : memref<!tpu.dma_semaphore, #tpu.memory_space<semaphore_mem>>)
    %dma_start3A_83 = arith.constant 0 : i32
    %dma_start3A_84 = tpu.memref_slice %arg6[%dma_start3A_83] : memref<102400xf32, #tpu.memory_space<vmem_shared>> -> memref<102400xf32, #tpu.memory_space<vmem_shared>>
    tpu.enqueue_indirect_dma source(%arg12 : memref<800xf32, #tpu.memory_space<vmem>>) target(%dma_start3A_84 : memref<102400xf32, #tpu.memory_space<vmem_shared>>) offsets(%arg8 : memref<800xi32, #tpu.memory_space<vmem>>) semaphore(%arg20 : memref<!tpu.dma_semaphore, #tpu.memory_space<semaphore_mem>>) {add = true}
    %scan3A = arith.constant 0 : i32
    %scan3A_85 = arith.constant 30 : i32
    %scan3A_86 = arith.addi %scan3A, %scan3A_85 : i32
    %scan3A_87 = arith.constant 1 : i32
    scf.for %scan3A_214 = %scan3A to %scan3A_86 step %scan3A_87  : i32 {
      %mul3A_215 = arith.constant 4 : i32
      %mul3A_216 = arith.muli %scan3A_214, %mul3A_215 : i32
      %add3A_217 = arith.constant 2 : i32
      %add3A_218 = arith.addi %add3A_217, %mul3A_216 : i32
      %add3A_219 = arith.constant 0 : i32
      %add3A_220 = arith.addi %add3A_218, %add3A_219 : i32
      %ge3A = arith.constant 125 : i32
      %ge3A_221 = arith.cmpi sge, %add3A_220, %ge3A : i32
      %sub3A = arith.constant 125 : i32
      %sub3A_222 = arith.subi %add3A_220, %sub3A : i32
      %select_n3A_223 = arith.select %ge3A_221, %sub3A_222, %add3A_220 : i32
      %mul3A_224 = arith.constant 800 : i32
      %mul3A_225 = arith.muli %select_n3A_223, %mul3A_224 : i32
      %add3A_226 = arith.addi %mul3A_2, %mul3A_225 : i32
      %add3A_227 = arith.constant 3200000 : i32
      %add3A_228 = arith.addi %add3A_227, %add3A_226 : i32
      %dma_wait3A_229 = tpu.memref_slice %arg2[%add3A_228] : memref<6400000xi32, #tpu.memory_space<hbm>> -> memref<800xi32, #tpu.memory_space<hbm>>
      %dma_wait3A_230 = tpu.memref_slice %arg2[%add3A_228] : memref<6400000xi32, #tpu.memory_space<hbm>> -> memref<800xi32, #tpu.memory_space<hbm>>
      tpu.wait_dma2 semaphore(%arg17 : memref<!tpu.dma_semaphore, #tpu.memory_space<semaphore_mem>>) src(%dma_wait3A_230 : memref<800xi32, #tpu.memory_space<hbm>>) dst(%arg9 : memref<800xi32, #tpu.memory_space<vmem>>)
      %dma_wait3A_231 = tpu.memref_slice %arg3[%add3A_226] : memref<3200000xf32, #tpu.memory_space<hbm>> -> memref<800xf32, #tpu.memory_space<hbm>>
      %dma_wait3A_232 = tpu.memref_slice %arg3[%add3A_226] : memref<3200000xf32, #tpu.memory_space<hbm>> -> memref<800xf32, #tpu.memory_space<hbm>>
      tpu.wait_dma2 semaphore(%arg17 : memref<!tpu.dma_semaphore, #tpu.memory_space<semaphore_mem>>) src(%dma_wait3A_232 : memref<800xf32, #tpu.memory_space<hbm>>) dst(%arg13 : memref<800xf32, #tpu.memory_space<vmem>>)
      %dma_wait3A_233 = arith.constant 0 : i32
      %dma_wait3A_234 = tpu.memref_slice %arg6[%dma_wait3A_233] : memref<102400xf32, #tpu.memory_space<vmem_shared>> -> memref<102400xf32, #tpu.memory_space<vmem_shared>>
      tpu.wait_indirect_dma semaphore(%arg19 : memref<!tpu.dma_semaphore, #tpu.memory_space<semaphore_mem>>) src(%arg11 : memref<800xf32, #tpu.memory_space<vmem>>) dst(%dma_wait3A_234 : memref<102400xf32, #tpu.memory_space<vmem_shared>>)
      %add3A_235 = arith.constant 2 : i32
      %add3A_236 = arith.addi %add3A_220, %add3A_235 : i32
      %ge3A_237 = arith.constant 125 : i32
      %ge3A_238 = arith.cmpi sge, %add3A_236, %ge3A_237 : i32
      %sub3A_239 = arith.constant 125 : i32
      %sub3A_240 = arith.subi %add3A_236, %sub3A_239 : i32
      %select_n3A_241 = arith.select %ge3A_238, %sub3A_240, %add3A_236 : i32
      %mul3A_242 = arith.constant 800 : i32
      %mul3A_243 = arith.muli %select_n3A_241, %mul3A_242 : i32
      %add3A_244 = arith.addi %mul3A_2, %mul3A_243 : i32
      %add3A_245 = arith.constant 3200000 : i32
      %add3A_246 = arith.addi %add3A_245, %add3A_244 : i32
      %dma_start3A_247 = tpu.memref_slice %arg2[%add3A_246] : memref<6400000xi32, #tpu.memory_space<hbm>> -> memref<800xi32, #tpu.memory_space<hbm>>
      %dma_start3A_248 = tpu.memref_slice %arg2[%add3A_246] : memref<6400000xi32, #tpu.memory_space<hbm>> -> memref<800xi32, #tpu.memory_space<hbm>>
      tpu.enqueue_dma source(%dma_start3A_248 : memref<800xi32, #tpu.memory_space<hbm>>) target(%arg7 : memref<800xi32, #tpu.memory_space<vmem>>) target_semaphore(%arg15 : memref<!tpu.dma_semaphore, #tpu.memory_space<semaphore_mem>>)
      %dma_start3A_249 = tpu.memref_slice %arg3[%add3A_244] : memref<3200000xf32, #tpu.memory_space<hbm>> -> memref<800xf32, #tpu.memory_space<hbm>>
      %dma_start3A_250 = tpu.memref_slice %arg3[%add3A_244] : memref<3200000xf32, #tpu.memory_space<hbm>> -> memref<800xf32, #tpu.memory_space<hbm>>
      tpu.enqueue_dma source(%dma_start3A_250 : memref<800xf32, #tpu.memory_space<hbm>>) target(%arg11 : memref<800xf32, #tpu.memory_space<vmem>>) target_semaphore(%arg15 : memref<!tpu.dma_semaphore, #tpu.memory_space<semaphore_mem>>)
      %dma_start3A_251 = arith.constant 0 : i32
      %dma_start3A_252 = tpu.memref_slice %arg6[%dma_start3A_251] : memref<102400xf32, #tpu.memory_space<vmem_shared>> -> memref<102400xf32, #tpu.memory_space<vmem_shared>>
      tpu.enqueue_indirect_dma source(%arg13 : memref<800xf32, #tpu.memory_space<vmem>>) target(%dma_start3A_252 : memref<102400xf32, #tpu.memory_space<vmem_shared>>) offsets(%arg9 : memref<800xi32, #tpu.memory_space<vmem>>) semaphore(%arg21 : memref<!tpu.dma_semaphore, #tpu.memory_space<semaphore_mem>>) {add = true}
      %add3A_253 = arith.constant 1 : i32
      %add3A_254 = arith.addi %add3A_218, %add3A_253 : i32
      %ge3A_255 = arith.constant 125 : i32
      %ge3A_256 = arith.cmpi sge, %add3A_254, %ge3A_255 : i32
      %sub3A_257 = arith.constant 125 : i32
      %sub3A_258 = arith.subi %add3A_254, %sub3A_257 : i32
      %select_n3A_259 = arith.select %ge3A_256, %sub3A_258, %add3A_254 : i32
      %mul3A_260 = arith.constant 800 : i32
      %mul3A_261 = arith.muli %select_n3A_259, %mul3A_260 : i32
      %add3A_262 = arith.addi %mul3A_2, %mul3A_261 : i32
      %add3A_263 = arith.constant 3200000 : i32
      %add3A_264 = arith.addi %add3A_263, %add3A_262 : i32
      %dma_wait3A_265 = tpu.memref_slice %arg2[%add3A_264] : memref<6400000xi32, #tpu.memory_space<hbm>> -> memref<800xi32, #tpu.memory_space<hbm>>
      %dma_wait3A_266 = tpu.memref_slice %arg2[%add3A_264] : memref<6400000xi32, #tpu.memory_space<hbm>> -> memref<800xi32, #tpu.memory_space<hbm>>
      tpu.wait_dma2 semaphore(%arg18 : memref<!tpu.dma_semaphore, #tpu.memory_space<semaphore_mem>>) src(%dma_wait3A_266 : memref<800xi32, #tpu.memory_space<hbm>>) dst(%arg10 : memref<800xi32, #tpu.memory_space<vmem>>)
      %dma_wait3A_267 = tpu.memref_slice %arg3[%add3A_262] : memref<3200000xf32, #tpu.memory_space<hbm>> -> memref<800xf32, #tpu.memory_space<hbm>>
      %dma_wait3A_268 = tpu.memref_slice %arg3[%add3A_262] : memref<3200000xf32, #tpu.memory_space<hbm>> -> memref<800xf32, #tpu.memory_space<hbm>>
      tpu.wait_dma2 semaphore(%arg18 : memref<!tpu.dma_semaphore, #tpu.memory_space<semaphore_mem>>) src(%dma_wait3A_268 : memref<800xf32, #tpu.memory_space<hbm>>) dst(%arg14 : memref<800xf32, #tpu.memory_space<vmem>>)
      %dma_wait3A_269 = arith.constant 0 : i32
      %dma_wait3A_270 = tpu.memref_slice %arg6[%dma_wait3A_269] : memref<102400xf32, #tpu.memory_space<vmem_shared>> -> memref<102400xf32, #tpu.memory_space<vmem_shared>>
      tpu.wait_indirect_dma semaphore(%arg20 : memref<!tpu.dma_semaphore, #tpu.memory_space<semaphore_mem>>) src(%arg12 : memref<800xf32, #tpu.memory_space<vmem>>) dst(%dma_wait3A_270 : memref<102400xf32, #tpu.memory_space<vmem_shared>>)
      %add3A_271 = arith.constant 2 : i32
      %add3A_272 = arith.addi %add3A_254, %add3A_271 : i32
      %ge3A_273 = arith.constant 125 : i32
      %ge3A_274 = arith.cmpi sge, %add3A_272, %ge3A_273 : i32
      %sub3A_275 = arith.constant 125 : i32
      %sub3A_276 = arith.subi %add3A_272, %sub3A_275 : i32
      %select_n3A_277 = arith.select %ge3A_274, %sub3A_276, %add3A_272 : i32
      %mul3A_278 = arith.constant 800 : i32
      %mul3A_279 = arith.muli %select_n3A_277, %mul3A_278 : i32
      %add3A_280 = arith.addi %mul3A_2, %mul3A_279 : i32
      %add3A_281 = arith.constant 3200000 : i32
      %add3A_282 = arith.addi %add3A_281, %add3A_280 : i32
      %dma_start3A_283 = tpu.memref_slice %arg2[%add3A_282] : memref<6400000xi32, #tpu.memory_space<hbm>> -> memref<800xi32, #tpu.memory_space<hbm>>
      %dma_start3A_284 = tpu.memref_slice %arg2[%add3A_282] : memref<6400000xi32, #tpu.memory_space<hbm>> -> memref<800xi32, #tpu.memory_space<hbm>>
      tpu.enqueue_dma source(%dma_start3A_284 : memref<800xi32, #tpu.memory_space<hbm>>) target(%arg8 : memref<800xi32, #tpu.memory_space<vmem>>) target_semaphore(%arg16 : memref<!tpu.dma_semaphore, #tpu.memory_space<semaphore_mem>>)
      %dma_start3A_285 = tpu.memref_slice %arg3[%add3A_280] : memref<3200000xf32, #tpu.memory_space<hbm>> -> memref<800xf32, #tpu.memory_space<hbm>>
      %dma_start3A_286 = tpu.memref_slice %arg3[%add3A_280] : memref<3200000xf32, #tpu.memory_space<hbm>> -> memref<800xf32, #tpu.memory_space<hbm>>
      tpu.enqueue_dma source(%dma_start3A_286 : memref<800xf32, #tpu.memory_space<hbm>>) target(%arg12 : memref<800xf32, #tpu.memory_space<vmem>>) target_semaphore(%arg16 : memref<!tpu.dma_semaphore, #tpu.memory_space<semaphore_mem>>)
      %dma_start3A_287 = arith.constant 0 : i32
      %dma_start3A_288 = tpu.memref_slice %arg6[%dma_start3A_287] : memref<102400xf32, #tpu.memory_space<vmem_shared>> -> memref<102400xf32, #tpu.memory_space<vmem_shared>>
      tpu.enqueue_indirect_dma source(%arg14 : memref<800xf32, #tpu.memory_space<vmem>>) target(%dma_start3A_288 : memref<102400xf32, #tpu.memory_space<vmem_shared>>) offsets(%arg10 : memref<800xi32, #tpu.memory_space<vmem>>) semaphore(%arg22 : memref<!tpu.dma_semaphore, #tpu.memory_space<semaphore_mem>>) {add = true}
      %add3A_289 = arith.constant 2 : i32
      %add3A_290 = arith.addi %add3A_218, %add3A_289 : i32
      %ge3A_291 = arith.constant 125 : i32
      %ge3A_292 = arith.cmpi sge, %add3A_290, %ge3A_291 : i32
      %sub3A_293 = arith.constant 125 : i32
      %sub3A_294 = arith.subi %add3A_290, %sub3A_293 : i32
      %select_n3A_295 = arith.select %ge3A_292, %sub3A_294, %add3A_290 : i32
      %mul3A_296 = arith.constant 800 : i32
      %mul3A_297 = arith.muli %select_n3A_295, %mul3A_296 : i32
      %add3A_298 = arith.addi %mul3A_2, %mul3A_297 : i32
      %add3A_299 = arith.constant 3200000 : i32
      %add3A_300 = arith.addi %add3A_299, %add3A_298 : i32
      %dma_wait3A_301 = tpu.memref_slice %arg2[%add3A_300] : memref<6400000xi32, #tpu.memory_space<hbm>> -> memref<800xi32, #tpu.memory_space<hbm>>
      %dma_wait3A_302 = tpu.memref_slice %arg2[%add3A_300] : memref<6400000xi32, #tpu.memory_space<hbm>> -> memref<800xi32, #tpu.memory_space<hbm>>
      tpu.wait_dma2 semaphore(%arg15 : memref<!tpu.dma_semaphore, #tpu.memory_space<semaphore_mem>>) src(%dma_wait3A_302 : memref<800xi32, #tpu.memory_space<hbm>>) dst(%arg7 : memref<800xi32, #tpu.memory_space<vmem>>)
      %dma_wait3A_303 = tpu.memref_slice %arg3[%add3A_298] : memref<3200000xf32, #tpu.memory_space<hbm>> -> memref<800xf32, #tpu.memory_space<hbm>>
      %dma_wait3A_304 = tpu.memref_slice %arg3[%add3A_298] : memref<3200000xf32, #tpu.memory_space<hbm>> -> memref<800xf32, #tpu.memory_space<hbm>>
      tpu.wait_dma2 semaphore(%arg15 : memref<!tpu.dma_semaphore, #tpu.memory_space<semaphore_mem>>) src(%dma_wait3A_304 : memref<800xf32, #tpu.memory_space<hbm>>) dst(%arg11 : memref<800xf32, #tpu.memory_space<vmem>>)
      %dma_wait3A_305 = arith.constant 0 : i32
      %dma_wait3A_306 = tpu.memref_slice %arg6[%dma_wait3A_305] : memref<102400xf32, #tpu.memory_space<vmem_shared>> -> memref<102400xf32, #tpu.memory_space<vmem_shared>>
      tpu.wait_indirect_dma semaphore(%arg21 : memref<!tpu.dma_semaphore, #tpu.memory_space<semaphore_mem>>) src(%arg13 : memref<800xf32, #tpu.memory_space<vmem>>) dst(%dma_wait3A_306 : memref<102400xf32, #tpu.memory_space<vmem_shared>>)
      %add3A_307 = arith.constant 2 : i32
      %add3A_308 = arith.addi %add3A_290, %add3A_307 : i32
      %ge3A_309 = arith.constant 125 : i32
      %ge3A_310 = arith.cmpi sge, %add3A_308, %ge3A_309 : i32
      %sub3A_311 = arith.constant 125 : i32
      %sub3A_312 = arith.subi %add3A_308, %sub3A_311 : i32
      %select_n3A_313 = arith.select %ge3A_310, %sub3A_312, %add3A_308 : i32
      %mul3A_314 = arith.constant 800 : i32
      %mul3A_315 = arith.muli %select_n3A_313, %mul3A_314 : i32
      %add3A_316 = arith.addi %mul3A_2, %mul3A_315 : i32
      %add3A_317 = arith.constant 3200000 : i32
      %add3A_318 = arith.addi %add3A_317, %add3A_316 : i32
      %dma_start3A_319 = tpu.memref_slice %arg2[%add3A_318] : memref<6400000xi32, #tpu.memory_space<hbm>> -> memref<800xi32, #tpu.memory_space<hbm>>
      %dma_start3A_320 = tpu.memref_slice %arg2[%add3A_318] : memref<6400000xi32, #tpu.memory_space<hbm>> -> memref<800xi32, #tpu.memory_space<hbm>>
      tpu.enqueue_dma source(%dma_start3A_320 : memref<800xi32, #tpu.memory_space<hbm>>) target(%arg9 : memref<800xi32, #tpu.memory_space<vmem>>) target_semaphore(%arg17 : memref<!tpu.dma_semaphore, #tpu.memory_space<semaphore_mem>>)
      %dma_start3A_321 = tpu.memref_slice %arg3[%add3A_316] : memref<3200000xf32, #tpu.memory_space<hbm>> -> memref<800xf32, #tpu.memory_space<hbm>>
      %dma_start3A_322 = tpu.memref_slice %arg3[%add3A_316] : memref<3200000xf32, #tpu.memory_space<hbm>> -> memref<800xf32, #tpu.memory_space<hbm>>
      tpu.enqueue_dma source(%dma_start3A_322 : memref<800xf32, #tpu.memory_space<hbm>>) target(%arg13 : memref<800xf32, #tpu.memory_space<vmem>>) target_semaphore(%arg17 : memref<!tpu.dma_semaphore, #tpu.memory_space<semaphore_mem>>)
      %dma_start3A_323 = arith.constant 0 : i32
      %dma_start3A_324 = tpu.memref_slice %arg6[%dma_start3A_323] : memref<102400xf32, #tpu.memory_space<vmem_shared>> -> memref<102400xf32, #tpu.memory_space<vmem_shared>>
      tpu.enqueue_indirect_dma source(%arg11 : memref<800xf32, #tpu.memory_space<vmem>>) target(%dma_start3A_324 : memref<102400xf32, #tpu.memory_space<vmem_shared>>) offsets(%arg7 : memref<800xi32, #tpu.memory_space<vmem>>) semaphore(%arg19 : memref<!tpu.dma_semaphore, #tpu.memory_space<semaphore_mem>>) {add = true}
      %add3A_325 = arith.constant 3 : i32
      %add3A_326 = arith.addi %add3A_218, %add3A_325 : i32
      %ge3A_327 = arith.constant 125 : i32
      %ge3A_328 = arith.cmpi sge, %add3A_326, %ge3A_327 : i32
      %sub3A_329 = arith.constant 125 : i32
      %sub3A_330 = arith.subi %add3A_326, %sub3A_329 : i32
      %select_n3A_331 = arith.select %ge3A_328, %sub3A_330, %add3A_326 : i32
      %mul3A_332 = arith.constant 800 : i32
      %mul3A_333 = arith.muli %select_n3A_331, %mul3A_332 : i32
      %add3A_334 = arith.addi %mul3A_2, %mul3A_333 : i32
      %add3A_335 = arith.constant 3200000 : i32
      %add3A_336 = arith.addi %add3A_335, %add3A_334 : i32
      %dma_wait3A_337 = tpu.memref_slice %arg2[%add3A_336] : memref<6400000xi32, #tpu.memory_space<hbm>> -> memref<800xi32, #tpu.memory_space<hbm>>
      %dma_wait3A_338 = tpu.memref_slice %arg2[%add3A_336] : memref<6400000xi32, #tpu.memory_space<hbm>> -> memref<800xi32, #tpu.memory_space<hbm>>
      tpu.wait_dma2 semaphore(%arg16 : memref<!tpu.dma_semaphore, #tpu.memory_space<semaphore_mem>>) src(%dma_wait3A_338 : memref<800xi32, #tpu.memory_space<hbm>>) dst(%arg8 : memref<800xi32, #tpu.memory_space<vmem>>)
      %dma_wait3A_339 = tpu.memref_slice %arg3[%add3A_334] : memref<3200000xf32, #tpu.memory_space<hbm>> -> memref<800xf32, #tpu.memory_space<hbm>>
      %dma_wait3A_340 = tpu.memref_slice %arg3[%add3A_334] : memref<3200000xf32, #tpu.memory_space<hbm>> -> memref<800xf32, #tpu.memory_space<hbm>>
      tpu.wait_dma2 semaphore(%arg16 : memref<!tpu.dma_semaphore, #tpu.memory_space<semaphore_mem>>) src(%dma_wait3A_340 : memref<800xf32, #tpu.memory_space<hbm>>) dst(%arg12 : memref<800xf32, #tpu.memory_space<vmem>>)
      %dma_wait3A_341 = arith.constant 0 : i32
      %dma_wait3A_342 = tpu.memref_slice %arg6[%dma_wait3A_341] : memref<102400xf32, #tpu.memory_space<vmem_shared>> -> memref<102400xf32, #tpu.memory_space<vmem_shared>>
      tpu.wait_indirect_dma semaphore(%arg22 : memref<!tpu.dma_semaphore, #tpu.memory_space<semaphore_mem>>) src(%arg14 : memref<800xf32, #tpu.memory_space<vmem>>) dst(%dma_wait3A_342 : memref<102400xf32, #tpu.memory_space<vmem_shared>>)
      %add3A_343 = arith.constant 2 : i32
      %add3A_344 = arith.addi %add3A_326, %add3A_343 : i32
      %ge3A_345 = arith.constant 125 : i32
      %ge3A_346 = arith.cmpi sge, %add3A_344, %ge3A_345 : i32
      %sub3A_347 = arith.constant 125 : i32
      %sub3A_348 = arith.subi %add3A_344, %sub3A_347 : i32
      %select_n3A_349 = arith.select %ge3A_346, %sub3A_348, %add3A_344 : i32
      %mul3A_350 = arith.constant 800 : i32
      %mul3A_351 = arith.muli %select_n3A_349, %mul3A_350 : i32
      %add3A_352 = arith.addi %mul3A_2, %mul3A_351 : i32
      %add3A_353 = arith.constant 3200000 : i32
      %add3A_354 = arith.addi %add3A_353, %add3A_352 : i32
      %dma_start3A_355 = tpu.memref_slice %arg2[%add3A_354] : memref<6400000xi32, #tpu.memory_space<hbm>> -> memref<800xi32, #tpu.memory_space<hbm>>
      %dma_start3A_356 = tpu.memref_slice %arg2[%add3A_354] : memref<6400000xi32, #tpu.memory_space<hbm>> -> memref<800xi32, #tpu.memory_space<hbm>>
      tpu.enqueue_dma source(%dma_start3A_356 : memref<800xi32, #tpu.memory_space<hbm>>) target(%arg10 : memref<800xi32, #tpu.memory_space<vmem>>) target_semaphore(%arg18 : memref<!tpu.dma_semaphore, #tpu.memory_space<semaphore_mem>>)
      %dma_start3A_357 = tpu.memref_slice %arg3[%add3A_352] : memref<3200000xf32, #tpu.memory_space<hbm>> -> memref<800xf32, #tpu.memory_space<hbm>>
      %dma_start3A_358 = tpu.memref_slice %arg3[%add3A_352] : memref<3200000xf32, #tpu.memory_space<hbm>> -> memref<800xf32, #tpu.memory_space<hbm>>
      tpu.enqueue_dma source(%dma_start3A_358 : memref<800xf32, #tpu.memory_space<hbm>>) target(%arg14 : memref<800xf32, #tpu.memory_space<vmem>>) target_semaphore(%arg18 : memref<!tpu.dma_semaphore, #tpu.memory_space<semaphore_mem>>)
      %dma_start3A_359 = arith.constant 0 : i32
      %dma_start3A_360 = tpu.memref_slice %arg6[%dma_start3A_359] : memref<102400xf32, #tpu.memory_space<vmem_shared>> -> memref<102400xf32, #tpu.memory_space<vmem_shared>>
      tpu.enqueue_indirect_dma source(%arg12 : memref<800xf32, #tpu.memory_space<vmem>>) target(%dma_start3A_360 : memref<102400xf32, #tpu.memory_space<vmem_shared>>) offsets(%arg8 : memref<800xi32, #tpu.memory_space<vmem>>) semaphore(%arg20 : memref<!tpu.dma_semaphore, #tpu.memory_space<semaphore_mem>>) {add = true}
    }
    %scan3A_88 = arith.constant 30 : i32
    %jit3A_89 = arith.constant false
    %jit3A_90 = arith.constant -3 : i32
    %jit3A_91 = arith.constant 122 : i32
    %select_n3A_92 = arith.select %jit3A_89, %jit3A_90, %jit3A_91 : i32
    %mul3A_93 = arith.constant 800 : i32
    %mul3A_94 = arith.muli %select_n3A_92, %mul3A_93 : i32
    %add3A_95 = arith.addi %mul3A_2, %mul3A_94 : i32
    %add3A_96 = arith.constant 3200000 : i32
    %add3A_97 = arith.addi %add3A_96, %add3A_95 : i32
    %dma_wait3A_98 = tpu.memref_slice %arg2[%add3A_97] : memref<6400000xi32, #tpu.memory_space<hbm>> -> memref<800xi32, #tpu.memory_space<hbm>>
    %dma_wait3A_99 = tpu.memref_slice %arg2[%add3A_97] : memref<6400000xi32, #tpu.memory_space<hbm>> -> memref<800xi32, #tpu.memory_space<hbm>>
    tpu.wait_dma2 semaphore(%arg17 : memref<!tpu.dma_semaphore, #tpu.memory_space<semaphore_mem>>) src(%dma_wait3A_99 : memref<800xi32, #tpu.memory_space<hbm>>) dst(%arg9 : memref<800xi32, #tpu.memory_space<vmem>>)
    %dma_wait3A_100 = tpu.memref_slice %arg3[%add3A_95] : memref<3200000xf32, #tpu.memory_space<hbm>> -> memref<800xf32, #tpu.memory_space<hbm>>
    %dma_wait3A_101 = tpu.memref_slice %arg3[%add3A_95] : memref<3200000xf32, #tpu.memory_space<hbm>> -> memref<800xf32, #tpu.memory_space<hbm>>
    tpu.wait_dma2 semaphore(%arg17 : memref<!tpu.dma_semaphore, #tpu.memory_space<semaphore_mem>>) src(%dma_wait3A_101 : memref<800xf32, #tpu.memory_space<hbm>>) dst(%arg13 : memref<800xf32, #tpu.memory_space<vmem>>)
    %dma_wait3A_102 = arith.constant 0 : i32
    %dma_wait3A_103 = tpu.memref_slice %arg6[%dma_wait3A_102] : memref<102400xf32, #tpu.memory_space<vmem_shared>> -> memref<102400xf32, #tpu.memory_space<vmem_shared>>
    tpu.wait_indirect_dma semaphore(%arg19 : memref<!tpu.dma_semaphore, #tpu.memory_space<semaphore_mem>>) src(%arg11 : memref<800xf32, #tpu.memory_space<vmem>>) dst(%dma_wait3A_103 : memref<102400xf32, #tpu.memory_space<vmem_shared>>)
    %jit3A_104 = arith.constant false
    %jit3A_105 = arith.constant -1 : i32
    %jit3A_106 = arith.constant 124 : i32
    %select_n3A_107 = arith.select %jit3A_104, %jit3A_105, %jit3A_106 : i32
    %mul3A_108 = arith.constant 800 : i32
    %mul3A_109 = arith.muli %select_n3A_107, %mul3A_108 : i32
    %add3A_110 = arith.addi %mul3A_2, %mul3A_109 : i32
    %add3A_111 = arith.constant 3200000 : i32
    %add3A_112 = arith.addi %add3A_111, %add3A_110 : i32
    %dma_start3A_113 = tpu.memref_slice %arg2[%add3A_112] : memref<6400000xi32, #tpu.memory_space<hbm>> -> memref<800xi32, #tpu.memory_space<hbm>>
    %dma_start3A_114 = tpu.memref_slice %arg2[%add3A_112] : memref<6400000xi32, #tpu.memory_space<hbm>> -> memref<800xi32, #tpu.memory_space<hbm>>
    tpu.enqueue_dma source(%dma_start3A_114 : memref<800xi32, #tpu.memory_space<hbm>>) target(%arg7 : memref<800xi32, #tpu.memory_space<vmem>>) target_semaphore(%arg15 : memref<!tpu.dma_semaphore, #tpu.memory_space<semaphore_mem>>)
    %dma_start3A_115 = tpu.memref_slice %arg3[%add3A_110] : memref<3200000xf32, #tpu.memory_space<hbm>> -> memref<800xf32, #tpu.memory_space<hbm>>
    %dma_start3A_116 = tpu.memref_slice %arg3[%add3A_110] : memref<3200000xf32, #tpu.memory_space<hbm>> -> memref<800xf32, #tpu.memory_space<hbm>>
    tpu.enqueue_dma source(%dma_start3A_116 : memref<800xf32, #tpu.memory_space<hbm>>) target(%arg11 : memref<800xf32, #tpu.memory_space<vmem>>) target_semaphore(%arg15 : memref<!tpu.dma_semaphore, #tpu.memory_space<semaphore_mem>>)
    %dma_start3A_117 = arith.constant 0 : i32
    %dma_start3A_118 = tpu.memref_slice %arg6[%dma_start3A_117] : memref<102400xf32, #tpu.memory_space<vmem_shared>> -> memref<102400xf32, #tpu.memory_space<vmem_shared>>
    tpu.enqueue_indirect_dma source(%arg13 : memref<800xf32, #tpu.memory_space<vmem>>) target(%dma_start3A_118 : memref<102400xf32, #tpu.memory_space<vmem_shared>>) offsets(%arg9 : memref<800xi32, #tpu.memory_space<vmem>>) semaphore(%arg21 : memref<!tpu.dma_semaphore, #tpu.memory_space<semaphore_mem>>) {add = true}
    %jit3A_119 = arith.constant false
    %jit3A_120 = arith.constant -2 : i32
    %jit3A_121 = arith.constant 123 : i32
    %select_n3A_122 = arith.select %jit3A_119, %jit3A_120, %jit3A_121 : i32
    %mul3A_123 = arith.constant 800 : i32
    %mul3A_124 = arith.muli %select_n3A_122, %mul3A_123 : i32
    %add3A_125 = arith.addi %mul3A_2, %mul3A_124 : i32
    %add3A_126 = arith.constant 3200000 : i32
    %add3A_127 = arith.addi %add3A_126, %add3A_125 : i32
    %dma_wait3A_128 = tpu.memref_slice %arg2[%add3A_127] : memref<6400000xi32, #tpu.memory_space<hbm>> -> memref<800xi32, #tpu.memory_space<hbm>>
    %dma_wait3A_129 = tpu.memref_slice %arg2[%add3A_127] : memref<6400000xi32, #tpu.memory_space<hbm>> -> memref<800xi32, #tpu.memory_space<hbm>>
    tpu.wait_dma2 semaphore(%arg18 : memref<!tpu.dma_semaphore, #tpu.memory_space<semaphore_mem>>) src(%dma_wait3A_129 : memref<800xi32, #tpu.memory_space<hbm>>) dst(%arg10 : memref<800xi32, #tpu.memory_space<vmem>>)
    %dma_wait3A_130 = tpu.memref_slice %arg3[%add3A_125] : memref<3200000xf32, #tpu.memory_space<hbm>> -> memref<800xf32, #tpu.memory_space<hbm>>
    %dma_wait3A_131 = tpu.memref_slice %arg3[%add3A_125] : memref<3200000xf32, #tpu.memory_space<hbm>> -> memref<800xf32, #tpu.memory_space<hbm>>
    tpu.wait_dma2 semaphore(%arg18 : memref<!tpu.dma_semaphore, #tpu.memory_space<semaphore_mem>>) src(%dma_wait3A_131 : memref<800xf32, #tpu.memory_space<hbm>>) dst(%arg14 : memref<800xf32, #tpu.memory_space<vmem>>)
    %dma_wait3A_132 = arith.constant 0 : i32
    %dma_wait3A_133 = tpu.memref_slice %arg6[%dma_wait3A_132] : memref<102400xf32, #tpu.memory_space<vmem_shared>> -> memref<102400xf32, #tpu.memory_space<vmem_shared>>
    tpu.wait_indirect_dma semaphore(%arg20 : memref<!tpu.dma_semaphore, #tpu.memory_space<semaphore_mem>>) src(%arg12 : memref<800xf32, #tpu.memory_space<vmem>>) dst(%dma_wait3A_133 : memref<102400xf32, #tpu.memory_space<vmem_shared>>)
    %jit3A_134 = arith.constant true
    %jit3A_135 = arith.constant 0 : i32
    %jit3A_136 = arith.constant 125 : i32
    %select_n3A_137 = arith.select %jit3A_134, %jit3A_135, %jit3A_136 : i32
    %mul3A_138 = arith.constant 800 : i32
    %mul3A_139 = arith.muli %select_n3A_137, %mul3A_138 : i32
    %add3A_140 = arith.addi %mul3A_2, %mul3A_139 : i32
    %add3A_141 = arith.constant 3200000 : i32
    %add3A_142 = arith.addi %add3A_141, %add3A_140 : i32
    %dma_start3A_143 = tpu.memref_slice %arg2[%add3A_142] : memref<6400000xi32, #tpu.memory_space<hbm>> -> memref<800xi32, #tpu.memory_space<hbm>>
    %dma_start3A_144 = tpu.memref_slice %arg2[%add3A_142] : memref<6400000xi32, #tpu.memory_space<hbm>> -> memref<800xi32, #tpu.memory_space<hbm>>
    tpu.enqueue_dma source(%dma_start3A_144 : memref<800xi32, #tpu.memory_space<hbm>>) target(%arg8 : memref<800xi32, #tpu.memory_space<vmem>>) target_semaphore(%arg16 : memref<!tpu.dma_semaphore, #tpu.memory_space<semaphore_mem>>)
    %dma_start3A_145 = tpu.memref_slice %arg3[%add3A_140] : memref<3200000xf32, #tpu.memory_space<hbm>> -> memref<800xf32, #tpu.memory_space<hbm>>
    %dma_start3A_146 = tpu.memref_slice %arg3[%add3A_140] : memref<3200000xf32, #tpu.memory_space<hbm>> -> memref<800xf32, #tpu.memory_space<hbm>>
    tpu.enqueue_dma source(%dma_start3A_146 : memref<800xf32, #tpu.memory_space<hbm>>) target(%arg12 : memref<800xf32, #tpu.memory_space<vmem>>) target_semaphore(%arg16 : memref<!tpu.dma_semaphore, #tpu.memory_space<semaphore_mem>>)
    %dma_start3A_147 = arith.constant 0 : i32
    %dma_start3A_148 = tpu.memref_slice %arg6[%dma_start3A_147] : memref<102400xf32, #tpu.memory_space<vmem_shared>> -> memref<102400xf32, #tpu.memory_space<vmem_shared>>
    tpu.enqueue_indirect_dma source(%arg14 : memref<800xf32, #tpu.memory_space<vmem>>) target(%dma_start3A_148 : memref<102400xf32, #tpu.memory_space<vmem_shared>>) offsets(%arg10 : memref<800xi32, #tpu.memory_space<vmem>>) semaphore(%arg22 : memref<!tpu.dma_semaphore, #tpu.memory_space<semaphore_mem>>) {add = true}
    %jit3A_149 = arith.constant false
    %jit3A_150 = arith.constant -1 : i32
    %jit3A_151 = arith.constant 124 : i32
    %select_n3A_152 = arith.select %jit3A_149, %jit3A_150, %jit3A_151 : i32
    %mul3A_153 = arith.constant 800 : i32
    %mul3A_154 = arith.muli %select_n3A_152, %mul3A_153 : i32
    %add3A_155 = arith.addi %mul3A_2, %mul3A_154 : i32
    %add3A_156 = arith.constant 3200000 : i32
    %add3A_157 = arith.addi %add3A_156, %add3A_155 : i32
    %dma_wait3A_158 = tpu.memref_slice %arg2[%add3A_157] : memref<6400000xi32, #tpu.memory_space<hbm>> -> memref<800xi32, #tpu.memory_space<hbm>>
    %dma_wait3A_159 = tpu.memref_slice %arg2[%add3A_157] : memref<6400000xi32, #tpu.memory_space<hbm>> -> memref<800xi32, #tpu.memory_space<hbm>>
    tpu.wait_dma2 semaphore(%arg15 : memref<!tpu.dma_semaphore, #tpu.memory_space<semaphore_mem>>) src(%dma_wait3A_159 : memref<800xi32, #tpu.memory_space<hbm>>) dst(%arg7 : memref<800xi32, #tpu.memory_space<vmem>>)
    %dma_wait3A_160 = tpu.memref_slice %arg3[%add3A_155] : memref<3200000xf32, #tpu.memory_space<hbm>> -> memref<800xf32, #tpu.memory_space<hbm>>
    %dma_wait3A_161 = tpu.memref_slice %arg3[%add3A_155] : memref<3200000xf32, #tpu.memory_space<hbm>> -> memref<800xf32, #tpu.memory_space<hbm>>
    tpu.wait_dma2 semaphore(%arg15 : memref<!tpu.dma_semaphore, #tpu.memory_space<semaphore_mem>>) src(%dma_wait3A_161 : memref<800xf32, #tpu.memory_space<hbm>>) dst(%arg11 : memref<800xf32, #tpu.memory_space<vmem>>)
    %dma_wait3A_162 = arith.constant 0 : i32
    %dma_wait3A_163 = tpu.memref_slice %arg6[%dma_wait3A_162] : memref<102400xf32, #tpu.memory_space<vmem_shared>> -> memref<102400xf32, #tpu.memory_space<vmem_shared>>
    tpu.wait_indirect_dma semaphore(%arg21 : memref<!tpu.dma_semaphore, #tpu.memory_space<semaphore_mem>>) src(%arg13 : memref<800xf32, #tpu.memory_space<vmem>>) dst(%dma_wait3A_163 : memref<102400xf32, #tpu.memory_space<vmem_shared>>)
    %jit3A_164 = arith.constant true
    %jit3A_165 = arith.constant 1 : i32
    %jit3A_166 = arith.constant 126 : i32
    %select_n3A_167 = arith.select %jit3A_164, %jit3A_165, %jit3A_166 : i32
    %mul3A_168 = arith.constant 800 : i32
    %mul3A_169 = arith.muli %select_n3A_167, %mul3A_168 : i32
    %add3A_170 = arith.addi %mul3A_2, %mul3A_169 : i32
    %add3A_171 = arith.constant 3200000 : i32
    %add3A_172 = arith.addi %add3A_171, %add3A_170 : i32
    %dma_start3A_173 = tpu.memref_slice %arg2[%add3A_172] : memref<6400000xi32, #tpu.memory_space<hbm>> -> memref<800xi32, #tpu.memory_space<hbm>>
    %dma_start3A_174 = tpu.memref_slice %arg2[%add3A_172] : memref<6400000xi32, #tpu.memory_space<hbm>> -> memref<800xi32, #tpu.memory_space<hbm>>
    tpu.enqueue_dma source(%dma_start3A_174 : memref<800xi32, #tpu.memory_space<hbm>>) target(%arg9 : memref<800xi32, #tpu.memory_space<vmem>>) target_semaphore(%arg17 : memref<!tpu.dma_semaphore, #tpu.memory_space<semaphore_mem>>)
    %dma_start3A_175 = tpu.memref_slice %arg3[%add3A_170] : memref<3200000xf32, #tpu.memory_space<hbm>> -> memref<800xf32, #tpu.memory_space<hbm>>
    %dma_start3A_176 = tpu.memref_slice %arg3[%add3A_170] : memref<3200000xf32, #tpu.memory_space<hbm>> -> memref<800xf32, #tpu.memory_space<hbm>>
    tpu.enqueue_dma source(%dma_start3A_176 : memref<800xf32, #tpu.memory_space<hbm>>) target(%arg13 : memref<800xf32, #tpu.memory_space<vmem>>) target_semaphore(%arg17 : memref<!tpu.dma_semaphore, #tpu.memory_space<semaphore_mem>>)
    %dma_start3A_177 = arith.constant 0 : i32
    %dma_start3A_178 = tpu.memref_slice %arg6[%dma_start3A_177] : memref<102400xf32, #tpu.memory_space<vmem_shared>> -> memref<102400xf32, #tpu.memory_space<vmem_shared>>
    tpu.enqueue_indirect_dma source(%arg11 : memref<800xf32, #tpu.memory_space<vmem>>) target(%dma_start3A_178 : memref<102400xf32, #tpu.memory_space<vmem_shared>>) offsets(%arg7 : memref<800xi32, #tpu.memory_space<vmem>>) semaphore(%arg19 : memref<!tpu.dma_semaphore, #tpu.memory_space<semaphore_mem>>) {add = true}
    %dma_wait3A_179 = arith.constant 0 : i32
    %dma_wait3A_180 = tpu.memref_slice %arg6[%dma_wait3A_179] : memref<102400xf32, #tpu.memory_space<vmem_shared>> -> memref<102400xf32, #tpu.memory_space<vmem_shared>>
    tpu.wait_indirect_dma semaphore(%arg22 : memref<!tpu.dma_semaphore, #tpu.memory_space<semaphore_mem>>) src(%arg14 : memref<800xf32, #tpu.memory_space<vmem>>) dst(%dma_wait3A_180 : memref<102400xf32, #tpu.memory_space<vmem_shared>>)
    %dma_wait3A_181 = arith.constant 0 : i32
    %dma_wait3A_182 = tpu.memref_slice %arg6[%dma_wait3A_181] : memref<102400xf32, #tpu.memory_space<vmem_shared>> -> memref<102400xf32, #tpu.memory_space<vmem_shared>>
    tpu.wait_indirect_dma semaphore(%arg19 : memref<!tpu.dma_semaphore, #tpu.memory_space<semaphore_mem>>) src(%arg11 : memref<800xf32, #tpu.memory_space<vmem>>) dst(%dma_wait3A_182 : memref<102400xf32, #tpu.memory_space<vmem_shared>>)
    %jit3A_183 = arith.constant true
    %jit3A_184 = arith.constant 0 : i32
    %jit3A_185 = arith.constant 125 : i32
    %select_n3A_186 = arith.select %jit3A_183, %jit3A_184, %jit3A_185 : i32
    %mul3A_187 = arith.constant 800 : i32
    %mul3A_188 = arith.muli %select_n3A_186, %mul3A_187 : i32
    %add3A_189 = arith.addi %mul3A_2, %mul3A_188 : i32
    %add3A_190 = arith.constant 3200000 : i32
    %add3A_191 = arith.addi %add3A_190, %add3A_189 : i32
    %dma_wait3A_192 = tpu.memref_slice %arg2[%add3A_191] : memref<6400000xi32, #tpu.memory_space<hbm>> -> memref<800xi32, #tpu.memory_space<hbm>>
    %dma_wait3A_193 = tpu.memref_slice %arg2[%add3A_191] : memref<6400000xi32, #tpu.memory_space<hbm>> -> memref<800xi32, #tpu.memory_space<hbm>>
    tpu.wait_dma2 semaphore(%arg16 : memref<!tpu.dma_semaphore, #tpu.memory_space<semaphore_mem>>) src(%dma_wait3A_193 : memref<800xi32, #tpu.memory_space<hbm>>) dst(%arg8 : memref<800xi32, #tpu.memory_space<vmem>>)
    %dma_wait3A_194 = tpu.memref_slice %arg3[%add3A_189] : memref<3200000xf32, #tpu.memory_space<hbm>> -> memref<800xf32, #tpu.memory_space<hbm>>
    %dma_wait3A_195 = tpu.memref_slice %arg3[%add3A_189] : memref<3200000xf32, #tpu.memory_space<hbm>> -> memref<800xf32, #tpu.memory_space<hbm>>
    tpu.wait_dma2 semaphore(%arg16 : memref<!tpu.dma_semaphore, #tpu.memory_space<semaphore_mem>>) src(%dma_wait3A_195 : memref<800xf32, #tpu.memory_space<hbm>>) dst(%arg12 : memref<800xf32, #tpu.memory_space<vmem>>)
    %jit3A_196 = arith.constant true
    %jit3A_197 = arith.constant 1 : i32
    %jit3A_198 = arith.constant 126 : i32
    %select_n3A_199 = arith.select %jit3A_196, %jit3A_197, %jit3A_198 : i32
    %mul3A_200 = arith.constant 800 : i32
    %mul3A_201 = arith.muli %select_n3A_199, %mul3A_200 : i32
    %add3A_202 = arith.addi %mul3A_2, %mul3A_201 : i32
    %add3A_203 = arith.constant 3200000 : i32
    %add3A_204 = arith.addi %add3A_203, %add3A_202 : i32
    %dma_wait3A_205 = tpu.memref_slice %arg2[%add3A_204] : memref<6400000xi32, #tpu.memory_space<hbm>> -> memref<800xi32, #tpu.memory_space<hbm>>
    %dma_wait3A_206 = tpu.memref_slice %arg2[%add3A_204] : memref<6400000xi32, #tpu.memory_space<hbm>> -> memref<800xi32, #tpu.memory_space<hbm>>
    tpu.wait_dma2 semaphore(%arg17 : memref<!tpu.dma_semaphore, #tpu.memory_space<semaphore_mem>>) src(%dma_wait3A_206 : memref<800xi32, #tpu.memory_space<hbm>>) dst(%arg9 : memref<800xi32, #tpu.memory_space<vmem>>)
    %dma_wait3A_207 = tpu.memref_slice %arg3[%add3A_202] : memref<3200000xf32, #tpu.memory_space<hbm>> -> memref<800xf32, #tpu.memory_space<hbm>>
    %dma_wait3A_208 = tpu.memref_slice %arg3[%add3A_202] : memref<3200000xf32, #tpu.memory_space<hbm>> -> memref<800xf32, #tpu.memory_space<hbm>>
    tpu.wait_dma2 semaphore(%arg17 : memref<!tpu.dma_semaphore, #tpu.memory_space<semaphore_mem>>) src(%dma_wait3A_208 : memref<800xf32, #tpu.memory_space<hbm>>) dst(%arg13 : memref<800xf32, #tpu.memory_space<vmem>>)
    %barrier3A_209 = arith.constant 0 : index
    tpu.barrier barrier_id(%barrier3A_209)
    %mul3A_210 = arith.constant 6400 : i32
    %mul3A_211 = arith.muli %arg1, %mul3A_210 : i32
    %mul3A_212 = arith.constant 6400 : i32
    %mul3A_213 = arith.muli %arg1, %mul3A_212 : i32
    "tpu.region"() ({
      %run_scoped3A = tpu.sem_alloc : memref<!tpu.dma_semaphore, #tpu.memory_space<semaphore_mem>>
      %dma_start3A_214 = tpu.memref_slice %arg5[%arg0, %mul3A_213] : memref<2x102400xf32, #tpu.memory_space<hbm>> -> memref<1x6400xf32, #tpu.memory_space<hbm>>
      %dma_start3A_215 = tpu.memref_squeeze %dma_start3A_214 : memref<1x6400xf32, #tpu.memory_space<hbm>> -> memref<6400xf32, #tpu.memory_space<hbm>>
      %dma_start3A_216 = tpu.memref_slice %arg6[%mul3A_211] : memref<102400xf32, #tpu.memory_space<vmem_shared>> -> memref<6400xf32, #tpu.memory_space<vmem_shared>>
      tpu.enqueue_dma source(%dma_start3A_216 : memref<6400xf32, #tpu.memory_space<vmem_shared>>) target(%dma_start3A_215 : memref<6400xf32, #tpu.memory_space<hbm>>) target_semaphore(%run_scoped3A : memref<!tpu.dma_semaphore, #tpu.memory_space<semaphore_mem>>)
      %dma_wait3A_217 = tpu.memref_slice %arg5[%arg0, %mul3A_213] : memref<2x102400xf32, #tpu.memory_space<hbm>> -> memref<1x6400xf32, #tpu.memory_space<hbm>>
      %dma_wait3A_218 = tpu.memref_squeeze %dma_wait3A_217 : memref<1x6400xf32, #tpu.memory_space<hbm>> -> memref<6400xf32, #tpu.memory_space<hbm>>
      %dma_wait3A_219 = tpu.memref_slice %arg6[%mul3A_211] : memref<102400xf32, #tpu.memory_space<vmem_shared>> -> memref<6400xf32, #tpu.memory_space<vmem_shared>>
      tpu.wait_dma2 semaphore(%run_scoped3A : memref<!tpu.dma_semaphore, #tpu.memory_space<semaphore_mem>>) src(%dma_wait3A_219 : memref<6400xf32, #tpu.memory_space<vmem_shared>>) dst(%dma_wait3A_218 : memref<6400xf32, #tpu.memory_space<hbm>>)
      tpu.yield
    }) : () -> ()
    return
  }
}

#map = affine_map<(d0, d1) -> (0)>
#map1 = affine_map<(d0, d1) -> (0, 0, 0)>
module attributes {stable_mosaic.version = 14 : i64} {
  func.func @_sc_prop(%arg0: i32, %arg1: i32, %arg2: memref<6400000xi32, #tpu.memory_space<hbm>>, %arg3: memref<3200000xf32, #tpu.memory_space<hbm>>, %arg4: memref<102400xi32, #tpu.memory_space<hbm>>, %arg5: memref<102400xf32, #tpu.memory_space<hbm>>, %arg6: memref<2x2x102400xf32, #tpu.memory_space<hbm>>, %arg7: memref<102400xi32, #tpu.memory_space<vmem>>, %arg8: memref<102400xf32, #tpu.memory_space<vmem_shared>>, %arg9: memref<102400xf32, #tpu.memory_space<vmem_shared>>, %arg10: memref<800xi32, #tpu.memory_space<vmem>>, %arg11: memref<800xi32, #tpu.memory_space<vmem>>, %arg12: memref<800xf32, #tpu.memory_space<vmem>>, %arg13: memref<800xf32, #tpu.memory_space<vmem>>, %arg14: memref<800xi32, #tpu.memory_space<vmem>>, %arg15: memref<800xi32, #tpu.memory_space<vmem>>, %arg16: memref<800xi32, #tpu.memory_space<vmem>>, %arg17: memref<800xi32, #tpu.memory_space<vmem>>, %arg18: memref<800xf32, #tpu.memory_space<vmem>>, %arg19: memref<800xf32, #tpu.memory_space<vmem>>, %arg20: memref<800xf32, #tpu.memory_space<vmem>>, %arg21: memref<800xf32, #tpu.memory_space<vmem>>, %arg22: memref<!tpu.dma_semaphore, #tpu.memory_space<semaphore_mem>>, %arg23: memref<!tpu.dma_semaphore, #tpu.memory_space<semaphore_mem>>, %arg24: memref<!tpu.dma_semaphore, #tpu.memory_space<semaphore_mem>>, %arg25: memref<!tpu.dma_semaphore, #tpu.memory_space<semaphore_mem>>, %arg26: memref<!tpu.dma_semaphore, #tpu.memory_space<semaphore_mem>>, %arg27: memref<!tpu.dma_semaphore, #tpu.memory_space<semaphore_mem>>, %arg28: memref<!tpu.dma_semaphore, #tpu.memory_space<semaphore_mem>>, %arg29: memref<!tpu.dma_semaphore, #tpu.memory_space<semaphore_mem>>) attributes {dimension_semantics = [#tpu.dimension_semantics<core_parallel>, #tpu.dimension_semantics<subcore_parallel>], iteration_bounds = array<i64: 2, 16>, scalar_prefetch = 0 : i64, scratch_operands = 23 : i64, tpu.core_type = #tpu.core_type<sc_vector_subcore>, window_params = [{transform_indices = #map}, {transform_indices = #map}, {transform_indices = #map}, {transform_indices = #map}, {transform_indices = #map1}]} {
    %mul3A = arith.constant 16 : i32
    %mul3A_0 = arith.muli %arg0, %mul3A : i32
    %add3A = arith.addi %mul3A_0, %arg1 : i32
    %mul3A_1 = arith.constant 100000 : i32
    %mul3A_2 = arith.muli %add3A, %mul3A_1 : i32
    %jit3A = arith.constant false
    %jit3A_3 = arith.constant -125 : i32
    %jit3A_4 = arith.constant 0 : i32
    %select_n3A = arith.select %jit3A, %jit3A_3, %jit3A_4 : i32
    %mul3A_5 = arith.constant 800 : i32
    %mul3A_6 = arith.muli %select_n3A, %mul3A_5 : i32
    %add3A_7 = arith.addi %mul3A_2, %mul3A_6 : i32
    %dma_start3A = tpu.memref_slice %arg2[%add3A_7] : memref<6400000xi32, #tpu.memory_space<hbm>> -> memref<800xi32, #tpu.memory_space<hbm>>
    %dma_start3A_8 = tpu.memref_slice %arg2[%add3A_7] : memref<6400000xi32, #tpu.memory_space<hbm>> -> memref<800xi32, #tpu.memory_space<hbm>>
    tpu.enqueue_dma source(%dma_start3A_8 : memref<800xi32, #tpu.memory_space<hbm>>) target(%arg10 : memref<800xi32, #tpu.memory_space<vmem>>) target_semaphore(%arg22 : memref<!tpu.dma_semaphore, #tpu.memory_space<semaphore_mem>>)
    %dma_start3A_9 = tpu.memref_slice %arg3[%add3A_7] : memref<3200000xf32, #tpu.memory_space<hbm>> -> memref<800xf32, #tpu.memory_space<hbm>>
    %dma_start3A_10 = tpu.memref_slice %arg3[%add3A_7] : memref<3200000xf32, #tpu.memory_space<hbm>> -> memref<800xf32, #tpu.memory_space<hbm>>
    tpu.enqueue_dma source(%dma_start3A_10 : memref<800xf32, #tpu.memory_space<hbm>>) target(%arg12 : memref<800xf32, #tpu.memory_space<vmem>>) target_semaphore(%arg22 : memref<!tpu.dma_semaphore, #tpu.memory_space<semaphore_mem>>)
    %add3A_11 = arith.constant 3200000 : i32
    %add3A_12 = arith.addi %add3A_11, %add3A_7 : i32
    %dma_start3A_13 = tpu.memref_slice %arg2[%add3A_12] : memref<6400000xi32, #tpu.memory_space<hbm>> -> memref<800xi32, #tpu.memory_space<hbm>>
    %dma_start3A_14 = tpu.memref_slice %arg2[%add3A_12] : memref<6400000xi32, #tpu.memory_space<hbm>> -> memref<800xi32, #tpu.memory_space<hbm>>
    tpu.enqueue_dma source(%dma_start3A_14 : memref<800xi32, #tpu.memory_space<hbm>>) target(%arg14 : memref<800xi32, #tpu.memory_space<vmem>>) target_semaphore(%arg24 : memref<!tpu.dma_semaphore, #tpu.memory_space<semaphore_mem>>)
    %jit3A_15 = arith.constant false
    %jit3A_16 = arith.constant -124 : i32
    %jit3A_17 = arith.constant 1 : i32
    %select_n3A_18 = arith.select %jit3A_15, %jit3A_16, %jit3A_17 : i32
    %mul3A_19 = arith.constant 800 : i32
    %mul3A_20 = arith.muli %select_n3A_18, %mul3A_19 : i32
    %add3A_21 = arith.addi %mul3A_2, %mul3A_20 : i32
    %dma_start3A_22 = tpu.memref_slice %arg2[%add3A_21] : memref<6400000xi32, #tpu.memory_space<hbm>> -> memref<800xi32, #tpu.memory_space<hbm>>
    %dma_start3A_23 = tpu.memref_slice %arg2[%add3A_21] : memref<6400000xi32, #tpu.memory_space<hbm>> -> memref<800xi32, #tpu.memory_space<hbm>>
    tpu.enqueue_dma source(%dma_start3A_23 : memref<800xi32, #tpu.memory_space<hbm>>) target(%arg11 : memref<800xi32, #tpu.memory_space<vmem>>) target_semaphore(%arg23 : memref<!tpu.dma_semaphore, #tpu.memory_space<semaphore_mem>>)
    %dma_start3A_24 = tpu.memref_slice %arg3[%add3A_21] : memref<3200000xf32, #tpu.memory_space<hbm>> -> memref<800xf32, #tpu.memory_space<hbm>>
    %dma_start3A_25 = tpu.memref_slice %arg3[%add3A_21] : memref<3200000xf32, #tpu.memory_space<hbm>> -> memref<800xf32, #tpu.memory_space<hbm>>
    tpu.enqueue_dma source(%dma_start3A_25 : memref<800xf32, #tpu.memory_space<hbm>>) target(%arg13 : memref<800xf32, #tpu.memory_space<vmem>>) target_semaphore(%arg23 : memref<!tpu.dma_semaphore, #tpu.memory_space<semaphore_mem>>)
    %add3A_26 = arith.constant 3200000 : i32
    %add3A_27 = arith.addi %add3A_26, %add3A_21 : i32
    %dma_start3A_28 = tpu.memref_slice %arg2[%add3A_27] : memref<6400000xi32, #tpu.memory_space<hbm>> -> memref<800xi32, #tpu.memory_space<hbm>>
    %dma_start3A_29 = tpu.memref_slice %arg2[%add3A_27] : memref<6400000xi32, #tpu.memory_space<hbm>> -> memref<800xi32, #tpu.memory_space<hbm>>
    tpu.enqueue_dma source(%dma_start3A_29 : memref<800xi32, #tpu.memory_space<hbm>>) target(%arg15 : memref<800xi32, #tpu.memory_space<vmem>>) target_semaphore(%arg25 : memref<!tpu.dma_semaphore, #tpu.memory_space<semaphore_mem>>)
    %mul3A_30 = arith.constant 6400 : i32
    %mul3A_31 = arith.muli %arg1, %mul3A_30 : i32
    %mul3A_32 = arith.constant 6400 : i32
    %mul3A_33 = arith.muli %arg1, %mul3A_32 : i32
    "tpu.region"() ({
      %run_scoped3A_296 = tpu.sem_alloc : memref<!tpu.dma_semaphore, #tpu.memory_space<semaphore_mem>>
      %dma_start3A_297 = tpu.memref_slice %arg8[%mul3A_33] : memref<102400xf32, #tpu.memory_space<vmem_shared>> -> memref<6400xf32, #tpu.memory_space<vmem_shared>>
      %dma_start3A_298 = tpu.memref_slice %arg5[%mul3A_31] : memref<102400xf32, #tpu.memory_space<hbm>> -> memref<6400xf32, #tpu.memory_space<hbm>>
      tpu.enqueue_dma source(%dma_start3A_298 : memref<6400xf32, #tpu.memory_space<hbm>>) target(%dma_start3A_297 : memref<6400xf32, #tpu.memory_space<vmem_shared>>) target_semaphore(%run_scoped3A_296 : memref<!tpu.dma_semaphore, #tpu.memory_space<semaphore_mem>>)
      %dma_wait3A_299 = tpu.memref_slice %arg8[%mul3A_33] : memref<102400xf32, #tpu.memory_space<vmem_shared>> -> memref<6400xf32, #tpu.memory_space<vmem_shared>>
      %dma_wait3A_300 = tpu.memref_slice %arg5[%mul3A_31] : memref<102400xf32, #tpu.memory_space<hbm>> -> memref<6400xf32, #tpu.memory_space<hbm>>
      tpu.wait_dma2 semaphore(%run_scoped3A_296 : memref<!tpu.dma_semaphore, #tpu.memory_space<semaphore_mem>>) src(%dma_wait3A_300 : memref<6400xf32, #tpu.memory_space<hbm>>) dst(%dma_wait3A_299 : memref<6400xf32, #tpu.memory_space<vmem_shared>>)
      tpu.yield
    }) : () -> ()
    %mul3A_34 = arith.constant 6400 : i32
    %mul3A_35 = arith.muli %arg1, %mul3A_34 : i32
    %mul3A_36 = arith.constant 6400 : i32
    %mul3A_37 = arith.muli %arg1, %mul3A_36 : i32
    "tpu.region"() ({
      %run_scoped3A_296 = tpu.sem_alloc : memref<!tpu.dma_semaphore, #tpu.memory_space<semaphore_mem>>
      %dma_start3A_297 = tpu.memref_slice %arg9[%mul3A_37] : memref<102400xf32, #tpu.memory_space<vmem_shared>> -> memref<6400xf32, #tpu.memory_space<vmem_shared>>
      %dma_start3A_298 = tpu.memref_slice %arg5[%mul3A_35] : memref<102400xf32, #tpu.memory_space<hbm>> -> memref<6400xf32, #tpu.memory_space<hbm>>
      tpu.enqueue_dma source(%dma_start3A_298 : memref<6400xf32, #tpu.memory_space<hbm>>) target(%dma_start3A_297 : memref<6400xf32, #tpu.memory_space<vmem_shared>>) target_semaphore(%run_scoped3A_296 : memref<!tpu.dma_semaphore, #tpu.memory_space<semaphore_mem>>)
      %dma_wait3A_299 = tpu.memref_slice %arg9[%mul3A_37] : memref<102400xf32, #tpu.memory_space<vmem_shared>> -> memref<6400xf32, #tpu.memory_space<vmem_shared>>
      %dma_wait3A_300 = tpu.memref_slice %arg5[%mul3A_35] : memref<102400xf32, #tpu.memory_space<hbm>> -> memref<6400xf32, #tpu.memory_space<hbm>>
      tpu.wait_dma2 semaphore(%run_scoped3A_296 : memref<!tpu.dma_semaphore, #tpu.memory_space<semaphore_mem>>) src(%dma_wait3A_300 : memref<6400xf32, #tpu.memory_space<hbm>>) dst(%dma_wait3A_299 : memref<6400xf32, #tpu.memory_space<vmem_shared>>)
      tpu.yield
    }) : () -> ()
    "tpu.region"() ({
      %run_scoped3A_296 = tpu.sem_alloc : memref<!tpu.dma_semaphore, #tpu.memory_space<semaphore_mem>>
      tpu.enqueue_dma source(%arg4 : memref<102400xi32, #tpu.memory_space<hbm>>) target(%arg7 : memref<102400xi32, #tpu.memory_space<vmem>>) target_semaphore(%run_scoped3A_296 : memref<!tpu.dma_semaphore, #tpu.memory_space<semaphore_mem>>)
      tpu.wait_dma2 semaphore(%run_scoped3A_296 : memref<!tpu.dma_semaphore, #tpu.memory_space<semaphore_mem>>) src(%arg4 : memref<102400xi32, #tpu.memory_space<hbm>>) dst(%arg7 : memref<102400xi32, #tpu.memory_space<vmem>>)
      tpu.yield
    }) : () -> ()
    %barrier3A = arith.constant 0 : index
    tpu.barrier barrier_id(%barrier3A)
    %jit3A_38 = arith.constant false
    %jit3A_39 = arith.constant -125 : i32
    %jit3A_40 = arith.constant 0 : i32
    %select_n3A_41 = arith.select %jit3A_38, %jit3A_39, %jit3A_40 : i32
    %mul3A_42 = arith.constant 800 : i32
    %mul3A_43 = arith.muli %select_n3A_41, %mul3A_42 : i32
    %add3A_44 = arith.addi %mul3A_2, %mul3A_43 : i32
    %dma_wait3A = tpu.memref_slice %arg2[%add3A_44] : memref<6400000xi32, #tpu.memory_space<hbm>> -> memref<800xi32, #tpu.memory_space<hbm>>
    %dma_wait3A_45 = tpu.memref_slice %arg2[%add3A_44] : memref<6400000xi32, #tpu.memory_space<hbm>> -> memref<800xi32, #tpu.memory_space<hbm>>
    tpu.wait_dma2 semaphore(%arg22 : memref<!tpu.dma_semaphore, #tpu.memory_space<semaphore_mem>>) src(%dma_wait3A_45 : memref<800xi32, #tpu.memory_space<hbm>>) dst(%arg10 : memref<800xi32, #tpu.memory_space<vmem>>)
    %dma_wait3A_46 = tpu.memref_slice %arg3[%add3A_44] : memref<3200000xf32, #tpu.memory_space<hbm>> -> memref<800xf32, #tpu.memory_space<hbm>>
    %dma_wait3A_47 = tpu.memref_slice %arg3[%add3A_44] : memref<3200000xf32, #tpu.memory_space<hbm>> -> memref<800xf32, #tpu.memory_space<hbm>>
    tpu.wait_dma2 semaphore(%arg22 : memref<!tpu.dma_semaphore, #tpu.memory_space<semaphore_mem>>) src(%dma_wait3A_47 : memref<800xf32, #tpu.memory_space<hbm>>) dst(%arg12 : memref<800xf32, #tpu.memory_space<vmem>>)
    %add3A_48 = arith.constant 3200000 : i32
    %add3A_49 = arith.addi %add3A_48, %add3A_44 : i32
    %dma_wait3A_50 = tpu.memref_slice %arg2[%add3A_49] : memref<6400000xi32, #tpu.memory_space<hbm>> -> memref<800xi32, #tpu.memory_space<hbm>>
    %dma_wait3A_51 = tpu.memref_slice %arg2[%add3A_49] : memref<6400000xi32, #tpu.memory_space<hbm>> -> memref<800xi32, #tpu.memory_space<hbm>>
    tpu.wait_dma2 semaphore(%arg24 : memref<!tpu.dma_semaphore, #tpu.memory_space<semaphore_mem>>) src(%dma_wait3A_51 : memref<800xi32, #tpu.memory_space<hbm>>) dst(%arg14 : memref<800xi32, #tpu.memory_space<vmem>>)
    %scan3A = arith.constant 0 : i32
    %scan3A_52 = arith.constant 50 : i32
    %scan3A_53 = arith.addi %scan3A, %scan3A_52 : i32
    %scan3A_54 = arith.constant 1 : i32
    scf.for %scan3A_296 = %scan3A to %scan3A_53 step %scan3A_54  : i32 {
      %mul3A_297 = arith.constant 16 : i32
      %mul3A_298 = arith.muli %scan3A_296, %mul3A_297 : i32
      %add3A_299 = arith.constant 0 : i32
      %add3A_300 = arith.addi %add3A_299, %mul3A_298 : i32
      %get3A = arith.index_cast %add3A_300 : i32 to index
      %get3A_301 = tpu.vector_load %arg10[%get3A] {strides = array<i32>} : memref<800xi32, #tpu.memory_space<vmem>>, vector<16xi32>,
      %gather3A = tpu.vector_load_idx %arg7[%get3A_301] : memref<102400xi32, #tpu.memory_space<vmem>>[vector<16xi32>], vector<16xi32>,
      %get3A_302 = arith.index_cast %add3A_300 : i32 to index
      %get3A_303 = tpu.vector_load %arg12[%get3A_302] {strides = array<i32>} : memref<800xf32, #tpu.memory_space<vmem>>, vector<16xf32>,
      %shift_left3A = arith.constant 16 : i32
      %shift_left3A_304 = vector.broadcast %shift_left3A : i32 to vector<16xi32>
      %shift_left3A_305 = arith.shli %gather3A, %shift_left3A_304 : vector<16xi32>
      %bitcast3A = vector.bitcast %shift_left3A_305 : vector<16xi32> to vector<16xf32>
      %mul3A_306 = arith.mulf %bitcast3A, %get3A_303 : vector<16xf32>
      %swap3A = arith.index_cast %add3A_300 : i32 to index
      %swap3A_307 = tpu.vector_load %arg18[%swap3A] {strides = array<i32>} : memref<800xf32, #tpu.memory_space<vmem>>, vector<16xf32>,
      tpu.vector_store %arg18[%swap3A], %mul3A_306 {strides = array<i32>} : memref<800xf32, #tpu.memory_space<vmem>>, vector<16xf32>,
      %and3A = arith.constant -65536 : i32
      %and3A_308 = vector.broadcast %and3A : i32 to vector<16xi32>
      %and3A_309 = arith.andi %gather3A, %and3A_308 : vector<16xi32>
      %bitcast3A_310 = vector.bitcast %and3A_309 : vector<16xi32> to vector<16xf32>
      %mul3A_311 = arith.mulf %bitcast3A_310, %get3A_303 : vector<16xf32>
      %swap3A_312 = arith.index_cast %add3A_300 : i32 to index
      %swap3A_313 = tpu.vector_load %arg20[%swap3A_312] {strides = array<i32>} : memref<800xf32, #tpu.memory_space<vmem>>, vector<16xf32>,
      tpu.vector_store %arg20[%swap3A_312], %mul3A_311 {strides = array<i32>} : memref<800xf32, #tpu.memory_space<vmem>>, vector<16xf32>,
    }
    %scan3A_55 = arith.constant 50 : i32
    %jit3A_56 = arith.constant false
    %jit3A_57 = arith.constant -123 : i32
    %jit3A_58 = arith.constant 2 : i32
    %select_n3A_59 = arith.select %jit3A_56, %jit3A_57, %jit3A_58 : i32
    %mul3A_60 = arith.constant 800 : i32
    %mul3A_61 = arith.muli %select_n3A_59, %mul3A_60 : i32
    %add3A_62 = arith.addi %mul3A_2, %mul3A_61 : i32
    %dma_start3A_63 = tpu.memref_slice %arg2[%add3A_62] : memref<6400000xi32, #tpu.memory_space<hbm>> -> memref<800xi32, #tpu.memory_space<hbm>>
    %dma_start3A_64 = tpu.memref_slice %arg2[%add3A_62] : memref<6400000xi32, #tpu.memory_space<hbm>> -> memref<800xi32, #tpu.memory_space<hbm>>
    tpu.enqueue_dma source(%dma_start3A_64 : memref<800xi32, #tpu.memory_space<hbm>>) target(%arg10 : memref<800xi32, #tpu.memory_space<vmem>>) target_semaphore(%arg22 : memref<!tpu.dma_semaphore, #tpu.memory_space<semaphore_mem>>)
    %dma_start3A_65 = tpu.memref_slice %arg3[%add3A_62] : memref<3200000xf32, #tpu.memory_space<hbm>> -> memref<800xf32, #tpu.memory_space<hbm>>
    %dma_start3A_66 = tpu.memref_slice %arg3[%add3A_62] : memref<3200000xf32, #tpu.memory_space<hbm>> -> memref<800xf32, #tpu.memory_space<hbm>>
    tpu.enqueue_dma source(%dma_start3A_66 : memref<800xf32, #tpu.memory_space<hbm>>) target(%arg12 : memref<800xf32, #tpu.memory_space<vmem>>) target_semaphore(%arg22 : memref<!tpu.dma_semaphore, #tpu.memory_space<semaphore_mem>>)
    %add3A_67 = arith.constant 3200000 : i32
    %add3A_68 = arith.addi %add3A_67, %add3A_62 : i32
    %dma_start3A_69 = tpu.memref_slice %arg2[%add3A_68] : memref<6400000xi32, #tpu.memory_space<hbm>> -> memref<800xi32, #tpu.memory_space<hbm>>
    %dma_start3A_70 = tpu.memref_slice %arg2[%add3A_68] : memref<6400000xi32, #tpu.memory_space<hbm>> -> memref<800xi32, #tpu.memory_space<hbm>>
    tpu.enqueue_dma source(%dma_start3A_70 : memref<800xi32, #tpu.memory_space<hbm>>) target(%arg16 : memref<800xi32, #tpu.memory_space<vmem>>) target_semaphore(%arg26 : memref<!tpu.dma_semaphore, #tpu.memory_space<semaphore_mem>>)
    %dma_start3A_71 = arith.constant 0 : i32
    %dma_start3A_72 = tpu.memref_slice %arg8[%dma_start3A_71] : memref<102400xf32, #tpu.memory_space<vmem_shared>> -> memref<102400xf32, #tpu.memory_space<vmem_shared>>
    tpu.enqueue_indirect_dma source(%arg18 : memref<800xf32, #tpu.memory_space<vmem>>) target(%dma_start3A_72 : memref<102400xf32, #tpu.memory_space<vmem_shared>>) offsets(%arg14 : memref<800xi32, #tpu.memory_space<vmem>>) semaphore(%arg28 : memref<!tpu.dma_semaphore, #tpu.memory_space<semaphore_mem>>) {add = true}
    %dma_start3A_73 = arith.constant 0 : i32
    %dma_start3A_74 = tpu.memref_slice %arg9[%dma_start3A_73] : memref<102400xf32, #tpu.memory_space<vmem_shared>> -> memref<102400xf32, #tpu.memory_space<vmem_shared>>
    tpu.enqueue_indirect_dma source(%arg20 : memref<800xf32, #tpu.memory_space<vmem>>) target(%dma_start3A_74 : memref<102400xf32, #tpu.memory_space<vmem_shared>>) offsets(%arg14 : memref<800xi32, #tpu.memory_space<vmem>>) semaphore(%arg28 : memref<!tpu.dma_semaphore, #tpu.memory_space<semaphore_mem>>) {add = true}
    %jit3A_75 = arith.constant false
    %jit3A_76 = arith.constant -124 : i32
    %jit3A_77 = arith.constant 1 : i32
    %select_n3A_78 = arith.select %jit3A_75, %jit3A_76, %jit3A_77 : i32
    %mul3A_79 = arith.constant 800 : i32
    %mul3A_80 = arith.muli %select_n3A_78, %mul3A_79 : i32
    %add3A_81 = arith.addi %mul3A_2, %mul3A_80 : i32
    %dma_wait3A_82 = tpu.memref_slice %arg2[%add3A_81] : memref<6400000xi32, #tpu.memory_space<hbm>> -> memref<800xi32, #tpu.memory_space<hbm>>
    %dma_wait3A_83 = tpu.memref_slice %arg2[%add3A_81] : memref<6400000xi32, #tpu.memory_space<hbm>> -> memref<800xi32, #tpu.memory_space<hbm>>
    tpu.wait_dma2 semaphore(%arg23 : memref<!tpu.dma_semaphore, #tpu.memory_space<semaphore_mem>>) src(%dma_wait3A_83 : memref<800xi32, #tpu.memory_space<hbm>>) dst(%arg11 : memref<800xi32, #tpu.memory_space<vmem>>)
    %dma_wait3A_84 = tpu.memref_slice %arg3[%add3A_81] : memref<3200000xf32, #tpu.memory_space<hbm>> -> memref<800xf32, #tpu.memory_space<hbm>>
    %dma_wait3A_85 = tpu.memref_slice %arg3[%add3A_81] : memref<3200000xf32, #tpu.memory_space<hbm>> -> memref<800xf32, #tpu.memory_space<hbm>>
    tpu.wait_dma2 semaphore(%arg23 : memref<!tpu.dma_semaphore, #tpu.memory_space<semaphore_mem>>) src(%dma_wait3A_85 : memref<800xf32, #tpu.memory_space<hbm>>) dst(%arg13 : memref<800xf32, #tpu.memory_space<vmem>>)
    %add3A_86 = arith.constant 3200000 : i32
    %add3A_87 = arith.addi %add3A_86, %add3A_81 : i32
    %dma_wait3A_88 = tpu.memref_slice %arg2[%add3A_87] : memref<6400000xi32, #tpu.memory_space<hbm>> -> memref<800xi32, #tpu.memory_space<hbm>>
    %dma_wait3A_89 = tpu.memref_slice %arg2[%add3A_87] : memref<6400000xi32, #tpu.memory_space<hbm>> -> memref<800xi32, #tpu.memory_space<hbm>>
    tpu.wait_dma2 semaphore(%arg25 : memref<!tpu.dma_semaphore, #tpu.memory_space<semaphore_mem>>) src(%dma_wait3A_89 : memref<800xi32, #tpu.memory_space<hbm>>) dst(%arg15 : memref<800xi32, #tpu.memory_space<vmem>>)
    %scan3A_90 = arith.constant 0 : i32
    %scan3A_91 = arith.constant 50 : i32
    %scan3A_92 = arith.addi %scan3A_90, %scan3A_91 : i32
    %scan3A_93 = arith.constant 1 : i32
    scf.for %scan3A_296 = %scan3A_90 to %scan3A_92 step %scan3A_93  : i32 {
      %mul3A_297 = arith.constant 16 : i32
      %mul3A_298 = arith.muli %scan3A_296, %mul3A_297 : i32
      %add3A_299 = arith.constant 0 : i32
      %add3A_300 = arith.addi %add3A_299, %mul3A_298 : i32
      %get3A = arith.index_cast %add3A_300 : i32 to index
      %get3A_301 = tpu.vector_load %arg11[%get3A] {strides = array<i32>} : memref<800xi32, #tpu.memory_space<vmem>>, vector<16xi32>,
      %gather3A = tpu.vector_load_idx %arg7[%get3A_301] : memref<102400xi32, #tpu.memory_space<vmem>>[vector<16xi32>], vector<16xi32>,
      %get3A_302 = arith.index_cast %add3A_300 : i32 to index
      %get3A_303 = tpu.vector_load %arg13[%get3A_302] {strides = array<i32>} : memref<800xf32, #tpu.memory_space<vmem>>, vector<16xf32>,
      %shift_left3A = arith.constant 16 : i32
      %shift_left3A_304 = vector.broadcast %shift_left3A : i32 to vector<16xi32>
      %shift_left3A_305 = arith.shli %gather3A, %shift_left3A_304 : vector<16xi32>
      %bitcast3A = vector.bitcast %shift_left3A_305 : vector<16xi32> to vector<16xf32>
      %mul3A_306 = arith.mulf %bitcast3A, %get3A_303 : vector<16xf32>
      %swap3A = arith.index_cast %add3A_300 : i32 to index
      %swap3A_307 = tpu.vector_load %arg19[%swap3A] {strides = array<i32>} : memref<800xf32, #tpu.memory_space<vmem>>, vector<16xf32>,
      tpu.vector_store %arg19[%swap3A], %mul3A_306 {strides = array<i32>} : memref<800xf32, #tpu.memory_space<vmem>>, vector<16xf32>,
      %and3A = arith.constant -65536 : i32
      %and3A_308 = vector.broadcast %and3A : i32 to vector<16xi32>
      %and3A_309 = arith.andi %gather3A, %and3A_308 : vector<16xi32>
      %bitcast3A_310 = vector.bitcast %and3A_309 : vector<16xi32> to vector<16xf32>
      %mul3A_311 = arith.mulf %bitcast3A_310, %get3A_303 : vector<16xf32>
      %swap3A_312 = arith.index_cast %add3A_300 : i32 to index
      %swap3A_313 = tpu.vector_load %arg21[%swap3A_312] {strides = array<i32>} : memref<800xf32, #tpu.memory_space<vmem>>, vector<16xf32>,
      tpu.vector_store %arg21[%swap3A_312], %mul3A_311 {strides = array<i32>} : memref<800xf32, #tpu.memory_space<vmem>>, vector<16xf32>,
    }
    %scan3A_94 = arith.constant 50 : i32
    %jit3A_95 = arith.constant false
    %jit3A_96 = arith.constant -122 : i32
    %jit3A_97 = arith.constant 3 : i32
    %select_n3A_98 = arith.select %jit3A_95, %jit3A_96, %jit3A_97 : i32
    %mul3A_99 = arith.constant 800 : i32
    %mul3A_100 = arith.muli %select_n3A_98, %mul3A_99 : i32
    %add3A_101 = arith.addi %mul3A_2, %mul3A_100 : i32
    %dma_start3A_102 = tpu.memref_slice %arg2[%add3A_101] : memref<6400000xi32, #tpu.memory_space<hbm>> -> memref<800xi32, #tpu.memory_space<hbm>>
    %dma_start3A_103 = tpu.memref_slice %arg2[%add3A_101] : memref<6400000xi32, #tpu.memory_space<hbm>> -> memref<800xi32, #tpu.memory_space<hbm>>
    tpu.enqueue_dma source(%dma_start3A_103 : memref<800xi32, #tpu.memory_space<hbm>>) target(%arg11 : memref<800xi32, #tpu.memory_space<vmem>>) target_semaphore(%arg23 : memref<!tpu.dma_semaphore, #tpu.memory_space<semaphore_mem>>)
    %dma_start3A_104 = tpu.memref_slice %arg3[%add3A_101] : memref<3200000xf32, #tpu.memory_space<hbm>> -> memref<800xf32, #tpu.memory_space<hbm>>
    %dma_start3A_105 = tpu.memref_slice %arg3[%add3A_101] : memref<3200000xf32, #tpu.memory_space<hbm>> -> memref<800xf32, #tpu.memory_space<hbm>>
    tpu.enqueue_dma source(%dma_start3A_105 : memref<800xf32, #tpu.memory_space<hbm>>) target(%arg13 : memref<800xf32, #tpu.memory_space<vmem>>) target_semaphore(%arg23 : memref<!tpu.dma_semaphore, #tpu.memory_space<semaphore_mem>>)
    %add3A_106 = arith.constant 3200000 : i32
    %add3A_107 = arith.addi %add3A_106, %add3A_101 : i32
    %dma_start3A_108 = tpu.memref_slice %arg2[%add3A_107] : memref<6400000xi32, #tpu.memory_space<hbm>> -> memref<800xi32, #tpu.memory_space<hbm>>
    %dma_start3A_109 = tpu.memref_slice %arg2[%add3A_107] : memref<6400000xi32, #tpu.memory_space<hbm>> -> memref<800xi32, #tpu.memory_space<hbm>>
    tpu.enqueue_dma source(%dma_start3A_109 : memref<800xi32, #tpu.memory_space<hbm>>) target(%arg17 : memref<800xi32, #tpu.memory_space<vmem>>) target_semaphore(%arg27 : memref<!tpu.dma_semaphore, #tpu.memory_space<semaphore_mem>>)
    %dma_start3A_110 = arith.constant 0 : i32
    %dma_start3A_111 = tpu.memref_slice %arg8[%dma_start3A_110] : memref<102400xf32, #tpu.memory_space<vmem_shared>> -> memref<102400xf32, #tpu.memory_space<vmem_shared>>
    tpu.enqueue_indirect_dma source(%arg19 : memref<800xf32, #tpu.memory_space<vmem>>) target(%dma_start3A_111 : memref<102400xf32, #tpu.memory_space<vmem_shared>>) offsets(%arg15 : memref<800xi32, #tpu.memory_space<vmem>>) semaphore(%arg29 : memref<!tpu.dma_semaphore, #tpu.memory_space<semaphore_mem>>) {add = true}
    %dma_start3A_112 = arith.constant 0 : i32
    %dma_start3A_113 = tpu.memref_slice %arg9[%dma_start3A_112] : memref<102400xf32, #tpu.memory_space<vmem_shared>> -> memref<102400xf32, #tpu.memory_space<vmem_shared>>
    tpu.enqueue_indirect_dma source(%arg21 : memref<800xf32, #tpu.memory_space<vmem>>) target(%dma_start3A_113 : memref<102400xf32, #tpu.memory_space<vmem_shared>>) offsets(%arg15 : memref<800xi32, #tpu.memory_space<vmem>>) semaphore(%arg29 : memref<!tpu.dma_semaphore, #tpu.memory_space<semaphore_mem>>) {add = true}
    %scan3A_114 = arith.constant 0 : i32
    %scan3A_115 = arith.constant 30 : i32
    %scan3A_116 = arith.addi %scan3A_114, %scan3A_115 : i32
    %scan3A_117 = arith.constant 1 : i32
    scf.for %scan3A_296 = %scan3A_114 to %scan3A_116 step %scan3A_117  : i32 {
      %mul3A_297 = arith.constant 4 : i32
      %mul3A_298 = arith.muli %scan3A_296, %mul3A_297 : i32
      %add3A_299 = arith.constant 2 : i32
      %add3A_300 = arith.addi %add3A_299, %mul3A_298 : i32
      %add3A_301 = arith.constant 0 : i32
      %add3A_302 = arith.addi %add3A_300, %add3A_301 : i32
      %ge3A = arith.constant 125 : i32
      %ge3A_303 = arith.cmpi sge, %add3A_302, %ge3A : i32
      %sub3A = arith.constant 125 : i32
      %sub3A_304 = arith.subi %add3A_302, %sub3A : i32
      %select_n3A_305 = arith.select %ge3A_303, %sub3A_304, %add3A_302 : i32
      %mul3A_306 = arith.constant 800 : i32
      %mul3A_307 = arith.muli %select_n3A_305, %mul3A_306 : i32
      %add3A_308 = arith.addi %mul3A_2, %mul3A_307 : i32
      %dma_wait3A_309 = tpu.memref_slice %arg2[%add3A_308] : memref<6400000xi32, #tpu.memory_space<hbm>> -> memref<800xi32, #tpu.memory_space<hbm>>
      %dma_wait3A_310 = tpu.memref_slice %arg2[%add3A_308] : memref<6400000xi32, #tpu.memory_space<hbm>> -> memref<800xi32, #tpu.memory_space<hbm>>
      tpu.wait_dma2 semaphore(%arg22 : memref<!tpu.dma_semaphore, #tpu.memory_space<semaphore_mem>>) src(%dma_wait3A_310 : memref<800xi32, #tpu.memory_space<hbm>>) dst(%arg10 : memref<800xi32, #tpu.memory_space<vmem>>)
      %dma_wait3A_311 = tpu.memref_slice %arg3[%add3A_308] : memref<3200000xf32, #tpu.memory_space<hbm>> -> memref<800xf32, #tpu.memory_space<hbm>>
      %dma_wait3A_312 = tpu.memref_slice %arg3[%add3A_308] : memref<3200000xf32, #tpu.memory_space<hbm>> -> memref<800xf32, #tpu.memory_space<hbm>>
      tpu.wait_dma2 semaphore(%arg22 : memref<!tpu.dma_semaphore, #tpu.memory_space<semaphore_mem>>) src(%dma_wait3A_312 : memref<800xf32, #tpu.memory_space<hbm>>) dst(%arg12 : memref<800xf32, #tpu.memory_space<vmem>>)
      %add3A_313 = arith.constant 3200000 : i32
      %add3A_314 = arith.addi %add3A_313, %add3A_308 : i32
      %dma_wait3A_315 = tpu.memref_slice %arg2[%add3A_314] : memref<6400000xi32, #tpu.memory_space<hbm>> -> memref<800xi32, #tpu.memory_space<hbm>>
      %dma_wait3A_316 = tpu.memref_slice %arg2[%add3A_314] : memref<6400000xi32, #tpu.memory_space<hbm>> -> memref<800xi32, #tpu.memory_space<hbm>>
      tpu.wait_dma2 semaphore(%arg26 : memref<!tpu.dma_semaphore, #tpu.memory_space<semaphore_mem>>) src(%dma_wait3A_316 : memref<800xi32, #tpu.memory_space<hbm>>) dst(%arg16 : memref<800xi32, #tpu.memory_space<vmem>>)
      %dma_wait3A_317 = arith.constant 0 : i32
      %dma_wait3A_318 = tpu.memref_slice %arg8[%dma_wait3A_317] : memref<102400xf32, #tpu.memory_space<vmem_shared>> -> memref<102400xf32, #tpu.memory_space<vmem_shared>>
      tpu.wait_indirect_dma semaphore(%arg28 : memref<!tpu.dma_semaphore, #tpu.memory_space<semaphore_mem>>) src(%arg18 : memref<800xf32, #tpu.memory_space<vmem>>) dst(%dma_wait3A_318 : memref<102400xf32, #tpu.memory_space<vmem_shared>>)
      %dma_wait3A_319 = arith.constant 0 : i32
      %dma_wait3A_320 = tpu.memref_slice %arg9[%dma_wait3A_319] : memref<102400xf32, #tpu.memory_space<vmem_shared>> -> memref<102400xf32, #tpu.memory_space<vmem_shared>>
      tpu.wait_indirect_dma semaphore(%arg28 : memref<!tpu.dma_semaphore, #tpu.memory_space<semaphore_mem>>) src(%arg20 : memref<800xf32, #tpu.memory_space<vmem>>) dst(%dma_wait3A_320 : memref<102400xf32, #tpu.memory_space<vmem_shared>>)
      %scan3A_321 = arith.constant 0 : i32
      %scan3A_322 = arith.constant 50 : i32
      %scan3A_323 = arith.addi %scan3A_321, %scan3A_322 : i32
      %scan3A_324 = arith.constant 1 : i32
      scf.for %scan3A_495 = %scan3A_321 to %scan3A_323 step %scan3A_324  : i32 {
        %mul3A_496 = arith.constant 16 : i32
        %mul3A_497 = arith.muli %scan3A_495, %mul3A_496 : i32
        %add3A_498 = arith.constant 0 : i32
        %add3A_499 = arith.addi %add3A_498, %mul3A_497 : i32
        %get3A = arith.index_cast %add3A_499 : i32 to index
        %get3A_500 = tpu.vector_load %arg10[%get3A] {strides = array<i32>} : memref<800xi32, #tpu.memory_space<vmem>>, vector<16xi32>,
        %gather3A = tpu.vector_load_idx %arg7[%get3A_500] : memref<102400xi32, #tpu.memory_space<vmem>>[vector<16xi32>], vector<16xi32>,
        %get3A_501 = arith.index_cast %add3A_499 : i32 to index
        %get3A_502 = tpu.vector_load %arg12[%get3A_501] {strides = array<i32>} : memref<800xf32, #tpu.memory_space<vmem>>, vector<16xf32>,
        %shift_left3A = arith.constant 16 : i32
        %shift_left3A_503 = vector.broadcast %shift_left3A : i32 to vector<16xi32>
        %shift_left3A_504 = arith.shli %gather3A, %shift_left3A_503 : vector<16xi32>
        %bitcast3A = vector.bitcast %shift_left3A_504 : vector<16xi32> to vector<16xf32>
        %mul3A_505 = arith.mulf %bitcast3A, %get3A_502 : vector<16xf32>
        %swap3A = arith.index_cast %add3A_499 : i32 to index
        %swap3A_506 = tpu.vector_load %arg18[%swap3A] {strides = array<i32>} : memref<800xf32, #tpu.memory_space<vmem>>, vector<16xf32>,
        tpu.vector_store %arg18[%swap3A], %mul3A_505 {strides = array<i32>} : memref<800xf32, #tpu.memory_space<vmem>>, vector<16xf32>,
        %and3A = arith.constant -65536 : i32
        %and3A_507 = vector.broadcast %and3A : i32 to vector<16xi32>
        %and3A_508 = arith.andi %gather3A, %and3A_507 : vector<16xi32>
        %bitcast3A_509 = vector.bitcast %and3A_508 : vector<16xi32> to vector<16xf32>
        %mul3A_510 = arith.mulf %bitcast3A_509, %get3A_502 : vector<16xf32>
        %swap3A_511 = arith.index_cast %add3A_499 : i32 to index
        %swap3A_512 = tpu.vector_load %arg20[%swap3A_511] {strides = array<i32>} : memref<800xf32, #tpu.memory_space<vmem>>, vector<16xf32>,
        tpu.vector_store %arg20[%swap3A_511], %mul3A_510 {strides = array<i32>} : memref<800xf32, #tpu.memory_space<vmem>>, vector<16xf32>,
      }
      %scan3A_325 = arith.constant 50 : i32
      %add3A_326 = arith.constant 2 : i32
      %add3A_327 = arith.addi %add3A_302, %add3A_326 : i32
      %ge3A_328 = arith.constant 125 : i32
      %ge3A_329 = arith.cmpi sge, %add3A_327, %ge3A_328 : i32
      %sub3A_330 = arith.constant 125 : i32
      %sub3A_331 = arith.subi %add3A_327, %sub3A_330 : i32
      %select_n3A_332 = arith.select %ge3A_329, %sub3A_331, %add3A_327 : i32
      %mul3A_333 = arith.constant 800 : i32
      %mul3A_334 = arith.muli %select_n3A_332, %mul3A_333 : i32
      %add3A_335 = arith.addi %mul3A_2, %mul3A_334 : i32
      %dma_start3A_336 = tpu.memref_slice %arg2[%add3A_335] : memref<6400000xi32, #tpu.memory_space<hbm>> -> memref<800xi32, #tpu.memory_space<hbm>>
      %dma_start3A_337 = tpu.memref_slice %arg2[%add3A_335] : memref<6400000xi32, #tpu.memory_space<hbm>> -> memref<800xi32, #tpu.memory_space<hbm>>
      tpu.enqueue_dma source(%dma_start3A_337 : memref<800xi32, #tpu.memory_space<hbm>>) target(%arg10 : memref<800xi32, #tpu.memory_space<vmem>>) target_semaphore(%arg22 : memref<!tpu.dma_semaphore, #tpu.memory_space<semaphore_mem>>)
      %dma_start3A_338 = tpu.memref_slice %arg3[%add3A_335] : memref<3200000xf32, #tpu.memory_space<hbm>> -> memref<800xf32, #tpu.memory_space<hbm>>
      %dma_start3A_339 = tpu.memref_slice %arg3[%add3A_335] : memref<3200000xf32, #tpu.memory_space<hbm>> -> memref<800xf32, #tpu.memory_space<hbm>>
      tpu.enqueue_dma source(%dma_start3A_339 : memref<800xf32, #tpu.memory_space<hbm>>) target(%arg12 : memref<800xf32, #tpu.memory_space<vmem>>) target_semaphore(%arg22 : memref<!tpu.dma_semaphore, #tpu.memory_space<semaphore_mem>>)
      %add3A_340 = arith.constant 3200000 : i32
      %add3A_341 = arith.addi %add3A_340, %add3A_335 : i32
      %dma_start3A_342 = tpu.memref_slice %arg2[%add3A_341] : memref<6400000xi32, #tpu.memory_space<hbm>> -> memref<800xi32, #tpu.memory_space<hbm>>
      %dma_start3A_343 = tpu.memref_slice %arg2[%add3A_341] : memref<6400000xi32, #tpu.memory_space<hbm>> -> memref<800xi32, #tpu.memory_space<hbm>>
      tpu.enqueue_dma source(%dma_start3A_343 : memref<800xi32, #tpu.memory_space<hbm>>) target(%arg14 : memref<800xi32, #tpu.memory_space<vmem>>) target_semaphore(%arg24 : memref<!tpu.dma_semaphore, #tpu.memory_space<semaphore_mem>>)
      %dma_start3A_344 = arith.constant 0 : i32
      %dma_start3A_345 = tpu.memref_slice %arg8[%dma_start3A_344] : memref<102400xf32, #tpu.memory_space<vmem_shared>> -> memref<102400xf32, #tpu.memory_space<vmem_shared>>
      tpu.enqueue_indirect_dma source(%arg18 : memref<800xf32, #tpu.memory_space<vmem>>) target(%dma_start3A_345 : memref<102400xf32, #tpu.memory_space<vmem_shared>>) offsets(%arg16 : memref<800xi32, #tpu.memory_space<vmem>>) semaphore(%arg28 : memref<!tpu.dma_semaphore, #tpu.memory_space<semaphore_mem>>) {add = true}
      %dma_start3A_346 = arith.constant 0 : i32
      %dma_start3A_347 = tpu.memref_slice %arg9[%dma_start3A_346] : memref<102400xf32, #tpu.memory_space<vmem_shared>> -> memref<102400xf32, #tpu.memory_space<vmem_shared>>
      tpu.enqueue_indirect_dma source(%arg20 : memref<800xf32, #tpu.memory_space<vmem>>) target(%dma_start3A_347 : memref<102400xf32, #tpu.memory_space<vmem_shared>>) offsets(%arg16 : memref<800xi32, #tpu.memory_space<vmem>>) semaphore(%arg28 : memref<!tpu.dma_semaphore, #tpu.memory_space<semaphore_mem>>) {add = true}
      %add3A_348 = arith.constant 1 : i32
      %add3A_349 = arith.addi %add3A_300, %add3A_348 : i32
      %ge3A_350 = arith.constant 125 : i32
      %ge3A_351 = arith.cmpi sge, %add3A_349, %ge3A_350 : i32
      %sub3A_352 = arith.constant 125 : i32
      %sub3A_353 = arith.subi %add3A_349, %sub3A_352 : i32
      %select_n3A_354 = arith.select %ge3A_351, %sub3A_353, %add3A_349 : i32
      %mul3A_355 = arith.constant 800 : i32
      %mul3A_356 = arith.muli %select_n3A_354, %mul3A_355 : i32
      %add3A_357 = arith.addi %mul3A_2, %mul3A_356 : i32
      %dma_wait3A_358 = tpu.memref_slice %arg2[%add3A_357] : memref<6400000xi32, #tpu.memory_space<hbm>> -> memref<800xi32, #tpu.memory_space<hbm>>
      %dma_wait3A_359 = tpu.memref_slice %arg2[%add3A_357] : memref<6400000xi32, #tpu.memory_space<hbm>> -> memref<800xi32, #tpu.memory_space<hbm>>
      tpu.wait_dma2 semaphore(%arg23 : memref<!tpu.dma_semaphore, #tpu.memory_space<semaphore_mem>>) src(%dma_wait3A_359 : memref<800xi32, #tpu.memory_space<hbm>>) dst(%arg11 : memref<800xi32, #tpu.memory_space<vmem>>)
      %dma_wait3A_360 = tpu.memref_slice %arg3[%add3A_357] : memref<3200000xf32, #tpu.memory_space<hbm>> -> memref<800xf32, #tpu.memory_space<hbm>>
      %dma_wait3A_361 = tpu.memref_slice %arg3[%add3A_357] : memref<3200000xf32, #tpu.memory_space<hbm>> -> memref<800xf32, #tpu.memory_space<hbm>>
      tpu.wait_dma2 semaphore(%arg23 : memref<!tpu.dma_semaphore, #tpu.memory_space<semaphore_mem>>) src(%dma_wait3A_361 : memref<800xf32, #tpu.memory_space<hbm>>) dst(%arg13 : memref<800xf32, #tpu.memory_space<vmem>>)
      %add3A_362 = arith.constant 3200000 : i32
      %add3A_363 = arith.addi %add3A_362, %add3A_357 : i32
      %dma_wait3A_364 = tpu.memref_slice %arg2[%add3A_363] : memref<6400000xi32, #tpu.memory_space<hbm>> -> memref<800xi32, #tpu.memory_space<hbm>>
      %dma_wait3A_365 = tpu.memref_slice %arg2[%add3A_363] : memref<6400000xi32, #tpu.memory_space<hbm>> -> memref<800xi32, #tpu.memory_space<hbm>>
      tpu.wait_dma2 semaphore(%arg27 : memref<!tpu.dma_semaphore, #tpu.memory_space<semaphore_mem>>) src(%dma_wait3A_365 : memref<800xi32, #tpu.memory_space<hbm>>) dst(%arg17 : memref<800xi32, #tpu.memory_space<vmem>>)
      %dma_wait3A_366 = arith.constant 0 : i32
      %dma_wait3A_367 = tpu.memref_slice %arg8[%dma_wait3A_366] : memref<102400xf32, #tpu.memory_space<vmem_shared>> -> memref<102400xf32, #tpu.memory_space<vmem_shared>>
      tpu.wait_indirect_dma semaphore(%arg29 : memref<!tpu.dma_semaphore, #tpu.memory_space<semaphore_mem>>) src(%arg19 : memref<800xf32, #tpu.memory_space<vmem>>) dst(%dma_wait3A_367 : memref<102400xf32, #tpu.memory_space<vmem_shared>>)
      %dma_wait3A_368 = arith.constant 0 : i32
      %dma_wait3A_369 = tpu.memref_slice %arg9[%dma_wait3A_368] : memref<102400xf32, #tpu.memory_space<vmem_shared>> -> memref<102400xf32, #tpu.memory_space<vmem_shared>>
      tpu.wait_indirect_dma semaphore(%arg29 : memref<!tpu.dma_semaphore, #tpu.memory_space<semaphore_mem>>) src(%arg21 : memref<800xf32, #tpu.memory_space<vmem>>) dst(%dma_wait3A_369 : memref<102400xf32, #tpu.memory_space<vmem_shared>>)
      %scan3A_370 = arith.constant 0 : i32
      %scan3A_371 = arith.constant 50 : i32
      %scan3A_372 = arith.addi %scan3A_370, %scan3A_371 : i32
      %scan3A_373 = arith.constant 1 : i32
      scf.for %scan3A_495 = %scan3A_370 to %scan3A_372 step %scan3A_373  : i32 {
        %mul3A_496 = arith.constant 16 : i32
        %mul3A_497 = arith.muli %scan3A_495, %mul3A_496 : i32
        %add3A_498 = arith.constant 0 : i32
        %add3A_499 = arith.addi %add3A_498, %mul3A_497 : i32
        %get3A = arith.index_cast %add3A_499 : i32 to index
        %get3A_500 = tpu.vector_load %arg11[%get3A] {strides = array<i32>} : memref<800xi32, #tpu.memory_space<vmem>>, vector<16xi32>,
        %gather3A = tpu.vector_load_idx %arg7[%get3A_500] : memref<102400xi32, #tpu.memory_space<vmem>>[vector<16xi32>], vector<16xi32>,
        %get3A_501 = arith.index_cast %add3A_499 : i32 to index
        %get3A_502 = tpu.vector_load %arg13[%get3A_501] {strides = array<i32>} : memref<800xf32, #tpu.memory_space<vmem>>, vector<16xf32>,
        %shift_left3A = arith.constant 16 : i32
        %shift_left3A_503 = vector.broadcast %shift_left3A : i32 to vector<16xi32>
        %shift_left3A_504 = arith.shli %gather3A, %shift_left3A_503 : vector<16xi32>
        %bitcast3A = vector.bitcast %shift_left3A_504 : vector<16xi32> to vector<16xf32>
        %mul3A_505 = arith.mulf %bitcast3A, %get3A_502 : vector<16xf32>
        %swap3A = arith.index_cast %add3A_499 : i32 to index
        %swap3A_506 = tpu.vector_load %arg19[%swap3A] {strides = array<i32>} : memref<800xf32, #tpu.memory_space<vmem>>, vector<16xf32>,
        tpu.vector_store %arg19[%swap3A], %mul3A_505 {strides = array<i32>} : memref<800xf32, #tpu.memory_space<vmem>>, vector<16xf32>,
        %and3A = arith.constant -65536 : i32
        %and3A_507 = vector.broadcast %and3A : i32 to vector<16xi32>
        %and3A_508 = arith.andi %gather3A, %and3A_507 : vector<16xi32>
        %bitcast3A_509 = vector.bitcast %and3A_508 : vector<16xi32> to vector<16xf32>
        %mul3A_510 = arith.mulf %bitcast3A_509, %get3A_502 : vector<16xf32>
        %swap3A_511 = arith.index_cast %add3A_499 : i32 to index
        %swap3A_512 = tpu.vector_load %arg21[%swap3A_511] {strides = array<i32>} : memref<800xf32, #tpu.memory_space<vmem>>, vector<16xf32>,
        tpu.vector_store %arg21[%swap3A_511], %mul3A_510 {strides = array<i32>} : memref<800xf32, #tpu.memory_space<vmem>>, vector<16xf32>,
      }
      %scan3A_374 = arith.constant 50 : i32
      %add3A_375 = arith.constant 2 : i32
      %add3A_376 = arith.addi %add3A_349, %add3A_375 : i32
      %ge3A_377 = arith.constant 125 : i32
      %ge3A_378 = arith.cmpi sge, %add3A_376, %ge3A_377 : i32
      %sub3A_379 = arith.constant 125 : i32
      %sub3A_380 = arith.subi %add3A_376, %sub3A_379 : i32
      %select_n3A_381 = arith.select %ge3A_378, %sub3A_380, %add3A_376 : i32
      %mul3A_382 = arith.constant 800 : i32
      %mul3A_383 = arith.muli %select_n3A_381, %mul3A_382 : i32
      %add3A_384 = arith.addi %mul3A_2, %mul3A_383 : i32
      %dma_start3A_385 = tpu.memref_slice %arg2[%add3A_384] : memref<6400000xi32, #tpu.memory_space<hbm>> -> memref<800xi32, #tpu.memory_space<hbm>>
      %dma_start3A_386 = tpu.memref_slice %arg2[%add3A_384] : memref<6400000xi32, #tpu.memory_space<hbm>> -> memref<800xi32, #tpu.memory_space<hbm>>
      tpu.enqueue_dma source(%dma_start3A_386 : memref<800xi32, #tpu.memory_space<hbm>>) target(%arg11 : memref<800xi32, #tpu.memory_space<vmem>>) target_semaphore(%arg23 : memref<!tpu.dma_semaphore, #tpu.memory_space<semaphore_mem>>)
      %dma_start3A_387 = tpu.memref_slice %arg3[%add3A_384] : memref<3200000xf32, #tpu.memory_space<hbm>> -> memref<800xf32, #tpu.memory_space<hbm>>
      %dma_start3A_388 = tpu.memref_slice %arg3[%add3A_384] : memref<3200000xf32, #tpu.memory_space<hbm>> -> memref<800xf32, #tpu.memory_space<hbm>>
      tpu.enqueue_dma source(%dma_start3A_388 : memref<800xf32, #tpu.memory_space<hbm>>) target(%arg13 : memref<800xf32, #tpu.memory_space<vmem>>) target_semaphore(%arg23 : memref<!tpu.dma_semaphore, #tpu.memory_space<semaphore_mem>>)
      %add3A_389 = arith.constant 3200000 : i32
      %add3A_390 = arith.addi %add3A_389, %add3A_384 : i32
      %dma_start3A_391 = tpu.memref_slice %arg2[%add3A_390] : memref<6400000xi32, #tpu.memory_space<hbm>> -> memref<800xi32, #tpu.memory_space<hbm>>
      %dma_start3A_392 = tpu.memref_slice %arg2[%add3A_390] : memref<6400000xi32, #tpu.memory_space<hbm>> -> memref<800xi32, #tpu.memory_space<hbm>>
      tpu.enqueue_dma source(%dma_start3A_392 : memref<800xi32, #tpu.memory_space<hbm>>) target(%arg15 : memref<800xi32, #tpu.memory_space<vmem>>) target_semaphore(%arg25 : memref<!tpu.dma_semaphore, #tpu.memory_space<semaphore_mem>>)
      %dma_start3A_393 = arith.constant 0 : i32
      %dma_start3A_394 = tpu.memref_slice %arg8[%dma_start3A_393] : memref<102400xf32, #tpu.memory_space<vmem_shared>> -> memref<102400xf32, #tpu.memory_space<vmem_shared>>
      tpu.enqueue_indirect_dma source(%arg19 : memref<800xf32, #tpu.memory_space<vmem>>) target(%dma_start3A_394 : memref<102400xf32, #tpu.memory_space<vmem_shared>>) offsets(%arg17 : memref<800xi32, #tpu.memory_space<vmem>>) semaphore(%arg29 : memref<!tpu.dma_semaphore, #tpu.memory_space<semaphore_mem>>) {add = true}
      %dma_start3A_395 = arith.constant 0 : i32
      %dma_start3A_396 = tpu.memref_slice %arg9[%dma_start3A_395] : memref<102400xf32, #tpu.memory_space<vmem_shared>> -> memref<102400xf32, #tpu.memory_space<vmem_shared>>
      tpu.enqueue_indirect_dma source(%arg21 : memref<800xf32, #tpu.memory_space<vmem>>) target(%dma_start3A_396 : memref<102400xf32, #tpu.memory_space<vmem_shared>>) offsets(%arg17 : memref<800xi32, #tpu.memory_space<vmem>>) semaphore(%arg29 : memref<!tpu.dma_semaphore, #tpu.memory_space<semaphore_mem>>) {add = true}
      %add3A_397 = arith.constant 2 : i32
      %add3A_398 = arith.addi %add3A_300, %add3A_397 : i32
      %ge3A_399 = arith.constant 125 : i32
      %ge3A_400 = arith.cmpi sge, %add3A_398, %ge3A_399 : i32
      %sub3A_401 = arith.constant 125 : i32
      %sub3A_402 = arith.subi %add3A_398, %sub3A_401 : i32
      %select_n3A_403 = arith.select %ge3A_400, %sub3A_402, %add3A_398 : i32
      %mul3A_404 = arith.constant 800 : i32
      %mul3A_405 = arith.muli %select_n3A_403, %mul3A_404 : i32
      %add3A_406 = arith.addi %mul3A_2, %mul3A_405 : i32
      %dma_wait3A_407 = tpu.memref_slice %arg2[%add3A_406] : memref<6400000xi32, #tpu.memory_space<hbm>> -> memref<800xi32, #tpu.memory_space<hbm>>
      %dma_wait3A_408 = tpu.memref_slice %arg2[%add3A_406] : memref<6400000xi32, #tpu.memory_space<hbm>> -> memref<800xi32, #tpu.memory_space<hbm>>
      tpu.wait_dma2 semaphore(%arg22 : memref<!tpu.dma_semaphore, #tpu.memory_space<semaphore_mem>>) src(%dma_wait3A_408 : memref<800xi32, #tpu.memory_space<hbm>>) dst(%arg10 : memref<800xi32, #tpu.memory_space<vmem>>)
      %dma_wait3A_409 = tpu.memref_slice %arg3[%add3A_406] : memref<3200000xf32, #tpu.memory_space<hbm>> -> memref<800xf32, #tpu.memory_space<hbm>>
      %dma_wait3A_410 = tpu.memref_slice %arg3[%add3A_406] : memref<3200000xf32, #tpu.memory_space<hbm>> -> memref<800xf32, #tpu.memory_space<hbm>>
      tpu.wait_dma2 semaphore(%arg22 : memref<!tpu.dma_semaphore, #tpu.memory_space<semaphore_mem>>) src(%dma_wait3A_410 : memref<800xf32, #tpu.memory_space<hbm>>) dst(%arg12 : memref<800xf32, #tpu.memory_space<vmem>>)
      %add3A_411 = arith.constant 3200000 : i32
      %add3A_412 = arith.addi %add3A_411, %add3A_406 : i32
      %dma_wait3A_413 = tpu.memref_slice %arg2[%add3A_412] : memref<6400000xi32, #tpu.memory_space<hbm>> -> memref<800xi32, #tpu.memory_space<hbm>>
      %dma_wait3A_414 = tpu.memref_slice %arg2[%add3A_412] : memref<6400000xi32, #tpu.memory_space<hbm>> -> memref<800xi32, #tpu.memory_space<hbm>>
      tpu.wait_dma2 semaphore(%arg24 : memref<!tpu.dma_semaphore, #tpu.memory_space<semaphore_mem>>) src(%dma_wait3A_414 : memref<800xi32, #tpu.memory_space<hbm>>) dst(%arg14 : memref<800xi32, #tpu.memory_space<vmem>>)
      %dma_wait3A_415 = arith.constant 0 : i32
      %dma_wait3A_416 = tpu.memref_slice %arg8[%dma_wait3A_415] : memref<102400xf32, #tpu.memory_space<vmem_shared>> -> memref<102400xf32, #tpu.memory_space<vmem_shared>>
      tpu.wait_indirect_dma semaphore(%arg28 : memref<!tpu.dma_semaphore, #tpu.memory_space<semaphore_mem>>) src(%arg18 : memref<800xf32, #tpu.memory_space<vmem>>) dst(%dma_wait3A_416 : memref<102400xf32, #tpu.memory_space<vmem_shared>>)
      %dma_wait3A_417 = arith.constant 0 : i32
      %dma_wait3A_418 = tpu.memref_slice %arg9[%dma_wait3A_417] : memref<102400xf32, #tpu.memory_space<vmem_shared>> -> memref<102400xf32, #tpu.memory_space<vmem_shared>>
      tpu.wait_indirect_dma semaphore(%arg28 : memref<!tpu.dma_semaphore, #tpu.memory_space<semaphore_mem>>) src(%arg20 : memref<800xf32, #tpu.memory_space<vmem>>) dst(%dma_wait3A_418 : memref<102400xf32, #tpu.memory_space<vmem_shared>>)
      %scan3A_419 = arith.constant 0 : i32
      %scan3A_420 = arith.constant 50 : i32
      %scan3A_421 = arith.addi %scan3A_419, %scan3A_420 : i32
      %scan3A_422 = arith.constant 1 : i32
      scf.for %scan3A_495 = %scan3A_419 to %scan3A_421 step %scan3A_422  : i32 {
        %mul3A_496 = arith.constant 16 : i32
        %mul3A_497 = arith.muli %scan3A_495, %mul3A_496 : i32
        %add3A_498 = arith.constant 0 : i32
        %add3A_499 = arith.addi %add3A_498, %mul3A_497 : i32
        %get3A = arith.index_cast %add3A_499 : i32 to index
        %get3A_500 = tpu.vector_load %arg10[%get3A] {strides = array<i32>} : memref<800xi32, #tpu.memory_space<vmem>>, vector<16xi32>,
        %gather3A = tpu.vector_load_idx %arg7[%get3A_500] : memref<102400xi32, #tpu.memory_space<vmem>>[vector<16xi32>], vector<16xi32>,
        %get3A_501 = arith.index_cast %add3A_499 : i32 to index
        %get3A_502 = tpu.vector_load %arg12[%get3A_501] {strides = array<i32>} : memref<800xf32, #tpu.memory_space<vmem>>, vector<16xf32>,
        %shift_left3A = arith.constant 16 : i32
        %shift_left3A_503 = vector.broadcast %shift_left3A : i32 to vector<16xi32>
        %shift_left3A_504 = arith.shli %gather3A, %shift_left3A_503 : vector<16xi32>
        %bitcast3A = vector.bitcast %shift_left3A_504 : vector<16xi32> to vector<16xf32>
        %mul3A_505 = arith.mulf %bitcast3A, %get3A_502 : vector<16xf32>
        %swap3A = arith.index_cast %add3A_499 : i32 to index
        %swap3A_506 = tpu.vector_load %arg18[%swap3A] {strides = array<i32>} : memref<800xf32, #tpu.memory_space<vmem>>, vector<16xf32>,
        tpu.vector_store %arg18[%swap3A], %mul3A_505 {strides = array<i32>} : memref<800xf32, #tpu.memory_space<vmem>>, vector<16xf32>,
        %and3A = arith.constant -65536 : i32
        %and3A_507 = vector.broadcast %and3A : i32 to vector<16xi32>
        %and3A_508 = arith.andi %gather3A, %and3A_507 : vector<16xi32>
        %bitcast3A_509 = vector.bitcast %and3A_508 : vector<16xi32> to vector<16xf32>
        %mul3A_510 = arith.mulf %bitcast3A_509, %get3A_502 : vector<16xf32>
        %swap3A_511 = arith.index_cast %add3A_499 : i32 to index
        %swap3A_512 = tpu.vector_load %arg20[%swap3A_511] {strides = array<i32>} : memref<800xf32, #tpu.memory_space<vmem>>, vector<16xf32>,
        tpu.vector_store %arg20[%swap3A_511], %mul3A_510 {strides = array<i32>} : memref<800xf32, #tpu.memory_space<vmem>>, vector<16xf32>,
      }
      %scan3A_423 = arith.constant 50 : i32
      %add3A_424 = arith.constant 2 : i32
      %add3A_425 = arith.addi %add3A_398, %add3A_424 : i32
      %ge3A_426 = arith.constant 125 : i32
      %ge3A_427 = arith.cmpi sge, %add3A_425, %ge3A_426 : i32
      %sub3A_428 = arith.constant 125 : i32
      %sub3A_429 = arith.subi %add3A_425, %sub3A_428 : i32
      %select_n3A_430 = arith.select %ge3A_427, %sub3A_429, %add3A_425 : i32
      %mul3A_431 = arith.constant 800 : i32
      %mul3A_432 = arith.muli %select_n3A_430, %mul3A_431 : i32
      %add3A_433 = arith.addi %mul3A_2, %mul3A_432 : i32
      %dma_start3A_434 = tpu.memref_slice %arg2[%add3A_433] : memref<6400000xi32, #tpu.memory_space<hbm>> -> memref<800xi32, #tpu.memory_space<hbm>>
      %dma_start3A_435 = tpu.memref_slice %arg2[%add3A_433] : memref<6400000xi32, #tpu.memory_space<hbm>> -> memref<800xi32, #tpu.memory_space<hbm>>
      tpu.enqueue_dma source(%dma_start3A_435 : memref<800xi32, #tpu.memory_space<hbm>>) target(%arg10 : memref<800xi32, #tpu.memory_space<vmem>>) target_semaphore(%arg22 : memref<!tpu.dma_semaphore, #tpu.memory_space<semaphore_mem>>)
      %dma_start3A_436 = tpu.memref_slice %arg3[%add3A_433] : memref<3200000xf32, #tpu.memory_space<hbm>> -> memref<800xf32, #tpu.memory_space<hbm>>
      %dma_start3A_437 = tpu.memref_slice %arg3[%add3A_433] : memref<3200000xf32, #tpu.memory_space<hbm>> -> memref<800xf32, #tpu.memory_space<hbm>>
      tpu.enqueue_dma source(%dma_start3A_437 : memref<800xf32, #tpu.memory_space<hbm>>) target(%arg12 : memref<800xf32, #tpu.memory_space<vmem>>) target_semaphore(%arg22 : memref<!tpu.dma_semaphore, #tpu.memory_space<semaphore_mem>>)
      %add3A_438 = arith.constant 3200000 : i32
      %add3A_439 = arith.addi %add3A_438, %add3A_433 : i32
      %dma_start3A_440 = tpu.memref_slice %arg2[%add3A_439] : memref<6400000xi32, #tpu.memory_space<hbm>> -> memref<800xi32, #tpu.memory_space<hbm>>
      %dma_start3A_441 = tpu.memref_slice %arg2[%add3A_439] : memref<6400000xi32, #tpu.memory_space<hbm>> -> memref<800xi32, #tpu.memory_space<hbm>>
      tpu.enqueue_dma source(%dma_start3A_441 : memref<800xi32, #tpu.memory_space<hbm>>) target(%arg16 : memref<800xi32, #tpu.memory_space<vmem>>) target_semaphore(%arg26 : memref<!tpu.dma_semaphore, #tpu.memory_space<semaphore_mem>>)
      %dma_start3A_442 = arith.constant 0 : i32
      %dma_start3A_443 = tpu.memref_slice %arg8[%dma_start3A_442] : memref<102400xf32, #tpu.memory_space<vmem_shared>> -> memref<102400xf32, #tpu.memory_space<vmem_shared>>
      tpu.enqueue_indirect_dma source(%arg18 : memref<800xf32, #tpu.memory_space<vmem>>) target(%dma_start3A_443 : memref<102400xf32, #tpu.memory_space<vmem_shared>>) offsets(%arg14 : memref<800xi32, #tpu.memory_space<vmem>>) semaphore(%arg28 : memref<!tpu.dma_semaphore, #tpu.memory_space<semaphore_mem>>) {add = true}
      %dma_start3A_444 = arith.constant 0 : i32
      %dma_start3A_445 = tpu.memref_slice %arg9[%dma_start3A_444] : memref<102400xf32, #tpu.memory_space<vmem_shared>> -> memref<102400xf32, #tpu.memory_space<vmem_shared>>
      tpu.enqueue_indirect_dma source(%arg20 : memref<800xf32, #tpu.memory_space<vmem>>) target(%dma_start3A_445 : memref<102400xf32, #tpu.memory_space<vmem_shared>>) offsets(%arg14 : memref<800xi32, #tpu.memory_space<vmem>>) semaphore(%arg28 : memref<!tpu.dma_semaphore, #tpu.memory_space<semaphore_mem>>) {add = true}
      %add3A_446 = arith.constant 3 : i32
      %add3A_447 = arith.addi %add3A_300, %add3A_446 : i32
      %ge3A_448 = arith.constant 125 : i32
      %ge3A_449 = arith.cmpi sge, %add3A_447, %ge3A_448 : i32
      %sub3A_450 = arith.constant 125 : i32
      %sub3A_451 = arith.subi %add3A_447, %sub3A_450 : i32
      %select_n3A_452 = arith.select %ge3A_449, %sub3A_451, %add3A_447 : i32
      %mul3A_453 = arith.constant 800 : i32
      %mul3A_454 = arith.muli %select_n3A_452, %mul3A_453 : i32
      %add3A_455 = arith.addi %mul3A_2, %mul3A_454 : i32
      %dma_wait3A_456 = tpu.memref_slice %arg2[%add3A_455] : memref<6400000xi32, #tpu.memory_space<hbm>> -> memref<800xi32, #tpu.memory_space<hbm>>
      %dma_wait3A_457 = tpu.memref_slice %arg2[%add3A_455] : memref<6400000xi32, #tpu.memory_space<hbm>> -> memref<800xi32, #tpu.memory_space<hbm>>
      tpu.wait_dma2 semaphore(%arg23 : memref<!tpu.dma_semaphore, #tpu.memory_space<semaphore_mem>>) src(%dma_wait3A_457 : memref<800xi32, #tpu.memory_space<hbm>>) dst(%arg11 : memref<800xi32, #tpu.memory_space<vmem>>)
      %dma_wait3A_458 = tpu.memref_slice %arg3[%add3A_455] : memref<3200000xf32, #tpu.memory_space<hbm>> -> memref<800xf32, #tpu.memory_space<hbm>>
      %dma_wait3A_459 = tpu.memref_slice %arg3[%add3A_455] : memref<3200000xf32, #tpu.memory_space<hbm>> -> memref<800xf32, #tpu.memory_space<hbm>>
      tpu.wait_dma2 semaphore(%arg23 : memref<!tpu.dma_semaphore, #tpu.memory_space<semaphore_mem>>) src(%dma_wait3A_459 : memref<800xf32, #tpu.memory_space<hbm>>) dst(%arg13 : memref<800xf32, #tpu.memory_space<vmem>>)
      %add3A_460 = arith.constant 3200000 : i32
      %add3A_461 = arith.addi %add3A_460, %add3A_455 : i32
      %dma_wait3A_462 = tpu.memref_slice %arg2[%add3A_461] : memref<6400000xi32, #tpu.memory_space<hbm>> -> memref<800xi32, #tpu.memory_space<hbm>>
      %dma_wait3A_463 = tpu.memref_slice %arg2[%add3A_461] : memref<6400000xi32, #tpu.memory_space<hbm>> -> memref<800xi32, #tpu.memory_space<hbm>>
      tpu.wait_dma2 semaphore(%arg25 : memref<!tpu.dma_semaphore, #tpu.memory_space<semaphore_mem>>) src(%dma_wait3A_463 : memref<800xi32, #tpu.memory_space<hbm>>) dst(%arg15 : memref<800xi32, #tpu.memory_space<vmem>>)
      %dma_wait3A_464 = arith.constant 0 : i32
      %dma_wait3A_465 = tpu.memref_slice %arg8[%dma_wait3A_464] : memref<102400xf32, #tpu.memory_space<vmem_shared>> -> memref<102400xf32, #tpu.memory_space<vmem_shared>>
      tpu.wait_indirect_dma semaphore(%arg29 : memref<!tpu.dma_semaphore, #tpu.memory_space<semaphore_mem>>) src(%arg19 : memref<800xf32, #tpu.memory_space<vmem>>) dst(%dma_wait3A_465 : memref<102400xf32, #tpu.memory_space<vmem_shared>>)
      %dma_wait3A_466 = arith.constant 0 : i32
      %dma_wait3A_467 = tpu.memref_slice %arg9[%dma_wait3A_466] : memref<102400xf32, #tpu.memory_space<vmem_shared>> -> memref<102400xf32, #tpu.memory_space<vmem_shared>>
      tpu.wait_indirect_dma semaphore(%arg29 : memref<!tpu.dma_semaphore, #tpu.memory_space<semaphore_mem>>) src(%arg21 : memref<800xf32, #tpu.memory_space<vmem>>) dst(%dma_wait3A_467 : memref<102400xf32, #tpu.memory_space<vmem_shared>>)
      %scan3A_468 = arith.constant 0 : i32
      %scan3A_469 = arith.constant 50 : i32
      %scan3A_470 = arith.addi %scan3A_468, %scan3A_469 : i32
      %scan3A_471 = arith.constant 1 : i32
      scf.for %scan3A_495 = %scan3A_468 to %scan3A_470 step %scan3A_471  : i32 {
        %mul3A_496 = arith.constant 16 : i32
        %mul3A_497 = arith.muli %scan3A_495, %mul3A_496 : i32
        %add3A_498 = arith.constant 0 : i32
        %add3A_499 = arith.addi %add3A_498, %mul3A_497 : i32
        %get3A = arith.index_cast %add3A_499 : i32 to index
        %get3A_500 = tpu.vector_load %arg11[%get3A] {strides = array<i32>} : memref<800xi32, #tpu.memory_space<vmem>>, vector<16xi32>,
        %gather3A = tpu.vector_load_idx %arg7[%get3A_500] : memref<102400xi32, #tpu.memory_space<vmem>>[vector<16xi32>], vector<16xi32>,
        %get3A_501 = arith.index_cast %add3A_499 : i32 to index
        %get3A_502 = tpu.vector_load %arg13[%get3A_501] {strides = array<i32>} : memref<800xf32, #tpu.memory_space<vmem>>, vector<16xf32>,
        %shift_left3A = arith.constant 16 : i32
        %shift_left3A_503 = vector.broadcast %shift_left3A : i32 to vector<16xi32>
        %shift_left3A_504 = arith.shli %gather3A, %shift_left3A_503 : vector<16xi32>
        %bitcast3A = vector.bitcast %shift_left3A_504 : vector<16xi32> to vector<16xf32>
        %mul3A_505 = arith.mulf %bitcast3A, %get3A_502 : vector<16xf32>
        %swap3A = arith.index_cast %add3A_499 : i32 to index
        %swap3A_506 = tpu.vector_load %arg19[%swap3A] {strides = array<i32>} : memref<800xf32, #tpu.memory_space<vmem>>, vector<16xf32>,
        tpu.vector_store %arg19[%swap3A], %mul3A_505 {strides = array<i32>} : memref<800xf32, #tpu.memory_space<vmem>>, vector<16xf32>,
        %and3A = arith.constant -65536 : i32
        %and3A_507 = vector.broadcast %and3A : i32 to vector<16xi32>
        %and3A_508 = arith.andi %gather3A, %and3A_507 : vector<16xi32>
        %bitcast3A_509 = vector.bitcast %and3A_508 : vector<16xi32> to vector<16xf32>
        %mul3A_510 = arith.mulf %bitcast3A_509, %get3A_502 : vector<16xf32>
        %swap3A_511 = arith.index_cast %add3A_499 : i32 to index
        %swap3A_512 = tpu.vector_load %arg21[%swap3A_511] {strides = array<i32>} : memref<800xf32, #tpu.memory_space<vmem>>, vector<16xf32>,
        tpu.vector_store %arg21[%swap3A_511], %mul3A_510 {strides = array<i32>} : memref<800xf32, #tpu.memory_space<vmem>>, vector<16xf32>,
      }
      %scan3A_472 = arith.constant 50 : i32
      %add3A_473 = arith.constant 2 : i32
      %add3A_474 = arith.addi %add3A_447, %add3A_473 : i32
      %ge3A_475 = arith.constant 125 : i32
      %ge3A_476 = arith.cmpi sge, %add3A_474, %ge3A_475 : i32
      %sub3A_477 = arith.constant 125 : i32
      %sub3A_478 = arith.subi %add3A_474, %sub3A_477 : i32
      %select_n3A_479 = arith.select %ge3A_476, %sub3A_478, %add3A_474 : i32
      %mul3A_480 = arith.constant 800 : i32
      %mul3A_481 = arith.muli %select_n3A_479, %mul3A_480 : i32
      %add3A_482 = arith.addi %mul3A_2, %mul3A_481 : i32
      %dma_start3A_483 = tpu.memref_slice %arg2[%add3A_482] : memref<6400000xi32, #tpu.memory_space<hbm>> -> memref<800xi32, #tpu.memory_space<hbm>>
      %dma_start3A_484 = tpu.memref_slice %arg2[%add3A_482] : memref<6400000xi32, #tpu.memory_space<hbm>> -> memref<800xi32, #tpu.memory_space<hbm>>
      tpu.enqueue_dma source(%dma_start3A_484 : memref<800xi32, #tpu.memory_space<hbm>>) target(%arg11 : memref<800xi32, #tpu.memory_space<vmem>>) target_semaphore(%arg23 : memref<!tpu.dma_semaphore, #tpu.memory_space<semaphore_mem>>)
      %dma_start3A_485 = tpu.memref_slice %arg3[%add3A_482] : memref<3200000xf32, #tpu.memory_space<hbm>> -> memref<800xf32, #tpu.memory_space<hbm>>
      %dma_start3A_486 = tpu.memref_slice %arg3[%add3A_482] : memref<3200000xf32, #tpu.memory_space<hbm>> -> memref<800xf32, #tpu.memory_space<hbm>>
      tpu.enqueue_dma source(%dma_start3A_486 : memref<800xf32, #tpu.memory_space<hbm>>) target(%arg13 : memref<800xf32, #tpu.memory_space<vmem>>) target_semaphore(%arg23 : memref<!tpu.dma_semaphore, #tpu.memory_space<semaphore_mem>>)
      %add3A_487 = arith.constant 3200000 : i32
      %add3A_488 = arith.addi %add3A_487, %add3A_482 : i32
      %dma_start3A_489 = tpu.memref_slice %arg2[%add3A_488] : memref<6400000xi32, #tpu.memory_space<hbm>> -> memref<800xi32, #tpu.memory_space<hbm>>
      %dma_start3A_490 = tpu.memref_slice %arg2[%add3A_488] : memref<6400000xi32, #tpu.memory_space<hbm>> -> memref<800xi32, #tpu.memory_space<hbm>>
      tpu.enqueue_dma source(%dma_start3A_490 : memref<800xi32, #tpu.memory_space<hbm>>) target(%arg17 : memref<800xi32, #tpu.memory_space<vmem>>) target_semaphore(%arg27 : memref<!tpu.dma_semaphore, #tpu.memory_space<semaphore_mem>>)
      %dma_start3A_491 = arith.constant 0 : i32
      %dma_start3A_492 = tpu.memref_slice %arg8[%dma_start3A_491] : memref<102400xf32, #tpu.memory_space<vmem_shared>> -> memref<102400xf32, #tpu.memory_space<vmem_shared>>
      tpu.enqueue_indirect_dma source(%arg19 : memref<800xf32, #tpu.memory_space<vmem>>) target(%dma_start3A_492 : memref<102400xf32, #tpu.memory_space<vmem_shared>>) offsets(%arg15 : memref<800xi32, #tpu.memory_space<vmem>>) semaphore(%arg29 : memref<!tpu.dma_semaphore, #tpu.memory_space<semaphore_mem>>) {add = true}
      %dma_start3A_493 = arith.constant 0 : i32
      %dma_start3A_494 = tpu.memref_slice %arg9[%dma_start3A_493] : memref<102400xf32, #tpu.memory_space<vmem_shared>> -> memref<102400xf32, #tpu.memory_space<vmem_shared>>
      tpu.enqueue_indirect_dma source(%arg21 : memref<800xf32, #tpu.memory_space<vmem>>) target(%dma_start3A_494 : memref<102400xf32, #tpu.memory_space<vmem_shared>>) offsets(%arg15 : memref<800xi32, #tpu.memory_space<vmem>>) semaphore(%arg29 : memref<!tpu.dma_semaphore, #tpu.memory_space<semaphore_mem>>) {add = true}
    }
    %scan3A_118 = arith.constant 30 : i32
    %jit3A_119 = arith.constant false
    %jit3A_120 = arith.constant -3 : i32
    %jit3A_121 = arith.constant 122 : i32
    %select_n3A_122 = arith.select %jit3A_119, %jit3A_120, %jit3A_121 : i32
    %mul3A_123 = arith.constant 800 : i32
    %mul3A_124 = arith.muli %select_n3A_122, %mul3A_123 : i32
    %add3A_125 = arith.addi %mul3A_2, %mul3A_124 : i32
    %dma_wait3A_126 = tpu.memref_slice %arg2[%add3A_125] : memref<6400000xi32, #tpu.memory_space<hbm>> -> memref<800xi32, #tpu.memory_space<hbm>>
    %dma_wait3A_127 = tpu.memref_slice %arg2[%add3A_125] : memref<6400000xi32, #tpu.memory_space<hbm>> -> memref<800xi32, #tpu.memory_space<hbm>>
    tpu.wait_dma2 semaphore(%arg22 : memref<!tpu.dma_semaphore, #tpu.memory_space<semaphore_mem>>) src(%dma_wait3A_127 : memref<800xi32, #tpu.memory_space<hbm>>) dst(%arg10 : memref<800xi32, #tpu.memory_space<vmem>>)
    %dma_wait3A_128 = tpu.memref_slice %arg3[%add3A_125] : memref<3200000xf32, #tpu.memory_space<hbm>> -> memref<800xf32, #tpu.memory_space<hbm>>
    %dma_wait3A_129 = tpu.memref_slice %arg3[%add3A_125] : memref<3200000xf32, #tpu.memory_space<hbm>> -> memref<800xf32, #tpu.memory_space<hbm>>
    tpu.wait_dma2 semaphore(%arg22 : memref<!tpu.dma_semaphore, #tpu.memory_space<semaphore_mem>>) src(%dma_wait3A_129 : memref<800xf32, #tpu.memory_space<hbm>>) dst(%arg12 : memref<800xf32, #tpu.memory_space<vmem>>)
    %add3A_130 = arith.constant 3200000 : i32
    %add3A_131 = arith.addi %add3A_130, %add3A_125 : i32
    %dma_wait3A_132 = tpu.memref_slice %arg2[%add3A_131] : memref<6400000xi32, #tpu.memory_space<hbm>> -> memref<800xi32, #tpu.memory_space<hbm>>
    %dma_wait3A_133 = tpu.memref_slice %arg2[%add3A_131] : memref<6400000xi32, #tpu.memory_space<hbm>> -> memref<800xi32, #tpu.memory_space<hbm>>
    tpu.wait_dma2 semaphore(%arg26 : memref<!tpu.dma_semaphore, #tpu.memory_space<semaphore_mem>>) src(%dma_wait3A_133 : memref<800xi32, #tpu.memory_space<hbm>>) dst(%arg16 : memref<800xi32, #tpu.memory_space<vmem>>)
    %dma_wait3A_134 = arith.constant 0 : i32
    %dma_wait3A_135 = tpu.memref_slice %arg8[%dma_wait3A_134] : memref<102400xf32, #tpu.memory_space<vmem_shared>> -> memref<102400xf32, #tpu.memory_space<vmem_shared>>
    tpu.wait_indirect_dma semaphore(%arg28 : memref<!tpu.dma_semaphore, #tpu.memory_space<semaphore_mem>>) src(%arg18 : memref<800xf32, #tpu.memory_space<vmem>>) dst(%dma_wait3A_135 : memref<102400xf32, #tpu.memory_space<vmem_shared>>)
    %dma_wait3A_136 = arith.constant 0 : i32
    %dma_wait3A_137 = tpu.memref_slice %arg9[%dma_wait3A_136] : memref<102400xf32, #tpu.memory_space<vmem_shared>> -> memref<102400xf32, #tpu.memory_space<vmem_shared>>
    tpu.wait_indirect_dma semaphore(%arg28 : memref<!tpu.dma_semaphore, #tpu.memory_space<semaphore_mem>>) src(%arg20 : memref<800xf32, #tpu.memory_space<vmem>>) dst(%dma_wait3A_137 : memref<102400xf32, #tpu.memory_space<vmem_shared>>)
    %scan3A_138 = arith.constant 0 : i32
    %scan3A_139 = arith.constant 50 : i32
    %scan3A_140 = arith.addi %scan3A_138, %scan3A_139 : i32
    %scan3A_141 = arith.constant 1 : i32
    scf.for %scan3A_296 = %scan3A_138 to %scan3A_140 step %scan3A_141  : i32 {
      %mul3A_297 = arith.constant 16 : i32
      %mul3A_298 = arith.muli %scan3A_296, %mul3A_297 : i32
      %add3A_299 = arith.constant 0 : i32
      %add3A_300 = arith.addi %add3A_299, %mul3A_298 : i32
      %get3A = arith.index_cast %add3A_300 : i32 to index
      %get3A_301 = tpu.vector_load %arg10[%get3A] {strides = array<i32>} : memref<800xi32, #tpu.memory_space<vmem>>, vector<16xi32>,
      %gather3A = tpu.vector_load_idx %arg7[%get3A_301] : memref<102400xi32, #tpu.memory_space<vmem>>[vector<16xi32>], vector<16xi32>,
      %get3A_302 = arith.index_cast %add3A_300 : i32 to index
      %get3A_303 = tpu.vector_load %arg12[%get3A_302] {strides = array<i32>} : memref<800xf32, #tpu.memory_space<vmem>>, vector<16xf32>,
      %shift_left3A = arith.constant 16 : i32
      %shift_left3A_304 = vector.broadcast %shift_left3A : i32 to vector<16xi32>
      %shift_left3A_305 = arith.shli %gather3A, %shift_left3A_304 : vector<16xi32>
      %bitcast3A = vector.bitcast %shift_left3A_305 : vector<16xi32> to vector<16xf32>
      %mul3A_306 = arith.mulf %bitcast3A, %get3A_303 : vector<16xf32>
      %swap3A = arith.index_cast %add3A_300 : i32 to index
      %swap3A_307 = tpu.vector_load %arg18[%swap3A] {strides = array<i32>} : memref<800xf32, #tpu.memory_space<vmem>>, vector<16xf32>,
      tpu.vector_store %arg18[%swap3A], %mul3A_306 {strides = array<i32>} : memref<800xf32, #tpu.memory_space<vmem>>, vector<16xf32>,
      %and3A = arith.constant -65536 : i32
      %and3A_308 = vector.broadcast %and3A : i32 to vector<16xi32>
      %and3A_309 = arith.andi %gather3A, %and3A_308 : vector<16xi32>
      %bitcast3A_310 = vector.bitcast %and3A_309 : vector<16xi32> to vector<16xf32>
      %mul3A_311 = arith.mulf %bitcast3A_310, %get3A_303 : vector<16xf32>
      %swap3A_312 = arith.index_cast %add3A_300 : i32 to index
      %swap3A_313 = tpu.vector_load %arg20[%swap3A_312] {strides = array<i32>} : memref<800xf32, #tpu.memory_space<vmem>>, vector<16xf32>,
      tpu.vector_store %arg20[%swap3A_312], %mul3A_311 {strides = array<i32>} : memref<800xf32, #tpu.memory_space<vmem>>, vector<16xf32>,
    }
    %scan3A_142 = arith.constant 50 : i32
    %jit3A_143 = arith.constant false
    %jit3A_144 = arith.constant -1 : i32
    %jit3A_145 = arith.constant 124 : i32
    %select_n3A_146 = arith.select %jit3A_143, %jit3A_144, %jit3A_145 : i32
    %mul3A_147 = arith.constant 800 : i32
    %mul3A_148 = arith.muli %select_n3A_146, %mul3A_147 : i32
    %add3A_149 = arith.addi %mul3A_2, %mul3A_148 : i32
    %dma_start3A_150 = tpu.memref_slice %arg2[%add3A_149] : memref<6400000xi32, #tpu.memory_space<hbm>> -> memref<800xi32, #tpu.memory_space<hbm>>
    %dma_start3A_151 = tpu.memref_slice %arg2[%add3A_149] : memref<6400000xi32, #tpu.memory_space<hbm>> -> memref<800xi32, #tpu.memory_space<hbm>>
    tpu.enqueue_dma source(%dma_start3A_151 : memref<800xi32, #tpu.memory_space<hbm>>) target(%arg10 : memref<800xi32, #tpu.memory_space<vmem>>) target_semaphore(%arg22 : memref<!tpu.dma_semaphore, #tpu.memory_space<semaphore_mem>>)
    %dma_start3A_152 = tpu.memref_slice %arg3[%add3A_149] : memref<3200000xf32, #tpu.memory_space<hbm>> -> memref<800xf32, #tpu.memory_space<hbm>>
    %dma_start3A_153 = tpu.memref_slice %arg3[%add3A_149] : memref<3200000xf32, #tpu.memory_space<hbm>> -> memref<800xf32, #tpu.memory_space<hbm>>
    tpu.enqueue_dma source(%dma_start3A_153 : memref<800xf32, #tpu.memory_space<hbm>>) target(%arg12 : memref<800xf32, #tpu.memory_space<vmem>>) target_semaphore(%arg22 : memref<!tpu.dma_semaphore, #tpu.memory_space<semaphore_mem>>)
    %add3A_154 = arith.constant 3200000 : i32
    %add3A_155 = arith.addi %add3A_154, %add3A_149 : i32
    %dma_start3A_156 = tpu.memref_slice %arg2[%add3A_155] : memref<6400000xi32, #tpu.memory_space<hbm>> -> memref<800xi32, #tpu.memory_space<hbm>>
    %dma_start3A_157 = tpu.memref_slice %arg2[%add3A_155] : memref<6400000xi32, #tpu.memory_space<hbm>> -> memref<800xi32, #tpu.memory_space<hbm>>
    tpu.enqueue_dma source(%dma_start3A_157 : memref<800xi32, #tpu.memory_space<hbm>>) target(%arg14 : memref<800xi32, #tpu.memory_space<vmem>>) target_semaphore(%arg24 : memref<!tpu.dma_semaphore, #tpu.memory_space<semaphore_mem>>)
    %dma_start3A_158 = arith.constant 0 : i32
    %dma_start3A_159 = tpu.memref_slice %arg8[%dma_start3A_158] : memref<102400xf32, #tpu.memory_space<vmem_shared>> -> memref<102400xf32, #tpu.memory_space<vmem_shared>>
    tpu.enqueue_indirect_dma source(%arg18 : memref<800xf32, #tpu.memory_space<vmem>>) target(%dma_start3A_159 : memref<102400xf32, #tpu.memory_space<vmem_shared>>) offsets(%arg16 : memref<800xi32, #tpu.memory_space<vmem>>) semaphore(%arg28 : memref<!tpu.dma_semaphore, #tpu.memory_space<semaphore_mem>>) {add = true}
    %dma_start3A_160 = arith.constant 0 : i32
    %dma_start3A_161 = tpu.memref_slice %arg9[%dma_start3A_160] : memref<102400xf32, #tpu.memory_space<vmem_shared>> -> memref<102400xf32, #tpu.memory_space<vmem_shared>>
    tpu.enqueue_indirect_dma source(%arg20 : memref<800xf32, #tpu.memory_space<vmem>>) target(%dma_start3A_161 : memref<102400xf32, #tpu.memory_space<vmem_shared>>) offsets(%arg16 : memref<800xi32, #tpu.memory_space<vmem>>) semaphore(%arg28 : memref<!tpu.dma_semaphore, #tpu.memory_space<semaphore_mem>>) {add = true}
    %jit3A_162 = arith.constant false
    %jit3A_163 = arith.constant -2 : i32
    %jit3A_164 = arith.constant 123 : i32
    %select_n3A_165 = arith.select %jit3A_162, %jit3A_163, %jit3A_164 : i32
    %mul3A_166 = arith.constant 800 : i32
    %mul3A_167 = arith.muli %select_n3A_165, %mul3A_166 : i32
    %add3A_168 = arith.addi %mul3A_2, %mul3A_167 : i32
    %dma_wait3A_169 = tpu.memref_slice %arg2[%add3A_168] : memref<6400000xi32, #tpu.memory_space<hbm>> -> memref<800xi32, #tpu.memory_space<hbm>>
    %dma_wait3A_170 = tpu.memref_slice %arg2[%add3A_168] : memref<6400000xi32, #tpu.memory_space<hbm>> -> memref<800xi32, #tpu.memory_space<hbm>>
    tpu.wait_dma2 semaphore(%arg23 : memref<!tpu.dma_semaphore, #tpu.memory_space<semaphore_mem>>) src(%dma_wait3A_170 : memref<800xi32, #tpu.memory_space<hbm>>) dst(%arg11 : memref<800xi32, #tpu.memory_space<vmem>>)
    %dma_wait3A_171 = tpu.memref_slice %arg3[%add3A_168] : memref<3200000xf32, #tpu.memory_space<hbm>> -> memref<800xf32, #tpu.memory_space<hbm>>
    %dma_wait3A_172 = tpu.memref_slice %arg3[%add3A_168] : memref<3200000xf32, #tpu.memory_space<hbm>> -> memref<800xf32, #tpu.memory_space<hbm>>
    tpu.wait_dma2 semaphore(%arg23 : memref<!tpu.dma_semaphore, #tpu.memory_space<semaphore_mem>>) src(%dma_wait3A_172 : memref<800xf32, #tpu.memory_space<hbm>>) dst(%arg13 : memref<800xf32, #tpu.memory_space<vmem>>)
    %add3A_173 = arith.constant 3200000 : i32
    %add3A_174 = arith.addi %add3A_173, %add3A_168 : i32
    %dma_wait3A_175 = tpu.memref_slice %arg2[%add3A_174] : memref<6400000xi32, #tpu.memory_space<hbm>> -> memref<800xi32, #tpu.memory_space<hbm>>
    %dma_wait3A_176 = tpu.memref_slice %arg2[%add3A_174] : memref<6400000xi32, #tpu.memory_space<hbm>> -> memref<800xi32, #tpu.memory_space<hbm>>
    tpu.wait_dma2 semaphore(%arg27 : memref<!tpu.dma_semaphore, #tpu.memory_space<semaphore_mem>>) src(%dma_wait3A_176 : memref<800xi32, #tpu.memory_space<hbm>>) dst(%arg17 : memref<800xi32, #tpu.memory_space<vmem>>)
    %dma_wait3A_177 = arith.constant 0 : i32
    %dma_wait3A_178 = tpu.memref_slice %arg8[%dma_wait3A_177] : memref<102400xf32, #tpu.memory_space<vmem_shared>> -> memref<102400xf32, #tpu.memory_space<vmem_shared>>
    tpu.wait_indirect_dma semaphore(%arg29 : memref<!tpu.dma_semaphore, #tpu.memory_space<semaphore_mem>>) src(%arg19 : memref<800xf32, #tpu.memory_space<vmem>>) dst(%dma_wait3A_178 : memref<102400xf32, #tpu.memory_space<vmem_shared>>)
    %dma_wait3A_179 = arith.constant 0 : i32
    %dma_wait3A_180 = tpu.memref_slice %arg9[%dma_wait3A_179] : memref<102400xf32, #tpu.memory_space<vmem_shared>> -> memref<102400xf32, #tpu.memory_space<vmem_shared>>
    tpu.wait_indirect_dma semaphore(%arg29 : memref<!tpu.dma_semaphore, #tpu.memory_space<semaphore_mem>>) src(%arg21 : memref<800xf32, #tpu.memory_space<vmem>>) dst(%dma_wait3A_180 : memref<102400xf32, #tpu.memory_space<vmem_shared>>)
    %scan3A_181 = arith.constant 0 : i32
    %scan3A_182 = arith.constant 50 : i32
    %scan3A_183 = arith.addi %scan3A_181, %scan3A_182 : i32
    %scan3A_184 = arith.constant 1 : i32
    scf.for %scan3A_296 = %scan3A_181 to %scan3A_183 step %scan3A_184  : i32 {
      %mul3A_297 = arith.constant 16 : i32
      %mul3A_298 = arith.muli %scan3A_296, %mul3A_297 : i32
      %add3A_299 = arith.constant 0 : i32
      %add3A_300 = arith.addi %add3A_299, %mul3A_298 : i32
      %get3A = arith.index_cast %add3A_300 : i32 to index
      %get3A_301 = tpu.vector_load %arg11[%get3A] {strides = array<i32>} : memref<800xi32, #tpu.memory_space<vmem>>, vector<16xi32>,
      %gather3A = tpu.vector_load_idx %arg7[%get3A_301] : memref<102400xi32, #tpu.memory_space<vmem>>[vector<16xi32>], vector<16xi32>,
      %get3A_302 = arith.index_cast %add3A_300 : i32 to index
      %get3A_303 = tpu.vector_load %arg13[%get3A_302] {strides = array<i32>} : memref<800xf32, #tpu.memory_space<vmem>>, vector<16xf32>,
      %shift_left3A = arith.constant 16 : i32
      %shift_left3A_304 = vector.broadcast %shift_left3A : i32 to vector<16xi32>
      %shift_left3A_305 = arith.shli %gather3A, %shift_left3A_304 : vector<16xi32>
      %bitcast3A = vector.bitcast %shift_left3A_305 : vector<16xi32> to vector<16xf32>
      %mul3A_306 = arith.mulf %bitcast3A, %get3A_303 : vector<16xf32>
      %swap3A = arith.index_cast %add3A_300 : i32 to index
      %swap3A_307 = tpu.vector_load %arg19[%swap3A] {strides = array<i32>} : memref<800xf32, #tpu.memory_space<vmem>>, vector<16xf32>,
      tpu.vector_store %arg19[%swap3A], %mul3A_306 {strides = array<i32>} : memref<800xf32, #tpu.memory_space<vmem>>, vector<16xf32>,
      %and3A = arith.constant -65536 : i32
      %and3A_308 = vector.broadcast %and3A : i32 to vector<16xi32>
      %and3A_309 = arith.andi %gather3A, %and3A_308 : vector<16xi32>
      %bitcast3A_310 = vector.bitcast %and3A_309 : vector<16xi32> to vector<16xf32>
      %mul3A_311 = arith.mulf %bitcast3A_310, %get3A_303 : vector<16xf32>
      %swap3A_312 = arith.index_cast %add3A_300 : i32 to index
      %swap3A_313 = tpu.vector_load %arg21[%swap3A_312] {strides = array<i32>} : memref<800xf32, #tpu.memory_space<vmem>>, vector<16xf32>,
      tpu.vector_store %arg21[%swap3A_312], %mul3A_311 {strides = array<i32>} : memref<800xf32, #tpu.memory_space<vmem>>, vector<16xf32>,
    }
    %scan3A_185 = arith.constant 50 : i32
    %jit3A_186 = arith.constant true
    %jit3A_187 = arith.constant 0 : i32
    %jit3A_188 = arith.constant 125 : i32
    %select_n3A_189 = arith.select %jit3A_186, %jit3A_187, %jit3A_188 : i32
    %mul3A_190 = arith.constant 800 : i32
    %mul3A_191 = arith.muli %select_n3A_189, %mul3A_190 : i32
    %add3A_192 = arith.addi %mul3A_2, %mul3A_191 : i32
    %dma_start3A_193 = tpu.memref_slice %arg2[%add3A_192] : memref<6400000xi32, #tpu.memory_space<hbm>> -> memref<800xi32, #tpu.memory_space<hbm>>
    %dma_start3A_194 = tpu.memref_slice %arg2[%add3A_192] : memref<6400000xi32, #tpu.memory_space<hbm>> -> memref<800xi32, #tpu.memory_space<hbm>>
    tpu.enqueue_dma source(%dma_start3A_194 : memref<800xi32, #tpu.memory_space<hbm>>) target(%arg11 : memref<800xi32, #tpu.memory_space<vmem>>) target_semaphore(%arg23 : memref<!tpu.dma_semaphore, #tpu.memory_space<semaphore_mem>>)
    %dma_start3A_195 = tpu.memref_slice %arg3[%add3A_192] : memref<3200000xf32, #tpu.memory_space<hbm>> -> memref<800xf32, #tpu.memory_space<hbm>>
    %dma_start3A_196 = tpu.memref_slice %arg3[%add3A_192] : memref<3200000xf32, #tpu.memory_space<hbm>> -> memref<800xf32, #tpu.memory_space<hbm>>
    tpu.enqueue_dma source(%dma_start3A_196 : memref<800xf32, #tpu.memory_space<hbm>>) target(%arg13 : memref<800xf32, #tpu.memory_space<vmem>>) target_semaphore(%arg23 : memref<!tpu.dma_semaphore, #tpu.memory_space<semaphore_mem>>)
    %add3A_197 = arith.constant 3200000 : i32
    %add3A_198 = arith.addi %add3A_197, %add3A_192 : i32
    %dma_start3A_199 = tpu.memref_slice %arg2[%add3A_198] : memref<6400000xi32, #tpu.memory_space<hbm>> -> memref<800xi32, #tpu.memory_space<hbm>>
    %dma_start3A_200 = tpu.memref_slice %arg2[%add3A_198] : memref<6400000xi32, #tpu.memory_space<hbm>> -> memref<800xi32, #tpu.memory_space<hbm>>
    tpu.enqueue_dma source(%dma_start3A_200 : memref<800xi32, #tpu.memory_space<hbm>>) target(%arg15 : memref<800xi32, #tpu.memory_space<vmem>>) target_semaphore(%arg25 : memref<!tpu.dma_semaphore, #tpu.memory_space<semaphore_mem>>)
    %dma_start3A_201 = arith.constant 0 : i32
    %dma_start3A_202 = tpu.memref_slice %arg8[%dma_start3A_201] : memref<102400xf32, #tpu.memory_space<vmem_shared>> -> memref<102400xf32, #tpu.memory_space<vmem_shared>>
    tpu.enqueue_indirect_dma source(%arg19 : memref<800xf32, #tpu.memory_space<vmem>>) target(%dma_start3A_202 : memref<102400xf32, #tpu.memory_space<vmem_shared>>) offsets(%arg17 : memref<800xi32, #tpu.memory_space<vmem>>) semaphore(%arg29 : memref<!tpu.dma_semaphore, #tpu.memory_space<semaphore_mem>>) {add = true}
    %dma_start3A_203 = arith.constant 0 : i32
    %dma_start3A_204 = tpu.memref_slice %arg9[%dma_start3A_203] : memref<102400xf32, #tpu.memory_space<vmem_shared>> -> memref<102400xf32, #tpu.memory_space<vmem_shared>>
    tpu.enqueue_indirect_dma source(%arg21 : memref<800xf32, #tpu.memory_space<vmem>>) target(%dma_start3A_204 : memref<102400xf32, #tpu.memory_space<vmem_shared>>) offsets(%arg17 : memref<800xi32, #tpu.memory_space<vmem>>) semaphore(%arg29 : memref<!tpu.dma_semaphore, #tpu.memory_space<semaphore_mem>>) {add = true}
    %jit3A_205 = arith.constant false
    %jit3A_206 = arith.constant -1 : i32
    %jit3A_207 = arith.constant 124 : i32
    %select_n3A_208 = arith.select %jit3A_205, %jit3A_206, %jit3A_207 : i32
    %mul3A_209 = arith.constant 800 : i32
    %mul3A_210 = arith.muli %select_n3A_208, %mul3A_209 : i32
    %add3A_211 = arith.addi %mul3A_2, %mul3A_210 : i32
    %dma_wait3A_212 = tpu.memref_slice %arg2[%add3A_211] : memref<6400000xi32, #tpu.memory_space<hbm>> -> memref<800xi32, #tpu.memory_space<hbm>>
    %dma_wait3A_213 = tpu.memref_slice %arg2[%add3A_211] : memref<6400000xi32, #tpu.memory_space<hbm>> -> memref<800xi32, #tpu.memory_space<hbm>>
    tpu.wait_dma2 semaphore(%arg22 : memref<!tpu.dma_semaphore, #tpu.memory_space<semaphore_mem>>) src(%dma_wait3A_213 : memref<800xi32, #tpu.memory_space<hbm>>) dst(%arg10 : memref<800xi32, #tpu.memory_space<vmem>>)
    %dma_wait3A_214 = tpu.memref_slice %arg3[%add3A_211] : memref<3200000xf32, #tpu.memory_space<hbm>> -> memref<800xf32, #tpu.memory_space<hbm>>
    %dma_wait3A_215 = tpu.memref_slice %arg3[%add3A_211] : memref<3200000xf32, #tpu.memory_space<hbm>> -> memref<800xf32, #tpu.memory_space<hbm>>
    tpu.wait_dma2 semaphore(%arg22 : memref<!tpu.dma_semaphore, #tpu.memory_space<semaphore_mem>>) src(%dma_wait3A_215 : memref<800xf32, #tpu.memory_space<hbm>>) dst(%arg12 : memref<800xf32, #tpu.memory_space<vmem>>)
    %add3A_216 = arith.constant 3200000 : i32
    %add3A_217 = arith.addi %add3A_216, %add3A_211 : i32
    %dma_wait3A_218 = tpu.memref_slice %arg2[%add3A_217] : memref<6400000xi32, #tpu.memory_space<hbm>> -> memref<800xi32, #tpu.memory_space<hbm>>
    %dma_wait3A_219 = tpu.memref_slice %arg2[%add3A_217] : memref<6400000xi32, #tpu.memory_space<hbm>> -> memref<800xi32, #tpu.memory_space<hbm>>
    tpu.wait_dma2 semaphore(%arg24 : memref<!tpu.dma_semaphore, #tpu.memory_space<semaphore_mem>>) src(%dma_wait3A_219 : memref<800xi32, #tpu.memory_space<hbm>>) dst(%arg14 : memref<800xi32, #tpu.memory_space<vmem>>)
    %dma_wait3A_220 = arith.constant 0 : i32
    %dma_wait3A_221 = tpu.memref_slice %arg8[%dma_wait3A_220] : memref<102400xf32, #tpu.memory_space<vmem_shared>> -> memref<102400xf32, #tpu.memory_space<vmem_shared>>
    tpu.wait_indirect_dma semaphore(%arg28 : memref<!tpu.dma_semaphore, #tpu.memory_space<semaphore_mem>>) src(%arg18 : memref<800xf32, #tpu.memory_space<vmem>>) dst(%dma_wait3A_221 : memref<102400xf32, #tpu.memory_space<vmem_shared>>)
    %dma_wait3A_222 = arith.constant 0 : i32
    %dma_wait3A_223 = tpu.memref_slice %arg9[%dma_wait3A_222] : memref<102400xf32, #tpu.memory_space<vmem_shared>> -> memref<102400xf32, #tpu.memory_space<vmem_shared>>
    tpu.wait_indirect_dma semaphore(%arg28 : memref<!tpu.dma_semaphore, #tpu.memory_space<semaphore_mem>>) src(%arg20 : memref<800xf32, #tpu.memory_space<vmem>>) dst(%dma_wait3A_223 : memref<102400xf32, #tpu.memory_space<vmem_shared>>)
    %scan3A_224 = arith.constant 0 : i32
    %scan3A_225 = arith.constant 50 : i32
    %scan3A_226 = arith.addi %scan3A_224, %scan3A_225 : i32
    %scan3A_227 = arith.constant 1 : i32
    scf.for %scan3A_296 = %scan3A_224 to %scan3A_226 step %scan3A_227  : i32 {
      %mul3A_297 = arith.constant 16 : i32
      %mul3A_298 = arith.muli %scan3A_296, %mul3A_297 : i32
      %add3A_299 = arith.constant 0 : i32
      %add3A_300 = arith.addi %add3A_299, %mul3A_298 : i32
      %get3A = arith.index_cast %add3A_300 : i32 to index
      %get3A_301 = tpu.vector_load %arg10[%get3A] {strides = array<i32>} : memref<800xi32, #tpu.memory_space<vmem>>, vector<16xi32>,
      %gather3A = tpu.vector_load_idx %arg7[%get3A_301] : memref<102400xi32, #tpu.memory_space<vmem>>[vector<16xi32>], vector<16xi32>,
      %get3A_302 = arith.index_cast %add3A_300 : i32 to index
      %get3A_303 = tpu.vector_load %arg12[%get3A_302] {strides = array<i32>} : memref<800xf32, #tpu.memory_space<vmem>>, vector<16xf32>,
      %shift_left3A = arith.constant 16 : i32
      %shift_left3A_304 = vector.broadcast %shift_left3A : i32 to vector<16xi32>
      %shift_left3A_305 = arith.shli %gather3A, %shift_left3A_304 : vector<16xi32>
      %bitcast3A = vector.bitcast %shift_left3A_305 : vector<16xi32> to vector<16xf32>
      %mul3A_306 = arith.mulf %bitcast3A, %get3A_303 : vector<16xf32>
      %swap3A = arith.index_cast %add3A_300 : i32 to index
      %swap3A_307 = tpu.vector_load %arg18[%swap3A] {strides = array<i32>} : memref<800xf32, #tpu.memory_space<vmem>>, vector<16xf32>,
      tpu.vector_store %arg18[%swap3A], %mul3A_306 {strides = array<i32>} : memref<800xf32, #tpu.memory_space<vmem>>, vector<16xf32>,
      %and3A = arith.constant -65536 : i32
      %and3A_308 = vector.broadcast %and3A : i32 to vector<16xi32>
      %and3A_309 = arith.andi %gather3A, %and3A_308 : vector<16xi32>
      %bitcast3A_310 = vector.bitcast %and3A_309 : vector<16xi32> to vector<16xf32>
      %mul3A_311 = arith.mulf %bitcast3A_310, %get3A_303 : vector<16xf32>
      %swap3A_312 = arith.index_cast %add3A_300 : i32 to index
      %swap3A_313 = tpu.vector_load %arg20[%swap3A_312] {strides = array<i32>} : memref<800xf32, #tpu.memory_space<vmem>>, vector<16xf32>,
      tpu.vector_store %arg20[%swap3A_312], %mul3A_311 {strides = array<i32>} : memref<800xf32, #tpu.memory_space<vmem>>, vector<16xf32>,
    }
    %scan3A_228 = arith.constant 50 : i32
    %jit3A_229 = arith.constant true
    %jit3A_230 = arith.constant 1 : i32
    %jit3A_231 = arith.constant 126 : i32
    %select_n3A_232 = arith.select %jit3A_229, %jit3A_230, %jit3A_231 : i32
    %mul3A_233 = arith.constant 800 : i32
    %mul3A_234 = arith.muli %select_n3A_232, %mul3A_233 : i32
    %add3A_235 = arith.addi %mul3A_2, %mul3A_234 : i32
    %dma_start3A_236 = tpu.memref_slice %arg2[%add3A_235] : memref<6400000xi32, #tpu.memory_space<hbm>> -> memref<800xi32, #tpu.memory_space<hbm>>
    %dma_start3A_237 = tpu.memref_slice %arg2[%add3A_235] : memref<6400000xi32, #tpu.memory_space<hbm>> -> memref<800xi32, #tpu.memory_space<hbm>>
    tpu.enqueue_dma source(%dma_start3A_237 : memref<800xi32, #tpu.memory_space<hbm>>) target(%arg10 : memref<800xi32, #tpu.memory_space<vmem>>) target_semaphore(%arg22 : memref<!tpu.dma_semaphore, #tpu.memory_space<semaphore_mem>>)
    %dma_start3A_238 = tpu.memref_slice %arg3[%add3A_235] : memref<3200000xf32, #tpu.memory_space<hbm>> -> memref<800xf32, #tpu.memory_space<hbm>>
    %dma_start3A_239 = tpu.memref_slice %arg3[%add3A_235] : memref<3200000xf32, #tpu.memory_space<hbm>> -> memref<800xf32, #tpu.memory_space<hbm>>
    tpu.enqueue_dma source(%dma_start3A_239 : memref<800xf32, #tpu.memory_space<hbm>>) target(%arg12 : memref<800xf32, #tpu.memory_space<vmem>>) target_semaphore(%arg22 : memref<!tpu.dma_semaphore, #tpu.memory_space<semaphore_mem>>)
    %add3A_240 = arith.constant 3200000 : i32
    %add3A_241 = arith.addi %add3A_240, %add3A_235 : i32
    %dma_start3A_242 = tpu.memref_slice %arg2[%add3A_241] : memref<6400000xi32, #tpu.memory_space<hbm>> -> memref<800xi32, #tpu.memory_space<hbm>>
    %dma_start3A_243 = tpu.memref_slice %arg2[%add3A_241] : memref<6400000xi32, #tpu.memory_space<hbm>> -> memref<800xi32, #tpu.memory_space<hbm>>
    tpu.enqueue_dma source(%dma_start3A_243 : memref<800xi32, #tpu.memory_space<hbm>>) target(%arg16 : memref<800xi32, #tpu.memory_space<vmem>>) target_semaphore(%arg26 : memref<!tpu.dma_semaphore, #tpu.memory_space<semaphore_mem>>)
    %dma_start3A_244 = arith.constant 0 : i32
    %dma_start3A_245 = tpu.memref_slice %arg8[%dma_start3A_244] : memref<102400xf32, #tpu.memory_space<vmem_shared>> -> memref<102400xf32, #tpu.memory_space<vmem_shared>>
    tpu.enqueue_indirect_dma source(%arg18 : memref<800xf32, #tpu.memory_space<vmem>>) target(%dma_start3A_245 : memref<102400xf32, #tpu.memory_space<vmem_shared>>) offsets(%arg14 : memref<800xi32, #tpu.memory_space<vmem>>) semaphore(%arg28 : memref<!tpu.dma_semaphore, #tpu.memory_space<semaphore_mem>>) {add = true}
    %dma_start3A_246 = arith.constant 0 : i32
    %dma_start3A_247 = tpu.memref_slice %arg9[%dma_start3A_246] : memref<102400xf32, #tpu.memory_space<vmem_shared>> -> memref<102400xf32, #tpu.memory_space<vmem_shared>>
    tpu.enqueue_indirect_dma source(%arg20 : memref<800xf32, #tpu.memory_space<vmem>>) target(%dma_start3A_247 : memref<102400xf32, #tpu.memory_space<vmem_shared>>) offsets(%arg14 : memref<800xi32, #tpu.memory_space<vmem>>) semaphore(%arg28 : memref<!tpu.dma_semaphore, #tpu.memory_space<semaphore_mem>>) {add = true}
    %dma_wait3A_248 = arith.constant 0 : i32
    %dma_wait3A_249 = tpu.memref_slice %arg8[%dma_wait3A_248] : memref<102400xf32, #tpu.memory_space<vmem_shared>> -> memref<102400xf32, #tpu.memory_space<vmem_shared>>
    tpu.wait_indirect_dma semaphore(%arg29 : memref<!tpu.dma_semaphore, #tpu.memory_space<semaphore_mem>>) src(%arg19 : memref<800xf32, #tpu.memory_space<vmem>>) dst(%dma_wait3A_249 : memref<102400xf32, #tpu.memory_space<vmem_shared>>)
    %dma_wait3A_250 = arith.constant 0 : i32
    %dma_wait3A_251 = tpu.memref_slice %arg9[%dma_wait3A_250] : memref<102400xf32, #tpu.memory_space<vmem_shared>> -> memref<102400xf32, #tpu.memory_space<vmem_shared>>
    tpu.wait_indirect_dma semaphore(%arg29 : memref<!tpu.dma_semaphore, #tpu.memory_space<semaphore_mem>>) src(%arg21 : memref<800xf32, #tpu.memory_space<vmem>>) dst(%dma_wait3A_251 : memref<102400xf32, #tpu.memory_space<vmem_shared>>)
    %dma_wait3A_252 = arith.constant 0 : i32
    %dma_wait3A_253 = tpu.memref_slice %arg8[%dma_wait3A_252] : memref<102400xf32, #tpu.memory_space<vmem_shared>> -> memref<102400xf32, #tpu.memory_space<vmem_shared>>
    tpu.wait_indirect_dma semaphore(%arg28 : memref<!tpu.dma_semaphore, #tpu.memory_space<semaphore_mem>>) src(%arg18 : memref<800xf32, #tpu.memory_space<vmem>>) dst(%dma_wait3A_253 : memref<102400xf32, #tpu.memory_space<vmem_shared>>)
    %dma_wait3A_254 = arith.constant 0 : i32
    %dma_wait3A_255 = tpu.memref_slice %arg9[%dma_wait3A_254] : memref<102400xf32, #tpu.memory_space<vmem_shared>> -> memref<102400xf32, #tpu.memory_space<vmem_shared>>
    tpu.wait_indirect_dma semaphore(%arg28 : memref<!tpu.dma_semaphore, #tpu.memory_space<semaphore_mem>>) src(%arg20 : memref<800xf32, #tpu.memory_space<vmem>>) dst(%dma_wait3A_255 : memref<102400xf32, #tpu.memory_space<vmem_shared>>)
    %jit3A_256 = arith.constant true
    %jit3A_257 = arith.constant 0 : i32
    %jit3A_258 = arith.constant 125 : i32
    %select_n3A_259 = arith.select %jit3A_256, %jit3A_257, %jit3A_258 : i32
    %mul3A_260 = arith.constant 800 : i32
    %mul3A_261 = arith.muli %select_n3A_259, %mul3A_260 : i32
    %add3A_262 = arith.addi %mul3A_2, %mul3A_261 : i32
    %dma_wait3A_263 = tpu.memref_slice %arg2[%add3A_262] : memref<6400000xi32, #tpu.memory_space<hbm>> -> memref<800xi32, #tpu.memory_space<hbm>>
    %dma_wait3A_264 = tpu.memref_slice %arg2[%add3A_262] : memref<6400000xi32, #tpu.memory_space<hbm>> -> memref<800xi32, #tpu.memory_space<hbm>>
    tpu.wait_dma2 semaphore(%arg23 : memref<!tpu.dma_semaphore, #tpu.memory_space<semaphore_mem>>) src(%dma_wait3A_264 : memref<800xi32, #tpu.memory_space<hbm>>) dst(%arg11 : memref<800xi32, #tpu.memory_space<vmem>>)
    %dma_wait3A_265 = tpu.memref_slice %arg3[%add3A_262] : memref<3200000xf32, #tpu.memory_space<hbm>> -> memref<800xf32, #tpu.memory_space<hbm>>
    %dma_wait3A_266 = tpu.memref_slice %arg3[%add3A_262] : memref<3200000xf32, #tpu.memory_space<hbm>> -> memref<800xf32, #tpu.memory_space<hbm>>
    tpu.wait_dma2 semaphore(%arg23 : memref<!tpu.dma_semaphore, #tpu.memory_space<semaphore_mem>>) src(%dma_wait3A_266 : memref<800xf32, #tpu.memory_space<hbm>>) dst(%arg13 : memref<800xf32, #tpu.memory_space<vmem>>)
    %add3A_267 = arith.constant 3200000 : i32
    %add3A_268 = arith.addi %add3A_267, %add3A_262 : i32
    %dma_wait3A_269 = tpu.memref_slice %arg2[%add3A_268] : memref<6400000xi32, #tpu.memory_space<hbm>> -> memref<800xi32, #tpu.memory_space<hbm>>
    %dma_wait3A_270 = tpu.memref_slice %arg2[%add3A_268] : memref<6400000xi32, #tpu.memory_space<hbm>> -> memref<800xi32, #tpu.memory_space<hbm>>
    tpu.wait_dma2 semaphore(%arg25 : memref<!tpu.dma_semaphore, #tpu.memory_space<semaphore_mem>>) src(%dma_wait3A_270 : memref<800xi32, #tpu.memory_space<hbm>>) dst(%arg15 : memref<800xi32, #tpu.memory_space<vmem>>)
    %jit3A_271 = arith.constant true
    %jit3A_272 = arith.constant 1 : i32
    %jit3A_273 = arith.constant 126 : i32
    %select_n3A_274 = arith.select %jit3A_271, %jit3A_272, %jit3A_273 : i32
    %mul3A_275 = arith.constant 800 : i32
    %mul3A_276 = arith.muli %select_n3A_274, %mul3A_275 : i32
    %add3A_277 = arith.addi %mul3A_2, %mul3A_276 : i32
    %dma_wait3A_278 = tpu.memref_slice %arg2[%add3A_277] : memref<6400000xi32, #tpu.memory_space<hbm>> -> memref<800xi32, #tpu.memory_space<hbm>>
    %dma_wait3A_279 = tpu.memref_slice %arg2[%add3A_277] : memref<6400000xi32, #tpu.memory_space<hbm>> -> memref<800xi32, #tpu.memory_space<hbm>>
    tpu.wait_dma2 semaphore(%arg22 : memref<!tpu.dma_semaphore, #tpu.memory_space<semaphore_mem>>) src(%dma_wait3A_279 : memref<800xi32, #tpu.memory_space<hbm>>) dst(%arg10 : memref<800xi32, #tpu.memory_space<vmem>>)
    %dma_wait3A_280 = tpu.memref_slice %arg3[%add3A_277] : memref<3200000xf32, #tpu.memory_space<hbm>> -> memref<800xf32, #tpu.memory_space<hbm>>
    %dma_wait3A_281 = tpu.memref_slice %arg3[%add3A_277] : memref<3200000xf32, #tpu.memory_space<hbm>> -> memref<800xf32, #tpu.memory_space<hbm>>
    tpu.wait_dma2 semaphore(%arg22 : memref<!tpu.dma_semaphore, #tpu.memory_space<semaphore_mem>>) src(%dma_wait3A_281 : memref<800xf32, #tpu.memory_space<hbm>>) dst(%arg12 : memref<800xf32, #tpu.memory_space<vmem>>)
    %add3A_282 = arith.constant 3200000 : i32
    %add3A_283 = arith.addi %add3A_282, %add3A_277 : i32
    %dma_wait3A_284 = tpu.memref_slice %arg2[%add3A_283] : memref<6400000xi32, #tpu.memory_space<hbm>> -> memref<800xi32, #tpu.memory_space<hbm>>
    %dma_wait3A_285 = tpu.memref_slice %arg2[%add3A_283] : memref<6400000xi32, #tpu.memory_space<hbm>> -> memref<800xi32, #tpu.memory_space<hbm>>
    tpu.wait_dma2 semaphore(%arg26 : memref<!tpu.dma_semaphore, #tpu.memory_space<semaphore_mem>>) src(%dma_wait3A_285 : memref<800xi32, #tpu.memory_space<hbm>>) dst(%arg16 : memref<800xi32, #tpu.memory_space<vmem>>)
    %barrier3A_286 = arith.constant 0 : index
    tpu.barrier barrier_id(%barrier3A_286)
    %mul3A_287 = arith.constant 6400 : i32
    %mul3A_288 = arith.muli %arg1, %mul3A_287 : i32
    %mul3A_289 = arith.constant 6400 : i32
    %mul3A_290 = arith.muli %arg1, %mul3A_289 : i32
    %run_scoped3A = arith.constant 0 : i32
    "tpu.region"() ({
      %run_scoped3A_296 = tpu.sem_alloc : memref<!tpu.dma_semaphore, #tpu.memory_space<semaphore_mem>>
      %dma_start3A_297 = tpu.memref_slice %arg6[%arg0, %run_scoped3A, %mul3A_290] : memref<2x2x102400xf32, #tpu.memory_space<hbm>> -> memref<1x1x6400xf32, #tpu.memory_space<hbm>>
      %dma_start3A_298 = tpu.memref_squeeze %dma_start3A_297 : memref<1x1x6400xf32, #tpu.memory_space<hbm>> -> memref<6400xf32, #tpu.memory_space<hbm>>
      %dma_start3A_299 = tpu.memref_slice %arg8[%mul3A_288] : memref<102400xf32, #tpu.memory_space<vmem_shared>> -> memref<6400xf32, #tpu.memory_space<vmem_shared>>
      tpu.enqueue_dma source(%dma_start3A_299 : memref<6400xf32, #tpu.memory_space<vmem_shared>>) target(%dma_start3A_298 : memref<6400xf32, #tpu.memory_space<hbm>>) target_semaphore(%run_scoped3A_296 : memref<!tpu.dma_semaphore, #tpu.memory_space<semaphore_mem>>)
      %dma_wait3A_300 = tpu.memref_slice %arg6[%arg0, %run_scoped3A, %mul3A_290] : memref<2x2x102400xf32, #tpu.memory_space<hbm>> -> memref<1x1x6400xf32, #tpu.memory_space<hbm>>
      %dma_wait3A_301 = tpu.memref_squeeze %dma_wait3A_300 : memref<1x1x6400xf32, #tpu.memory_space<hbm>> -> memref<6400xf32, #tpu.memory_space<hbm>>
      %dma_wait3A_302 = tpu.memref_slice %arg8[%mul3A_288] : memref<102400xf32, #tpu.memory_space<vmem_shared>> -> memref<6400xf32, #tpu.memory_space<vmem_shared>>
      tpu.wait_dma2 semaphore(%run_scoped3A_296 : memref<!tpu.dma_semaphore, #tpu.memory_space<semaphore_mem>>) src(%dma_wait3A_302 : memref<6400xf32, #tpu.memory_space<vmem_shared>>) dst(%dma_wait3A_301 : memref<6400xf32, #tpu.memory_space<hbm>>)
      tpu.yield
    }) : () -> ()
    %mul3A_291 = arith.constant 6400 : i32
    %mul3A_292 = arith.muli %arg1, %mul3A_291 : i32
    %mul3A_293 = arith.constant 6400 : i32
    %mul3A_294 = arith.muli %arg1, %mul3A_293 : i32
    %run_scoped3A_295 = arith.constant 1 : i32
    "tpu.region"() ({
      %run_scoped3A_296 = tpu.sem_alloc : memref<!tpu.dma_semaphore, #tpu.memory_space<semaphore_mem>>
      %dma_start3A_297 = tpu.memref_slice %arg6[%arg0, %run_scoped3A_295, %mul3A_294] : memref<2x2x102400xf32, #tpu.memory_space<hbm>> -> memref<1x1x6400xf32, #tpu.memory_space<hbm>>
      %dma_start3A_298 = tpu.memref_squeeze %dma_start3A_297 : memref<1x1x6400xf32, #tpu.memory_space<hbm>> -> memref<6400xf32, #tpu.memory_space<hbm>>
      %dma_start3A_299 = tpu.memref_slice %arg9[%mul3A_292] : memref<102400xf32, #tpu.memory_space<vmem_shared>> -> memref<6400xf32, #tpu.memory_space<vmem_shared>>
      tpu.enqueue_dma source(%dma_start3A_299 : memref<6400xf32, #tpu.memory_space<vmem_shared>>) target(%dma_start3A_298 : memref<6400xf32, #tpu.memory_space<hbm>>) target_semaphore(%run_scoped3A_296 : memref<!tpu.dma_semaphore, #tpu.memory_space<semaphore_mem>>)
      %dma_wait3A_300 = tpu.memref_slice %arg6[%arg0, %run_scoped3A_295, %mul3A_294] : memref<2x2x102400xf32, #tpu.memory_space<hbm>> -> memref<1x1x6400xf32, #tpu.memory_space<hbm>>
      %dma_wait3A_301 = tpu.memref_squeeze %dma_wait3A_300 : memref<1x1x6400xf32, #tpu.memory_space<hbm>> -> memref<6400xf32, #tpu.memory_space<hbm>>
      %dma_wait3A_302 = tpu.memref_slice %arg9[%mul3A_292] : memref<102400xf32, #tpu.memory_space<vmem_shared>> -> memref<6400xf32, #tpu.memory_space<vmem_shared>>
      tpu.wait_dma2 semaphore(%run_scoped3A_296 : memref<!tpu.dma_semaphore, #tpu.memory_space<semaphore_mem>>) src(%dma_wait3A_302 : memref<6400xf32, #tpu.memory_space<vmem_shared>>) dst(%dma_wait3A_301 : memref<6400xf32, #tpu.memory_space<hbm>>)
      tpu.yield
    }) : () -> ()
    return
  }
}

module attributes {stable_mosaic.version = 14 : i64} {
  func.func @_tc_prep_body(%arg0: memref<2x800x128xf32, #tpu.memory_space<vmem>>, %arg1: memref<800x128xf32, #tpu.memory_space<vmem>>, %arg2: memref<800x128xf32, #tpu.memory_space<vmem>>, %arg3: memref<800x128xf32, #tpu.memory_space<vmem>>, %arg4: memref<3x2xf32, #tpu.memory_space<vmem>>, %arg5: memref<800x128xf32, #tpu.memory_space<vmem>>, %arg6: memref<800x128xf32, #tpu.memory_space<vmem>>, %arg7: memref<800x128xf32, #tpu.memory_space<vmem>>, %arg8: memref<800x128xf32, #tpu.memory_space<vmem>>, %arg9: memref<800x128xi32, #tpu.memory_space<vmem>>) attributes {dimension_semantics = [], scalar_prefetch = 0 : i64, scratch_operands = 0 : i64, tpu.core_type = #tpu.core_type<tc>} {
    %get3A = arith.constant 0 : index
    %get3A_0 = arith.constant 0 : index
    %get3A_1 = arith.constant 0 : index
    %get3A_2 = vector.load %arg0[%get3A, %get3A_0, %get3A_1] : memref<2x800x128xf32, #tpu.memory_space<vmem>>, vector<2x800x128xf32>
    %slice3A = vector.extract_strided_slice %get3A_2 {offsets = [0, 0, 0], sizes = [1, 800, 128], strides = [1, 1, 1]} : vector<2x800x128xf32> to vector<1x800x128xf32>
    %squeeze3A = vector.shape_cast %slice3A : vector<1x800x128xf32> to vector<800x128xf32>
    %slice3A_3 = vector.extract_strided_slice %get3A_2 {offsets = [1, 0, 0], sizes = [1, 800, 128], strides = [1, 1, 1]} : vector<2x800x128xf32> to vector<1x800x128xf32>
    %squeeze3A_4 = vector.shape_cast %slice3A_3 : vector<1x800x128xf32> to vector<800x128xf32>
    %add3A = arith.addf %squeeze3A, %squeeze3A_4 : vector<800x128xf32>
    %add3A_5 = arith.constant 1.000000e+00 : f32
    %add3A_6 = vector.broadcast %add3A_5 : f32 to vector<800x128xf32>
    %add3A_7 = arith.addf %add3A, %add3A_6 : vector<800x128xf32>
    %rsqrt3A = math.rsqrt %add3A_7 : vector<800x128xf32>
    %swap3A = arith.constant 0 : index
    %swap3A_8 = arith.constant 0 : index
    %swap3A_9 = vector.load %arg5[%swap3A, %swap3A_8] : memref<800x128xf32, #tpu.memory_space<vmem>>, vector<800x128xf32>
    tpu.vector_store %arg5[%swap3A, %swap3A_8], %rsqrt3A {strides = array<i32>} : memref<800x128xf32, #tpu.memory_space<vmem>>, vector<800x128xf32>,
    %mul3A = arith.mulf %rsqrt3A, %rsqrt3A : vector<800x128xf32>
    %swap3A_10 = arith.constant 0 : index
    %swap3A_11 = arith.constant 0 : index
    %swap3A_12 = vector.load %arg6[%swap3A_10, %swap3A_11] : memref<800x128xf32, #tpu.memory_space<vmem>>, vector<800x128xf32>
    tpu.vector_store %arg6[%swap3A_10, %swap3A_11], %mul3A {strides = array<i32>} : memref<800x128xf32, #tpu.memory_space<vmem>>, vector<800x128xf32>,
    %get3A_13 = arith.constant 0 : index
    %get3A_14 = arith.constant 0 : index
    %get3A_15 = vector.load %arg4[%get3A_13, %get3A_14] : memref<3x2xf32, #tpu.memory_space<vmem>>, vector<3x2xf32>
    %get3A_16 = arith.constant 0 : index
    %get3A_17 = arith.constant 0 : index
    %get3A_18 = vector.load %arg1[%get3A_16, %get3A_17] : memref<800x128xf32, #tpu.memory_space<vmem>>, vector<800x128xf32>
    %get3A_19 = arith.constant 0 : index
    %get3A_20 = arith.constant 0 : index
    %get3A_21 = vector.load %arg2[%get3A_19, %get3A_20] : memref<800x128xf32, #tpu.memory_space<vmem>>, vector<800x128xf32>
    %get3A_22 = arith.constant 0 : index
    %get3A_23 = arith.constant 0 : index
    %get3A_24 = vector.load %arg3[%get3A_22, %get3A_23] : memref<800x128xf32, #tpu.memory_space<vmem>>, vector<800x128xf32>
    %slice3A_25 = vector.extract_strided_slice %get3A_15 {offsets = [0, 0], sizes = [1, 1], strides = [1, 1]} : vector<3x2xf32> to vector<1x1xf32>
    %squeeze3A_26 = vector.extract %slice3A_25[0, 0] : f32 from vector<1x1xf32>
    %mul3A_27 = vector.broadcast %squeeze3A_26 : f32 to vector<800x128xf32>
    %mul3A_28 = arith.mulf %get3A_18, %mul3A_27 : vector<800x128xf32>
    %slice3A_29 = vector.extract_strided_slice %get3A_15 {offsets = [1, 0], sizes = [1, 1], strides = [1, 1]} : vector<3x2xf32> to vector<1x1xf32>
    %squeeze3A_30 = vector.extract %slice3A_29[0, 0] : f32 from vector<1x1xf32>
    %mul3A_31 = vector.broadcast %squeeze3A_30 : f32 to vector<800x128xf32>
    %mul3A_32 = arith.mulf %get3A_21, %mul3A_31 : vector<800x128xf32>
    %add3A_33 = arith.addf %mul3A_28, %mul3A_32 : vector<800x128xf32>
    %slice3A_34 = vector.extract_strided_slice %get3A_15 {offsets = [2, 0], sizes = [1, 1], strides = [1, 1]} : vector<3x2xf32> to vector<1x1xf32>
    %squeeze3A_35 = vector.extract %slice3A_34[0, 0] : f32 from vector<1x1xf32>
    %mul3A_36 = vector.broadcast %squeeze3A_35 : f32 to vector<800x128xf32>
    %mul3A_37 = arith.mulf %get3A_24, %mul3A_36 : vector<800x128xf32>
    %add3A_38 = arith.addf %add3A_33, %mul3A_37 : vector<800x128xf32>
    %slice3A_39 = vector.extract_strided_slice %get3A_15 {offsets = [0, 1], sizes = [1, 1], strides = [1, 1]} : vector<3x2xf32> to vector<1x1xf32>
    %squeeze3A_40 = vector.extract %slice3A_39[0, 0] : f32 from vector<1x1xf32>
    %mul3A_41 = vector.broadcast %squeeze3A_40 : f32 to vector<800x128xf32>
    %mul3A_42 = arith.mulf %get3A_18, %mul3A_41 : vector<800x128xf32>
    %slice3A_43 = vector.extract_strided_slice %get3A_15 {offsets = [1, 1], sizes = [1, 1], strides = [1, 1]} : vector<3x2xf32> to vector<1x1xf32>
    %squeeze3A_44 = vector.extract %slice3A_43[0, 0] : f32 from vector<1x1xf32>
    %mul3A_45 = vector.broadcast %squeeze3A_44 : f32 to vector<800x128xf32>
    %mul3A_46 = arith.mulf %get3A_21, %mul3A_45 : vector<800x128xf32>
    %add3A_47 = arith.addf %mul3A_42, %mul3A_46 : vector<800x128xf32>
    %slice3A_48 = vector.extract_strided_slice %get3A_15 {offsets = [2, 1], sizes = [1, 1], strides = [1, 1]} : vector<3x2xf32> to vector<1x1xf32>
    %squeeze3A_49 = vector.extract %slice3A_48[0, 0] : f32 from vector<1x1xf32>
    %mul3A_50 = vector.broadcast %squeeze3A_49 : f32 to vector<800x128xf32>
    %mul3A_51 = arith.mulf %get3A_24, %mul3A_50 : vector<800x128xf32>
    %add3A_52 = arith.addf %add3A_47, %mul3A_51 : vector<800x128xf32>
    %swap3A_53 = arith.constant 0 : index
    %swap3A_54 = arith.constant 0 : index
    %swap3A_55 = vector.load %arg7[%swap3A_53, %swap3A_54] : memref<800x128xf32, #tpu.memory_space<vmem>>, vector<800x128xf32>
    tpu.vector_store %arg7[%swap3A_53, %swap3A_54], %add3A_38 {strides = array<i32>} : memref<800x128xf32, #tpu.memory_space<vmem>>, vector<800x128xf32>,
    %swap3A_56 = arith.constant 0 : index
    %swap3A_57 = arith.constant 0 : index
    %swap3A_58 = vector.load %arg8[%swap3A_56, %swap3A_57] : memref<800x128xf32, #tpu.memory_space<vmem>>, vector<800x128xf32>
    tpu.vector_store %arg8[%swap3A_56, %swap3A_57], %add3A_52 {strides = array<i32>} : memref<800x128xf32, #tpu.memory_space<vmem>>, vector<800x128xf32>,
    %mul3A_59 = arith.mulf %rsqrt3A, %add3A_38 : vector<800x128xf32>
    %mul3A_60 = arith.mulf %rsqrt3A, %add3A_52 : vector<800x128xf32>
    %convert_element_type3A = arith.truncf %mul3A_59 : vector<800x128xf32> to vector<800x128xbf16>
    %bitcast_convert_type3A = tpu.bitcast %convert_element_type3A : vector<800x128xbf16> -> vector<800x128xi16>
    %convert_element_type3A_61 = arith.truncf %mul3A_60 : vector<800x128xf32> to vector<800x128xbf16>
    %bitcast_convert_type3A_62 = tpu.bitcast %convert_element_type3A_61 : vector<800x128xbf16> -> vector<800x128xi16>
    %convert_element_type3A_63 = arith.extui %bitcast_convert_type3A : vector<800x128xi16> to vector<800x128xi32>
    %convert_element_type3A_64 = arith.extui %bitcast_convert_type3A_62 : vector<800x128xi16> to vector<800x128xi32>
    %shift_left3A = arith.constant 16 : i32
    %shift_left3A_65 = vector.broadcast %shift_left3A : i32 to vector<800x128xi32>
    %shift_left3A_66 = arith.shli %convert_element_type3A_64, %shift_left3A_65 : vector<800x128xi32>
    %or3A = arith.ori %convert_element_type3A_63, %shift_left3A_66 : vector<800x128xi32>
    %bitcast_convert_type3A_67 = tpu.bitcast %or3A : vector<800x128xi32> -> vector<800x128xi32>
    %swap3A_68 = arith.constant 0 : index
    %swap3A_69 = arith.constant 0 : index
    %swap3A_70 = vector.load %arg9[%swap3A_68, %swap3A_69] : memref<800x128xi32, #tpu.memory_space<vmem>>, vector<800x128xi32>
    tpu.vector_store %arg9[%swap3A_68, %swap3A_69], %bitcast_convert_type3A_67 {strides = array<i32>} : memref<800x128xi32, #tpu.memory_space<vmem>>, vector<800x128xi32>,
    return
  }
}

module attributes {stable_mosaic.version = 14 : i64} {
  func.func @_tc_mid_body(%arg0: memref<2x2x800x128xf32, #tpu.memory_space<vmem>>, %arg1: memref<800x128xf32, #tpu.memory_space<vmem>>, %arg2: memref<800x128xf32, #tpu.memory_space<vmem>>, %arg3: memref<800x128xf32, #tpu.memory_space<vmem>>, %arg4: memref<800x128xf32, #tpu.memory_space<vmem>>, %arg5: memref<1x2xf32, #tpu.memory_space<vmem>>, %arg6: memref<2x2xf32, #tpu.memory_space<vmem>>, %arg7: memref<800x128xf32, #tpu.memory_space<vmem>>, %arg8: memref<800x128xf32, #tpu.memory_space<vmem>>, %arg9: memref<800x128xi32, #tpu.memory_space<vmem>>) attributes {dimension_semantics = [], scalar_prefetch = 0 : i64, scratch_operands = 0 : i64, tpu.core_type = #tpu.core_type<tc>} {
    %get3A = arith.constant 0 : index
    %get3A_0 = arith.constant 0 : index
    %get3A_1 = arith.constant 0 : index
    %get3A_2 = arith.constant 0 : index
    %get3A_3 = vector.load %arg0[%get3A, %get3A_0, %get3A_1, %get3A_2] : memref<2x2x800x128xf32, #tpu.memory_space<vmem>>, vector<2x2x800x128xf32>
    %get3A_4 = arith.constant 0 : index
    %get3A_5 = arith.constant 0 : index
    %get3A_6 = vector.load %arg1[%get3A_4, %get3A_5] : memref<800x128xf32, #tpu.memory_space<vmem>>, vector<800x128xf32>
    %get3A_7 = arith.constant 0 : index
    %get3A_8 = arith.constant 0 : index
    %get3A_9 = vector.load %arg2[%get3A_7, %get3A_8] : memref<800x128xf32, #tpu.memory_space<vmem>>, vector<800x128xf32>
    %get3A_10 = arith.constant 0 : index
    %get3A_11 = arith.constant 0 : index
    %get3A_12 = vector.load %arg5[%get3A_10, %get3A_11] : memref<1x2xf32, #tpu.memory_space<vmem>>, vector<1x2xf32>
    %slice3A = vector.extract_strided_slice %get3A_3 {offsets = [0, 0, 0, 0], sizes = [1, 1, 800, 128], strides = [1, 1, 1, 1]} : vector<2x2x800x128xf32> to vector<1x1x800x128xf32>
    %squeeze3A = vector.shape_cast %slice3A : vector<1x1x800x128xf32> to vector<800x128xf32>
    %slice3A_13 = vector.extract_strided_slice %get3A_3 {offsets = [1, 0, 0, 0], sizes = [1, 1, 800, 128], strides = [1, 1, 1, 1]} : vector<2x2x800x128xf32> to vector<1x1x800x128xf32>
    %squeeze3A_14 = vector.shape_cast %slice3A_13 : vector<1x1x800x128xf32> to vector<800x128xf32>
    %add3A = arith.addf %squeeze3A, %squeeze3A_14 : vector<800x128xf32>
    %mul3A = arith.mulf %get3A_6, %add3A : vector<800x128xf32>
    %get3A_15 = arith.constant 0 : index
    %get3A_16 = arith.constant 0 : index
    %get3A_17 = vector.load %arg3[%get3A_15, %get3A_16] : memref<800x128xf32, #tpu.memory_space<vmem>>, vector<800x128xf32>
    %mul3A_18 = arith.mulf %get3A_9, %get3A_17 : vector<800x128xf32>
    %add3A_19 = arith.addf %mul3A, %mul3A_18 : vector<800x128xf32>
    %slice3A_20 = vector.extract_strided_slice %get3A_12 {offsets = [0, 0], sizes = [1, 1], strides = [1, 1]} : vector<1x2xf32> to vector<1x1xf32>
    %squeeze3A_21 = vector.extract %slice3A_20[0, 0] : f32 from vector<1x1xf32>
    %add3A_22 = vector.broadcast %squeeze3A_21 : f32 to vector<800x128xf32>
    %add3A_23 = arith.addf %add3A_19, %add3A_22 : vector<800x128xf32>
    %ge3A = arith.constant 0.000000e+00 : f32
    %ge3A_24 = vector.broadcast %ge3A : f32 to vector<800x128xf32>
    %ge3A_25 = arith.cmpf oge, %add3A_23, %ge3A_24 : vector<800x128xf32>
    %mul3A_26 = arith.constant 0.00999999977 : f32
    %mul3A_27 = vector.broadcast %mul3A_26 : f32 to vector<800x128xf32>
    %mul3A_28 = arith.mulf %mul3A_27, %add3A_23 : vector<800x128xf32>
    %select_n3A = arith.select %ge3A_25, %add3A_23, %mul3A_28 : vector<800x128xi1>, vector<800x128xf32>
    %slice3A_29 = vector.extract_strided_slice %get3A_3 {offsets = [0, 1, 0, 0], sizes = [1, 1, 800, 128], strides = [1, 1, 1, 1]} : vector<2x2x800x128xf32> to vector<1x1x800x128xf32>
    %squeeze3A_30 = vector.shape_cast %slice3A_29 : vector<1x1x800x128xf32> to vector<800x128xf32>
    %slice3A_31 = vector.extract_strided_slice %get3A_3 {offsets = [1, 1, 0, 0], sizes = [1, 1, 800, 128], strides = [1, 1, 1, 1]} : vector<2x2x800x128xf32> to vector<1x1x800x128xf32>
    %squeeze3A_32 = vector.shape_cast %slice3A_31 : vector<1x1x800x128xf32> to vector<800x128xf32>
    %add3A_33 = arith.addf %squeeze3A_30, %squeeze3A_32 : vector<800x128xf32>
    %mul3A_34 = arith.mulf %get3A_6, %add3A_33 : vector<800x128xf32>
    %get3A_35 = arith.constant 0 : index
    %get3A_36 = arith.constant 0 : index
    %get3A_37 = vector.load %arg4[%get3A_35, %get3A_36] : memref<800x128xf32, #tpu.memory_space<vmem>>, vector<800x128xf32>
    %mul3A_38 = arith.mulf %get3A_9, %get3A_37 : vector<800x128xf32>
    %add3A_39 = arith.addf %mul3A_34, %mul3A_38 : vector<800x128xf32>
    %slice3A_40 = vector.extract_strided_slice %get3A_12 {offsets = [0, 1], sizes = [1, 1], strides = [1, 1]} : vector<1x2xf32> to vector<1x1xf32>
    %squeeze3A_41 = vector.extract %slice3A_40[0, 0] : f32 from vector<1x1xf32>
    %add3A_42 = vector.broadcast %squeeze3A_41 : f32 to vector<800x128xf32>
    %add3A_43 = arith.addf %add3A_39, %add3A_42 : vector<800x128xf32>
    %ge3A_44 = arith.constant 0.000000e+00 : f32
    %ge3A_45 = vector.broadcast %ge3A_44 : f32 to vector<800x128xf32>
    %ge3A_46 = arith.cmpf oge, %add3A_43, %ge3A_45 : vector<800x128xf32>
    %mul3A_47 = arith.constant 0.00999999977 : f32
    %mul3A_48 = vector.broadcast %mul3A_47 : f32 to vector<800x128xf32>
    %mul3A_49 = arith.mulf %mul3A_48, %add3A_43 : vector<800x128xf32>
    %select_n3A_50 = arith.select %ge3A_46, %add3A_43, %mul3A_49 : vector<800x128xi1>, vector<800x128xf32>
    %get3A_51 = arith.constant 0 : index
    %get3A_52 = arith.constant 0 : index
    %get3A_53 = vector.load %arg6[%get3A_51, %get3A_52] : memref<2x2xf32, #tpu.memory_space<vmem>>, vector<2x2xf32>
    %slice3A_54 = vector.extract_strided_slice %get3A_53 {offsets = [0, 0], sizes = [1, 1], strides = [1, 1]} : vector<2x2xf32> to vector<1x1xf32>
    %squeeze3A_55 = vector.extract %slice3A_54[0, 0] : f32 from vector<1x1xf32>
    %mul3A_56 = vector.broadcast %squeeze3A_55 : f32 to vector<800x128xf32>
    %mul3A_57 = arith.mulf %select_n3A, %mul3A_56 : vector<800x128xf32>
    %slice3A_58 = vector.extract_strided_slice %get3A_53 {offsets = [1, 0], sizes = [1, 1], strides = [1, 1]} : vector<2x2xf32> to vector<1x1xf32>
    %squeeze3A_59 = vector.extract %slice3A_58[0, 0] : f32 from vector<1x1xf32>
    %mul3A_60 = vector.broadcast %squeeze3A_59 : f32 to vector<800x128xf32>
    %mul3A_61 = arith.mulf %select_n3A_50, %mul3A_60 : vector<800x128xf32>
    %add3A_62 = arith.addf %mul3A_57, %mul3A_61 : vector<800x128xf32>
    %slice3A_63 = vector.extract_strided_slice %get3A_53 {offsets = [0, 1], sizes = [1, 1], strides = [1, 1]} : vector<2x2xf32> to vector<1x1xf32>
    %squeeze3A_64 = vector.extract %slice3A_63[0, 0] : f32 from vector<1x1xf32>
    %mul3A_65 = vector.broadcast %squeeze3A_64 : f32 to vector<800x128xf32>
    %mul3A_66 = arith.mulf %select_n3A, %mul3A_65 : vector<800x128xf32>
    %slice3A_67 = vector.extract_strided_slice %get3A_53 {offsets = [1, 1], sizes = [1, 1], strides = [1, 1]} : vector<2x2xf32> to vector<1x1xf32>
    %squeeze3A_68 = vector.extract %slice3A_67[0, 0] : f32 from vector<1x1xf32>
    %mul3A_69 = vector.broadcast %squeeze3A_68 : f32 to vector<800x128xf32>
    %mul3A_70 = arith.mulf %select_n3A_50, %mul3A_69 : vector<800x128xf32>
    %add3A_71 = arith.addf %mul3A_66, %mul3A_70 : vector<800x128xf32>
    %swap3A = arith.constant 0 : index
    %swap3A_72 = arith.constant 0 : index
    %swap3A_73 = vector.load %arg7[%swap3A, %swap3A_72] : memref<800x128xf32, #tpu.memory_space<vmem>>, vector<800x128xf32>
    tpu.vector_store %arg7[%swap3A, %swap3A_72], %add3A_62 {strides = array<i32>} : memref<800x128xf32, #tpu.memory_space<vmem>>, vector<800x128xf32>,
    %swap3A_74 = arith.constant 0 : index
    %swap3A_75 = arith.constant 0 : index
    %swap3A_76 = vector.load %arg8[%swap3A_74, %swap3A_75] : memref<800x128xf32, #tpu.memory_space<vmem>>, vector<800x128xf32>
    tpu.vector_store %arg8[%swap3A_74, %swap3A_75], %add3A_71 {strides = array<i32>} : memref<800x128xf32, #tpu.memory_space<vmem>>, vector<800x128xf32>,
    %mul3A_77 = arith.mulf %get3A_6, %add3A_62 : vector<800x128xf32>
    %mul3A_78 = arith.mulf %get3A_6, %add3A_71 : vector<800x128xf32>
    %convert_element_type3A = arith.truncf %mul3A_77 : vector<800x128xf32> to vector<800x128xbf16>
    %bitcast_convert_type3A = tpu.bitcast %convert_element_type3A : vector<800x128xbf16> -> vector<800x128xi16>
    %convert_element_type3A_79 = arith.truncf %mul3A_78 : vector<800x128xf32> to vector<800x128xbf16>
    %bitcast_convert_type3A_80 = tpu.bitcast %convert_element_type3A_79 : vector<800x128xbf16> -> vector<800x128xi16>
    %convert_element_type3A_81 = arith.extui %bitcast_convert_type3A : vector<800x128xi16> to vector<800x128xi32>
    %convert_element_type3A_82 = arith.extui %bitcast_convert_type3A_80 : vector<800x128xi16> to vector<800x128xi32>
    %shift_left3A = arith.constant 16 : i32
    %shift_left3A_83 = vector.broadcast %shift_left3A : i32 to vector<800x128xi32>
    %shift_left3A_84 = arith.shli %convert_element_type3A_82, %shift_left3A_83 : vector<800x128xi32>
    %or3A = arith.ori %convert_element_type3A_81, %shift_left3A_84 : vector<800x128xi32>
    %bitcast_convert_type3A_85 = tpu.bitcast %or3A : vector<800x128xi32> -> vector<800x128xi32>
    %swap3A_86 = arith.constant 0 : index
    %swap3A_87 = arith.constant 0 : index
    %swap3A_88 = vector.load %arg9[%swap3A_86, %swap3A_87] : memref<800x128xi32, #tpu.memory_space<vmem>>, vector<800x128xi32>
    tpu.vector_store %arg9[%swap3A_86, %swap3A_87], %bitcast_convert_type3A_85 {strides = array<i32>} : memref<800x128xi32, #tpu.memory_space<vmem>>, vector<800x128xi32>,
    return
  }
}

module attributes {stable_mosaic.version = 14 : i64} {
  func.func @_tc_post_body(%arg0: memref<2x2x800x128xf32, #tpu.memory_space<vmem>>, %arg1: memref<800x128xf32, #tpu.memory_space<vmem>>, %arg2: memref<800x128xf32, #tpu.memory_space<vmem>>, %arg3: memref<800x128xf32, #tpu.memory_space<vmem>>, %arg4: memref<800x128xf32, #tpu.memory_space<vmem>>, %arg5: memref<1x2xf32, #tpu.memory_space<vmem>>, %arg6: memref<800x128xf32, #tpu.memory_space<vmem>>, %arg7: memref<800x128xf32, #tpu.memory_space<vmem>>) attributes {dimension_semantics = [], scalar_prefetch = 0 : i64, scratch_operands = 0 : i64, tpu.core_type = #tpu.core_type<tc>} {
    %get3A = arith.constant 0 : index
    %get3A_0 = arith.constant 0 : index
    %get3A_1 = arith.constant 0 : index
    %get3A_2 = arith.constant 0 : index
    %get3A_3 = vector.load %arg0[%get3A, %get3A_0, %get3A_1, %get3A_2] : memref<2x2x800x128xf32, #tpu.memory_space<vmem>>, vector<2x2x800x128xf32>
    %get3A_4 = arith.constant 0 : index
    %get3A_5 = arith.constant 0 : index
    %get3A_6 = vector.load %arg1[%get3A_4, %get3A_5] : memref<800x128xf32, #tpu.memory_space<vmem>>, vector<800x128xf32>
    %get3A_7 = arith.constant 0 : index
    %get3A_8 = arith.constant 0 : index
    %get3A_9 = vector.load %arg2[%get3A_7, %get3A_8] : memref<800x128xf32, #tpu.memory_space<vmem>>, vector<800x128xf32>
    %get3A_10 = arith.constant 0 : index
    %get3A_11 = arith.constant 0 : index
    %get3A_12 = vector.load %arg5[%get3A_10, %get3A_11] : memref<1x2xf32, #tpu.memory_space<vmem>>, vector<1x2xf32>
    %slice3A = vector.extract_strided_slice %get3A_3 {offsets = [0, 0, 0, 0], sizes = [1, 1, 800, 128], strides = [1, 1, 1, 1]} : vector<2x2x800x128xf32> to vector<1x1x800x128xf32>
    %squeeze3A = vector.shape_cast %slice3A : vector<1x1x800x128xf32> to vector<800x128xf32>
    %slice3A_13 = vector.extract_strided_slice %get3A_3 {offsets = [1, 0, 0, 0], sizes = [1, 1, 800, 128], strides = [1, 1, 1, 1]} : vector<2x2x800x128xf32> to vector<1x1x800x128xf32>
    %squeeze3A_14 = vector.shape_cast %slice3A_13 : vector<1x1x800x128xf32> to vector<800x128xf32>
    %add3A = arith.addf %squeeze3A, %squeeze3A_14 : vector<800x128xf32>
    %mul3A = arith.mulf %get3A_6, %add3A : vector<800x128xf32>
    %get3A_15 = arith.constant 0 : index
    %get3A_16 = arith.constant 0 : index
    %get3A_17 = vector.load %arg3[%get3A_15, %get3A_16] : memref<800x128xf32, #tpu.memory_space<vmem>>, vector<800x128xf32>
    %mul3A_18 = arith.mulf %get3A_9, %get3A_17 : vector<800x128xf32>
    %add3A_19 = arith.addf %mul3A, %mul3A_18 : vector<800x128xf32>
    %slice3A_20 = vector.extract_strided_slice %get3A_12 {offsets = [0, 0], sizes = [1, 1], strides = [1, 1]} : vector<1x2xf32> to vector<1x1xf32>
    %squeeze3A_21 = vector.extract %slice3A_20[0, 0] : f32 from vector<1x1xf32>
    %add3A_22 = vector.broadcast %squeeze3A_21 : f32 to vector<800x128xf32>
    %add3A_23 = arith.addf %add3A_19, %add3A_22 : vector<800x128xf32>
    %ge3A = arith.constant 0.000000e+00 : f32
    %ge3A_24 = vector.broadcast %ge3A : f32 to vector<800x128xf32>
    %ge3A_25 = arith.cmpf oge, %add3A_23, %ge3A_24 : vector<800x128xf32>
    %mul3A_26 = arith.constant 0.00999999977 : f32
    %mul3A_27 = vector.broadcast %mul3A_26 : f32 to vector<800x128xf32>
    %mul3A_28 = arith.mulf %mul3A_27, %add3A_23 : vector<800x128xf32>
    %select_n3A = arith.select %ge3A_25, %add3A_23, %mul3A_28 : vector<800x128xi1>, vector<800x128xf32>
    %swap3A = arith.constant 0 : index
    %swap3A_29 = arith.constant 0 : index
    %swap3A_30 = vector.load %arg6[%swap3A, %swap3A_29] : memref<800x128xf32, #tpu.memory_space<vmem>>, vector<800x128xf32>
    tpu.vector_store %arg6[%swap3A, %swap3A_29], %select_n3A {strides = array<i32>} : memref<800x128xf32, #tpu.memory_space<vmem>>, vector<800x128xf32>,
    %slice3A_31 = vector.extract_strided_slice %get3A_3 {offsets = [0, 1, 0, 0], sizes = [1, 1, 800, 128], strides = [1, 1, 1, 1]} : vector<2x2x800x128xf32> to vector<1x1x800x128xf32>
    %squeeze3A_32 = vector.shape_cast %slice3A_31 : vector<1x1x800x128xf32> to vector<800x128xf32>
    %slice3A_33 = vector.extract_strided_slice %get3A_3 {offsets = [1, 1, 0, 0], sizes = [1, 1, 800, 128], strides = [1, 1, 1, 1]} : vector<2x2x800x128xf32> to vector<1x1x800x128xf32>
    %squeeze3A_34 = vector.shape_cast %slice3A_33 : vector<1x1x800x128xf32> to vector<800x128xf32>
    %add3A_35 = arith.addf %squeeze3A_32, %squeeze3A_34 : vector<800x128xf32>
    %mul3A_36 = arith.mulf %get3A_6, %add3A_35 : vector<800x128xf32>
    %get3A_37 = arith.constant 0 : index
    %get3A_38 = arith.constant 0 : index
    %get3A_39 = vector.load %arg4[%get3A_37, %get3A_38] : memref<800x128xf32, #tpu.memory_space<vmem>>, vector<800x128xf32>
    %mul3A_40 = arith.mulf %get3A_9, %get3A_39 : vector<800x128xf32>
    %add3A_41 = arith.addf %mul3A_36, %mul3A_40 : vector<800x128xf32>
    %slice3A_42 = vector.extract_strided_slice %get3A_12 {offsets = [0, 1], sizes = [1, 1], strides = [1, 1]} : vector<1x2xf32> to vector<1x1xf32>
    %squeeze3A_43 = vector.extract %slice3A_42[0, 0] : f32 from vector<1x1xf32>
    %add3A_44 = vector.broadcast %squeeze3A_43 : f32 to vector<800x128xf32>
    %add3A_45 = arith.addf %add3A_41, %add3A_44 : vector<800x128xf32>
    %ge3A_46 = arith.constant 0.000000e+00 : f32
    %ge3A_47 = vector.broadcast %ge3A_46 : f32 to vector<800x128xf32>
    %ge3A_48 = arith.cmpf oge, %add3A_45, %ge3A_47 : vector<800x128xf32>
    %mul3A_49 = arith.constant 0.00999999977 : f32
    %mul3A_50 = vector.broadcast %mul3A_49 : f32 to vector<800x128xf32>
    %mul3A_51 = arith.mulf %mul3A_50, %add3A_45 : vector<800x128xf32>
    %select_n3A_52 = arith.select %ge3A_48, %add3A_45, %mul3A_51 : vector<800x128xi1>, vector<800x128xf32>
    %swap3A_53 = arith.constant 0 : index
    %swap3A_54 = arith.constant 0 : index
    %swap3A_55 = vector.load %arg7[%swap3A_53, %swap3A_54] : memref<800x128xf32, #tpu.memory_space<vmem>>, vector<800x128xf32>
    tpu.vector_store %arg7[%swap3A_53, %swap3A_54], %select_n3A_52 {strides = array<i32>} : memref<800x128xf32, #tpu.memory_space<vmem>>, vector<800x128xf32>,
    return
  }
}

module attributes {stable_mosaic.version = 14 : i64} {
  func.func @_tc_head_body(%arg0: memref<128x128xf32, #tpu.memory_space<vmem>>, %arg1: memref<128x128xf32, #tpu.memory_space<vmem>>, %arg2: memref<128x128xf32, #tpu.memory_space<vmem>>, %arg3: memref<128x128xf32, #tpu.memory_space<vmem>>, %arg4: memref<4x6xf32, #tpu.memory_space<vmem>>, %arg5: memref<1x6xf32, #tpu.memory_space<vmem>>, %arg6: memref<6x3xf32, #tpu.memory_space<vmem>>, %arg7: memref<1x3xf32, #tpu.memory_space<vmem>>, %arg8: memref<128x128xf32, #tpu.memory_space<vmem>>, %arg9: memref<128x128xf32, #tpu.memory_space<vmem>>, %arg10: memref<128x128xf32, #tpu.memory_space<vmem>>) attributes {dimension_semantics = [], scalar_prefetch = 0 : i64, scratch_operands = 0 : i64, tpu.core_type = #tpu.core_type<tc>} {
    %get3A = arith.constant 0 : index
    %get3A_0 = arith.constant 0 : index
    %get3A_1 = vector.load %arg0[%get3A, %get3A_0] : memref<128x128xf32, #tpu.memory_space<vmem>>, vector<128x128xf32>
    %get3A_2 = arith.constant 0 : index
    %get3A_3 = arith.constant 0 : index
    %get3A_4 = vector.load %arg1[%get3A_2, %get3A_3] : memref<128x128xf32, #tpu.memory_space<vmem>>, vector<128x128xf32>
    %get3A_5 = arith.constant 0 : index
    %get3A_6 = arith.constant 0 : index
    %get3A_7 = vector.load %arg2[%get3A_5, %get3A_6] : memref<128x128xf32, #tpu.memory_space<vmem>>, vector<128x128xf32>
    %get3A_8 = arith.constant 0 : index
    %get3A_9 = arith.constant 0 : index
    %get3A_10 = vector.load %arg3[%get3A_8, %get3A_9] : memref<128x128xf32, #tpu.memory_space<vmem>>, vector<128x128xf32>
    %get3A_11 = arith.constant 0 : index
    %get3A_12 = arith.constant 0 : index
    %get3A_13 = vector.load %arg4[%get3A_11, %get3A_12] : memref<4x6xf32, #tpu.memory_space<vmem>>, vector<4x6xf32>
    %get3A_14 = arith.constant 0 : index
    %get3A_15 = arith.constant 0 : index
    %get3A_16 = vector.load %arg5[%get3A_14, %get3A_15] : memref<1x6xf32, #tpu.memory_space<vmem>>, vector<1x6xf32>
    %slice3A = vector.extract_strided_slice %get3A_16 {offsets = [0, 0], sizes = [1, 1], strides = [1, 1]} : vector<1x6xf32> to vector<1x1xf32>
    %squeeze3A = vector.extract %slice3A[0, 0] : f32 from vector<1x1xf32>
    %slice3A_17 = vector.extract_strided_slice %get3A_13 {offsets = [0, 0], sizes = [1, 1], strides = [1, 1]} : vector<4x6xf32> to vector<1x1xf32>
    %squeeze3A_18 = vector.extract %slice3A_17[0, 0] : f32 from vector<1x1xf32>
    %mul3A = vector.broadcast %squeeze3A_18 : f32 to vector<128x128xf32>
    %mul3A_19 = arith.mulf %get3A_1, %mul3A : vector<128x128xf32>
    %add3A = vector.broadcast %squeeze3A : f32 to vector<128x128xf32>
    %add3A_20 = arith.addf %add3A, %mul3A_19 : vector<128x128xf32>
    %slice3A_21 = vector.extract_strided_slice %get3A_13 {offsets = [1, 0], sizes = [1, 1], strides = [1, 1]} : vector<4x6xf32> to vector<1x1xf32>
    %squeeze3A_22 = vector.extract %slice3A_21[0, 0] : f32 from vector<1x1xf32>
    %mul3A_23 = vector.broadcast %squeeze3A_22 : f32 to vector<128x128xf32>
    %mul3A_24 = arith.mulf %get3A_4, %mul3A_23 : vector<128x128xf32>
    %add3A_25 = arith.addf %add3A_20, %mul3A_24 : vector<128x128xf32>
    %slice3A_26 = vector.extract_strided_slice %get3A_13 {offsets = [2, 0], sizes = [1, 1], strides = [1, 1]} : vector<4x6xf32> to vector<1x1xf32>
    %squeeze3A_27 = vector.extract %slice3A_26[0, 0] : f32 from vector<1x1xf32>
    %mul3A_28 = vector.broadcast %squeeze3A_27 : f32 to vector<128x128xf32>
    %mul3A_29 = arith.mulf %get3A_7, %mul3A_28 : vector<128x128xf32>
    %add3A_30 = arith.addf %add3A_25, %mul3A_29 : vector<128x128xf32>
    %slice3A_31 = vector.extract_strided_slice %get3A_13 {offsets = [3, 0], sizes = [1, 1], strides = [1, 1]} : vector<4x6xf32> to vector<1x1xf32>
    %squeeze3A_32 = vector.extract %slice3A_31[0, 0] : f32 from vector<1x1xf32>
    %mul3A_33 = vector.broadcast %squeeze3A_32 : f32 to vector<128x128xf32>
    %mul3A_34 = arith.mulf %get3A_10, %mul3A_33 : vector<128x128xf32>
    %add3A_35 = arith.addf %add3A_30, %mul3A_34 : vector<128x128xf32>
    %ge3A = arith.constant 0.000000e+00 : f32
    %ge3A_36 = vector.broadcast %ge3A : f32 to vector<128x128xf32>
    %ge3A_37 = arith.cmpf oge, %add3A_35, %ge3A_36 : vector<128x128xf32>
    %mul3A_38 = arith.constant 0.00999999977 : f32
    %mul3A_39 = vector.broadcast %mul3A_38 : f32 to vector<128x128xf32>
    %mul3A_40 = arith.mulf %mul3A_39, %add3A_35 : vector<128x128xf32>
    %select_n3A = arith.select %ge3A_37, %add3A_35, %mul3A_40 : vector<128x128xi1>, vector<128x128xf32>
    %slice3A_41 = vector.extract_strided_slice %get3A_16 {offsets = [0, 1], sizes = [1, 1], strides = [1, 1]} : vector<1x6xf32> to vector<1x1xf32>
    %squeeze3A_42 = vector.extract %slice3A_41[0, 0] : f32 from vector<1x1xf32>
    %slice3A_43 = vector.extract_strided_slice %get3A_13 {offsets = [0, 1], sizes = [1, 1], strides = [1, 1]} : vector<4x6xf32> to vector<1x1xf32>
    %squeeze3A_44 = vector.extract %slice3A_43[0, 0] : f32 from vector<1x1xf32>
    %mul3A_45 = vector.broadcast %squeeze3A_44 : f32 to vector<128x128xf32>
    %mul3A_46 = arith.mulf %get3A_1, %mul3A_45 : vector<128x128xf32>
    %add3A_47 = vector.broadcast %squeeze3A_42 : f32 to vector<128x128xf32>
    %add3A_48 = arith.addf %add3A_47, %mul3A_46 : vector<128x128xf32>
    %slice3A_49 = vector.extract_strided_slice %get3A_13 {offsets = [1, 1], sizes = [1, 1], strides = [1, 1]} : vector<4x6xf32> to vector<1x1xf32>
    %squeeze3A_50 = vector.extract %slice3A_49[0, 0] : f32 from vector<1x1xf32>
    %mul3A_51 = vector.broadcast %squeeze3A_50 : f32 to vector<128x128xf32>
    %mul3A_52 = arith.mulf %get3A_4, %mul3A_51 : vector<128x128xf32>
    %add3A_53 = arith.addf %add3A_48, %mul3A_52 : vector<128x128xf32>
    %slice3A_54 = vector.extract_strided_slice %get3A_13 {offsets = [2, 1], sizes = [1, 1], strides = [1, 1]} : vector<4x6xf32> to vector<1x1xf32>
    %squeeze3A_55 = vector.extract %slice3A_54[0, 0] : f32 from vector<1x1xf32>
    %mul3A_56 = vector.broadcast %squeeze3A_55 : f32 to vector<128x128xf32>
    %mul3A_57 = arith.mulf %get3A_7, %mul3A_56 : vector<128x128xf32>
    %add3A_58 = arith.addf %add3A_53, %mul3A_57 : vector<128x128xf32>
    %slice3A_59 = vector.extract_strided_slice %get3A_13 {offsets = [3, 1], sizes = [1, 1], strides = [1, 1]} : vector<4x6xf32> to vector<1x1xf32>
    %squeeze3A_60 = vector.extract %slice3A_59[0, 0] : f32 from vector<1x1xf32>
    %mul3A_61 = vector.broadcast %squeeze3A_60 : f32 to vector<128x128xf32>
    %mul3A_62 = arith.mulf %get3A_10, %mul3A_61 : vector<128x128xf32>
    %add3A_63 = arith.addf %add3A_58, %mul3A_62 : vector<128x128xf32>
    %ge3A_64 = arith.constant 0.000000e+00 : f32
    %ge3A_65 = vector.broadcast %ge3A_64 : f32 to vector<128x128xf32>
    %ge3A_66 = arith.cmpf oge, %add3A_63, %ge3A_65 : vector<128x128xf32>
    %mul3A_67 = arith.constant 0.00999999977 : f32
    %mul3A_68 = vector.broadcast %mul3A_67 : f32 to vector<128x128xf32>
    %mul3A_69 = arith.mulf %mul3A_68, %add3A_63 : vector<128x128xf32>
    %select_n3A_70 = arith.select %ge3A_66, %add3A_63, %mul3A_69 : vector<128x128xi1>, vector<128x128xf32>
    %slice3A_71 = vector.extract_strided_slice %get3A_16 {offsets = [0, 2], sizes = [1, 1], strides = [1, 1]} : vector<1x6xf32> to vector<1x1xf32>
    %squeeze3A_72 = vector.extract %slice3A_71[0, 0] : f32 from vector<1x1xf32>
    %slice3A_73 = vector.extract_strided_slice %get3A_13 {offsets = [0, 2], sizes = [1, 1], strides = [1, 1]} : vector<4x6xf32> to vector<1x1xf32>
    %squeeze3A_74 = vector.extract %slice3A_73[0, 0] : f32 from vector<1x1xf32>
    %mul3A_75 = vector.broadcast %squeeze3A_74 : f32 to vector<128x128xf32>
    %mul3A_76 = arith.mulf %get3A_1, %mul3A_75 : vector<128x128xf32>
    %add3A_77 = vector.broadcast %squeeze3A_72 : f32 to vector<128x128xf32>
    %add3A_78 = arith.addf %add3A_77, %mul3A_76 : vector<128x128xf32>
    %slice3A_79 = vector.extract_strided_slice %get3A_13 {offsets = [1, 2], sizes = [1, 1], strides = [1, 1]} : vector<4x6xf32> to vector<1x1xf32>
    %squeeze3A_80 = vector.extract %slice3A_79[0, 0] : f32 from vector<1x1xf32>
    %mul3A_81 = vector.broadcast %squeeze3A_80 : f32 to vector<128x128xf32>
    %mul3A_82 = arith.mulf %get3A_4, %mul3A_81 : vector<128x128xf32>
    %add3A_83 = arith.addf %add3A_78, %mul3A_82 : vector<128x128xf32>
    %slice3A_84 = vector.extract_strided_slice %get3A_13 {offsets = [2, 2], sizes = [1, 1], strides = [1, 1]} : vector<4x6xf32> to vector<1x1xf32>
    %squeeze3A_85 = vector.extract %slice3A_84[0, 0] : f32 from vector<1x1xf32>
    %mul3A_86 = vector.broadcast %squeeze3A_85 : f32 to vector<128x128xf32>
    %mul3A_87 = arith.mulf %get3A_7, %mul3A_86 : vector<128x128xf32>
    %add3A_88 = arith.addf %add3A_83, %mul3A_87 : vector<128x128xf32>
    %slice3A_89 = vector.extract_strided_slice %get3A_13 {offsets = [3, 2], sizes = [1, 1], strides = [1, 1]} : vector<4x6xf32> to vector<1x1xf32>
    %squeeze3A_90 = vector.extract %slice3A_89[0, 0] : f32 from vector<1x1xf32>
    %mul3A_91 = vector.broadcast %squeeze3A_90 : f32 to vector<128x128xf32>
    %mul3A_92 = arith.mulf %get3A_10, %mul3A_91 : vector<128x128xf32>
    %add3A_93 = arith.addf %add3A_88, %mul3A_92 : vector<128x128xf32>
    %ge3A_94 = arith.constant 0.000000e+00 : f32
    %ge3A_95 = vector.broadcast %ge3A_94 : f32 to vector<128x128xf32>
    %ge3A_96 = arith.cmpf oge, %add3A_93, %ge3A_95 : vector<128x128xf32>
    %mul3A_97 = arith.constant 0.00999999977 : f32
    %mul3A_98 = vector.broadcast %mul3A_97 : f32 to vector<128x128xf32>
    %mul3A_99 = arith.mulf %mul3A_98, %add3A_93 : vector<128x128xf32>
    %select_n3A_100 = arith.select %ge3A_96, %add3A_93, %mul3A_99 : vector<128x128xi1>, vector<128x128xf32>
    %slice3A_101 = vector.extract_strided_slice %get3A_16 {offsets = [0, 3], sizes = [1, 1], strides = [1, 1]} : vector<1x6xf32> to vector<1x1xf32>
    %squeeze3A_102 = vector.extract %slice3A_101[0, 0] : f32 from vector<1x1xf32>
    %slice3A_103 = vector.extract_strided_slice %get3A_13 {offsets = [0, 3], sizes = [1, 1], strides = [1, 1]} : vector<4x6xf32> to vector<1x1xf32>
    %squeeze3A_104 = vector.extract %slice3A_103[0, 0] : f32 from vector<1x1xf32>
    %mul3A_105 = vector.broadcast %squeeze3A_104 : f32 to vector<128x128xf32>
    %mul3A_106 = arith.mulf %get3A_1, %mul3A_105 : vector<128x128xf32>
    %add3A_107 = vector.broadcast %squeeze3A_102 : f32 to vector<128x128xf32>
    %add3A_108 = arith.addf %add3A_107, %mul3A_106 : vector<128x128xf32>
    %slice3A_109 = vector.extract_strided_slice %get3A_13 {offsets = [1, 3], sizes = [1, 1], strides = [1, 1]} : vector<4x6xf32> to vector<1x1xf32>
    %squeeze3A_110 = vector.extract %slice3A_109[0, 0] : f32 from vector<1x1xf32>
    %mul3A_111 = vector.broadcast %squeeze3A_110 : f32 to vector<128x128xf32>
    %mul3A_112 = arith.mulf %get3A_4, %mul3A_111 : vector<128x128xf32>
    %add3A_113 = arith.addf %add3A_108, %mul3A_112 : vector<128x128xf32>
    %slice3A_114 = vector.extract_strided_slice %get3A_13 {offsets = [2, 3], sizes = [1, 1], strides = [1, 1]} : vector<4x6xf32> to vector<1x1xf32>
    %squeeze3A_115 = vector.extract %slice3A_114[0, 0] : f32 from vector<1x1xf32>
    %mul3A_116 = vector.broadcast %squeeze3A_115 : f32 to vector<128x128xf32>
    %mul3A_117 = arith.mulf %get3A_7, %mul3A_116 : vector<128x128xf32>
    %add3A_118 = arith.addf %add3A_113, %mul3A_117 : vector<128x128xf32>
    %slice3A_119 = vector.extract_strided_slice %get3A_13 {offsets = [3, 3], sizes = [1, 1], strides = [1, 1]} : vector<4x6xf32> to vector<1x1xf32>
    %squeeze3A_120 = vector.extract %slice3A_119[0, 0] : f32 from vector<1x1xf32>
    %mul3A_121 = vector.broadcast %squeeze3A_120 : f32 to vector<128x128xf32>
    %mul3A_122 = arith.mulf %get3A_10, %mul3A_121 : vector<128x128xf32>
    %add3A_123 = arith.addf %add3A_118, %mul3A_122 : vector<128x128xf32>
    %ge3A_124 = arith.constant 0.000000e+00 : f32
    %ge3A_125 = vector.broadcast %ge3A_124 : f32 to vector<128x128xf32>
    %ge3A_126 = arith.cmpf oge, %add3A_123, %ge3A_125 : vector<128x128xf32>
    %mul3A_127 = arith.constant 0.00999999977 : f32
    %mul3A_128 = vector.broadcast %mul3A_127 : f32 to vector<128x128xf32>
    %mul3A_129 = arith.mulf %mul3A_128, %add3A_123 : vector<128x128xf32>
    %select_n3A_130 = arith.select %ge3A_126, %add3A_123, %mul3A_129 : vector<128x128xi1>, vector<128x128xf32>
    %slice3A_131 = vector.extract_strided_slice %get3A_16 {offsets = [0, 4], sizes = [1, 1], strides = [1, 1]} : vector<1x6xf32> to vector<1x1xf32>
    %squeeze3A_132 = vector.extract %slice3A_131[0, 0] : f32 from vector<1x1xf32>
    %slice3A_133 = vector.extract_strided_slice %get3A_13 {offsets = [0, 4], sizes = [1, 1], strides = [1, 1]} : vector<4x6xf32> to vector<1x1xf32>
    %squeeze3A_134 = vector.extract %slice3A_133[0, 0] : f32 from vector<1x1xf32>
    %mul3A_135 = vector.broadcast %squeeze3A_134 : f32 to vector<128x128xf32>
    %mul3A_136 = arith.mulf %get3A_1, %mul3A_135 : vector<128x128xf32>
    %add3A_137 = vector.broadcast %squeeze3A_132 : f32 to vector<128x128xf32>
    %add3A_138 = arith.addf %add3A_137, %mul3A_136 : vector<128x128xf32>
    %slice3A_139 = vector.extract_strided_slice %get3A_13 {offsets = [1, 4], sizes = [1, 1], strides = [1, 1]} : vector<4x6xf32> to vector<1x1xf32>
    %squeeze3A_140 = vector.extract %slice3A_139[0, 0] : f32 from vector<1x1xf32>
    %mul3A_141 = vector.broadcast %squeeze3A_140 : f32 to vector<128x128xf32>
    %mul3A_142 = arith.mulf %get3A_4, %mul3A_141 : vector<128x128xf32>
    %add3A_143 = arith.addf %add3A_138, %mul3A_142 : vector<128x128xf32>
    %slice3A_144 = vector.extract_strided_slice %get3A_13 {offsets = [2, 4], sizes = [1, 1], strides = [1, 1]} : vector<4x6xf32> to vector<1x1xf32>
    %squeeze3A_145 = vector.extract %slice3A_144[0, 0] : f32 from vector<1x1xf32>
    %mul3A_146 = vector.broadcast %squeeze3A_145 : f32 to vector<128x128xf32>
    %mul3A_147 = arith.mulf %get3A_7, %mul3A_146 : vector<128x128xf32>
    %add3A_148 = arith.addf %add3A_143, %mul3A_147 : vector<128x128xf32>
    %slice3A_149 = vector.extract_strided_slice %get3A_13 {offsets = [3, 4], sizes = [1, 1], strides = [1, 1]} : vector<4x6xf32> to vector<1x1xf32>
    %squeeze3A_150 = vector.extract %slice3A_149[0, 0] : f32 from vector<1x1xf32>
    %mul3A_151 = vector.broadcast %squeeze3A_150 : f32 to vector<128x128xf32>
    %mul3A_152 = arith.mulf %get3A_10, %mul3A_151 : vector<128x128xf32>
    %add3A_153 = arith.addf %add3A_148, %mul3A_152 : vector<128x128xf32>
    %ge3A_154 = arith.constant 0.000000e+00 : f32
    %ge3A_155 = vector.broadcast %ge3A_154 : f32 to vector<128x128xf32>
    %ge3A_156 = arith.cmpf oge, %add3A_153, %ge3A_155 : vector<128x128xf32>
    %mul3A_157 = arith.constant 0.00999999977 : f32
    %mul3A_158 = vector.broadcast %mul3A_157 : f32 to vector<128x128xf32>
    %mul3A_159 = arith.mulf %mul3A_158, %add3A_153 : vector<128x128xf32>
    %select_n3A_160 = arith.select %ge3A_156, %add3A_153, %mul3A_159 : vector<128x128xi1>, vector<128x128xf32>
    %slice3A_161 = vector.extract_strided_slice %get3A_16 {offsets = [0, 5], sizes = [1, 1], strides = [1, 1]} : vector<1x6xf32> to vector<1x1xf32>
    %squeeze3A_162 = vector.extract %slice3A_161[0, 0] : f32 from vector<1x1xf32>
    %slice3A_163 = vector.extract_strided_slice %get3A_13 {offsets = [0, 5], sizes = [1, 1], strides = [1, 1]} : vector<4x6xf32> to vector<1x1xf32>
    %squeeze3A_164 = vector.extract %slice3A_163[0, 0] : f32 from vector<1x1xf32>
    %mul3A_165 = vector.broadcast %squeeze3A_164 : f32 to vector<128x128xf32>
    %mul3A_166 = arith.mulf %get3A_1, %mul3A_165 : vector<128x128xf32>
    %add3A_167 = vector.broadcast %squeeze3A_162 : f32 to vector<128x128xf32>
    %add3A_168 = arith.addf %add3A_167, %mul3A_166 : vector<128x128xf32>
    %slice3A_169 = vector.extract_strided_slice %get3A_13 {offsets = [1, 5], sizes = [1, 1], strides = [1, 1]} : vector<4x6xf32> to vector<1x1xf32>
    %squeeze3A_170 = vector.extract %slice3A_169[0, 0] : f32 from vector<1x1xf32>
    %mul3A_171 = vector.broadcast %squeeze3A_170 : f32 to vector<128x128xf32>
    %mul3A_172 = arith.mulf %get3A_4, %mul3A_171 : vector<128x128xf32>
    %add3A_173 = arith.addf %add3A_168, %mul3A_172 : vector<128x128xf32>
    %slice3A_174 = vector.extract_strided_slice %get3A_13 {offsets = [2, 5], sizes = [1, 1], strides = [1, 1]} : vector<4x6xf32> to vector<1x1xf32>
    %squeeze3A_175 = vector.extract %slice3A_174[0, 0] : f32 from vector<1x1xf32>
    %mul3A_176 = vector.broadcast %squeeze3A_175 : f32 to vector<128x128xf32>
    %mul3A_177 = arith.mulf %get3A_7, %mul3A_176 : vector<128x128xf32>
    %add3A_178 = arith.addf %add3A_173, %mul3A_177 : vector<128x128xf32>
    %slice3A_179 = vector.extract_strided_slice %get3A_13 {offsets = [3, 5], sizes = [1, 1], strides = [1, 1]} : vector<4x6xf32> to vector<1x1xf32>
    %squeeze3A_180 = vector.extract %slice3A_179[0, 0] : f32 from vector<1x1xf32>
    %mul3A_181 = vector.broadcast %squeeze3A_180 : f32 to vector<128x128xf32>
    %mul3A_182 = arith.mulf %get3A_10, %mul3A_181 : vector<128x128xf32>
    %add3A_183 = arith.addf %add3A_178, %mul3A_182 : vector<128x128xf32>
    %ge3A_184 = arith.constant 0.000000e+00 : f32
    %ge3A_185 = vector.broadcast %ge3A_184 : f32 to vector<128x128xf32>
    %ge3A_186 = arith.cmpf oge, %add3A_183, %ge3A_185 : vector<128x128xf32>
    %mul3A_187 = arith.constant 0.00999999977 : f32
    %mul3A_188 = vector.broadcast %mul3A_187 : f32 to vector<128x128xf32>
    %mul3A_189 = arith.mulf %mul3A_188, %add3A_183 : vector<128x128xf32>
    %select_n3A_190 = arith.select %ge3A_186, %add3A_183, %mul3A_189 : vector<128x128xi1>, vector<128x128xf32>
    %get3A_191 = arith.constant 0 : index
    %get3A_192 = arith.constant 0 : index
    %get3A_193 = vector.load %arg6[%get3A_191, %get3A_192] : memref<6x3xf32, #tpu.memory_space<vmem>>, vector<6x3xf32>
    %get3A_194 = arith.constant 0 : index
    %get3A_195 = arith.constant 0 : index
    %get3A_196 = vector.load %arg7[%get3A_194, %get3A_195] : memref<1x3xf32, #tpu.memory_space<vmem>>, vector<1x3xf32>
    %slice3A_197 = vector.extract_strided_slice %get3A_196 {offsets = [0, 0], sizes = [1, 1], strides = [1, 1]} : vector<1x3xf32> to vector<1x1xf32>
    %squeeze3A_198 = vector.extract %slice3A_197[0, 0] : f32 from vector<1x1xf32>
    %slice3A_199 = vector.extract_strided_slice %get3A_193 {offsets = [0, 0], sizes = [1, 1], strides = [1, 1]} : vector<6x3xf32> to vector<1x1xf32>
    %squeeze3A_200 = vector.extract %slice3A_199[0, 0] : f32 from vector<1x1xf32>
    %mul3A_201 = vector.broadcast %squeeze3A_200 : f32 to vector<128x128xf32>
    %mul3A_202 = arith.mulf %select_n3A, %mul3A_201 : vector<128x128xf32>
    %add3A_203 = vector.broadcast %squeeze3A_198 : f32 to vector<128x128xf32>
    %add3A_204 = arith.addf %add3A_203, %mul3A_202 : vector<128x128xf32>
    %slice3A_205 = vector.extract_strided_slice %get3A_193 {offsets = [1, 0], sizes = [1, 1], strides = [1, 1]} : vector<6x3xf32> to vector<1x1xf32>
    %squeeze3A_206 = vector.extract %slice3A_205[0, 0] : f32 from vector<1x1xf32>
    %mul3A_207 = vector.broadcast %squeeze3A_206 : f32 to vector<128x128xf32>
    %mul3A_208 = arith.mulf %select_n3A_70, %mul3A_207 : vector<128x128xf32>
    %add3A_209 = arith.addf %add3A_204, %mul3A_208 : vector<128x128xf32>
    %slice3A_210 = vector.extract_strided_slice %get3A_193 {offsets = [2, 0], sizes = [1, 1], strides = [1, 1]} : vector<6x3xf32> to vector<1x1xf32>
    %squeeze3A_211 = vector.extract %slice3A_210[0, 0] : f32 from vector<1x1xf32>
    %mul3A_212 = vector.broadcast %squeeze3A_211 : f32 to vector<128x128xf32>
    %mul3A_213 = arith.mulf %select_n3A_100, %mul3A_212 : vector<128x128xf32>
    %add3A_214 = arith.addf %add3A_209, %mul3A_213 : vector<128x128xf32>
    %slice3A_215 = vector.extract_strided_slice %get3A_193 {offsets = [3, 0], sizes = [1, 1], strides = [1, 1]} : vector<6x3xf32> to vector<1x1xf32>
    %squeeze3A_216 = vector.extract %slice3A_215[0, 0] : f32 from vector<1x1xf32>
    %mul3A_217 = vector.broadcast %squeeze3A_216 : f32 to vector<128x128xf32>
    %mul3A_218 = arith.mulf %select_n3A_130, %mul3A_217 : vector<128x128xf32>
    %add3A_219 = arith.addf %add3A_214, %mul3A_218 : vector<128x128xf32>
    %slice3A_220 = vector.extract_strided_slice %get3A_193 {offsets = [4, 0], sizes = [1, 1], strides = [1, 1]} : vector<6x3xf32> to vector<1x1xf32>
    %squeeze3A_221 = vector.extract %slice3A_220[0, 0] : f32 from vector<1x1xf32>
    %mul3A_222 = vector.broadcast %squeeze3A_221 : f32 to vector<128x128xf32>
    %mul3A_223 = arith.mulf %select_n3A_160, %mul3A_222 : vector<128x128xf32>
    %add3A_224 = arith.addf %add3A_219, %mul3A_223 : vector<128x128xf32>
    %slice3A_225 = vector.extract_strided_slice %get3A_193 {offsets = [5, 0], sizes = [1, 1], strides = [1, 1]} : vector<6x3xf32> to vector<1x1xf32>
    %squeeze3A_226 = vector.extract %slice3A_225[0, 0] : f32 from vector<1x1xf32>
    %mul3A_227 = vector.broadcast %squeeze3A_226 : f32 to vector<128x128xf32>
    %mul3A_228 = arith.mulf %select_n3A_190, %mul3A_227 : vector<128x128xf32>
    %add3A_229 = arith.addf %add3A_224, %mul3A_228 : vector<128x128xf32>
    %ge3A_230 = arith.constant 0.000000e+00 : f32
    %ge3A_231 = vector.broadcast %ge3A_230 : f32 to vector<128x128xf32>
    %ge3A_232 = arith.cmpf oge, %add3A_229, %ge3A_231 : vector<128x128xf32>
    %mul3A_233 = arith.constant 0.00999999977 : f32
    %mul3A_234 = vector.broadcast %mul3A_233 : f32 to vector<128x128xf32>
    %mul3A_235 = arith.mulf %mul3A_234, %add3A_229 : vector<128x128xf32>
    %select_n3A_236 = arith.select %ge3A_232, %add3A_229, %mul3A_235 : vector<128x128xi1>, vector<128x128xf32>
    %reduce_max3A = vector.shape_cast %select_n3A_236 : vector<128x128xf32> to vector<1x128x128xf32>
    %reduce_max3A_237 = arith.constant dense<0xFF800000> : vector<1xf32>
    %reduce_max3A_238 = vector.multi_reduction <maximumf>, %reduce_max3A, %reduce_max3A_237 [1, 2] : vector<1x128x128xf32> to vector<1xf32>
    %reduce_max3A_239 = vector.shape_cast %reduce_max3A_238 : vector<1xf32> to vector<1x1x1xf32>
    %reduce_max3A_240 = vector.extract %reduce_max3A_239[0, 0, 0] : f32 from vector<1x1x1xf32>
    %sub3A = vector.broadcast %reduce_max3A_240 : f32 to vector<128x128xf32>
    %sub3A_241 = arith.subf %select_n3A_236, %sub3A : vector<128x128xf32>
    %exp3A = math.exp %sub3A_241 : vector<128x128xf32>
    %reduce_sum3A = vector.shape_cast %exp3A : vector<128x128xf32> to vector<1x128x128xf32>
    %reduce_sum3A_242 = arith.constant dense<0.000000e+00> : vector<1xf32>
    %reduce_sum3A_243 = vector.multi_reduction <add>, %reduce_sum3A, %reduce_sum3A_242 [1, 2] : vector<1x128x128xf32> to vector<1xf32>
    %reduce_sum3A_244 = vector.shape_cast %reduce_sum3A_243 : vector<1xf32> to vector<1x1x1xf32>
    %reduce_sum3A_245 = vector.extract %reduce_sum3A_244[0, 0, 0] : f32 from vector<1x1x1xf32>
    %log3A = math.log %reduce_sum3A_245 : f32
    %add3A_246 = arith.addf %log3A, %reduce_max3A_240 : f32
    %sub3A_247 = vector.broadcast %add3A_246 : f32 to vector<128x128xf32>
    %sub3A_248 = arith.subf %select_n3A_236, %sub3A_247 : vector<128x128xf32>
    %swap3A = arith.constant 0 : index
    %swap3A_249 = arith.constant 0 : index
    %swap3A_250 = vector.load %arg8[%swap3A, %swap3A_249] : memref<128x128xf32, #tpu.memory_space<vmem>>, vector<128x128xf32>
    tpu.vector_store %arg8[%swap3A, %swap3A_249], %sub3A_248 {strides = array<i32>} : memref<128x128xf32, #tpu.memory_space<vmem>>, vector<128x128xf32>,
    %slice3A_251 = vector.extract_strided_slice %get3A_196 {offsets = [0, 1], sizes = [1, 1], strides = [1, 1]} : vector<1x3xf32> to vector<1x1xf32>
    %squeeze3A_252 = vector.extract %slice3A_251[0, 0] : f32 from vector<1x1xf32>
    %slice3A_253 = vector.extract_strided_slice %get3A_193 {offsets = [0, 1], sizes = [1, 1], strides = [1, 1]} : vector<6x3xf32> to vector<1x1xf32>
    %squeeze3A_254 = vector.extract %slice3A_253[0, 0] : f32 from vector<1x1xf32>
    %mul3A_255 = vector.broadcast %squeeze3A_254 : f32 to vector<128x128xf32>
    %mul3A_256 = arith.mulf %select_n3A, %mul3A_255 : vector<128x128xf32>
    %add3A_257 = vector.broadcast %squeeze3A_252 : f32 to vector<128x128xf32>
    %add3A_258 = arith.addf %add3A_257, %mul3A_256 : vector<128x128xf32>
    %slice3A_259 = vector.extract_strided_slice %get3A_193 {offsets = [1, 1], sizes = [1, 1], strides = [1, 1]} : vector<6x3xf32> to vector<1x1xf32>
    %squeeze3A_260 = vector.extract %slice3A_259[0, 0] : f32 from vector<1x1xf32>
    %mul3A_261 = vector.broadcast %squeeze3A_260 : f32 to vector<128x128xf32>
    %mul3A_262 = arith.mulf %select_n3A_70, %mul3A_261 : vector<128x128xf32>
    %add3A_263 = arith.addf %add3A_258, %mul3A_262 : vector<128x128xf32>
    %slice3A_264 = vector.extract_strided_slice %get3A_193 {offsets = [2, 1], sizes = [1, 1], strides = [1, 1]} : vector<6x3xf32> to vector<1x1xf32>
    %squeeze3A_265 = vector.extract %slice3A_264[0, 0] : f32 from vector<1x1xf32>
    %mul3A_266 = vector.broadcast %squeeze3A_265 : f32 to vector<128x128xf32>
    %mul3A_267 = arith.mulf %select_n3A_100, %mul3A_266 : vector<128x128xf32>
    %add3A_268 = arith.addf %add3A_263, %mul3A_267 : vector<128x128xf32>
    %slice3A_269 = vector.extract_strided_slice %get3A_193 {offsets = [3, 1], sizes = [1, 1], strides = [1, 1]} : vector<6x3xf32> to vector<1x1xf32>
    %squeeze3A_270 = vector.extract %slice3A_269[0, 0] : f32 from vector<1x1xf32>
    %mul3A_271 = vector.broadcast %squeeze3A_270 : f32 to vector<128x128xf32>
    %mul3A_272 = arith.mulf %select_n3A_130, %mul3A_271 : vector<128x128xf32>
    %add3A_273 = arith.addf %add3A_268, %mul3A_272 : vector<128x128xf32>
    %slice3A_274 = vector.extract_strided_slice %get3A_193 {offsets = [4, 1], sizes = [1, 1], strides = [1, 1]} : vector<6x3xf32> to vector<1x1xf32>
    %squeeze3A_275 = vector.extract %slice3A_274[0, 0] : f32 from vector<1x1xf32>
    %mul3A_276 = vector.broadcast %squeeze3A_275 : f32 to vector<128x128xf32>
    %mul3A_277 = arith.mulf %select_n3A_160, %mul3A_276 : vector<128x128xf32>
    %add3A_278 = arith.addf %add3A_273, %mul3A_277 : vector<128x128xf32>
    %slice3A_279 = vector.extract_strided_slice %get3A_193 {offsets = [5, 1], sizes = [1, 1], strides = [1, 1]} : vector<6x3xf32> to vector<1x1xf32>
    %squeeze3A_280 = vector.extract %slice3A_279[0, 0] : f32 from vector<1x1xf32>
    %mul3A_281 = vector.broadcast %squeeze3A_280 : f32 to vector<128x128xf32>
    %mul3A_282 = arith.mulf %select_n3A_190, %mul3A_281 : vector<128x128xf32>
    %add3A_283 = arith.addf %add3A_278, %mul3A_282 : vector<128x128xf32>
    %ge3A_284 = arith.constant 0.000000e+00 : f32
    %ge3A_285 = vector.broadcast %ge3A_284 : f32 to vector<128x128xf32>
    %ge3A_286 = arith.cmpf oge, %add3A_283, %ge3A_285 : vector<128x128xf32>
    %mul3A_287 = arith.constant 0.00999999977 : f32
    %mul3A_288 = vector.broadcast %mul3A_287 : f32 to vector<128x128xf32>
    %mul3A_289 = arith.mulf %mul3A_288, %add3A_283 : vector<128x128xf32>
    %select_n3A_290 = arith.select %ge3A_286, %add3A_283, %mul3A_289 : vector<128x128xi1>, vector<128x128xf32>
    %reduce_max3A_291 = vector.shape_cast %select_n3A_290 : vector<128x128xf32> to vector<1x128x128xf32>
    %reduce_max3A_292 = arith.constant dense<0xFF800000> : vector<1xf32>
    %reduce_max3A_293 = vector.multi_reduction <maximumf>, %reduce_max3A_291, %reduce_max3A_292 [1, 2] : vector<1x128x128xf32> to vector<1xf32>
    %reduce_max3A_294 = vector.shape_cast %reduce_max3A_293 : vector<1xf32> to vector<1x1x1xf32>
    %reduce_max3A_295 = vector.extract %reduce_max3A_294[0, 0, 0] : f32 from vector<1x1x1xf32>
    %sub3A_296 = vector.broadcast %reduce_max3A_295 : f32 to vector<128x128xf32>
    %sub3A_297 = arith.subf %select_n3A_290, %sub3A_296 : vector<128x128xf32>
    %exp3A_298 = math.exp %sub3A_297 : vector<128x128xf32>
    %reduce_sum3A_299 = vector.shape_cast %exp3A_298 : vector<128x128xf32> to vector<1x128x128xf32>
    %reduce_sum3A_300 = arith.constant dense<0.000000e+00> : vector<1xf32>
    %reduce_sum3A_301 = vector.multi_reduction <add>, %reduce_sum3A_299, %reduce_sum3A_300 [1, 2] : vector<1x128x128xf32> to vector<1xf32>
    %reduce_sum3A_302 = vector.shape_cast %reduce_sum3A_301 : vector<1xf32> to vector<1x1x1xf32>
    %reduce_sum3A_303 = vector.extract %reduce_sum3A_302[0, 0, 0] : f32 from vector<1x1x1xf32>
    %log3A_304 = math.log %reduce_sum3A_303 : f32
    %add3A_305 = arith.addf %log3A_304, %reduce_max3A_295 : f32
    %sub3A_306 = vector.broadcast %add3A_305 : f32 to vector<128x128xf32>
    %sub3A_307 = arith.subf %select_n3A_290, %sub3A_306 : vector<128x128xf32>
    %swap3A_308 = arith.constant 0 : index
    %swap3A_309 = arith.constant 0 : index
    %swap3A_310 = vector.load %arg9[%swap3A_308, %swap3A_309] : memref<128x128xf32, #tpu.memory_space<vmem>>, vector<128x128xf32>
    tpu.vector_store %arg9[%swap3A_308, %swap3A_309], %sub3A_307 {strides = array<i32>} : memref<128x128xf32, #tpu.memory_space<vmem>>, vector<128x128xf32>,
    %slice3A_311 = vector.extract_strided_slice %get3A_196 {offsets = [0, 2], sizes = [1, 1], strides = [1, 1]} : vector<1x3xf32> to vector<1x1xf32>
    %squeeze3A_312 = vector.extract %slice3A_311[0, 0] : f32 from vector<1x1xf32>
    %slice3A_313 = vector.extract_strided_slice %get3A_193 {offsets = [0, 2], sizes = [1, 1], strides = [1, 1]} : vector<6x3xf32> to vector<1x1xf32>
    %squeeze3A_314 = vector.extract %slice3A_313[0, 0] : f32 from vector<1x1xf32>
    %mul3A_315 = vector.broadcast %squeeze3A_314 : f32 to vector<128x128xf32>
    %mul3A_316 = arith.mulf %select_n3A, %mul3A_315 : vector<128x128xf32>
    %add3A_317 = vector.broadcast %squeeze3A_312 : f32 to vector<128x128xf32>
    %add3A_318 = arith.addf %add3A_317, %mul3A_316 : vector<128x128xf32>
    %slice3A_319 = vector.extract_strided_slice %get3A_193 {offsets = [1, 2], sizes = [1, 1], strides = [1, 1]} : vector<6x3xf32> to vector<1x1xf32>
    %squeeze3A_320 = vector.extract %slice3A_319[0, 0] : f32 from vector<1x1xf32>
    %mul3A_321 = vector.broadcast %squeeze3A_320 : f32 to vector<128x128xf32>
    %mul3A_322 = arith.mulf %select_n3A_70, %mul3A_321 : vector<128x128xf32>
    %add3A_323 = arith.addf %add3A_318, %mul3A_322 : vector<128x128xf32>
    %slice3A_324 = vector.extract_strided_slice %get3A_193 {offsets = [2, 2], sizes = [1, 1], strides = [1, 1]} : vector<6x3xf32> to vector<1x1xf32>
    %squeeze3A_325 = vector.extract %slice3A_324[0, 0] : f32 from vector<1x1xf32>
    %mul3A_326 = vector.broadcast %squeeze3A_325 : f32 to vector<128x128xf32>
    %mul3A_327 = arith.mulf %select_n3A_100, %mul3A_326 : vector<128x128xf32>
    %add3A_328 = arith.addf %add3A_323, %mul3A_327 : vector<128x128xf32>
    %slice3A_329 = vector.extract_strided_slice %get3A_193 {offsets = [3, 2], sizes = [1, 1], strides = [1, 1]} : vector<6x3xf32> to vector<1x1xf32>
    %squeeze3A_330 = vector.extract %slice3A_329[0, 0] : f32 from vector<1x1xf32>
    %mul3A_331 = vector.broadcast %squeeze3A_330 : f32 to vector<128x128xf32>
    %mul3A_332 = arith.mulf %select_n3A_130, %mul3A_331 : vector<128x128xf32>
    %add3A_333 = arith.addf %add3A_328, %mul3A_332 : vector<128x128xf32>
    %slice3A_334 = vector.extract_strided_slice %get3A_193 {offsets = [4, 2], sizes = [1, 1], strides = [1, 1]} : vector<6x3xf32> to vector<1x1xf32>
    %squeeze3A_335 = vector.extract %slice3A_334[0, 0] : f32 from vector<1x1xf32>
    %mul3A_336 = vector.broadcast %squeeze3A_335 : f32 to vector<128x128xf32>
    %mul3A_337 = arith.mulf %select_n3A_160, %mul3A_336 : vector<128x128xf32>
    %add3A_338 = arith.addf %add3A_333, %mul3A_337 : vector<128x128xf32>
    %slice3A_339 = vector.extract_strided_slice %get3A_193 {offsets = [5, 2], sizes = [1, 1], strides = [1, 1]} : vector<6x3xf32> to vector<1x1xf32>
    %squeeze3A_340 = vector.extract %slice3A_339[0, 0] : f32 from vector<1x1xf32>
    %mul3A_341 = vector.broadcast %squeeze3A_340 : f32 to vector<128x128xf32>
    %mul3A_342 = arith.mulf %select_n3A_190, %mul3A_341 : vector<128x128xf32>
    %add3A_343 = arith.addf %add3A_338, %mul3A_342 : vector<128x128xf32>
    %ge3A_344 = arith.constant 0.000000e+00 : f32
    %ge3A_345 = vector.broadcast %ge3A_344 : f32 to vector<128x128xf32>
    %ge3A_346 = arith.cmpf oge, %add3A_343, %ge3A_345 : vector<128x128xf32>
    %mul3A_347 = arith.constant 0.00999999977 : f32
    %mul3A_348 = vector.broadcast %mul3A_347 : f32 to vector<128x128xf32>
    %mul3A_349 = arith.mulf %mul3A_348, %add3A_343 : vector<128x128xf32>
    %select_n3A_350 = arith.select %ge3A_346, %add3A_343, %mul3A_349 : vector<128x128xi1>, vector<128x128xf32>
    %reduce_max3A_351 = vector.shape_cast %select_n3A_350 : vector<128x128xf32> to vector<1x128x128xf32>
    %reduce_max3A_352 = arith.constant dense<0xFF800000> : vector<1xf32>
    %reduce_max3A_353 = vector.multi_reduction <maximumf>, %reduce_max3A_351, %reduce_max3A_352 [1, 2] : vector<1x128x128xf32> to vector<1xf32>
    %reduce_max3A_354 = vector.shape_cast %reduce_max3A_353 : vector<1xf32> to vector<1x1x1xf32>
    %reduce_max3A_355 = vector.extract %reduce_max3A_354[0, 0, 0] : f32 from vector<1x1x1xf32>
    %sub3A_356 = vector.broadcast %reduce_max3A_355 : f32 to vector<128x128xf32>
    %sub3A_357 = arith.subf %select_n3A_350, %sub3A_356 : vector<128x128xf32>
    %exp3A_358 = math.exp %sub3A_357 : vector<128x128xf32>
    %reduce_sum3A_359 = vector.shape_cast %exp3A_358 : vector<128x128xf32> to vector<1x128x128xf32>
    %reduce_sum3A_360 = arith.constant dense<0.000000e+00> : vector<1xf32>
    %reduce_sum3A_361 = vector.multi_reduction <add>, %reduce_sum3A_359, %reduce_sum3A_360 [1, 2] : vector<1x128x128xf32> to vector<1xf32>
    %reduce_sum3A_362 = vector.shape_cast %reduce_sum3A_361 : vector<1xf32> to vector<1x1x1xf32>
    %reduce_sum3A_363 = vector.extract %reduce_sum3A_362[0, 0, 0] : f32 from vector<1x1x1xf32>
    %log3A_364 = math.log %reduce_sum3A_363 : f32
    %add3A_365 = arith.addf %log3A_364, %reduce_max3A_355 : f32
    %sub3A_366 = vector.broadcast %add3A_365 : f32 to vector<128x128xf32>
    %sub3A_367 = arith.subf %select_n3A_350, %sub3A_366 : vector<128x128xf32>
    %swap3A_368 = arith.constant 0 : index
    %swap3A_369 = arith.constant 0 : index
    %swap3A_370 = vector.load %arg10[%swap3A_368, %swap3A_369] : memref<128x128xf32, #tpu.memory_space<vmem>>, vector<128x128xf32>
    tpu.vector_store %arg10[%swap3A_368, %swap3A_369], %sub3A_367 {strides = array<i32>} : memref<128x128xf32, #tpu.memory_space<vmem>>, vector<128x128xf32>,
    return
  }
}

</mosaic_0001>

<sc_bundles>
// kernel: kernel.10.cloned.1.call-start
scs
__scs_entry_jumppad:
0x0: {  	(pc) =	sbr.rel $0x88, $3  }
0x1: {  	(tag) =	ssettag $0x0;
	lr =	simm.s32 $0x1  }
0x2: {  	[smem:$0x3F94] =	sst lr;
	_ =	strace $0xD0000000  }
0x3: {  	_ = 	snop  }
0x4: {  	_ = 	snop  }
0x5: {  	_ = 	snop  }
0x6: {  	_ = 	snop  }
0x7: {  	_ = 	snop  }
__scs_overlays_trampoline_lowered:
0x8: {  	[smem:$0x3FA3] =	sst s0  }
0x9: {  	[smem:$0x3FA4] =	sst s1  }
0xa: {  	[smem:$0x3FA5] =	sst s2  }
0xb: {  	[smem:$0x3FA6] =	sst s3  }
0xc: {  	[smem:$0x3FA7] =	sst s4  }
0xd: {  	[smem:$0x3FA8] =	sst s5  }
0xe: {  	[smem:$0x3FA9] =	sst s6  }
0xf: {  	[smem:$0x3FAA] =	sst s7  }
0x10: {  	[smem:$0x3FAB] =	sst s8  }
0x11: {  	[smem:$0x3FAC] =	sst s9;
	s0 =	simm.s32 @!p0 $0x0  }
0x12: {  	s1 =	sld [smem:$0x3F92];
	s0 =	simm.s32 @p0 $0x1  }
0x13: {  	[smem:$0x3FAD] =	sst s0;
	s0 =	simm.s32 @!p1 $0x0  }
0x14: {  	s2 =	sld [smem:$0x3F91];
	s0 =	simm.s32 @p1 $0x1  }
0x15: {  	[smem:$0x3FAE] =	sst s0;
	s0 =	simm.s32 @!p2 $0x0  }
0x16: {  	s3 =	sld [smem:$0x3FDB];
	s0 =	simm.s32 @p2 $0x1  }
0x17: {  	s4 =	simm.s32 $0x1BF5;
	[smem:$0x3FB0] =	sst s0  }
0x18: {  	s0 =	sld [smem:$0x3F93];
	_ =	swait.ge [sflag:s4], $0x0  }
0x19: {  	s7 =	sld [smem:$0x3F94]  }
0x1a: {  	s8 =	sadd.s32 $0xFFFFE003, lr  }
0x1b: {  	s9 =	sadd.s32 $0xFFFFFEF7, lr;
	s5 =	simm.s32 $0xFFFFFFFF;
	p2 =	slt.u32 s8, $0xFFFFF086  }
0x1c: {  	p1 =	slt.u32 s9, $0xF7A;
	s5 =	simm.s32 @!p2 $0x0  }
0x1d: {  	s5 =	simm.s32 @p1 $0x1;
	p0 =	seq.s32 s7, s2  }
0x1e: {  	s7 =	smul.u32 @!p0 $0xF7A, s2;
	p2 =	seq.s32 @!p0 s5, $0x0  }
0x1f: {  	s9 =	smul.u32 $0xF7A, s1;
	s8 =	simm.s32 @!p0 $0x1BF5;
	p2 =	por !p2, p0  }
0x20: {  	[sflag:s8] =	ssyncset.s32 @!p0 $0xFFFFF086;
	s6 =	sadd.s32 @!p0 s3, s7;
	s7 =	simm.s32 @!p0 $0x108  }
0x21: {  	s3 =	sadd.s32 s3, s9;
	s6 =	sadd.s32 @!p0 $0x88, s6;
	s7 =	simm.s32 @p2 $0x1082  }
0x22: {  	[simem:s7], [sflag:s8] =	dma.local @!p0 [hbm:s6], $0xF7A  }
0x23: {  	s9 =	sor.u32 $0xD0000000, s2;
	s6 =	simm.s32 $0x108;
	_ =	swait.ge @!p0 [sflag:s8], $0x0  }
0x24: {  	s3 =	sadd.s32 $0x88, s3;
	s6 =	simm.s32 @!p1 $0x1082;
	[sflag:s4] =	ssyncset.s32 $0xFFFFF086  }
0x25: {  	[simem:s6], [sflag:s4] =	dma.local [hbm:s3], $0xF7A  }
0x26: {  	[smem:$0x3F94] =	sst s1;
	(tag) =	ssettag s2;
	_ =	strace s9  }
0x27: {  	s1 =	sld [smem:$0x3FA4]  }
0x28: {  	s2 =	sld [smem:$0x3FA5]  }
0x29: {  	s4 =	sld [smem:$0x3FA7]  }
0x2a: {  	p0 =	seq.s32 s5, $0x0;
	s5 =	sld [smem:$0x3FA8]  }
0x2b: {  	s6 =	sld [smem:$0x3FA9]  }
0x2c: {  	s7 =	sld [smem:$0x3FAA]  }
0x2d: {  	s3 =	simm.s32 $0x108;
	s8 =	sld [smem:$0x3FAB]  }
0x2e: {  	s3 =	simm.s32 @!p0 $0x1082;
	s9 =	sld [smem:$0x3FAC]  }
0x2f: {  	lr =	sadd.s32 s0, s3;
	s0 =	sld [smem:$0x3FA3]  }
0x30: {  	s3 =	sld [smem:$0x3FA6]  }
0x31: {  	[smem:$0x3FAF] =	sst s10  }
0x32: {  	s10 =	sld [smem:$0x3FAD];
	_ =	sdelay $0x3  }
0x33: {  	p0 =	seq.s32 s10, $0x1;
	s10 =	sld [smem:$0x3FAF];
	_ =	sdelay $0x3  }
0x34: {  	[smem:$0x3FAF] =	sst s10  }
0x35: {  	s10 =	sld [smem:$0x3FAE];
	_ =	sdelay $0x3  }
0x36: {  	p1 =	seq.s32 s10, $0x1;
	s10 =	sld [smem:$0x3FAF];
	_ =	sdelay $0x3  }
0x37: {  	[smem:$0x3FAF] =	sst s10  }
0x38: {  	s10 =	sld [smem:$0x3FB0]  }
0x39: {  	_ = 	snop;
	(pc) =	sbr.ind lr, $3  }
0x3a: {  	_ = 	snop  }
0x3b: {  	_ = 	snop  }
0x3c: {  	p2 =	seq.s32 s10, $0x1;
	s10 =	sld [smem:$0x3FAF]  }
0x3d: {  	_ =	shalt  }
0x3e: {  	_ =	shalt  }
0x3f: {  	_ =	shalt  }
0x40: {  	_ =	shalt  }
0x41: {  	_ =	shalt  }
0x42: {  	_ =	shalt  }
0x43: {  	_ =	shalt  }
0x44: {  	_ =	shalt  }
0x45: {  	_ =	shalt  }
0x46: {  	_ =	shalt  }
0x47: {  	_ =	shalt  }
0x48: {  	_ =	shalt  }
0x49: {  	_ =	shalt  }
0x4a: {  	_ =	shalt  }
0x4b: {  	_ =	shalt  }
0x4c: {  	_ =	shalt  }
0x4d: {  	_ =	shalt  }
0x4e: {  	_ =	shalt  }
0x4f: {  	_ =	shalt  }
0x50: {  	_ =	shalt  }
0x51: {  	_ =	shalt  }
0x52: {  	_ =	shalt  }
0x53: {  	_ =	shalt  }
0x54: {  	_ =	shalt  }
0x55: {  	_ =	shalt  }
0x56: {  	_ =	shalt  }
0x57: {  	_ =	shalt  }
0x58: {  	_ =	shalt  }
0x59: {  	_ =	shalt  }
0x5a: {  	_ =	shalt  }
0x5b: {  	_ =	shalt  }
0x5c: {  	_ =	shalt  }
0x5d: {  	_ =	shalt  }
0x5e: {  	_ =	shalt  }
0x5f: {  	_ =	shalt  }
0x60: {  	_ =	shalt  }
0x61: {  	_ =	shalt  }
0x62: {  	_ =	shalt  }
0x63: {  	_ =	shalt  }
0x64: {  	_ =	shalt  }
0x65: {  	_ =	shalt  }
0x66: {  	_ =	shalt  }
0x67: {  	_ =	shalt  }
0x68: {  	_ =	shalt  }
0x69: {  	_ =	shalt  }
0x6a: {  	_ =	shalt  }
0x6b: {  	_ =	shalt  }
0x6c: {  	_ =	shalt  }
0x6d: {  	_ =	shalt  }
0x6e: {  	_ =	shalt  }
0x6f: {  	_ =	shalt  }
0x70: {  	_ =	shalt  }
0x71: {  	_ =	shalt  }
0x72: {  	_ =	shalt  }
0x73: {  	_ =	shalt  }
0x74: {  	_ =	shalt  }
0x75: {  	_ =	shalt  }
0x76: {  	_ =	shalt  }
0x77: {  	_ =	shalt  }
0x78: {  	_ =	shalt  }
0x79: {  	_ =	shalt  }
0x7a: {  	_ =	shalt  }
0x7b: {  	_ =	shalt  }
0x7c: {  	_ =	shalt  }
0x7d: {  	_ =	shalt  }
0x7e: {  	_ =	shalt  }
0x7f: {  	_ =	shalt  }
0x80: {  	_ =	shalt  }
0x81: {  	_ =	shalt  }
0x82: {  	_ =	shalt  }
0x83: {  	_ =	shalt  }
0x84: {  	_ =	shalt  }
0x85: {  	_ =	shalt  }
0x86: {  	_ =	shalt  }
0x87: {  	_ =	shalt  }
.Lfunc_end0:
.L_simem_size_0:
called_computation_lowered:
.L_overlay_start_0:
0x88: {  	s2 =	sld [smem:$0x3FD9]  }
0x89: {  	s3 =	sld [smem:$0x3FFE];
	_ =	sdelay $0x1  }
0x8a: {  	s1 =	srdreg.scid  }
0x8b: {  	s0 =	sand.u32 $0x1, s1  }
0x8c: {  	s17 =	sshll.u32 s0, $0xA;
	s2 =	sadd.s32 s3, s2  }
0x8d: {  	s2 =	sadd.s32 s2, s17  }
0x8e: {  	[smem:$0x3FBB] =	sst s2  }
0x8f: {  	_ = 	snop  }
0x90: {  	s2 =	sld [smem:$0x3FC8];
	(tm) =	ssettm $0x1  }
0x91: {  	s18 =	sld [smem:$0x3FFB];
	_ =	sdelay $0x3  }
0x92: {  	_ =	strace s18  }
0x93: {  	s3 =	sld [smem:$0x3FFC];
	_ =	sdelay $0x3  }
0x94: {  	_ =	strace s3  }
0x95: {  	s3 =	sld [smem:$0x3FFD];
	_ =	sdelay $0x3  }
0x96: {  	_ =	strace s3  }
0x97: {  	_ =	strace $0x8FFFFFFF  }
0x98: {  	s19 =	sld [smem:$0x3FDB];
	_ =	sdelay $0x1  }
0x99: {  	s4 =	simm.s32 $_scs_section_size  }
0x9a: {  	s5 =	simm.s32 $_size__tile_overlayer_lowered;
	s6 =	simm.s32 $_tile_overlayer_lowered  }
0x9b: {  	s22 =	simm.s32 $0x1BFF;
	s21 =	sshll.u32 s6, $0x1;
	s3 =	sadd.s32 s4, s19  }
0x9c: {  	s7 =	simm.s32 $0x0;
	s20 =	sshll.u32 s5, $0x1;
	s5 =	sadd.s32 s21, s3  }
0x9d: {  	[timem:s7], [sflag:s22] =	dma.local [hbm:s5], s20  }
0x9e: {  	_ =	swait.ge [sflag:s22], s20  }
0x9f: {  	s4 =	ssub.s32 $0x0, s20;
	[sflag:s22] =	ssyncset.done $0x0  }
0xa0: {  	[sflag:s22] =	ssyncadd.s32 s4;
	_ =	sdelay $0x1  }
0xa1: {  	s23 =	simm.s32 $0x1B8B  }
0xa2: {  	_ =	swait.ge [sflag:s23], $0x1  }
0xa3: {  	[sflag:s23] =	ssyncset.done $0x0  }
0xa4: {  	s25 =	simm.s32 $0x1B8E;
	s24 =	sld [smem:$0x3FFE];
	[sflag:s23] =	ssyncadd.s32 $0xFFFFFFFF  }
0xa5: {  	s26 =	simm.s32 $execute0_lowered;
	[smem:$0x3FD2] =	sst s25  }
0xa6: {  	s5 =	sshll.u32 s26, $0x1;
	_ =	strace $0x80000046;
	[dreg:$0x1] =	wrdreg $0xFFFFFFFF  }
0xa7: {  	s28 =	simm.s32 $_size_execute0_lowered;
	s3 =	sadd.s32 s3, s5;
	[dreg:$0x0] =	wrdreg $0x0  }
0xa8: {  	s5 =	sshll.u32 s28, $0x1;
	[dreg:$0x2] =	wrdreg s3  }
0xa9: {  	[dreg:$0x3] =	wrdreg s5  }
0xaa: {  	[dreg:$0x4] =	wrdreg $0xC0  }
0xab: {  	_ =	task [dreg:s7], $0x5FFFF  }
0xac: {  	[dreg:$0x1] =	wrdreg $0xFFFFFFFF  }
0xad: {  	[dreg:$0x0] =	wrdreg $0x60  }
0xae: {  	[dreg:$0x2] =	wrdreg s24  }
0xaf: {  	[dreg:$0x3] =	wrdreg s2  }
0xb0: {  	[dreg:$0x4] =	wrdreg $0x0  }
0xb1: {  	[dreg:$0x5] =	wrdreg $0x9  }
0xb2: {  	_ =	task.clear_ibuf [dreg:s7], $0x6FFFF;
	_ =	strace $0x90000046  }
0xb3: {  	s29 =	simm.s32 $0x9;
	_ =	strace $0x80000048  }
0xb4: {  	_ =	swait.ge [sflag:s29], $0x1  }
0xb5: {  	[sflag:s29] =	ssyncadd.s32 $0xFFFFFFFF  }
0xb6: {  	_ =	strace $0x90000048  }
0xb7: {  	_ =	sfence  }
0xb8: {  	s30 =	sld [smem:$0x0];
	_ =	sdelay $0x2  }
0xb9: {  	s31 =	sshll.u32 s1, $0xD;
	s1 =	sshrl.u32 s1, $0x2  }
0xba: {  	s3 =	sand.u32 $0x4000, s31;
	s1 =	sadd.s32 s1, s30  }
0xbb: {  	s0 =	sor.u32 s3, s0;
	s1 =	sshll.u32 s1, $0x11  }
0xbc: {  	s0 =	sor.u32 s1, s0  }
0xbd: {  	s0 =	sadd.s32 $0x8F2B, s0  }
0xbe: {  	[sflag:s0] =	ssyncadd.remote.s32 $0x1  }
0xbf: {  	_ =	sfence.sel $0xFFFF  }
0xc0: {  	[dreg:$0x0] =	wrdreg $0xFFFFFFFF;
	(pc) =	sbr.abs _section_cstart, $3  }
0xc1: {  	[dreg:$0x1] =	wrdreg $0xFFFFFFFF  }
0xc2: {  	_ =	task.clear_ibuf [dreg:s7], $0x2FFFF;
	_ =	strace $0x9FFFFFFF  }
0xc3: {  	(tm) =	ssettm $0x7FFFFFFF  }
tec
execute0_lowered:
.L_overlay_start_1:
0x0: {  	(tag) =	ssettag $0x1  }
0x1: {  	s0 =	rddreg [dreg:$0x0]  }
0x2: {  	s1 =	rddreg [dreg:$0x1]  }
0x3: {  	s2 =	rddreg [dreg:$0x2];
	s4 =	simm.s32 $0x0  }
0x4: {  	s3 =	srdreg.scid;
	s14 =	stileid.u32;
	s28 =	simm.s32 $0x2000  }
0x5: {  	s29 =	simm.s32 $0x2E00;
	s30 =	simm.s32 $0x320;
	s31 =	simm.s32 $0x2  }
0x6: {  	[smem:$0x7FF] =	sst s4;
	s3 =	sand.u32 $0x1, s3;
	s5 =	smul.u32 $0x1900, s14  }
0x7: {  	s9 =	sadd.s32 $0x4000, s0;
	s7 =	smul.u32 $0x3200, s14;
	s17 =	sshll.u32 s14, $0x6  }
0x8: {  	_ =	strace $0x80000047;
	s6 =	sshll.u32 s3, $0x4;
	s10 =	sshll.u32 s3, $0x7  }
0x9: {  	s13 =	ssub.s32 $0x2, s3;
	s3 =	smul.u32 $0x186A00, s3;
	s6 =	sor.u32 s14, s6  }
0xa: {  	s8 =	sshrl.u32 s5, $0x3;
	s7 =	sor.u32 s10, s7;
	s15 =	sshrl.u32 s13, $0x1  }
0xb: {  	s5 =	sadd.s32 s5, s2;
	s6 =	smul.u32 $0x186A0, s6;
	s11 =	sadd.s32 s8, s0  }
0xc: {  	s7 =	sshrl.u32 s7, $0x3;
	s10 =	ssub.s32 s13, s15;
	s13 =	smul.u32 $0x186A0, s14  }
0xd: {  	[dreg:$0xc] =	wrdreg s5;
	s0 =	sadd.s32 s7, s0;
	s16 =	sadd.s32 $0xC7600, s11  }
0xe: {  	s6 =	sshrl.u32 s6, $0x3;
	[dreg:$0xd] =	wrdreg s16;
	s3 =	sadd.s32 s13, s3  }
0xf: {  	s0 =	sadd.s32 $0xCA800, s0;
	s12 =	sadd.s32 s9, s6;
	s18 =	sadd.s32 s1, s6  }
0x10: {  	s6 =	sor.u32 $0x1C09, s17;
	s23 =	sadd.s32 $0x15E0, s3;
	s11 =	sadd.s32 $0x30E9E0, s3  }
0x11: {  	s13 =	sadd.s32 $0x12C0, s3;
	s17 =	sadd.s32 $0xFA0, s3;
	[dreg:$0x15] =	wrdreg s0  }
0x12: {  	s0 =	simm.s32 $0x2380;
	s20 =	sadd.s32 $0x61B48, s12;
	[dreg:$0xe] =	wrdreg s6  }
0x13: {  	s7 =	sadd.s32 $0x61A80, s12;
	s21 =	sadd.s32 $0xC8, s18;
	[dreg:$0xf] =	wrdreg s20  }
0x14: {  	s8 =	sadd.s32 $0x61AE4, s12;
	s22 =	sadd.s32 $0x61BAC, s12;
	[dreg:$0x10] =	wrdreg s21  }
0x15: {  	s19 =	sadd.s32 $0x64, s18;
	s24 =	sadd.s32 $0x12C, s18;
	[dreg:$0x11] =	wrdreg s22  }
0x16: {  	s25 =	sadd.s32 $0x64AF0, s12;
	s5 =	sshrl.u32 s23, $0x3;
	[dreg:$0x12] =	wrdreg s24  }
0x17: {  	s26 =	sadd.s32 $0x3070, s18;
	s12 =	sshrl.u32 s11, $0x3;
	[dreg:$0x13] =	wrdreg s25  }
0x18: {  	[dreg:$0x14] =	wrdreg s26;
	s5 =	sadd.s32 s5, s1;
	s20 =	sshrl.u32 s17, $0x3  }
0x19: {  	s21 =	sadd.s32 $0x30E3A0, s3;
	s22 =	sadd.s32 $0x30E080, s3;
	[dreg:$0xb] =	wrdreg s19  }
0x1a: {  	s26 =	smax.u32 s10, $0x1;
	s10 =	simm.s32 $0x5;
	[dreg:$0x4] =	wrdreg s5  }
0x1b: {  	s5 =	sadd.s32 s12, s9;
	s12 =	sshrl.u32 s13, $0x3;
	s13 =	sadd.s32 $0x30E6C0, s3  }
0x1c: {  	s24 =	sshrl.u32 s22, $0x3;
	[dreg:$0x16] =	wrdreg s26;
	s3 =	sadd.s32 $0xC80, s3  }
0x1d: {  	s22 =	simm.s32 $0x2700;
	s26 =	simm.s32 $0x1;
	[dreg:$0x5] =	wrdreg s5  }
0x1e: {  	s14 =	sadd.s32 s12, s1;
	s15 =	sshrl.u32 s13, $0x3;
	s5 =	sadd.s32 s20, s1  }
0x1f: {  	s12 =	sshrl.u32 s21, $0x3;
	s25 =	sadd.s32 s24, s9;
	[dreg:$0x17] =	wrdreg s3  }
0x20: {  	s21 =	simm.s32 $0x1900;
	s24 =	simm.s32 $0x2A80;
	[dreg:$0x6] =	wrdreg s14  }
0x21: {  	s3 =	simm.s32 $0x3180;
	s13 =	simm.s32 $0x6;
	[dreg:$0x8] =	wrdreg s5  }
0x22: {  	s16 =	sadd.s32 s15, s9;
	s23 =	sadd.s32 s12, s9;
	[dreg:$0xa] =	wrdreg s25  }
0x23: {  	s25 =	simm.s32 $0x9;
	s9 =	simm.s32 $0x3;
	s12 =	simm.s32 $0x4  }
0x24: {  	s14 =	simm.s32 $0x7;
	s15 =	simm.s32 $0x8;
	[dreg:$0x7] =	wrdreg s16  }
0x25: {  	[dreg:$0x9] =	wrdreg s23;
	s23 =	simm.s32 $0x1C80;
	s16 =	simm.s32 $0x0  }
.LBB2_1:
0x26: {  	[tilespmem:s21], [sflag:$0x1] =	stream.linear.gather [hbm4b:s7+s4], $0x320, $0x38;
	[tilespmem:$0x3500] =	vst v63  }
0x27: {  	_ = 	snop  }
0x28: {  	[tilespmem:s22], [sflag:$0x1] =	stream.linear.gather [hbm4b:s18+s4], $0x320, $0x38;
	[tilespmem:$0x3500] =	vst v63  }
0x29: {  	_ = 	snop  }
0x2a: {  	[tilespmem:s23], [sflag:$0x2] =	stream.linear.gather [hbm4b:s8+s4], $0x320, $0x38;
	[tilespmem:$0x3500] =	vst v63  }
0x2b: {  	s20 =	smov.u32 s18;
	s5 =	rddreg [dreg:$0xc]  }
0x2c: {  	[tilespmem:s24], [sflag:$0x2] =	stream.linear.gather [hbm4b:s19+s4], $0x320, $0x38;
	[tilespmem:$0x3500] =	vst v63  }
0x2d: {  	s17 =	sshrl.u32 s5, $0x3;
	s18 =	smov.u32 s6;
	s19 =	rddreg [dreg:$0xd]  }
0x2e: {  	[spmem:s17], [sflag:s18] =	dma.local [hbm:s19], $0x320  }
0x2f: {  	_ =	swait.ge [sflag:s25], $0x320  }
0x30: {  	[sflag:s25] =	ssyncset.done $0x0  }
0x31: {  	[sflag:s25] =	ssyncadd.s32 $0xFFFFFCE0  }
0x32: {  	[bflag:$0x0] =	sbarrier.arrive $0xFFFF  }
0x33: {  	_ =	swait.ge [sflag:s26], $0x320  }
0x34: {  	[sflag:s26] =	ssyncset.done $0x0  }
0x35: {  	[sflag:s26] =	ssyncadd.s32 $0xFFFFFCE0  }
0x36: {  	_ =	swait.ge [sflag:s26], $0x320  }
0x37: {  	[sflag:s26] =	ssyncset.done $0x0  }
0x38: {  	s11 =	smov.u32 s7;
	s7 =	rddreg [dreg:$0xf];
	[sflag:s26] =	ssyncadd.s32 $0xFFFFFCE0  }
0x39: {  	[tilespmem:s28], [sflag:$0x3] =	stream.linear.gather [hbm4b:s7+s4], $0x320, $0x38;
	[tilespmem:$0x3500] =	vst v63  }
0x3a: {  	s6 =	smov.u32 s8;
	s8 =	rddreg [dreg:$0x10]  }
0x3b: {  	[tilespmem:s29], [sflag:$0x3] =	stream.linear.gather [hbm4b:s8+s4], $0x320, $0x38;
	[tilespmem:$0x3500] =	vst v63  }
0x3c: {  	_ = 	snop  }
0x3d: {  	[spmem:s2] =	stream.indirect.scatter.add.f32 [tilespmem:s22], [sflag:$0x5], $0x1, s21, s30, $0xb8;
	[tilespmem:$0x3500] =	vst v63  }
0x3e: {  	_ =	swait.ge [sflag:s31], $0x320  }
0x3f: {  	[sflag:s31] =	ssyncset.done $0x0  }
0x40: {  	[sflag:s31] =	ssyncadd.s32 $0xFFFFFCE0  }
0x41: {  	_ =	swait.ge [sflag:s31], $0x320  }
0x42: {  	[sflag:s31] =	ssyncset.done $0x0  }
0x43: {  	s18 =	rddreg [dreg:$0x11];
	[sflag:s31] =	ssyncadd.s32 $0xFFFFFCE0  }
0x44: {  	[tilespmem:s0], [sflag:$0x4] =	stream.linear.gather [hbm4b:s18+s4], $0x320, $0x38;
	[tilespmem:$0x3500] =	vst v63  }
0x45: {  	s19 =	rddreg [dreg:$0x12]  }
0x46: {  	[tilespmem:s3], [sflag:$0x4] =	stream.linear.gather [hbm4b:s19+s4], $0x320, $0x38;
	[tilespmem:$0x3500] =	vst v63  }
0x47: {  	_ = 	snop  }
0x48: {  	[spmem:s2] =	stream.indirect.scatter.add.f32 [tilespmem:s24], [sflag:$0x6], $0x1, s23, s30, $0xb8;
	[tilespmem:$0x3500] =	vst v63  }
0x49: {  	_ =	swait.ge [sflag:s9], $0x320  }
0x4a: {  	[sflag:s9] =	ssyncset.done $0x0  }
0x4b: {  	[sflag:s9] =	ssyncadd.s32 $0xFFFFFCE0  }
0x4c: {  	_ =	swait.ge [sflag:s9], $0x320  }
0x4d: {  	[sflag:s9] =	ssyncset.done $0x0  }
0x4e: {  	[sflag:s9] =	ssyncadd.s32 $0xFFFFFCE0  }
0x4f: {  	_ =	swait.ge [sflag:s10], $0x320  }
0x50: {  	s7 =	rddreg [dreg:$0xa]  }
0x51: {  	[sflag:s10] =	ssyncset.done $0x0;
	s5 =	sadd.s32 $0x0, s7;
	s7 =	rddreg [dreg:$0x17]  }
0x52: {  	[sflag:s10] =	ssyncadd.s32 $0xFFFFFCE0;
	s8 =	sshrl.u32 s7, $0x3  }
0x53: {  	[tilespmem:s21], [sflag:$0x1] =	stream.linear.gather [hbm4b:s5+s4], $0x320, $0x38;
	[tilespmem:$0x3500] =	vst v63  }
0x54: {  	s18 =	sadd.s32 s1, s8  }
0x55: {  	[tilespmem:s22], [sflag:$0x1] =	stream.linear.gather [hbm4b:s18+s4], $0x320, $0x38;
	[tilespmem:$0x3500] =	vst v63  }
0x56: {  	_ = 	snop  }
0x57: {  	[spmem:s2] =	stream.indirect.scatter.add.f32 [tilespmem:s29], [sflag:$0x7], $0x1, s28, s30, $0xb8;
	[tilespmem:$0x3500] =	vst v63  }
0x58: {  	_ =	swait.ge [sflag:s12], $0x320  }
0x59: {  	[sflag:s12] =	ssyncset.done $0x0  }
0x5a: {  	[sflag:s12] =	ssyncadd.s32 $0xFFFFFCE0  }
0x5b: {  	_ =	swait.ge [sflag:s12], $0x320  }
0x5c: {  	[sflag:s12] =	ssyncset.done $0x0  }
0x5d: {  	[sflag:s12] =	ssyncadd.s32 $0xFFFFFCE0  }
0x5e: {  	_ =	swait.ge [sflag:s13], $0x320  }
0x5f: {  	s19 =	rddreg [dreg:$0x9];
	[sflag:s13] =	ssyncset.done $0x0  }
0x60: {  	s8 =	rddreg [dreg:$0x8];
	[sflag:s13] =	ssyncadd.s32 $0xFFFFFCE0;
	s5 =	sadd.s32 $0x0, s19  }
0x61: {  	[tilespmem:s23], [sflag:$0x2] =	stream.linear.gather [hbm4b:s5+s4], $0x320, $0x38;
	[tilespmem:$0x3500] =	vst v63  }
0x62: {  	s18 =	sadd.s32 $0x0, s8  }
0x63: {  	[tilespmem:s24], [sflag:$0x2] =	stream.linear.gather [hbm4b:s18+s4], $0x320, $0x38;
	[tilespmem:$0x3500] =	vst v63  }
0x64: {  	_ = 	snop  }
0x65: {  	[spmem:s2] =	stream.indirect.scatter.add.f32 [tilespmem:s3], [sflag:$0x8], $0x1, s0, s30, $0xb8;
	[tilespmem:$0x3500] =	vst v63  }
0x66: {  	_ =	swait.ge [sflag:s26], $0x320  }
0x67: {  	[sflag:s26] =	ssyncset.done $0x0  }
0x68: {  	[sflag:s26] =	ssyncadd.s32 $0xFFFFFCE0  }
0x69: {  	_ =	swait.ge [sflag:s26], $0x320  }
0x6a: {  	[sflag:s26] =	ssyncset.done $0x0  }
0x6b: {  	[sflag:s26] =	ssyncadd.s32 $0xFFFFFCE0  }
0x6c: {  	_ =	swait.ge [sflag:s14], $0x320  }
0x6d: {  	s19 =	rddreg [dreg:$0x7];
	[sflag:s14] =	ssyncset.done $0x0  }
0x6e: {  	s8 =	rddreg [dreg:$0x6];
	[sflag:s14] =	ssyncadd.s32 $0xFFFFFCE0;
	s5 =	sadd.s32 $0x0, s19  }
0x6f: {  	[tilespmem:s28], [sflag:$0x3] =	stream.linear.gather [hbm4b:s5+s4], $0x320, $0x38;
	[tilespmem:$0x3500] =	vst v63  }
0x70: {  	s18 =	sadd.s32 $0x0, s8  }
0x71: {  	[tilespmem:s29], [sflag:$0x3] =	stream.linear.gather [hbm4b:s18+s4], $0x320, $0x38;
	[tilespmem:$0x3500] =	vst v63  }
0x72: {  	_ = 	snop  }
0x73: {  	[spmem:s2] =	stream.indirect.scatter.add.f32 [tilespmem:s22], [sflag:$0x5], $0x1, s21, s30, $0xb8;
	[tilespmem:$0x3500] =	vst v63  }
0x74: {  	_ =	swait.ge [sflag:s31], $0x320  }
0x75: {  	[sflag:s31] =	ssyncset.done $0x0  }
0x76: {  	[sflag:s31] =	ssyncadd.s32 $0xFFFFFCE0  }
0x77: {  	_ =	swait.ge [sflag:s31], $0x320  }
0x78: {  	[sflag:s31] =	ssyncset.done $0x0  }
0x79: {  	[sflag:s31] =	ssyncadd.s32 $0xFFFFFCE0  }
0x7a: {  	_ =	swait.ge [sflag:s15], $0x320  }
0x7b: {  	s19 =	rddreg [dreg:$0x5];
	[sflag:s15] =	ssyncset.done $0x0  }
0x7c: {  	s8 =	rddreg [dreg:$0x4];
	[sflag:s15] =	ssyncadd.s32 $0xFFFFFCE0;
	s5 =	sadd.s32 $0x0, s19  }
0x7d: {  	[tilespmem:s0], [sflag:$0x4] =	stream.linear.gather [hbm4b:s5+s4], $0x320, $0x38;
	[tilespmem:$0x3500] =	vst v63  }
0x7e: {  	s19 =	sadd.s32 $0x0, s8  }
0x7f: {  	[tilespmem:s3], [sflag:$0x4] =	stream.linear.gather [hbm4b:s19+s4], $0x320, $0x38;
	[tilespmem:$0x3500] =	vst v63  }
0x80: {  	s18 =	simm.s32 $0x190;
	s19 =	sadd.s32 $0xC80, s7  }
.LBB2_2:
0x81: {  	[spmem:s2] =	stream.indirect.scatter.add.f32 [tilespmem:s24], [sflag:$0x6], $0x1, s23, s30, $0xb8;
	[tilespmem:$0x3500] =	vst v63  }
0x82: {  	_ =	swait.ge [sflag:s9], $0x320  }
0x83: {  	[sflag:s9] =	ssyncset.done $0x0  }
0x84: {  	[sflag:s9] =	ssyncadd.s32 $0xFFFFFCE0  }
0x85: {  	_ =	swait.ge [sflag:s9], $0x320  }
0x86: {  	[sflag:s9] =	ssyncset.done $0x0  }
0x87: {  	[sflag:s9] =	ssyncadd.s32 $0xFFFFFCE0  }
0x88: {  	_ =	swait.ge [sflag:s10], $0x320  }
0x89: {  	s5 =	smov.u32 s18;
	s7 =	rddreg [dreg:$0xa];
	[sflag:s10] =	ssyncset.done $0x0  }
0x8a: {  	s8 =	sshrl.u32 s19, $0x3;
	[sflag:s10] =	ssyncadd.s32 $0xFFFFFCE0;
	s7 =	sadd.s32 s5, s7  }
0x8b: {  	[tilespmem:s21], [sflag:$0x1] =	stream.linear.gather [hbm4b:s7+s4], $0x320, $0x38;
	[tilespmem:$0x3500] =	vst v63  }
0x8c: {  	s8 =	sadd.s32 s1, s8  }
0x8d: {  	[tilespmem:s22], [sflag:$0x1] =	stream.linear.gather [hbm4b:s8+s4], $0x320, $0x38;
	[tilespmem:$0x3500] =	vst v63  }
0x8e: {  	_ = 	snop  }
0x8f: {  	[spmem:s2] =	stream.indirect.scatter.add.f32 [tilespmem:s29], [sflag:$0x7], $0x1, s28, s30, $0xb8;
	[tilespmem:$0x3500] =	vst v63  }
0x90: {  	_ =	swait.ge [sflag:s12], $0x320  }
0x91: {  	[sflag:s12] =	ssyncset.done $0x0  }
0x92: {  	[sflag:s12] =	ssyncadd.s32 $0xFFFFFCE0  }
0x93: {  	_ =	swait.ge [sflag:s12], $0x320  }
0x94: {  	[sflag:s12] =	ssyncset.done $0x0  }
0x95: {  	[sflag:s12] =	ssyncadd.s32 $0xFFFFFCE0  }
0x96: {  	_ =	swait.ge [sflag:s13], $0x320  }
0x97: {  	s7 =	rddreg [dreg:$0x9];
	[sflag:s13] =	ssyncset.done $0x0  }
0x98: {  	s8 =	rddreg [dreg:$0x8];
	[sflag:s13] =	ssyncadd.s32 $0xFFFFFCE0;
	s7 =	sadd.s32 s5, s7  }
0x99: {  	[tilespmem:s23], [sflag:$0x2] =	stream.linear.gather [hbm4b:s7+s4], $0x320, $0x38;
	[tilespmem:$0x3500] =	vst v63  }
0x9a: {  	s8 =	sadd.s32 s5, s8  }
0x9b: {  	[tilespmem:s24], [sflag:$0x2] =	stream.linear.gather [hbm4b:s8+s4], $0x320, $0x38;
	[tilespmem:$0x3500] =	vst v63  }
0x9c: {  	_ = 	snop  }
0x9d: {  	[spmem:s2] =	stream.indirect.scatter.add.f32 [tilespmem:s3], [sflag:$0x8], $0x1, s0, s30, $0xb8;
	[tilespmem:$0x3500] =	vst v63  }
0x9e: {  	_ =	swait.ge [sflag:s26], $0x320  }
0x9f: {  	[sflag:s26] =	ssyncset.done $0x0  }
0xa0: {  	[sflag:s26] =	ssyncadd.s32 $0xFFFFFCE0  }
0xa1: {  	_ =	swait.ge [sflag:s26], $0x320  }
0xa2: {  	[sflag:s26] =	ssyncset.done $0x0  }
0xa3: {  	[sflag:s26] =	ssyncadd.s32 $0xFFFFFCE0  }
0xa4: {  	_ =	swait.ge [sflag:s14], $0x320  }
0xa5: {  	s7 =	rddreg [dreg:$0x7];
	[sflag:s14] =	ssyncset.done $0x0  }
0xa6: {  	s8 =	rddreg [dreg:$0x6];
	[sflag:s14] =	ssyncadd.s32 $0xFFFFFCE0;
	s7 =	sadd.s32 s5, s7  }
0xa7: {  	[tilespmem:s28], [sflag:$0x3] =	stream.linear.gather [hbm4b:s7+s4], $0x320, $0x38;
	[tilespmem:$0x3500] =	vst v63  }
0xa8: {  	s8 =	sadd.s32 s5, s8  }
0xa9: {  	[tilespmem:s29], [sflag:$0x3] =	stream.linear.gather [hbm4b:s8+s4], $0x320, $0x38;
	[tilespmem:$0x3500] =	vst v63  }
0xaa: {  	_ = 	snop  }
0xab: {  	[spmem:s2] =	stream.indirect.scatter.add.f32 [tilespmem:s22], [sflag:$0x5], $0x1, s21, s30, $0xb8;
	[tilespmem:$0x3500] =	vst v63  }
0xac: {  	_ =	swait.ge [sflag:s31], $0x320  }
0xad: {  	[sflag:s31] =	ssyncset.done $0x0  }
0xae: {  	[sflag:s31] =	ssyncadd.s32 $0xFFFFFCE0  }
0xaf: {  	_ =	swait.ge [sflag:s31], $0x320  }
0xb0: {  	[sflag:s31] =	ssyncset.done $0x0  }
0xb1: {  	[sflag:s31] =	ssyncadd.s32 $0xFFFFFCE0  }
0xb2: {  	p0 =	sne.s32 s18, $0x2D50;
	_ =	swait.ge [sflag:s15], $0x320  }
.Ltmp0:
0xb3: {  	s7 =	rddreg [dreg:$0x5];
	[sflag:s15] =	ssyncset.done $0x0;
	(pc) =	sbr.rel @p0 .LBB2_2-.Ltmp0, $4  }
0xb4: {  	s8 =	rddreg [dreg:$0x4];
	[sflag:s15] =	ssyncadd.s32 $0xFFFFFCE0;
	s7 =	sadd.s32 s5, s7  }
0xb5: {  	[tilespmem:s0], [sflag:$0x4] =	stream.linear.gather [hbm4b:s7+s4], $0x320, $0x38;
	[tilespmem:$0x3500] =	vst v63  }
0xb6: {  	s18 =	sadd.s32 $0x190, s18;
	s19 =	sadd.s32 $0xC80, s19;
	s5 =	sadd.s32 s5, s8  }
0xb7: {  	[tilespmem:s3], [sflag:$0x4] =	stream.linear.gather [hbm4b:s5+s4], $0x320, $0x38;
	[tilespmem:$0x3500] =	vst v63  }
0xb8: {  	[spmem:s2] =	stream.indirect.scatter.add.f32 [tilespmem:s24], [sflag:$0x6], $0x1, s23, s30, $0xb8;
	[tilespmem:$0x3500] =	vst v63  }
0xb9: {  	_ =	swait.ge [sflag:s9], $0x320  }
0xba: {  	[sflag:s9] =	ssyncset.done $0x0  }
0xbb: {  	[sflag:s9] =	ssyncadd.s32 $0xFFFFFCE0  }
0xbc: {  	_ =	swait.ge [sflag:s9], $0x320  }
0xbd: {  	[sflag:s9] =	ssyncset.done $0x0  }
0xbe: {  	[sflag:s9] =	ssyncadd.s32 $0xFFFFFCE0  }
0xbf: {  	_ =	swait.ge [sflag:s10], $0x320  }
0xc0: {  	[sflag:s10] =	ssyncset.done $0x0  }
0xc1: {  	s5 =	rddreg [dreg:$0x13];
	[sflag:s10] =	ssyncadd.s32 $0xFFFFFCE0  }
0xc2: {  	[tilespmem:s21], [sflag:$0x1] =	stream.linear.gather [hbm4b:s5+s4], $0x320, $0x38;
	[tilespmem:$0x3500] =	vst v63  }
0xc3: {  	s19 =	rddreg [dreg:$0x14]  }
0xc4: {  	[tilespmem:s22], [sflag:$0x1] =	stream.linear.gather [hbm4b:s19+s4], $0x320, $0x38;
	[tilespmem:$0x3500] =	vst v63  }
0xc5: {  	_ = 	snop  }
0xc6: {  	[spmem:s2] =	stream.indirect.scatter.add.f32 [tilespmem:s29], [sflag:$0x7], $0x1, s28, s30, $0xb8;
	[tilespmem:$0x3500] =	vst v63  }
0xc7: {  	_ =	swait.ge [sflag:s12], $0x320  }
0xc8: {  	[sflag:s12] =	ssyncset.done $0x0  }
0xc9: {  	[sflag:s12] =	ssyncadd.s32 $0xFFFFFCE0  }
0xca: {  	_ =	swait.ge [sflag:s12], $0x320  }
0xcb: {  	[sflag:s12] =	ssyncset.done $0x0  }
0xcc: {  	[sflag:s12] =	ssyncadd.s32 $0xFFFFFCE0  }
0xcd: {  	_ =	swait.ge [sflag:s13], $0x320  }
0xce: {  	[sflag:s13] =	ssyncset.done $0x0  }
0xcf: {  	[sflag:s13] =	ssyncadd.s32 $0xFFFFFCE0  }
0xd0: {  	[tilespmem:s23], [sflag:$0x2] =	stream.linear.gather [hbm4b:s11+s4], $0x320, $0x38;
	[tilespmem:$0x3500] =	vst v63  }
0xd1: {  	_ = 	snop  }
0xd2: {  	[tilespmem:s24], [sflag:$0x2] =	stream.linear.gather [hbm4b:s20+s4], $0x320, $0x38;
	[tilespmem:$0x3500] =	vst v63  }
0xd3: {  	_ = 	snop  }
0xd4: {  	[spmem:s2] =	stream.indirect.scatter.add.f32 [tilespmem:s3], [sflag:$0x8], $0x1, s0, s30, $0xb8;
	[tilespmem:$0x3500] =	vst v63  }
0xd5: {  	_ =	swait.ge [sflag:s26], $0x320  }
0xd6: {  	[sflag:s26] =	ssyncset.done $0x0  }
0xd7: {  	[sflag:s26] =	ssyncadd.s32 $0xFFFFFCE0  }
0xd8: {  	_ =	swait.ge [sflag:s26], $0x320  }
0xd9: {  	[sflag:s26] =	ssyncset.done $0x0  }
0xda: {  	[sflag:s26] =	ssyncadd.s32 $0xFFFFFCE0  }
0xdb: {  	_ =	swait.ge [sflag:s14], $0x320  }
0xdc: {  	[sflag:s14] =	ssyncset.done $0x0  }
0xdd: {  	[sflag:s14] =	ssyncadd.s32 $0xFFFFFCE0  }
0xde: {  	[tilespmem:s28], [sflag:$0x3] =	stream.linear.gather [hbm4b:s6+s4], $0x320, $0x38;
	[tilespmem:$0x3500] =	vst v63  }
0xdf: {  	s19 =	rddreg [dreg:$0xb]  }
0xe0: {  	[tilespmem:s29], [sflag:$0x3] =	stream.linear.gather [hbm4b:s19+s4], $0x320, $0x38;
	[tilespmem:$0x3500] =	vst v63  }
0xe1: {  	_ = 	snop  }
0xe2: {  	[spmem:s2] =	stream.indirect.scatter.add.f32 [tilespmem:s22], [sflag:$0x5], $0x1, s21, s30, $0xb8;
	[tilespmem:$0x3500] =	vst v63  }
0xe3: {  	_ =	swait.ge [sflag:s15], $0x320  }
0xe4: {  	[sflag:s15] =	ssyncset.done $0x0  }
0xe5: {  	[sflag:s15] =	ssyncadd.s32 $0xFFFFFCE0  }
0xe6: {  	_ =	swait.ge [sflag:s10], $0x320  }
0xe7: {  	[sflag:s10] =	ssyncset.done $0x0  }
0xe8: {  	[sflag:s10] =	ssyncadd.s32 $0xFFFFFCE0  }
0xe9: {  	_ =	swait.ge [sflag:s31], $0x320  }
0xea: {  	[sflag:s31] =	ssyncset.done $0x0  }
0xeb: {  	[sflag:s31] =	ssyncadd.s32 $0xFFFFFCE0  }
0xec: {  	_ =	swait.ge [sflag:s31], $0x320  }
0xed: {  	[sflag:s31] =	ssyncset.done $0x0  }
0xee: {  	[sflag:s31] =	ssyncadd.s32 $0xFFFFFCE0  }
0xef: {  	_ =	swait.ge [sflag:s9], $0x320  }
0xf0: {  	[sflag:s9] =	ssyncset.done $0x0  }
0xf1: {  	[sflag:s9] =	ssyncadd.s32 $0xFFFFFCE0  }
0xf2: {  	_ =	swait.ge [sflag:s9], $0x320  }
0xf3: {  	[sflag:s9] =	ssyncset.done $0x0  }
0xf4: {  	[sflag:s9] =	ssyncadd.s32 $0xFFFFFCE0  }
0xf5: {  	s7 =	smov.u32 s11;
	[bflag:$0x0] =	sbarrier.arrive $0xFFFF  }
0xf6: {  	s18 =	smov.u32 s20;
	s8 =	smov.u32 s6;
	s6 =	rddreg [dreg:$0xe]  }
0xf7: {  	s11 =	simm.s32 $0x20;
	s20 =	simm.s32 $0x10;
	s5 =	rddreg [dreg:$0x15]  }
0xf8: {  	[hbm:s5@s11], [sflag:s6] =	dma.strided [spmem:s17@s20], $0x320, s26, $0x10   }
0xf9: {  	_ =	swait.ge [sflag:s25], $0x320  }
0xfa: {  	s16 =	sadd.s32 $0x1, s16;
	s20 =	rddreg [dreg:$0x16]  }
0xfb: {  	p0 =	sne.s32 s16, s20  }
.Ltmp1:
0xfc: {  	_ = 	snop;
	(pc) =	sbr.rel @p0 .LBB2_1-.Ltmp1, $3  }
0xfd: {  	_ =	sdelay $0x1  }
0xfe: {  	[sflag:s25] =	ssyncset.done $0x0  }
0xff: {  	[sflag:s25] =	ssyncadd.s32 $0xFFFFFCE0  }
0x100: {  	_ =	sfence.sel $0x180000  }
0x101: {  	[bflag:$0x0] =	sbarrier.arrive $0xFFFF  }
0x102: {  	_ =	strace $0x90000047  }
0x103: {  	s0 =	stileid.u32;
	[bflag:$0x2] =	sbarrier.arrive $0xFFFF  }
0x104: {  	p0 =	sne.s32 s0, $0x0;
	s0 =	rddreg [dreg:$0x3]  }
0x105: {  	s0 =	sadd.s32 @!p0 $0x100000, s0  }
0x106: {  	[sflag:s0] =	ssyncadd.tile.s32 @!p0 $0x1;
	_ =	shalt  }
.Lfunc_end2:
_tile_overlayer_lowered:
.L_overlay_start_2:
0x107: {  	(tag) =	ssettag $0x2  }
0x108: {  	s0 =	rddreg [dreg:$0x0];
	s2 =	stileid.u32  }
0x109: {  	s1 =	rddreg [dreg:$0x1];
	p0 =	sne.s32 s2, $0x0  }
0x10a: {  	s3 =	rddreg [dreg:$0x2];
	[bflag:$0x3] =	sbarrier.arrive $0xFFFF;
	s2 =	simm.s32 @!p0 $0x1C09  }
0x10b: {  	[timem:s3], [sflag:s2] =	dma.local @!p0 [hbm:s0], s1  }
0x10c: {  	s0 =	simm.s32 @!p0 $0x9  }
0x10d: {  	_ =	swait.ge @!p0 [sflag:s0], s1  }
0x10e: {  	s1 =	ssub.s32 @!p0 $0x0, s1;
	[sflag:s0] =	ssyncset.done @!p0 $0x0  }
0x10f: {  	[sflag:s0] =	ssyncadd.s32 @!p0 s1  }
0x110: {  	[bflag:$0x3] =	sbarrier.arrive $0xFFFF  }
0x111: {  	_ =	shalt  }

// kernel: kernel.13.cloned.1.call-start
scs
__scs_entry_jumppad:
0x0: {  	(pc) =	sbr.rel $0x88, $3  }
0x1: {  	(tag) =	ssettag $0x0;
	lr =	simm.s32 $0x1  }
0x2: {  	[smem:$0x3F94] =	sst lr;
	_ =	strace $0xD0000000  }
0x3: {  	_ = 	snop  }
0x4: {  	_ = 	snop  }
0x5: {  	_ = 	snop  }
0x6: {  	_ = 	snop  }
0x7: {  	_ = 	snop  }
__scs_overlays_trampoline_lowered:
0x8: {  	[smem:$0x3FA3] =	sst s0  }
0x9: {  	[smem:$0x3FA4] =	sst s1  }
0xa: {  	[smem:$0x3FA5] =	sst s2  }
0xb: {  	[smem:$0x3FA6] =	sst s3  }
0xc: {  	[smem:$0x3FA7] =	sst s4  }
0xd: {  	[smem:$0x3FA8] =	sst s5  }
0xe: {  	[smem:$0x3FA9] =	sst s6  }
0xf: {  	[smem:$0x3FAA] =	sst s7  }
0x10: {  	[smem:$0x3FAB] =	sst s8  }
0x11: {  	[smem:$0x3FAC] =	sst s9;
	s0 =	simm.s32 @!p0 $0x0  }
0x12: {  	s1 =	sld [smem:$0x3F92];
	s0 =	simm.s32 @p0 $0x1  }
0x13: {  	[smem:$0x3FAD] =	sst s0;
	s0 =	simm.s32 @!p1 $0x0  }
0x14: {  	s2 =	sld [smem:$0x3F91];
	s0 =	simm.s32 @p1 $0x1  }
0x15: {  	[smem:$0x3FAE] =	sst s0;
	s0 =	simm.s32 @!p2 $0x0  }
0x16: {  	s3 =	sld [smem:$0x3FDB];
	s0 =	simm.s32 @p2 $0x1  }
0x17: {  	s4 =	simm.s32 $0x1BF5;
	[smem:$0x3FB0] =	sst s0  }
0x18: {  	s0 =	sld [smem:$0x3F93];
	_ =	swait.ge [sflag:s4], $0x0  }
0x19: {  	s7 =	sld [smem:$0x3F94]  }
0x1a: {  	s8 =	sadd.s32 $0xFFFFE003, lr  }
0x1b: {  	s9 =	sadd.s32 $0xFFFFFEF7, lr;
	s5 =	simm.s32 $0xFFFFFFFF;
	p2 =	slt.u32 s8, $0xFFFFF086  }
0x1c: {  	p1 =	slt.u32 s9, $0xF7A;
	s5 =	simm.s32 @!p2 $0x0  }
0x1d: {  	s5 =	simm.s32 @p1 $0x1;
	p0 =	seq.s32 s7, s2  }
0x1e: {  	s7 =	smul.u32 @!p0 $0xF7A, s2;
	p2 =	seq.s32 @!p0 s5, $0x0  }
0x1f: {  	s9 =	smul.u32 $0xF7A, s1;
	s8 =	simm.s32 @!p0 $0x1BF5;
	p2 =	por !p2, p0  }
0x20: {  	[sflag:s8] =	ssyncset.s32 @!p0 $0xFFFFF086;
	s6 =	sadd.s32 @!p0 s3, s7;
	s7 =	simm.s32 @!p0 $0x108  }
0x21: {  	s3 =	sadd.s32 s3, s9;
	s6 =	sadd.s32 @!p0 $0x88, s6;
	s7 =	simm.s32 @p2 $0x1082  }
0x22: {  	[simem:s7], [sflag:s8] =	dma.local @!p0 [hbm:s6], $0xF7A  }
0x23: {  	s9 =	sor.u32 $0xD0000000, s2;
	s6 =	simm.s32 $0x108;
	_ =	swait.ge @!p0 [sflag:s8], $0x0  }
0x24: {  	s3 =	sadd.s32 $0x88, s3;
	s6 =	simm.s32 @!p1 $0x1082;
	[sflag:s4] =	ssyncset.s32 $0xFFFFF086  }
0x25: {  	[simem:s6], [sflag:s4] =	dma.local [hbm:s3], $0xF7A  }
0x26: {  	[smem:$0x3F94] =	sst s1;
	(tag) =	ssettag s2;
	_ =	strace s9  }
0x27: {  	s1 =	sld [smem:$0x3FA4]  }
0x28: {  	s2 =	sld [smem:$0x3FA5]  }
0x29: {  	s4 =	sld [smem:$0x3FA7]  }
0x2a: {  	p0 =	seq.s32 s5, $0x0;
	s5 =	sld [smem:$0x3FA8]  }
0x2b: {  	s6 =	sld [smem:$0x3FA9]  }
0x2c: {  	s7 =	sld [smem:$0x3FAA]  }
0x2d: {  	s3 =	simm.s32 $0x108;
	s8 =	sld [smem:$0x3FAB]  }
0x2e: {  	s3 =	simm.s32 @!p0 $0x1082;
	s9 =	sld [smem:$0x3FAC]  }
0x2f: {  	lr =	sadd.s32 s0, s3;
	s0 =	sld [smem:$0x3FA3]  }
0x30: {  	s3 =	sld [smem:$0x3FA6]  }
0x31: {  	[smem:$0x3FAF] =	sst s10  }
0x32: {  	s10 =	sld [smem:$0x3FAD];
	_ =	sdelay $0x3  }
0x33: {  	p0 =	seq.s32 s10, $0x1;
	s10 =	sld [smem:$0x3FAF];
	_ =	sdelay $0x3  }
0x34: {  	[smem:$0x3FAF] =	sst s10  }
0x35: {  	s10 =	sld [smem:$0x3FAE];
	_ =	sdelay $0x3  }
0x36: {  	p1 =	seq.s32 s10, $0x1;
	s10 =	sld [smem:$0x3FAF];
	_ =	sdelay $0x3  }
0x37: {  	[smem:$0x3FAF] =	sst s10  }
0x38: {  	s10 =	sld [smem:$0x3FB0]  }
0x39: {  	_ = 	snop;
	(pc) =	sbr.ind lr, $3  }
0x3a: {  	_ = 	snop  }
0x3b: {  	_ = 	snop  }
0x3c: {  	p2 =	seq.s32 s10, $0x1;
	s10 =	sld [smem:$0x3FAF]  }
0x3d: {  	_ =	shalt  }
0x3e: {  	_ =	shalt  }
0x3f: {  	_ =	shalt  }
0x40: {  	_ =	shalt  }
0x41: {  	_ =	shalt  }
0x42: {  	_ =	shalt  }
0x43: {  	_ =	shalt  }
0x44: {  	_ =	shalt  }
0x45: {  	_ =	shalt  }
0x46: {  	_ =	shalt  }
0x47: {  	_ =	shalt  }
0x48: {  	_ =	shalt  }
0x49: {  	_ =	shalt  }
0x4a: {  	_ =	shalt  }
0x4b: {  	_ =	shalt  }
0x4c: {  	_ =	shalt  }
0x4d: {  	_ =	shalt  }
0x4e: {  	_ =	shalt  }
0x4f: {  	_ =	shalt  }
0x50: {  	_ =	shalt  }
0x51: {  	_ =	shalt  }
0x52: {  	_ =	shalt  }
0x53: {  	_ =	shalt  }
0x54: {  	_ =	shalt  }
0x55: {  	_ =	shalt  }
0x56: {  	_ =	shalt  }
0x57: {  	_ =	shalt  }
0x58: {  	_ =	shalt  }
0x59: {  	_ =	shalt  }
0x5a: {  	_ =	shalt  }
0x5b: {  	_ =	shalt  }
0x5c: {  	_ =	shalt  }
0x5d: {  	_ =	shalt  }
0x5e: {  	_ =	shalt  }
0x5f: {  	_ =	shalt  }
0x60: {  	_ =	shalt  }
0x61: {  	_ =	shalt  }
0x62: {  	_ =	shalt  }
0x63: {  	_ =	shalt  }
0x64: {  	_ =	shalt  }
0x65: {  	_ =	shalt  }
0x66: {  	_ =	shalt  }
0x67: {  	_ =	shalt  }
0x68: {  	_ =	shalt  }
0x69: {  	_ =	shalt  }
0x6a: {  	_ =	shalt  }
0x6b: {  	_ =	shalt  }
0x6c: {  	_ =	shalt  }
0x6d: {  	_ =	shalt  }
0x6e: {  	_ =	shalt  }
0x6f: {  	_ =	shalt  }
0x70: {  	_ =	shalt  }
0x71: {  	_ =	shalt  }
0x72: {  	_ =	shalt  }
0x73: {  	_ =	shalt  }
0x74: {  	_ =	shalt  }
0x75: {  	_ =	shalt  }
0x76: {  	_ =	shalt  }
0x77: {  	_ =	shalt  }
0x78: {  	_ =	shalt  }
0x79: {  	_ =	shalt  }
0x7a: {  	_ =	shalt  }
0x7b: {  	_ =	shalt  }
0x7c: {  	_ =	shalt  }
0x7d: {  	_ =	shalt  }
0x7e: {  	_ =	shalt  }
0x7f: {  	_ =	shalt  }
0x80: {  	_ =	shalt  }
0x81: {  	_ =	shalt  }
0x82: {  	_ =	shalt  }
0x83: {  	_ =	shalt  }
0x84: {  	_ =	shalt  }
0x85: {  	_ =	shalt  }
0x86: {  	_ =	shalt  }
0x87: {  	_ =	shalt  }
.Lfunc_end0:
.L_simem_size_0:
called_computation.1_lowered:
.L_overlay_start_0:
0x88: {  	s2 =	sld [smem:$0x3FD9]  }
0x89: {  	s3 =	sld [smem:$0x3FFE];
	_ =	sdelay $0x1  }
0x8a: {  	s1 =	srdreg.scid  }
0x8b: {  	s0 =	sand.u32 $0x1, s1  }
0x8c: {  	s17 =	sshll.u32 s0, $0xA;
	s2 =	sadd.s32 s3, s2  }
0x8d: {  	s2 =	sadd.s32 s2, s17  }
0x8e: {  	[smem:$0x3FBB] =	sst s2  }
0x8f: {  	_ = 	snop  }
0x90: {  	s2 =	sld [smem:$0x3FC8];
	(tm) =	ssettm $0x1  }
0x91: {  	s18 =	sld [smem:$0x3FFB];
	_ =	sdelay $0x3  }
0x92: {  	_ =	strace s18  }
0x93: {  	s3 =	sld [smem:$0x3FFC];
	_ =	sdelay $0x3  }
0x94: {  	_ =	strace s3  }
0x95: {  	s3 =	sld [smem:$0x3FFD];
	_ =	sdelay $0x3  }
0x96: {  	_ =	strace s3  }
0x97: {  	_ =	strace $0x8FFFFFFF  }
0x98: {  	s19 =	sld [smem:$0x3FDB];
	_ =	sdelay $0x1  }
0x99: {  	s4 =	simm.s32 $_scs_section_size  }
0x9a: {  	s5 =	simm.s32 $_size__tile_overlayer_lowered;
	s6 =	simm.s32 $_tile_overlayer_lowered  }
0x9b: {  	s22 =	simm.s32 $0x1BFF;
	s21 =	sshll.u32 s6, $0x1;
	s3 =	sadd.s32 s4, s19  }
0x9c: {  	s7 =	simm.s32 $0x0;
	s20 =	sshll.u32 s5, $0x1;
	s5 =	sadd.s32 s21, s3  }
0x9d: {  	[timem:s7], [sflag:s22] =	dma.local [hbm:s5], s20  }
0x9e: {  	_ =	swait.ge [sflag:s22], s20  }
0x9f: {  	s4 =	ssub.s32 $0x0, s20;
	[sflag:s22] =	ssyncset.done $0x0  }
0xa0: {  	[sflag:s22] =	ssyncadd.s32 s4;
	_ =	sdelay $0x1  }
0xa1: {  	s23 =	simm.s32 $0x1B8B  }
0xa2: {  	_ =	swait.ge [sflag:s23], $0x1  }
0xa3: {  	[sflag:s23] =	ssyncset.done $0x0  }
0xa4: {  	s25 =	simm.s32 $0x1B8E;
	s24 =	sld [smem:$0x3FFE];
	[sflag:s23] =	ssyncadd.s32 $0xFFFFFFFF  }
0xa5: {  	s26 =	simm.s32 $execute0_lowered;
	[smem:$0x3FD2] =	sst s25  }
0xa6: {  	s5 =	sshll.u32 s26, $0x1;
	_ =	strace $0x80000049;
	[dreg:$0x1] =	wrdreg $0xFFFFFFFF  }
0xa7: {  	s28 =	simm.s32 $_size_execute0_lowered;
	s3 =	sadd.s32 s3, s5;
	[dreg:$0x0] =	wrdreg $0x0  }
0xa8: {  	s5 =	sshll.u32 s28, $0x1;
	[dreg:$0x2] =	wrdreg s3  }
0xa9: {  	[dreg:$0x3] =	wrdreg s5  }
0xaa: {  	[dreg:$0x4] =	wrdreg $0xC0  }
0xab: {  	_ =	task [dreg:s7], $0x5FFFF  }
0xac: {  	[dreg:$0x1] =	wrdreg $0xFFFFFFFF  }
0xad: {  	[dreg:$0x0] =	wrdreg $0x60  }
0xae: {  	[dreg:$0x2] =	wrdreg s24  }
0xaf: {  	[dreg:$0x3] =	wrdreg s2  }
0xb0: {  	[dreg:$0x4] =	wrdreg $0x190000  }
0xb1: {  	[dreg:$0x5] =	wrdreg $0x1A9000  }
0xb2: {  	[dreg:$0x6] =	wrdreg $0x9  }
0xb3: {  	_ =	task.clear_ibuf [dreg:s7], $0x7FFFF;
	_ =	strace $0x90000049  }
0xb4: {  	s29 =	simm.s32 $0x9;
	_ =	strace $0x8000004B  }
0xb5: {  	_ =	swait.ge [sflag:s29], $0x1  }
0xb6: {  	[sflag:s29] =	ssyncadd.s32 $0xFFFFFFFF  }
0xb7: {  	_ =	strace $0x9000004B  }
0xb8: {  	_ =	sfence  }
0xb9: {  	s30 =	sld [smem:$0x0];
	_ =	sdelay $0x2  }
0xba: {  	s31 =	sshll.u32 s1, $0xD;
	s1 =	sshrl.u32 s1, $0x2  }
0xbb: {  	s3 =	sand.u32 $0x4000, s31;
	s1 =	sadd.s32 s1, s30  }
0xbc: {  	s0 =	sor.u32 s3, s0;
	s1 =	sshll.u32 s1, $0x11  }
0xbd: {  	s0 =	sor.u32 s1, s0  }
0xbe: {  	s0 =	sadd.s32 $0x8F2B, s0  }
0xbf: {  	[sflag:s0] =	ssyncadd.remote.s32 $0x1  }
0xc0: {  	_ =	sfence.sel $0xFFFF  }
0xc1: {  	[dreg:$0x0] =	wrdreg $0xFFFFFFFF;
	(pc) =	sbr.abs _section_cstart, $3  }
0xc2: {  	[dreg:$0x1] =	wrdreg $0xFFFFFFFF  }
0xc3: {  	_ =	task.clear_ibuf [dreg:s7], $0x2FFFF;
	_ =	strace $0x9FFFFFFF  }
0xc4: {  	(tm) =	ssettm $0x7FFFFFFF  }
0xc5: {  	_ =	shalt  }
tec
execute0_lowered:
.L_overlay_start_1:
0x0: {  	(tag) =	ssettag $0x1  }
0x1: {  	s0 =	rddreg [dreg:$0x0]  }
0x2: {  	s2 =	rddreg [dreg:$0x1]  }
0x3: {  	s3 =	rddreg [dreg:$0x2]  }
0x4: {  	s4 =	rddreg [dreg:$0x3];
	s12 =	stileid.u32  }
0x5: {  	s1 =	srdreg.scid;
	s5 =	simm.s32 $0x0;
	s28 =	simm.s32 $0x1D700  }
0x6: {  	s29 =	simm.s32 $0x320;
	s30 =	simm.s32 $0x5;
	s31 =	simm.s32 $0x7  }
0x7: {  	s7 =	smul.u32 $0x1900, s12;
	s1 =	sand.u32 $0x1, s1;
	[smem:$0x7FF] =	sst s5  }
0x8: {  	s9 =	smul.u32 $0x3200, s12;
	s6 =	sadd.s32 $0x4000, s0;
	s11 =	sadd.s32 $0xCA800, s0  }
0x9: {  	s22 =	sshll.u32 s12, $0x6;
	s8 =	smul.u32 $0x32000, s1;
	_ =	strace $0x8000004A  }
0xa: {  	s10 =	sshll.u32 s1, $0x4;
	[dreg:$0x5] =	wrdreg s11;
	s22 =	sor.u32 $0x1C09, s22  }
0xb: {  	s10 =	sor.u32 s12, s10;
	s26 =	sshrl.u32 s7, $0x3;
	s18 =	sadd.s32 s7, s3  }
0xc: {  	s7 =	sadd.s32 s7, s4;
	[dreg:$0xc] =	wrdreg s22;
	s8 =	sadd.s32 s9, s8  }
0xd: {  	s9 =	smul.u32 $0x186A0, s10;
	s11 =	sadd.s32 s26, s0;
	[dreg:$0xa] =	wrdreg s18  }
0xe: {  	s1 =	ssub.s32 $0x2, s1;
	[dreg:$0xd] =	wrdreg s7;
	s19 =	sadd.s32 $0xC7600, s11  }
0xf: {  	s15 =	sshrl.u32 s1, $0x1;
	[dreg:$0xb] =	wrdreg s19;
	s10 =	sadd.s32 $0xC80, s9  }
0x10: {  	s1 =	ssub.s32 s1, s15;
	s12 =	sadd.s32 $0xFA0, s9;
	[dreg:$0x12] =	wrdreg s10  }
0x11: {  	s8 =	sshrl.u32 s8, $0x3;
	s15 =	sadd.s32 $0x12C0, s9;
	[dreg:$0x13] =	wrdreg s12  }
0x12: {  	s16 =	sshrl.u32 s9, $0x3;
	s19 =	smax.u32 s1, $0x1;
	[dreg:$0x14] =	wrdreg s15  }
0x13: {  	s0 =	sadd.s32 s8, s0;
	s13 =	sadd.s32 s2, s16;
	[dreg:$0x1a] =	wrdreg s19  }
0x14: {  	s11 =	simm.s32 $0x1E180;
	s18 =	sadd.s32 $0xCDA00, s0;
	[dreg:$0x7] =	wrdreg s13  }
0x15: {  	s1 =	simm.s32 $0x1E500;
	s0 =	sadd.s32 $0xCDA10, s0;
	[dreg:$0x18] =	wrdreg s18  }
0x16: {  	s14 =	sadd.s32 s6, s16;
	s23 =	sadd.s32 $0xC8, s16;
	[dreg:$0x19] =	wrdreg s0  }
0x17: {  	s8 =	simm.s32 $0x6;
	s24 =	sadd.s32 s6, s23;
	[dreg:$0x6] =	wrdreg s14  }
0x18: {  	s25 =	sadd.s32 $0x12C, s16;
	s7 =	sadd.s32 s2, s23;
	[dreg:$0xe] =	wrdreg s24  }
0x19: {  	s17 =	sadd.s32 $0x64, s16;
	s26 =	sadd.s32 s6, s25;
	[dreg:$0xf] =	wrdreg s7  }
0x1a: {  	s13 =	sadd.s32 $0x3070, s16;
	s16 =	sadd.s32 $0x15E0, s9;
	[dreg:$0x10] =	wrdreg s26  }
0x1b: {  	s12 =	simm.s32 $0x1C200;
	s23 =	sadd.s32 $0x61A80, s14;
	[dreg:$0x15] =	wrdreg s16  }
0x1c: {  	s15 =	simm.s32 $0x1C900;
	s20 =	sadd.s32 s6, s17;
	[dreg:$0x1b] =	wrdreg s23  }
0x1d: {  	s19 =	simm.s32 $0x1D380;
	s21 =	sadd.s32 s2, s17;
	[dreg:$0x8] =	wrdreg s20  }
0x1e: {  	s10 =	simm.s32 $0x1DA80;
	s7 =	sadd.s32 s2, s25;
	[dreg:$0x9] =	wrdreg s21  }
0x1f: {  	s18 =	simm.s32 $0x1CC80;
	s17 =	sadd.s32 s6, s13;
	[dreg:$0x11] =	wrdreg s7  }
0x20: {  	s0 =	simm.s32 $0x1DE00;
	s24 =	sadd.s32 $0x61B48, s14;
	[dreg:$0x16] =	wrdreg s17  }
0x21: {  	s9 =	simm.s32 $0x4;
	s25 =	sadd.s32 $0x61BAC, s14;
	[dreg:$0x1d] =	wrdreg s24  }
0x22: {  	s23 =	sadd.s32 $0x61AE4, s14;
	s26 =	sadd.s32 $0x64AF0, s14;
	[dreg:$0x1e] =	wrdreg s25  }
0x23: {  	s16 =	simm.s32 $0x1D000;
	s14 =	simm.s32 $0x8;
	[dreg:$0x1f] =	wrdreg s26  }
0x24: {  	s7 =	sadd.s32 s2, s13;
	s17 =	simm.s32 $0x1C580;
	[dreg:$0x1c] =	wrdreg s23  }
0x25: {  	s25 =	simm.s32 $0x1;
	s24 =	simm.s32 $0x0;
	[dreg:$0x17] =	wrdreg s7  }
0x26: {  	s26 =	simm.s32 $0x3;
	s7 =	simm.s32 $0x2;
	[smem:$0x7FD] =	sst s24  }
.LBB2_1:
0x27: {  	s13 =	rddreg [dreg:$0x6]  }
0x28: {  	[tilespmem:s12], [sflag:$0x1] =	stream.linear.gather [hbm4b:s13+s5], $0x320, $0x38;
	[tilespmem:$0x1EC00] =	vst v63  }
0x29: {  	s24 =	rddreg [dreg:$0x7]  }
0x2a: {  	[tilespmem:s15], [sflag:$0x1] =	stream.linear.gather [hbm4b:s24+s5], $0x320, $0x38;
	[tilespmem:$0x1EC00] =	vst v63  }
0x2b: {  	s24 =	rddreg [dreg:$0x1b]  }
0x2c: {  	[tilespmem:s16], [sflag:$0x3] =	stream.linear.gather [hbm4b:s24+s5], $0x320, $0x38;
	[tilespmem:$0x1EC00] =	vst v63  }
0x2d: {  	s13 =	rddreg [dreg:$0xa]  }
0x2e: {  	[tilespmem:s17], [sflag:$0x2] =	stream.linear.gather [hbm4b:s20+s5], $0x320, $0x38;
	[tilespmem:$0x1EC00] =	vst v63  }
0x2f: {  	s20 =	sshrl.u32 s13, $0x3  }
0x30: {  	[tilespmem:s18], [sflag:$0x2] =	stream.linear.gather [hbm4b:s21+s5], $0x320, $0x38;
	[tilespmem:$0x1EC00] =	vst v63  }
0x31: {  	[smem:$0x7FB] =	sst s20  }
0x32: {  	[tilespmem:s19], [sflag:$0x4] =	stream.linear.gather [hbm4b:s23+s5], $0x320, $0x38;
	[tilespmem:$0x1EC00] =	vst v63  }
0x33: {  	s24 =	simm.s32 $0x9;
	s23 =	rddreg [dreg:$0xb]  }
0x34: {  	[spmem:s20], [sflag:s22] =	dma.local [hbm:s23], $0x320  }
0x35: {  	_ =	swait.ge [sflag:s24], $0x320  }
0x36: {  	s13 =	rddreg [dreg:$0xd]  }
0x37: {  	[sflag:s24] =	ssyncset.done $0x0;
	s21 =	sshrl.u32 s13, $0x3  }
0x38: {  	[sflag:s24] =	ssyncadd.s32 $0xFFFFFCE0;
	[smem:$0x7FC] =	sst s21  }
0x39: {  	[spmem:s21], [sflag:s22] =	dma.local [hbm:s23], $0x320  }
0x3a: {  	_ =	swait.ge [sflag:s24], $0x320  }
0x3b: {  	[sflag:s24] =	ssyncset.done $0x0  }
0x3c: {  	s23 =	rddreg [dreg:$0x5];
	[sflag:s24] =	ssyncadd.s32 $0xFFFFFCE0  }
0x3d: {  	[tilespmem:s5], [sflag:$0x9] =	stream.linear.gather [hbm4b:s23+s5], $0x19000, $0x38;
	[tilespmem:$0x1EC00] =	vst v63  }
0x3e: {  	_ =	swait.ge [sflag:s24], $0x19000  }
0x3f: {  	[sflag:s24] =	ssyncset.done $0x0  }
0x40: {  	[sflag:s24] =	ssyncadd.s32 $0xFFFE7000  }
0x41: {  	[bflag:$0x0] =	sbarrier.arrive $0xFFFF  }
0x42: {  	_ =	swait.ge [sflag:s25], $0x320  }
0x43: {  	[sflag:s25] =	ssyncset.done $0x0  }
0x44: {  	[sflag:s25] =	ssyncadd.s32 $0xFFFFFCE0  }
0x45: {  	_ =	swait.ge [sflag:s25], $0x320  }
0x46: {  	[sflag:s25] =	ssyncset.done $0x0  }
0x47: {  	[sflag:s25] =	ssyncadd.s32 $0xFFFFFCE0  }
0x48: {  	_ =	swait.ge [sflag:s26], $0x320  }
0x49: {  	[sflag:s26] =	ssyncset.done $0x0  }
0x4a: {  	s21 =	simm.s32 $0x0;
	[sflag:s26] =	ssyncadd.s32 $0xFFFFFCE0  }
0x4b: {  	v0 =	vld [tilespmem:s21+$0x1C200];
	_ =	sdelay $0x7  }
0x4c: {  	v0 =	vld.idx.msk [tilespmem:v0+s5+$0x0], $0xffff  }
0x4d: {  	s20 =	simm.s32 $0x10;
	s22 =	simm.s32 $0x80;
	v1 =	vld [tilespmem:s21+$0x1C900]  }
.LBB2_2:
0x4e: {  	p0 =	sne.s32 s22, $0xC40;
	v2 =	vld [tilespmem:s20+$0x1C200];
	_ =	sdelay $0x2  }
0x4f: {  	v3 =	vshll.u32 v0, $0x10;
	v0 =	vand.u32 $0xFFFF0000, v0  }
0x50: {  	v3 =	vmul.f32 v3, v1;
	v0 =	vmul.f32 v0, v1;
	_ =	sdelay $0x1  }
.Ltmp0:
0x51: {  	[tilespmem:s21+$0x1DE00] =	vst v3;
	(pc) =	sbr.rel @p0 .LBB2_2-.Ltmp0, $3  }
0x52: {  	[tilespmem:s21+$0x1E500] =	vst v0;
	s21 =	smov.u32 s20  }
0x53: {  	v0 =	vld.idx.msk [tilespmem:v2+s5+$0x0], $0xffff;
	_ =	sdelay $0x1  }
0x54: {  	s20 =	sshra.s32 s22, $0x2;
	s22 =	sadd.s32 $0x40, s22;
	v1 =	vld [tilespmem:s21+$0x1C900]  }
0x55: {  	v2 =	vld [tilespmem:s20+$0x1C200];
	_ =	sdelay $0x2  }
0x56: {  	v3 =	vshll.u32 v0, $0x10  }
0x57: {  	v0 =	vand.u32 $0xFFFF0000, v0;
	v3 =	vmul.f32 v3, v1  }
0x58: {  	v0 =	vmul.f32 v0, v1  }
0x59: {  	[tilespmem:s21+$0x1DE00] =	vst v3  }
0x5a: {  	[tilespmem:s21+$0x1E500] =	vst v0  }
0x5b: {  	v0 =	vld.idx.msk [tilespmem:v2+s5+$0x0], $0xffff  }
0x5c: {  	v1 =	vld [tilespmem:s20+$0x1C900];
	_ =	sdelay $0x3  }
0x5d: {  	v2 =	vshll.u32 v0, $0x10  }
0x5e: {  	v0 =	vand.u32 $0xFFFF0000, v0;
	v2 =	vmul.f32 v2, v1  }
0x5f: {  	v0 =	vmul.f32 v0, v1  }
0x60: {  	[tilespmem:s20+$0x1DE00] =	vst v2  }
0x61: {  	s13 =	simm.s32 $0x0;
	s22 =	rddreg [dreg:$0xe];
	[tilespmem:s20+$0x1E500] =	vst v0  }
0x62: {  	[tilespmem:s12], [sflag:$0x1] =	stream.linear.gather [hbm4b:s22+s13], $0x320, $0x38;
	[tilespmem:$0x1EC00] =	vst v63  }
0x63: {  	s23 =	rddreg [dreg:$0xf]  }
0x64: {  	[tilespmem:s15], [sflag:$0x1] =	stream.linear.gather [hbm4b:s23+s13], $0x320, $0x38;
	[tilespmem:$0x1EC00] =	vst v63  }
0x65: {  	s24 =	rddreg [dreg:$0x1d]  }
0x66: {  	[tilespmem:s28], [sflag:$0x5] =	stream.linear.gather [hbm4b:s24+s13], $0x320, $0x38;
	[tilespmem:$0x1EC00] =	vst v63  }
0x67: {  	_ = 	snop  }
0x68: {  	[spmem:s3] =	stream.indirect.scatter.add.f32 [tilespmem:s0], [sflag:$0x7], $0x1, s16, s29, $0xb8;
	[tilespmem:$0x1EC00] =	vst v63  }
0x69: {  	_ = 	snop  }
0x6a: {  	[spmem:s4] =	stream.indirect.scatter.add.f32 [tilespmem:s1], [sflag:$0x7], $0x1, s16, s29, $0xb8;
	[tilespmem:$0x1EC00] =	vst v63  }
0x6b: {  	_ =	swait.ge [sflag:s7], $0x320  }
0x6c: {  	[sflag:s7] =	ssyncset.done $0x0  }
0x6d: {  	[sflag:s7] =	ssyncadd.s32 $0xFFFFFCE0  }
0x6e: {  	_ =	swait.ge [sflag:s7], $0x320  }
0x6f: {  	[sflag:s7] =	ssyncset.done $0x0  }
0x70: {  	[sflag:s7] =	ssyncadd.s32 $0xFFFFFCE0  }
0x71: {  	_ =	swait.ge [sflag:s9], $0x320  }
0x72: {  	[sflag:s9] =	ssyncset.done $0x0  }
0x73: {  	s21 =	simm.s32 $0x0;
	[sflag:s9] =	ssyncadd.s32 $0xFFFFFCE0  }
0x74: {  	v0 =	vld [tilespmem:s21+$0x1C580];
	_ =	sdelay $0x7  }
0x75: {  	v0 =	vld.idx.msk [tilespmem:v0+s5+$0x0], $0xffff  }
0x76: {  	s20 =	simm.s32 $0x10;
	s22 =	simm.s32 $0x80;
	s13 =	simm.s32 $0x1E880;
	v1 =	vld [tilespmem:s21+$0x1CC80]  }
.LBB2_4:
0x77: {  	p0 =	sne.s32 s22, $0xC40;
	v2 =	vld [tilespmem:s20+$0x1C580];
	_ =	sdelay $0x2  }
0x78: {  	v3 =	vshll.u32 v0, $0x10;
	v0 =	vand.u32 $0xFFFF0000, v0  }
0x79: {  	v3 =	vmul.f32 v3, v1;
	v0 =	vmul.f32 v0, v1;
	_ =	sdelay $0x1  }
.Ltmp1:
0x7a: {  	[tilespmem:s21+$0x1E180] =	vst v3;
	(pc) =	sbr.rel @p0 .LBB2_4-.Ltmp1, $3  }
0x7b: {  	[tilespmem:s21+$0x1E880] =	vst v0;
	s21 =	smov.u32 s20  }
0x7c: {  	v0 =	vld.idx.msk [tilespmem:v2+s5+$0x0], $0xffff;
	_ =	sdelay $0x1  }
0x7d: {  	s20 =	sshra.s32 s22, $0x2;
	s22 =	sadd.s32 $0x40, s22;
	v1 =	vld [tilespmem:s21+$0x1CC80]  }
0x7e: {  	v2 =	vld [tilespmem:s20+$0x1C580];
	_ =	sdelay $0x2  }
0x7f: {  	v3 =	vshll.u32 v0, $0x10  }
0x80: {  	v62 =	vand.u32 $0xFFFF0000, v0;
	v3 =	vmul.f32 v3, v1  }
0x81: {  	v0 =	vmul.f32 v62, v1  }
0x82: {  	[tilespmem:s21+$0x1E180] =	vst v3  }
0x83: {  	[tilespmem:s21+$0x1E880] =	vst v0  }
0x84: {  	v0 =	vld.idx.msk [tilespmem:v2+s5+$0x0], $0xffff  }
0x85: {  	v63 =	vld [tilespmem:s20+$0x1CC80];
	_ =	sdelay $0x3  }
0x86: {  	v2 =	vshll.u32 v0, $0x10  }
0x87: {  	v0 =	vand.u32 $0xFFFF0000, v0;
	v2 =	vmul.f32 v2, v63  }
0x88: {  	v0 =	vmul.f32 v0, v63  }
0x89: {  	[tilespmem:s20+$0x1E180] =	vst v2  }
0x8a: {  	s24 =	simm.s32 $0x0;
	s21 =	rddreg [dreg:$0x10];
	[tilespmem:s20+$0x1E880] =	vst v0  }
0x8b: {  	[tilespmem:s17], [sflag:$0x2] =	stream.linear.gather [hbm4b:s21+s24], $0x320, $0x38;
	[tilespmem:$0x1EC00] =	vst v63  }
0x8c: {  	s22 =	rddreg [dreg:$0x11]  }
0x8d: {  	[tilespmem:s18], [sflag:$0x2] =	stream.linear.gather [hbm4b:s22+s24], $0x320, $0x38;
	[tilespmem:$0x1EC00] =	vst v63  }
0x8e: {  	s23 =	rddreg [dreg:$0x1e]  }
0x8f: {  	[tilespmem:s10], [sflag:$0x6] =	stream.linear.gather [hbm4b:s23+s24], $0x320, $0x38;
	[tilespmem:$0x1EC00] =	vst v63  }
0x90: {  	_ = 	snop  }
0x91: {  	[spmem:s3] =	stream.indirect.scatter.add.f32 [tilespmem:s11], [sflag:$0x8], $0x1, s19, s29, $0xb8;
	[tilespmem:$0x1EC00] =	vst v63  }
0x92: {  	_ = 	snop  }
0x93: {  	[spmem:s4] =	stream.indirect.scatter.add.f32 [tilespmem:s13], [sflag:$0x8], $0x1, s19, s29, $0xb8;
	[tilespmem:$0x1EC00] =	vst v63  }
.LBB2_6:
0x94: {  	_ =	swait.ge [sflag:s25], $0x320  }
0x95: {  	[sflag:s25] =	ssyncset.done $0x0  }
0x96: {  	[sflag:s25] =	ssyncadd.s32 $0xFFFFFCE0  }
0x97: {  	_ =	swait.ge [sflag:s25], $0x320  }
0x98: {  	[sflag:s25] =	ssyncset.done $0x0  }
0x99: {  	[sflag:s25] =	ssyncadd.s32 $0xFFFFFCE0  }
0x9a: {  	_ =	swait.ge [sflag:s30], $0x320  }
0x9b: {  	[sflag:s30] =	ssyncset.done $0x0  }
0x9c: {  	[sflag:s30] =	ssyncadd.s32 $0xFFFFFCE0  }
0x9d: {  	_ =	swait.ge [sflag:s31], $0x320  }
0x9e: {  	[sflag:s31] =	ssyncset.done $0x0  }
0x9f: {  	[sflag:s31] =	ssyncadd.s32 $0xFFFFFCE0  }
0xa0: {  	_ =	swait.ge [sflag:s31], $0x320  }
0xa1: {  	[sflag:s31] =	ssyncset.done $0x0  }
0xa2: {  	s20 =	simm.s32 $0x0;
	[sflag:s31] =	ssyncadd.s32 $0xFFFFFCE0  }
0xa3: {  	v0 =	vld [tilespmem:s20+$0x1C200];
	_ =	sdelay $0x7  }
0xa4: {  	v0 =	vld.idx.msk [tilespmem:v0+s5+$0x0], $0xffff  }
0xa5: {  	s21 =	simm.s32 $0x10;
	s22 =	simm.s32 $0x80;
	v1 =	vld [tilespmem:s20+$0x1C900]  }
.LBB2_7:
0xa6: {  	p0 =	sne.s32 s22, $0xC40;
	v2 =	vld [tilespmem:s21+$0x1C200];
	_ =	sdelay $0x2  }
0xa7: {  	v3 =	vshll.u32 v0, $0x10;
	v0 =	vand.u32 $0xFFFF0000, v0  }
0xa8: {  	v3 =	vmul.f32 v3, v1;
	v0 =	vmul.f32 v0, v1;
	_ =	sdelay $0x1  }
.Ltmp2:
0xa9: {  	[tilespmem:s20+$0x1DE00] =	vst v3;
	(pc) =	sbr.rel @p0 .LBB2_7-.Ltmp2, $3  }
0xaa: {  	[tilespmem:s20+$0x1E500] =	vst v0;
	s20 =	smov.u32 s21  }
0xab: {  	v0 =	vld.idx.msk [tilespmem:v2+s5+$0x0], $0xffff;
	_ =	sdelay $0x1  }
0xac: {  	s21 =	sshra.s32 s22, $0x2;
	s22 =	sadd.s32 $0x40, s22;
	v1 =	vld [tilespmem:s20+$0x1C900]  }
0xad: {  	v2 =	vld [tilespmem:s21+$0x1C200];
	_ =	sdelay $0x2  }
0xae: {  	v3 =	vshll.u32 v0, $0x10  }
0xaf: {  	v0 =	vand.u32 $0xFFFF0000, v0;
	v3 =	vmul.f32 v3, v1  }
0xb0: {  	v0 =	vmul.f32 v0, v1  }
0xb1: {  	[tilespmem:s20+$0x1DE00] =	vst v3  }
0xb2: {  	[tilespmem:s20+$0x1E500] =	vst v0  }
0xb3: {  	v0 =	vld.idx.msk [tilespmem:v2+s5+$0x0], $0xffff  }
0xb4: {  	v1 =	vld [tilespmem:s21+$0x1C900];
	_ =	sdelay $0x3  }
0xb5: {  	s20 =	smul.u32 $0xC80, s24;
	v2 =	vshll.u32 v0, $0x10  }
0xb6: {  	s22 =	rddreg [dreg:$0x12];
	v0 =	vand.u32 $0xFFFF0000, v0;
	v2 =	vmul.f32 v2, v1  }
0xb7: {  	s22 =	sadd.s32 s20, s22;
	v0 =	vmul.f32 v0, v1  }
0xb8: {  	s22 =	sshrl.u32 s22, $0x3;
	[tilespmem:s21+$0x1DE00] =	vst v2  }
0xb9: {  	s23 =	simm.s32 $0x0;
	[tilespmem:s21+$0x1E500] =	vst v0;
	s21 =	sadd.s32 s6, s22  }
0xba: {  	[tilespmem:s12], [sflag:$0x1] =	stream.linear.gather [hbm4b:s21+s23], $0x320, $0x38;
	[tilespmem:$0x1EC00] =	vst v63  }
0xbb: {  	s22 =	sadd.s32 s2, s22  }
0xbc: {  	[tilespmem:s15], [sflag:$0x1] =	stream.linear.gather [hbm4b:s22+s23], $0x320, $0x38;
	[tilespmem:$0x1EC00] =	vst v63  }
0xbd: {  	s21 =	sadd.s32 $0x61A80, s21  }
0xbe: {  	[tilespmem:s16], [sflag:$0x3] =	stream.linear.gather [hbm4b:s21+s23], $0x320, $0x38;
	[tilespmem:$0x1EC00] =	vst v63  }
0xbf: {  	_ = 	snop  }
0xc0: {  	[spmem:s3] =	stream.indirect.scatter.add.f32 [tilespmem:s0], [sflag:$0x7], $0x1, s28, s29, $0xb8;
	[tilespmem:$0x1EC00] =	vst v63  }
0xc1: {  	_ = 	snop  }
0xc2: {  	[spmem:s4] =	stream.indirect.scatter.add.f32 [tilespmem:s1], [sflag:$0x7], $0x1, s28, s29, $0xb8;
	[tilespmem:$0x1EC00] =	vst v63  }
0xc3: {  	_ =	swait.ge [sflag:s7], $0x320  }
0xc4: {  	[sflag:s7] =	ssyncset.done $0x0  }
0xc5: {  	[sflag:s7] =	ssyncadd.s32 $0xFFFFFCE0  }
0xc6: {  	_ =	swait.ge [sflag:s7], $0x320  }
0xc7: {  	[sflag:s7] =	ssyncset.done $0x0  }
0xc8: {  	[sflag:s7] =	ssyncadd.s32 $0xFFFFFCE0  }
0xc9: {  	_ =	swait.ge [sflag:s8], $0x320  }
0xca: {  	[sflag:s8] =	ssyncset.done $0x0  }
0xcb: {  	[sflag:s8] =	ssyncadd.s32 $0xFFFFFCE0  }
0xcc: {  	_ =	swait.ge [sflag:s14], $0x320  }
0xcd: {  	[sflag:s14] =	ssyncset.done $0x0  }
0xce: {  	[sflag:s14] =	ssyncadd.s32 $0xFFFFFCE0  }
0xcf: {  	_ =	swait.ge [sflag:s14], $0x320  }
0xd0: {  	[sflag:s14] =	ssyncset.done $0x0  }
0xd1: {  	s22 =	simm.s32 $0x0;
	[sflag:s14] =	ssyncadd.s32 $0xFFFFFCE0  }
0xd2: {  	v0 =	vld [tilespmem:s22+$0x1C580];
	_ =	sdelay $0x7  }
0xd3: {  	v0 =	vld.idx.msk [tilespmem:v0+s5+$0x0], $0xffff  }
0xd4: {  	s21 =	simm.s32 $0x10;
	s23 =	simm.s32 $0x80;
	v1 =	vld [tilespmem:s22+$0x1CC80]  }
.LBB2_9:
0xd5: {  	p0 =	sne.s32 s23, $0xC40;
	v2 =	vld [tilespmem:s21+$0x1C580];
	_ =	sdelay $0x2  }
0xd6: {  	v3 =	vshll.u32 v0, $0x10;
	v0 =	vand.u32 $0xFFFF0000, v0  }
0xd7: {  	v3 =	vmul.f32 v3, v1;
	v0 =	vmul.f32 v0, v1;
	_ =	sdelay $0x1  }
.Ltmp3:
0xd8: {  	[tilespmem:s22+$0x1E180] =	vst v3;
	(pc) =	sbr.rel @p0 .LBB2_9-.Ltmp3, $3  }
0xd9: {  	[tilespmem:s22+$0x1E880] =	vst v0;
	s22 =	smov.u32 s21  }
0xda: {  	v0 =	vld.idx.msk [tilespmem:v2+s5+$0x0], $0xffff;
	_ =	sdelay $0x1  }
0xdb: {  	s21 =	sshra.s32 s23, $0x2;
	s23 =	sadd.s32 $0x40, s23;
	v1 =	vld [tilespmem:s22+$0x1CC80]  }
0xdc: {  	v2 =	vld [tilespmem:s21+$0x1C580];
	_ =	sdelay $0x2  }
0xdd: {  	v3 =	vshll.u32 v0, $0x10  }
0xde: {  	v0 =	vand.u32 $0xFFFF0000, v0;
	v3 =	vmul.f32 v3, v1  }
0xdf: {  	v0 =	vmul.f32 v0, v1  }
0xe0: {  	[tilespmem:s22+$0x1E180] =	vst v3  }
0xe1: {  	[tilespmem:s22+$0x1E880] =	vst v0  }
0xe2: {  	v0 =	vld.idx.msk [tilespmem:v2+s5+$0x0], $0xffff  }
0xe3: {  	v1 =	vld [tilespmem:s21+$0x1CC80];
	_ =	sdelay $0x3  }
0xe4: {  	v2 =	vshll.u32 v0, $0x10  }
0xe5: {  	s23 =	rddreg [dreg:$0x13];
	v0 =	vand.u32 $0xFFFF0000, v0;
	v2 =	vmul.f32 v2, v1  }
0xe6: {  	s22 =	sadd.s32 s20, s23;
	v0 =	vmul.f32 v0, v1  }
0xe7: {  	s22 =	sshrl.u32 s22, $0x3;
	[tilespmem:s21+$0x1E180] =	vst v2  }
0xe8: {  	s23 =	simm.s32 $0x0;
	[tilespmem:s21+$0x1E880] =	vst v0;
	s21 =	sadd.s32 s6, s22  }
0xe9: {  	[tilespmem:s17], [sflag:$0x2] =	stream.linear.gather [hbm4b:s21+s23], $0x320, $0x38;
	[tilespmem:$0x1EC00] =	vst v63  }
0xea: {  	s22 =	sadd.s32 s2, s22  }
0xeb: {  	[tilespmem:s18], [sflag:$0x2] =	stream.linear.gather [hbm4b:s22+s23], $0x320, $0x38;
	[tilespmem:$0x1EC00] =	vst v63  }
0xec: {  	s21 =	sadd.s32 $0x61A80, s21  }
0xed: {  	[tilespmem:s19], [sflag:$0x4] =	stream.linear.gather [hbm4b:s21+s23], $0x320, $0x38;
	[tilespmem:$0x1EC00] =	vst v63  }
0xee: {  	_ = 	snop  }
0xef: {  	[spmem:s3] =	stream.indirect.scatter.add.f32 [tilespmem:s11], [sflag:$0x8], $0x1, s10, s29, $0xb8;
	[tilespmem:$0x1EC00] =	vst v63  }
0xf0: {  	_ = 	snop  }
0xf1: {  	[spmem:s4] =	stream.indirect.scatter.add.f32 [tilespmem:s13], [sflag:$0x8], $0x1, s10, s29, $0xb8;
	[tilespmem:$0x1EC00] =	vst v63  }
0xf2: {  	_ =	swait.ge [sflag:s25], $0x320  }
0xf3: {  	[sflag:s25] =	ssyncset.done $0x0  }
0xf4: {  	[sflag:s25] =	ssyncadd.s32 $0xFFFFFCE0  }
0xf5: {  	_ =	swait.ge [sflag:s25], $0x320  }
0xf6: {  	[sflag:s25] =	ssyncset.done $0x0  }
0xf7: {  	[sflag:s25] =	ssyncadd.s32 $0xFFFFFCE0  }
0xf8: {  	_ =	swait.ge [sflag:s26], $0x320  }
0xf9: {  	[sflag:s26] =	ssyncset.done $0x0  }
0xfa: {  	[sflag:s26] =	ssyncadd.s32 $0xFFFFFCE0  }
0xfb: {  	_ =	swait.ge [sflag:s31], $0x320  }
0xfc: {  	[sflag:s31] =	ssyncset.done $0x0  }
0xfd: {  	[sflag:s31] =	ssyncadd.s32 $0xFFFFFCE0  }
0xfe: {  	_ =	swait.ge [sflag:s31], $0x320  }
0xff: {  	[sflag:s31] =	ssyncset.done $0x0  }
0x100: {  	s22 =	simm.s32 $0x0;
	[sflag:s31] =	ssyncadd.s32 $0xFFFFFCE0  }
0x101: {  	v0 =	vld [tilespmem:s22+$0x1C200];
	_ =	sdelay $0x7  }
0x102: {  	v0 =	vld.idx.msk [tilespmem:v0+s5+$0x0], $0xffff  }
0x103: {  	s21 =	simm.s32 $0x10;
	s23 =	simm.s32 $0x80;
	v1 =	vld [tilespmem:s22+$0x1C900]  }
.LBB2_11:
0x104: {  	p0 =	sne.s32 s23, $0xC40;
	v2 =	vld [tilespmem:s21+$0x1C200];
	_ =	sdelay $0x2  }
0x105: {  	v3 =	vshll.u32 v0, $0x10;
	v0 =	vand.u32 $0xFFFF0000, v0  }
0x106: {  	v3 =	vmul.f32 v3, v1;
	v0 =	vmul.f32 v0, v1;
	_ =	sdelay $0x1  }
.Ltmp4:
0x107: {  	[tilespmem:s22+$0x1DE00] =	vst v3;
	(pc) =	sbr.rel @p0 .LBB2_11-.Ltmp4, $3  }
0x108: {  	[tilespmem:s22+$0x1E500] =	vst v0;
	s22 =	smov.u32 s21  }
0x109: {  	v0 =	vld.idx.msk [tilespmem:v2+s5+$0x0], $0xffff;
	_ =	sdelay $0x1  }
0x10a: {  	s21 =	sshra.s32 s23, $0x2;
	s23 =	sadd.s32 $0x40, s23;
	v1 =	vld [tilespmem:s22+$0x1C900]  }
0x10b: {  	v2 =	vld [tilespmem:s21+$0x1C200];
	_ =	sdelay $0x2  }
0x10c: {  	v3 =	vshll.u32 v0, $0x10  }
0x10d: {  	v0 =	vand.u32 $0xFFFF0000, v0;
	v3 =	vmul.f32 v3, v1  }
0x10e: {  	v0 =	vmul.f32 v0, v1  }
0x10f: {  	[tilespmem:s22+$0x1DE00] =	vst v3  }
0x110: {  	[tilespmem:s22+$0x1E500] =	vst v0  }
0x111: {  	v0 =	vld.idx.msk [tilespmem:v2+s5+$0x0], $0xffff  }
0x112: {  	v1 =	vld [tilespmem:s21+$0x1C900];
	_ =	sdelay $0x3  }
0x113: {  	v2 =	vshll.u32 v0, $0x10  }
0x114: {  	s23 =	rddreg [dreg:$0x14];
	v0 =	vand.u32 $0xFFFF0000, v0;
	v2 =	vmul.f32 v2, v1  }
0x115: {  	s22 =	sadd.s32 s20, s23;
	v0 =	vmul.f32 v0, v1  }
0x116: {  	s22 =	sshrl.u32 s22, $0x3;
	[tilespmem:s21+$0x1DE00] =	vst v2  }
0x117: {  	s23 =	simm.s32 $0x0;
	[tilespmem:s21+$0x1E500] =	vst v0;
	s21 =	sadd.s32 s6, s22  }
0x118: {  	[tilespmem:s12], [sflag:$0x1] =	stream.linear.gather [hbm4b:s21+s23], $0x320, $0x38;
	[tilespmem:$0x1EC00] =	vst v63  }
0x119: {  	s22 =	sadd.s32 s2, s22  }
0x11a: {  	[tilespmem:s15], [sflag:$0x1] =	stream.linear.gather [hbm4b:s22+s23], $0x320, $0x38;
	[tilespmem:$0x1EC00] =	vst v63  }
0x11b: {  	s21 =	sadd.s32 $0x61A80, s21  }
0x11c: {  	[tilespmem:s28], [sflag:$0x5] =	stream.linear.gather [hbm4b:s21+s23], $0x320, $0x38;
	[tilespmem:$0x1EC00] =	vst v63  }
0x11d: {  	_ = 	snop  }
0x11e: {  	[spmem:s3] =	stream.indirect.scatter.add.f32 [tilespmem:s0], [sflag:$0x7], $0x1, s16, s29, $0xb8;
	[tilespmem:$0x1EC00] =	vst v63  }
0x11f: {  	_ = 	snop  }
0x120: {  	[spmem:s4] =	stream.indirect.scatter.add.f32 [tilespmem:s1], [sflag:$0x7], $0x1, s16, s29, $0xb8;
	[tilespmem:$0x1EC00] =	vst v63  }
0x121: {  	_ =	swait.ge [sflag:s7], $0x320  }
0x122: {  	[sflag:s7] =	ssyncset.done $0x0  }
0x123: {  	[sflag:s7] =	ssyncadd.s32 $0xFFFFFCE0  }
0x124: {  	_ =	swait.ge [sflag:s7], $0x320  }
0x125: {  	[sflag:s7] =	ssyncset.done $0x0  }
0x126: {  	[sflag:s7] =	ssyncadd.s32 $0xFFFFFCE0  }
0x127: {  	_ =	swait.ge [sflag:s9], $0x320  }
0x128: {  	[sflag:s9] =	ssyncset.done $0x0  }
0x129: {  	[sflag:s9] =	ssyncadd.s32 $0xFFFFFCE0  }
0x12a: {  	_ =	swait.ge [sflag:s14], $0x320  }
0x12b: {  	[sflag:s14] =	ssyncset.done $0x0  }
0x12c: {  	[sflag:s14] =	ssyncadd.s32 $0xFFFFFCE0  }
0x12d: {  	_ =	swait.ge [sflag:s14], $0x320  }
0x12e: {  	[sflag:s14] =	ssyncset.done $0x0  }
0x12f: {  	s22 =	simm.s32 $0x0;
	[sflag:s14] =	ssyncadd.s32 $0xFFFFFCE0  }
0x130: {  	v0 =	vld [tilespmem:s22+$0x1C580];
	_ =	sdelay $0x7  }
0x131: {  	v0 =	vld.idx.msk [tilespmem:v0+s5+$0x0], $0xffff  }
0x132: {  	s21 =	simm.s32 $0x10;
	s23 =	simm.s32 $0x80;
	v1 =	vld [tilespmem:s22+$0x1CC80]  }
.LBB2_13:
0x133: {  	p0 =	sne.s32 s23, $0xC40;
	v2 =	vld [tilespmem:s21+$0x1C580];
	_ =	sdelay $0x2  }
0x134: {  	v3 =	vshll.u32 v0, $0x10;
	v0 =	vand.u32 $0xFFFF0000, v0  }
0x135: {  	v3 =	vmul.f32 v3, v1;
	v0 =	vmul.f32 v0, v1;
	_ =	sdelay $0x1  }
.Ltmp5:
0x136: {  	[tilespmem:s22+$0x1E180] =	vst v3;
	(pc) =	sbr.rel @p0 .LBB2_13-.Ltmp5, $3  }
0x137: {  	[tilespmem:s22+$0x1E880] =	vst v0;
	s22 =	smov.u32 s21  }
0x138: {  	v0 =	vld.idx.msk [tilespmem:v2+s5+$0x0], $0xffff;
	_ =	sdelay $0x1  }
0x139: {  	s21 =	sshra.s32 s23, $0x2;
	s23 =	sadd.s32 $0x40, s23;
	v1 =	vld [tilespmem:s22+$0x1CC80]  }
0x13a: {  	v2 =	vld [tilespmem:s21+$0x1C580];
	_ =	sdelay $0x2  }
0x13b: {  	v3 =	vshll.u32 v0, $0x10  }
0x13c: {  	v62 =	vand.u32 $0xFFFF0000, v0;
	v3 =	vmul.f32 v3, v1  }
0x13d: {  	v0 =	vmul.f32 v62, v1  }
0x13e: {  	[tilespmem:s22+$0x1E180] =	vst v3  }
0x13f: {  	[tilespmem:s22+$0x1E880] =	vst v0  }
0x140: {  	v0 =	vld.idx.msk [tilespmem:v2+s5+$0x0], $0xffff  }
0x141: {  	v63 =	vld [tilespmem:s21+$0x1CC80];
	_ =	sdelay $0x3  }
0x142: {  	v2 =	vshll.u32 v0, $0x10  }
0x143: {  	s23 =	rddreg [dreg:$0x15];
	v0 =	vand.u32 $0xFFFF0000, v0;
	v2 =	vmul.f32 v2, v63  }
0x144: {  	s20 =	sadd.s32 s20, s23;
	v0 =	vmul.f32 v0, v63  }
0x145: {  	s20 =	sshrl.u32 s20, $0x3;
	[tilespmem:s21+$0x1E180] =	vst v2  }
0x146: {  	s22 =	sadd.s32 s6, s20;
	[tilespmem:s21+$0x1E880] =	vst v0  }
0x147: {  	[tilespmem:s17], [sflag:$0x2] =	stream.linear.gather [hbm4b:s22+s5], $0x320, $0x38;
	[tilespmem:$0x1EC00] =	vst v63  }
0x148: {  	s24 =	sadd.s32 $0x1, s24;
	s20 =	sadd.s32 s2, s20  }
0x149: {  	[tilespmem:s18], [sflag:$0x2] =	stream.linear.gather [hbm4b:s20+s5], $0x320, $0x38;
	[tilespmem:$0x1EC00] =	vst v63  }
0x14a: {  	p0 =	sne.s32 s24, $0x1E;
	s23 =	sadd.s32 $0x61A80, s22  }
0x14b: {  	[tilespmem:s10], [sflag:$0x6] =	stream.linear.gather [hbm4b:s23+s5], $0x320, $0x38;
	[tilespmem:$0x1EC00] =	vst v63  }
.Ltmp6:
0x14c: {  	_ = 	snop;
	(pc) =	sbr.rel @p0 .LBB2_6-.Ltmp6, $4  }
0x14d: {  	_ = 	snop  }
0x14e: {  	[spmem:s3] =	stream.indirect.scatter.add.f32 [tilespmem:s11], [sflag:$0x8], $0x1, s19, s29, $0xb8;
	[tilespmem:$0x1EC00] =	vst v63  }
0x14f: {  	_ = 	snop  }
0x150: {  	[spmem:s4] =	stream.indirect.scatter.add.f32 [tilespmem:s13], [sflag:$0x8], $0x1, s19, s29, $0xb8;
	[tilespmem:$0x1EC00] =	vst v63  }
0x151: {  	_ =	swait.ge [sflag:s25], $0x320  }
0x152: {  	[sflag:s25] =	ssyncset.done $0x0  }
0x153: {  	[sflag:s25] =	ssyncadd.s32 $0xFFFFFCE0  }
0x154: {  	_ =	swait.ge [sflag:s25], $0x320  }
0x155: {  	[sflag:s25] =	ssyncset.done $0x0  }
0x156: {  	[sflag:s25] =	ssyncadd.s32 $0xFFFFFCE0  }
0x157: {  	_ =	swait.ge [sflag:s30], $0x320  }
0x158: {  	[sflag:s30] =	ssyncset.done $0x0  }
0x159: {  	[sflag:s30] =	ssyncadd.s32 $0xFFFFFCE0  }
0x15a: {  	_ =	swait.ge [sflag:s31], $0x320  }
0x15b: {  	[sflag:s31] =	ssyncset.done $0x0  }
0x15c: {  	[sflag:s31] =	ssyncadd.s32 $0xFFFFFCE0  }
0x15d: {  	_ =	swait.ge [sflag:s31], $0x320  }
0x15e: {  	[sflag:s31] =	ssyncset.done $0x0  }
0x15f: {  	s21 =	simm.s32 $0x0;
	[sflag:s31] =	ssyncadd.s32 $0xFFFFFCE0  }
0x160: {  	v0 =	vld [tilespmem:s21+$0x1C200];
	_ =	sdelay $0x7  }
0x161: {  	v0 =	vld.idx.msk [tilespmem:v0+s5+$0x0], $0xffff  }
0x162: {  	s20 =	simm.s32 $0x10;
	s22 =	simm.s32 $0x80;
	v1 =	vld [tilespmem:s21+$0x1C900]  }
.LBB2_16:
0x163: {  	p0 =	sne.s32 s22, $0xC40;
	v2 =	vld [tilespmem:s20+$0x1C200];
	_ =	sdelay $0x2  }
0x164: {  	v3 =	vshll.u32 v0, $0x10;
	v0 =	vand.u32 $0xFFFF0000, v0  }
0x165: {  	v3 =	vmul.f32 v3, v1;
	v0 =	vmul.f32 v0, v1;
	_ =	sdelay $0x1  }
.Ltmp7:
0x166: {  	[tilespmem:s21+$0x1DE00] =	vst v3;
	(pc) =	sbr.rel @p0 .LBB2_16-.Ltmp7, $3  }
0x167: {  	[tilespmem:s21+$0x1E500] =	vst v0;
	s21 =	smov.u32 s20  }
0x168: {  	v0 =	vld.idx.msk [tilespmem:v2+s5+$0x0], $0xffff;
	_ =	sdelay $0x1  }
0x169: {  	s20 =	sshra.s32 s22, $0x2;
	s22 =	sadd.s32 $0x40, s22;
	v1 =	vld [tilespmem:s21+$0x1C900]  }
0x16a: {  	v2 =	vld [tilespmem:s20+$0x1C200];
	_ =	sdelay $0x2  }
0x16b: {  	v3 =	vshll.u32 v0, $0x10  }
0x16c: {  	v0 =	vand.u32 $0xFFFF0000, v0;
	v3 =	vmul.f32 v3, v1  }
0x16d: {  	v0 =	vmul.f32 v0, v1  }
0x16e: {  	[tilespmem:s21+$0x1DE00] =	vst v3  }
0x16f: {  	[tilespmem:s21+$0x1E500] =	vst v0  }
0x170: {  	v0 =	vld.idx.msk [tilespmem:v2+s5+$0x0], $0xffff  }
0x171: {  	v1 =	vld [tilespmem:s20+$0x1C900];
	_ =	sdelay $0x3  }
0x172: {  	v2 =	vshll.u32 v0, $0x10  }
0x173: {  	v0 =	vand.u32 $0xFFFF0000, v0;
	v2 =	vmul.f32 v2, v1  }
0x174: {  	v0 =	vmul.f32 v0, v1  }
0x175: {  	[tilespmem:s20+$0x1DE00] =	vst v2  }
0x176: {  	s22 =	rddreg [dreg:$0x16];
	[tilespmem:s20+$0x1E500] =	vst v0;
	s20 =	simm.s32 $0x0  }
0x177: {  	[tilespmem:s12], [sflag:$0x1] =	stream.linear.gather [hbm4b:s22+s20], $0x320, $0x38;
	[tilespmem:$0x1EC00] =	vst v63  }
0x178: {  	s23 =	rddreg [dreg:$0x17]  }
0x179: {  	[tilespmem:s15], [sflag:$0x1] =	stream.linear.gather [hbm4b:s23+s20], $0x320, $0x38;
	[tilespmem:$0x1EC00] =	vst v63  }
0x17a: {  	s24 =	rddreg [dreg:$0x1f]  }
0x17b: {  	[tilespmem:s16], [sflag:$0x3] =	stream.linear.gather [hbm4b:s24+s20], $0x320, $0x38;
	[tilespmem:$0x1EC00] =	vst v63  }
0x17c: {  	_ = 	snop  }
0x17d: {  	[spmem:s3] =	stream.indirect.scatter.add.f32 [tilespmem:s0], [sflag:$0x7], $0x1, s28, s29, $0xb8;
	[tilespmem:$0x1EC00] =	vst v63  }
0x17e: {  	_ = 	snop  }
0x17f: {  	[spmem:s4] =	stream.indirect.scatter.add.f32 [tilespmem:s1], [sflag:$0x7], $0x1, s28, s29, $0xb8;
	[tilespmem:$0x1EC00] =	vst v63  }
0x180: {  	_ =	swait.ge [sflag:s7], $0x320  }
0x181: {  	[sflag:s7] =	ssyncset.done $0x0  }
0x182: {  	[sflag:s7] =	ssyncadd.s32 $0xFFFFFCE0  }
0x183: {  	_ =	swait.ge [sflag:s7], $0x320  }
0x184: {  	[sflag:s7] =	ssyncset.done $0x0  }
0x185: {  	[sflag:s7] =	ssyncadd.s32 $0xFFFFFCE0  }
0x186: {  	_ =	swait.ge [sflag:s8], $0x320  }
0x187: {  	[sflag:s8] =	ssyncset.done $0x0  }
0x188: {  	[sflag:s8] =	ssyncadd.s32 $0xFFFFFCE0  }
0x189: {  	_ =	swait.ge [sflag:s14], $0x320  }
0x18a: {  	[sflag:s14] =	ssyncset.done $0x0  }
0x18b: {  	[sflag:s14] =	ssyncadd.s32 $0xFFFFFCE0  }
0x18c: {  	_ =	swait.ge [sflag:s14], $0x320  }
0x18d: {  	[sflag:s14] =	ssyncset.done $0x0  }
0x18e: {  	s21 =	simm.s32 $0x0;
	[sflag:s14] =	ssyncadd.s32 $0xFFFFFCE0  }
0x18f: {  	v0 =	vld [tilespmem:s21+$0x1C580];
	_ =	sdelay $0x7  }
0x190: {  	v0 =	vld.idx.msk [tilespmem:v0+s5+$0x0], $0xffff  }
0x191: {  	s22 =	simm.s32 $0x80;
	s20 =	simm.s32 $0x10;
	s23 =	rddreg [dreg:$0x1c];
	v1 =	vld [tilespmem:s21+$0x1CC80]  }
.LBB2_18:
0x192: {  	p0 =	sne.s32 s22, $0xC40;
	v2 =	vld [tilespmem:s20+$0x1C580];
	_ =	sdelay $0x2  }
0x193: {  	v3 =	vshll.u32 v0, $0x10;
	v0 =	vand.u32 $0xFFFF0000, v0  }
0x194: {  	v3 =	vmul.f32 v3, v1;
	v0 =	vmul.f32 v0, v1;
	_ =	sdelay $0x1  }
.Ltmp8:
0x195: {  	[tilespmem:s21+$0x1E180] =	vst v3;
	(pc) =	sbr.rel @p0 .LBB2_18-.Ltmp8, $3  }
0x196: {  	[tilespmem:s21+$0x1E880] =	vst v0;
	s21 =	smov.u32 s20  }
0x197: {  	v0 =	vld.idx.msk [tilespmem:v2+s5+$0x0], $0xffff;
	_ =	sdelay $0x1  }
0x198: {  	s20 =	sshra.s32 s22, $0x2;
	s22 =	sadd.s32 $0x40, s22;
	v1 =	vld [tilespmem:s21+$0x1CC80]  }
0x199: {  	v2 =	vld [tilespmem:s20+$0x1C580];
	_ =	sdelay $0x2  }
0x19a: {  	v3 =	vshll.u32 v0, $0x10  }
0x19b: {  	v0 =	vand.u32 $0xFFFF0000, v0;
	v3 =	vmul.f32 v3, v1  }
0x19c: {  	v0 =	vmul.f32 v0, v1  }
0x19d: {  	[tilespmem:s21+$0x1E180] =	vst v3  }
0x19e: {  	[tilespmem:s21+$0x1E880] =	vst v0  }
0x19f: {  	v0 =	vld.idx.msk [tilespmem:v2+s5+$0x0], $0xffff  }
0x1a0: {  	v1 =	vld [tilespmem:s20+$0x1CC80];
	_ =	sdelay $0x3  }
0x1a1: {  	v2 =	vshll.u32 v0, $0x10  }
0x1a2: {  	v0 =	vand.u32 $0xFFFF0000, v0;
	v2 =	vmul.f32 v2, v1  }
0x1a3: {  	v0 =	vmul.f32 v0, v1  }
0x1a4: {  	[tilespmem:s20+$0x1E180] =	vst v2  }
0x1a5: {  	s24 =	rddreg [dreg:$0x6];
	[tilespmem:s20+$0x1E880] =	vst v0;
	s20 =	simm.s32 $0x0  }
0x1a6: {  	[tilespmem:s17], [sflag:$0x2] =	stream.linear.gather [hbm4b:s24+s20], $0x320, $0x38;
	[tilespmem:$0x1EC00] =	vst v63  }
0x1a7: {  	s22 =	rddreg [dreg:$0x7]  }
0x1a8: {  	[tilespmem:s18], [sflag:$0x2] =	stream.linear.gather [hbm4b:s22+s20], $0x320, $0x38;
	[tilespmem:$0x1EC00] =	vst v63  }
0x1a9: {  	s24 =	rddreg [dreg:$0x1b]  }
0x1aa: {  	[tilespmem:s19], [sflag:$0x4] =	stream.linear.gather [hbm4b:s24+s20], $0x320, $0x38;
	[tilespmem:$0x1EC00] =	vst v63  }
0x1ab: {  	_ = 	snop  }
0x1ac: {  	[spmem:s3] =	stream.indirect.scatter.add.f32 [tilespmem:s11], [sflag:$0x8], $0x1, s10, s29, $0xb8;
	[tilespmem:$0x1EC00] =	vst v63  }
0x1ad: {  	_ = 	snop  }
0x1ae: {  	[spmem:s4] =	stream.indirect.scatter.add.f32 [tilespmem:s13], [sflag:$0x8], $0x1, s10, s29, $0xb8;
	[tilespmem:$0x1EC00] =	vst v63  }
0x1af: {  	_ =	swait.ge [sflag:s25], $0x320  }
0x1b0: {  	[sflag:s25] =	ssyncset.done $0x0  }
0x1b1: {  	[sflag:s25] =	ssyncadd.s32 $0xFFFFFCE0  }
0x1b2: {  	_ =	swait.ge [sflag:s25], $0x320  }
0x1b3: {  	[sflag:s25] =	ssyncset.done $0x0  }
0x1b4: {  	[sflag:s25] =	ssyncadd.s32 $0xFFFFFCE0  }
0x1b5: {  	_ =	swait.ge [sflag:s26], $0x320  }
0x1b6: {  	[sflag:s26] =	ssyncset.done $0x0  }
0x1b7: {  	[sflag:s26] =	ssyncadd.s32 $0xFFFFFCE0  }
0x1b8: {  	_ =	swait.ge [sflag:s31], $0x320  }
0x1b9: {  	[sflag:s31] =	ssyncset.done $0x0  }
0x1ba: {  	[sflag:s31] =	ssyncadd.s32 $0xFFFFFCE0  }
0x1bb: {  	_ =	swait.ge [sflag:s31], $0x320  }
0x1bc: {  	[sflag:s31] =	ssyncset.done $0x0  }
0x1bd: {  	s21 =	simm.s32 $0x0;
	[sflag:s31] =	ssyncadd.s32 $0xFFFFFCE0  }
0x1be: {  	v0 =	vld [tilespmem:s21+$0x1C200];
	_ =	sdelay $0x7  }
0x1bf: {  	v0 =	vld.idx.msk [tilespmem:v0+s5+$0x0], $0xffff  }
0x1c0: {  	s22 =	simm.s32 $0x80;
	s20 =	simm.s32 $0x10;
	v1 =	vld [tilespmem:s21+$0x1C900]  }
.LBB2_20:
0x1c1: {  	p0 =	sne.s32 s22, $0xC40;
	v2 =	vld [tilespmem:s20+$0x1C200];
	_ =	sdelay $0x2  }
0x1c2: {  	v3 =	vshll.u32 v0, $0x10;
	v0 =	vand.u32 $0xFFFF0000, v0  }
0x1c3: {  	v3 =	vmul.f32 v3, v1;
	v0 =	vmul.f32 v0, v1;
	_ =	sdelay $0x1  }
.Ltmp9:
0x1c4: {  	[tilespmem:s21+$0x1DE00] =	vst v3;
	(pc) =	sbr.rel @p0 .LBB2_20-.Ltmp9, $3  }
0x1c5: {  	[tilespmem:s21+$0x1E500] =	vst v0;
	s21 =	smov.u32 s20  }
0x1c6: {  	v0 =	vld.idx.msk [tilespmem:v2+s5+$0x0], $0xffff;
	_ =	sdelay $0x1  }
0x1c7: {  	s20 =	sshra.s32 s22, $0x2;
	s22 =	sadd.s32 $0x40, s22;
	v1 =	vld [tilespmem:s21+$0x1C900]  }
0x1c8: {  	v2 =	vld [tilespmem:s20+$0x1C200];
	_ =	sdelay $0x2  }
0x1c9: {  	v3 =	vshll.u32 v0, $0x10  }
0x1ca: {  	v62 =	vand.u32 $0xFFFF0000, v0;
	v3 =	vmul.f32 v3, v1  }
0x1cb: {  	v0 =	vmul.f32 v62, v1  }
0x1cc: {  	[tilespmem:s21+$0x1DE00] =	vst v3  }
0x1cd: {  	[tilespmem:s21+$0x1E500] =	vst v0  }
0x1ce: {  	v0 =	vld.idx.msk [tilespmem:v2+s5+$0x0], $0xffff  }
0x1cf: {  	v63 =	vld [tilespmem:s20+$0x1C900];
	_ =	sdelay $0x3  }
0x1d0: {  	v2 =	vshll.u32 v0, $0x10  }
0x1d1: {  	v0 =	vand.u32 $0xFFFF0000, v0;
	v2 =	vmul.f32 v2, v63  }
0x1d2: {  	v0 =	vmul.f32 v0, v63  }
0x1d3: {  	[tilespmem:s20+$0x1DE00] =	vst v2  }
0x1d4: {  	[tilespmem:s20+$0x1E500] =	vst v0;
	s20 =	rddreg [dreg:$0x8]  }
0x1d5: {  	[tilespmem:s12], [sflag:$0x1] =	stream.linear.gather [hbm4b:s20+s5], $0x320, $0x38;
	[tilespmem:$0x1EC00] =	vst v63  }
0x1d6: {  	s21 =	rddreg [dreg:$0x9]  }
0x1d7: {  	[tilespmem:s15], [sflag:$0x1] =	stream.linear.gather [hbm4b:s21+s5], $0x320, $0x38;
	[tilespmem:$0x1EC00] =	vst v63  }
0x1d8: {  	_ = 	snop  }
0x1d9: {  	[tilespmem:s28], [sflag:$0x5] =	stream.linear.gather [hbm4b:s23+s5], $0x320, $0x38;
	[tilespmem:$0x1EC00] =	vst v63  }
0x1da: {  	_ = 	snop  }
0x1db: {  	[spmem:s3] =	stream.indirect.scatter.add.f32 [tilespmem:s0], [sflag:$0x7], $0x1, s16, s29, $0xb8;
	[tilespmem:$0x1EC00] =	vst v63  }
0x1dc: {  	_ = 	snop  }
0x1dd: {  	[spmem:s4] =	stream.indirect.scatter.add.f32 [tilespmem:s1], [sflag:$0x7], $0x1, s16, s29, $0xb8;
	[tilespmem:$0x1EC00] =	vst v63  }
0x1de: {  	_ =	swait.ge [sflag:s14], $0x320  }
0x1df: {  	[sflag:s14] =	ssyncset.done $0x0  }
0x1e0: {  	[sflag:s14] =	ssyncadd.s32 $0xFFFFFCE0  }
0x1e1: {  	_ =	swait.ge [sflag:s14], $0x320  }
0x1e2: {  	[sflag:s14] =	ssyncset.done $0x0  }
0x1e3: {  	[sflag:s14] =	ssyncadd.s32 $0xFFFFFCE0  }
0x1e4: {  	_ =	swait.ge [sflag:s31], $0x320  }
0x1e5: {  	[sflag:s31] =	ssyncset.done $0x0  }
0x1e6: {  	[sflag:s31] =	ssyncadd.s32 $0xFFFFFCE0  }
0x1e7: {  	_ =	swait.ge [sflag:s31], $0x320  }
0x1e8: {  	[sflag:s31] =	ssyncset.done $0x0  }
0x1e9: {  	[sflag:s31] =	ssyncadd.s32 $0xFFFFFCE0  }
0x1ea: {  	_ =	swait.ge [sflag:s7], $0x320  }
0x1eb: {  	[sflag:s7] =	ssyncset.done $0x0  }
0x1ec: {  	[sflag:s7] =	ssyncadd.s32 $0xFFFFFCE0  }
0x1ed: {  	_ =	swait.ge [sflag:s7], $0x320  }
0x1ee: {  	[sflag:s7] =	ssyncset.done $0x0  }
0x1ef: {  	[sflag:s7] =	ssyncadd.s32 $0xFFFFFCE0  }
0x1f0: {  	_ =	swait.ge [sflag:s9], $0x320  }
0x1f1: {  	[sflag:s9] =	ssyncset.done $0x0  }
0x1f2: {  	[sflag:s9] =	ssyncadd.s32 $0xFFFFFCE0  }
0x1f3: {  	_ =	swait.ge [sflag:s25], $0x320  }
0x1f4: {  	[sflag:s25] =	ssyncset.done $0x0  }
0x1f5: {  	[sflag:s25] =	ssyncadd.s32 $0xFFFFFCE0  }
0x1f6: {  	_ =	swait.ge [sflag:s25], $0x320  }
0x1f7: {  	[sflag:s25] =	ssyncset.done $0x0  }
0x1f8: {  	[sflag:s25] =	ssyncadd.s32 $0xFFFFFCE0  }
0x1f9: {  	_ =	swait.ge [sflag:s30], $0x320  }
0x1fa: {  	[sflag:s30] =	ssyncset.done $0x0  }
0x1fb: {  	[sflag:s30] =	ssyncadd.s32 $0xFFFFFCE0  }
0x1fc: {  	[bflag:$0x0] =	sbarrier.arrive $0xFFFF  }
0x1fd: {  	s17 =	sld [smem:$0x7FB]  }
0x1fe: {  	s22 =	rddreg [dreg:$0xc]  }
0x1ff: {  	s18 =	simm.s32 $0x20;
	s11 =	simm.s32 $0x10;
	s24 =	rddreg [dreg:$0x18]  }
0x200: {  	[hbm:s24@s18], [sflag:s22] =	dma.strided [spmem:s17@s11], $0x320, s25, $0x10   }
0x201: {  	s17 =	simm.s32 $0x9  }
0x202: {  	_ =	swait.ge [sflag:s17], $0x320  }
0x203: {  	s13 =	sld [smem:$0x7FC]  }
0x204: {  	[sflag:s17] =	ssyncset.done $0x0  }
0x205: {  	s24 =	rddreg [dreg:$0x19];
	[sflag:s17] =	ssyncadd.s32 $0xFFFFFCE0  }
0x206: {  	[hbm:s24@s18], [sflag:s22] =	dma.strided [spmem:s13@s11], $0x320, s25, $0x10   }
0x207: {  	_ =	swait.ge [sflag:s17], $0x320  }
0x208: {  	s13 =	sld [smem:$0x7FD];
	_ =	sdelay $0x2  }
0x209: {  	s18 =	rddreg [dreg:$0x1a];
	s11 =	sadd.s32 $0x1, s13  }
0x20a: {  	p0 =	sne.s32 s11, s18  }
.Ltmp10:
0x20b: {  	_ = 	snop;
	(pc) =	sbr.rel @p0 .LBB2_1-.Ltmp10, $4  }
0x20c: {  	_ = 	snop  }
0x20d: {  	s24 =	simm.s32 $0x9;
	[sflag:s17] =	ssyncset.done $0x0  }
0x20e: {  	s17 =	simm.s32 $0x1C580;
	[sflag:s24] =	ssyncadd.s32 $0xFFFFFCE0  }
0x20f: {  	[smem:$0x7FD] =	sst s11;
	s18 =	simm.s32 $0x1CC80;
	s11 =	simm.s32 $0x1E180  }
0x210: {  	_ =	sfence.sel $0x180000  }
0x211: {  	[bflag:$0x0] =	sbarrier.arrive $0xFFFF  }
0x212: {  	_ =	strace $0x9000004A  }
0x213: {  	s0 =	stileid.u32;
	[bflag:$0x2] =	sbarrier.arrive $0xFFFF  }
0x214: {  	p0 =	sne.s32 s0, $0x0;
	s0 =	rddreg [dreg:$0x4]  }
0x215: {  	s0 =	sadd.s32 @!p0 $0x100000, s0  }
0x216: {  	[sflag:s0] =	ssyncadd.tile.s32 @!p0 $0x1;
	_ =	shalt  }
.Lfunc_end2:
_tile_overlayer_lowered:
.L_overlay_start_2:
0x217: {  	(tag) =	ssettag $0x2  }
0x218: {  	s0 =	rddreg [dreg:$0x0];
	s2 =	stileid.u32  }
0x219: {  	s1 =	rddreg [dreg:$0x1];
	p0 =	sne.s32 s2, $0x0  }
0x21a: {  	s3 =	rddreg [dreg:$0x2];
	[bflag:$0x3] =	sbarrier.arrive $0xFFFF;
	s2 =	simm.s32 @!p0 $0x1C09  }
0x21b: {  	[timem:s3], [sflag:s2] =	dma.local @!p0 [hbm:s0], s1  }
0x21c: {  	s0 =	simm.s32 @!p0 $0x9  }
0x21d: {  	_ =	swait.ge @!p0 [sflag:s0], s1  }
0x21e: {  	s1 =	ssub.s32 @!p0 $0x0, s1;
	[sflag:s0] =	ssyncset.done @!p0 $0x0  }
0x21f: {  	[sflag:s0] =	ssyncadd.s32 @!p0 s1  }
0x220: {  	[bflag:$0x3] =	sbarrier.arrive $0xFFFF  }
0x221: {  	_ =	shalt  }

// kernel: kernel.16.cloned.1.call-start
scs
__scs_entry_jumppad:
0x0: {  	(pc) =	sbr.rel $0x88, $3  }
0x1: {  	(tag) =	ssettag $0x0;
	lr =	simm.s32 $0x1  }
0x2: {  	[smem:$0x3F94] =	sst lr;
	_ =	strace $0xD0000000  }
0x3: {  	_ = 	snop  }
0x4: {  	_ = 	snop  }
0x5: {  	_ = 	snop  }
0x6: {  	_ = 	snop  }
0x7: {  	_ = 	snop  }
__scs_overlays_trampoline_lowered:
0x8: {  	[smem:$0x3FA3] =	sst s0  }
0x9: {  	[smem:$0x3FA4] =	sst s1  }
0xa: {  	[smem:$0x3FA5] =	sst s2  }
0xb: {  	[smem:$0x3FA6] =	sst s3  }
0xc: {  	[smem:$0x3FA7] =	sst s4  }
0xd: {  	[smem:$0x3FA8] =	sst s5  }
0xe: {  	[smem:$0x3FA9] =	sst s6  }
0xf: {  	[smem:$0x3FAA] =	sst s7  }
0x10: {  	[smem:$0x3FAB] =	sst s8  }
0x11: {  	[smem:$0x3FAC] =	sst s9;
	s0 =	simm.s32 @!p0 $0x0  }
0x12: {  	s1 =	sld [smem:$0x3F92];
	s0 =	simm.s32 @p0 $0x1  }
0x13: {  	[smem:$0x3FAD] =	sst s0;
	s0 =	simm.s32 @!p1 $0x0  }
0x14: {  	s2 =	sld [smem:$0x3F91];
	s0 =	simm.s32 @p1 $0x1  }
0x15: {  	[smem:$0x3FAE] =	sst s0;
	s0 =	simm.s32 @!p2 $0x0  }
0x16: {  	s3 =	sld [smem:$0x3FDB];
	s0 =	simm.s32 @p2 $0x1  }
0x17: {  	s4 =	simm.s32 $0x1BF5;
	[smem:$0x3FB0] =	sst s0  }
0x18: {  	s0 =	sld [smem:$0x3F93];
	_ =	swait.ge [sflag:s4], $0x0  }
0x19: {  	s7 =	sld [smem:$0x3F94]  }
0x1a: {  	s8 =	sadd.s32 $0xFFFFE003, lr  }
0x1b: {  	s9 =	sadd.s32 $0xFFFFFEF7, lr;
	s5 =	simm.s32 $0xFFFFFFFF;
	p2 =	slt.u32 s8, $0xFFFFF086  }
0x1c: {  	p1 =	slt.u32 s9, $0xF7A;
	s5 =	simm.s32 @!p2 $0x0  }
0x1d: {  	s5 =	simm.s32 @p1 $0x1;
	p0 =	seq.s32 s7, s2  }
0x1e: {  	s7 =	smul.u32 @!p0 $0xF7A, s2;
	p2 =	seq.s32 @!p0 s5, $0x0  }
0x1f: {  	s9 =	smul.u32 $0xF7A, s1;
	s8 =	simm.s32 @!p0 $0x1BF5;
	p2 =	por !p2, p0  }
0x20: {  	[sflag:s8] =	ssyncset.s32 @!p0 $0xFFFFF086;
	s6 =	sadd.s32 @!p0 s3, s7;
	s7 =	simm.s32 @!p0 $0x108  }
0x21: {  	s3 =	sadd.s32 s3, s9;
	s6 =	sadd.s32 @!p0 $0x88, s6;
	s7 =	simm.s32 @p2 $0x1082  }
0x22: {  	[simem:s7], [sflag:s8] =	dma.local @!p0 [hbm:s6], $0xF7A  }
0x23: {  	s9 =	sor.u32 $0xD0000000, s2;
	s6 =	simm.s32 $0x108;
	_ =	swait.ge @!p0 [sflag:s8], $0x0  }
0x24: {  	s3 =	sadd.s32 $0x88, s3;
	s6 =	simm.s32 @!p1 $0x1082;
	[sflag:s4] =	ssyncset.s32 $0xFFFFF086  }
0x25: {  	[simem:s6], [sflag:s4] =	dma.local [hbm:s3], $0xF7A  }
0x26: {  	[smem:$0x3F94] =	sst s1;
	(tag) =	ssettag s2;
	_ =	strace s9  }
0x27: {  	s1 =	sld [smem:$0x3FA4]  }
0x28: {  	s2 =	sld [smem:$0x3FA5]  }
0x29: {  	s4 =	sld [smem:$0x3FA7]  }
0x2a: {  	p0 =	seq.s32 s5, $0x0;
	s5 =	sld [smem:$0x3FA8]  }
0x2b: {  	s6 =	sld [smem:$0x3FA9]  }
0x2c: {  	s7 =	sld [smem:$0x3FAA]  }
0x2d: {  	s3 =	simm.s32 $0x108;
	s8 =	sld [smem:$0x3FAB]  }
0x2e: {  	s3 =	simm.s32 @!p0 $0x1082;
	s9 =	sld [smem:$0x3FAC]  }
0x2f: {  	lr =	sadd.s32 s0, s3;
	s0 =	sld [smem:$0x3FA3]  }
0x30: {  	s3 =	sld [smem:$0x3FA6]  }
0x31: {  	[smem:$0x3FAF] =	sst s10  }
0x32: {  	s10 =	sld [smem:$0x3FAD];
	_ =	sdelay $0x3  }
0x33: {  	p0 =	seq.s32 s10, $0x1;
	s10 =	sld [smem:$0x3FAF];
	_ =	sdelay $0x3  }
0x34: {  	[smem:$0x3FAF] =	sst s10  }
0x35: {  	s10 =	sld [smem:$0x3FAE];
	_ =	sdelay $0x3  }
0x36: {  	p1 =	seq.s32 s10, $0x1;
	s10 =	sld [smem:$0x3FAF];
	_ =	sdelay $0x3  }
0x37: {  	[smem:$0x3FAF] =	sst s10  }
0x38: {  	s10 =	sld [smem:$0x3FB0]  }
0x39: {  	_ = 	snop;
	(pc) =	sbr.ind lr, $3  }
0x3a: {  	_ = 	snop  }
0x3b: {  	_ = 	snop  }
0x3c: {  	p2 =	seq.s32 s10, $0x1;
	s10 =	sld [smem:$0x3FAF]  }
0x3d: {  	_ =	shalt  }
0x3e: {  	_ =	shalt  }
0x3f: {  	_ =	shalt  }
0x40: {  	_ =	shalt  }
0x41: {  	_ =	shalt  }
0x42: {  	_ =	shalt  }
0x43: {  	_ =	shalt  }
0x44: {  	_ =	shalt  }
0x45: {  	_ =	shalt  }
0x46: {  	_ =	shalt  }
0x47: {  	_ =	shalt  }
0x48: {  	_ =	shalt  }
0x49: {  	_ =	shalt  }
0x4a: {  	_ =	shalt  }
0x4b: {  	_ =	shalt  }
0x4c: {  	_ =	shalt  }
0x4d: {  	_ =	shalt  }
0x4e: {  	_ =	shalt  }
0x4f: {  	_ =	shalt  }
0x50: {  	_ =	shalt  }
0x51: {  	_ =	shalt  }
0x52: {  	_ =	shalt  }
0x53: {  	_ =	shalt  }
0x54: {  	_ =	shalt  }
0x55: {  	_ =	shalt  }
0x56: {  	_ =	shalt  }
0x57: {  	_ =	shalt  }
0x58: {  	_ =	shalt  }
0x59: {  	_ =	shalt  }
0x5a: {  	_ =	shalt  }
0x5b: {  	_ =	shalt  }
0x5c: {  	_ =	shalt  }
0x5d: {  	_ =	shalt  }
0x5e: {  	_ =	shalt  }
0x5f: {  	_ =	shalt  }
0x60: {  	_ =	shalt  }
0x61: {  	_ =	shalt  }
0x62: {  	_ =	shalt  }
0x63: {  	_ =	shalt  }
0x64: {  	_ =	shalt  }
0x65: {  	_ =	shalt  }
0x66: {  	_ =	shalt  }
0x67: {  	_ =	shalt  }
0x68: {  	_ =	shalt  }
0x69: {  	_ =	shalt  }
0x6a: {  	_ =	shalt  }
0x6b: {  	_ =	shalt  }
0x6c: {  	_ =	shalt  }
0x6d: {  	_ =	shalt  }
0x6e: {  	_ =	shalt  }
0x6f: {  	_ =	shalt  }
0x70: {  	_ =	shalt  }
0x71: {  	_ =	shalt  }
0x72: {  	_ =	shalt  }
0x73: {  	_ =	shalt  }
0x74: {  	_ =	shalt  }
0x75: {  	_ =	shalt  }
0x76: {  	_ =	shalt  }
0x77: {  	_ =	shalt  }
0x78: {  	_ =	shalt  }
0x79: {  	_ =	shalt  }
0x7a: {  	_ =	shalt  }
0x7b: {  	_ =	shalt  }
0x7c: {  	_ =	shalt  }
0x7d: {  	_ =	shalt  }
0x7e: {  	_ =	shalt  }
0x7f: {  	_ =	shalt  }
0x80: {  	_ =	shalt  }
0x81: {  	_ =	shalt  }
0x82: {  	_ =	shalt  }
0x83: {  	_ =	shalt  }
0x84: {  	_ =	shalt  }
0x85: {  	_ =	shalt  }
0x86: {  	_ =	shalt  }
0x87: {  	_ =	shalt  }
.Lfunc_end0:
.L_simem_size_0:
called_computation.2_lowered:
.L_overlay_start_0:
0x88: {  	s2 =	sld [smem:$0x3FD9]  }
0x89: {  	s3 =	sld [smem:$0x3FFE];
	_ =	sdelay $0x1  }
0x8a: {  	s1 =	srdreg.scid  }
0x8b: {  	s0 =	sand.u32 $0x1, s1  }
0x8c: {  	s17 =	sshll.u32 s0, $0xA;
	s2 =	sadd.s32 s3, s2  }
0x8d: {  	s2 =	sadd.s32 s2, s17  }
0x8e: {  	[smem:$0x3FBB] =	sst s2  }
0x8f: {  	_ = 	snop  }
0x90: {  	s2 =	sld [smem:$0x3FC8];
	(tm) =	ssettm $0x1  }
0x91: {  	s18 =	sld [smem:$0x3FFB];
	_ =	sdelay $0x3  }
0x92: {  	_ =	strace s18  }
0x93: {  	s3 =	sld [smem:$0x3FFC];
	_ =	sdelay $0x3  }
0x94: {  	_ =	strace s3  }
0x95: {  	s3 =	sld [smem:$0x3FFD];
	_ =	sdelay $0x3  }
0x96: {  	_ =	strace s3  }
0x97: {  	_ =	strace $0x8FFFFFFF  }
0x98: {  	s19 =	sld [smem:$0x3FDB];
	_ =	sdelay $0x1  }
0x99: {  	s4 =	simm.s32 $_scs_section_size  }
0x9a: {  	s5 =	simm.s32 $_size__tile_overlayer_lowered;
	s6 =	simm.s32 $_tile_overlayer_lowered  }
0x9b: {  	s22 =	simm.s32 $0x1BFF;
	s21 =	sshll.u32 s6, $0x1;
	s3 =	sadd.s32 s4, s19  }
0x9c: {  	s7 =	simm.s32 $0x0;
	s20 =	sshll.u32 s5, $0x1;
	s5 =	sadd.s32 s21, s3  }
0x9d: {  	[timem:s7], [sflag:s22] =	dma.local [hbm:s5], s20  }
0x9e: {  	_ =	swait.ge [sflag:s22], s20  }
0x9f: {  	s4 =	ssub.s32 $0x0, s20;
	[sflag:s22] =	ssyncset.done $0x0  }
0xa0: {  	[sflag:s22] =	ssyncadd.s32 s4;
	_ =	sdelay $0x1  }
0xa1: {  	s23 =	simm.s32 $0x1B8B  }
0xa2: {  	_ =	swait.ge [sflag:s23], $0x1  }
0xa3: {  	[sflag:s23] =	ssyncset.done $0x0  }
0xa4: {  	s25 =	simm.s32 $0x1B8E;
	s24 =	sld [smem:$0x3FFE];
	[sflag:s23] =	ssyncadd.s32 $0xFFFFFFFF  }
0xa5: {  	s26 =	simm.s32 $execute0_lowered;
	[smem:$0x3FD2] =	sst s25  }
0xa6: {  	s5 =	sshll.u32 s26, $0x1;
	_ =	strace $0x8000004C;
	[dreg:$0x1] =	wrdreg $0xFFFFFFFF  }
0xa7: {  	s28 =	simm.s32 $_size_execute0_lowered;
	s3 =	sadd.s32 s3, s5;
	[dreg:$0x0] =	wrdreg $0x0  }
0xa8: {  	s5 =	sshll.u32 s28, $0x1;
	[dreg:$0x2] =	wrdreg s3  }
0xa9: {  	[dreg:$0x3] =	wrdreg s5  }
0xaa: {  	[dreg:$0x4] =	wrdreg $0xC0  }
0xab: {  	_ =	task [dreg:s7], $0x5FFFF  }
0xac: {  	[dreg:$0x1] =	wrdreg $0xFFFFFFFF  }
0xad: {  	[dreg:$0x0] =	wrdreg $0x60  }
0xae: {  	[dreg:$0x2] =	wrdreg s24  }
0xaf: {  	[dreg:$0x3] =	wrdreg s2  }
0xb0: {  	[dreg:$0x4] =	wrdreg $0x190000  }
0xb1: {  	[dreg:$0x5] =	wrdreg $0x1A9000  }
0xb2: {  	[dreg:$0x6] =	wrdreg $0x9  }
0xb3: {  	_ =	task.clear_ibuf [dreg:s7], $0x7FFFF;
	_ =	strace $0x9000004C  }
0xb4: {  	s29 =	simm.s32 $0x9;
	_ =	strace $0x8000004E  }
0xb5: {  	_ =	swait.ge [sflag:s29], $0x1  }
0xb6: {  	[sflag:s29] =	ssyncadd.s32 $0xFFFFFFFF  }
0xb7: {  	_ =	strace $0x9000004E  }
0xb8: {  	_ =	sfence  }
0xb9: {  	s30 =	sld [smem:$0x0];
	_ =	sdelay $0x2  }
0xba: {  	s31 =	sshll.u32 s1, $0xD;
	s1 =	sshrl.u32 s1, $0x2  }
0xbb: {  	s3 =	sand.u32 $0x4000, s31;
	s1 =	sadd.s32 s1, s30  }
0xbc: {  	s0 =	sor.u32 s3, s0;
	s1 =	sshll.u32 s1, $0x11  }
0xbd: {  	s0 =	sor.u32 s1, s0  }
0xbe: {  	s0 =	sadd.s32 $0x8F2B, s0  }
0xbf: {  	[sflag:s0] =	ssyncadd.remote.s32 $0x1  }
0xc0: {  	_ =	sfence.sel $0xFFFF  }
0xc1: {  	[dreg:$0x0] =	wrdreg $0xFFFFFFFF;
	(pc) =	sbr.abs _section_cstart, $3  }
0xc2: {  	[dreg:$0x1] =	wrdreg $0xFFFFFFFF  }
0xc3: {  	_ =	task.clear_ibuf [dreg:s7], $0x2FFFF;
	_ =	strace $0x9FFFFFFF  }
0xc4: {  	(tm) =	ssettm $0x7FFFFFFF  }
0xc5: {  	_ =	shalt  }
tec
execute0_lowered:
.L_overlay_start_1:
0x0: {  	(tag) =	ssettag $0x1  }
0x1: {  	s0 =	rddreg [dreg:$0x0]  }
0x2: {  	s2 =	rddreg [dreg:$0x1]  }
0x3: {  	s3 =	rddreg [dreg:$0x2]  }
0x4: {  	s4 =	rddreg [dreg:$0x3];
	s12 =	stileid.u32  }
0x5: {  	s1 =	srdreg.scid;
	s5 =	simm.s32 $0x0;
	s28 =	simm.s32 $0x1D700  }
0x6: {  	s29 =	simm.s32 $0x320;
	s30 =	simm.s32 $0x5;
	s31 =	simm.s32 $0x7  }
0x7: {  	s7 =	smul.u32 $0x1900, s12;
	s1 =	sand.u32 $0x1, s1;
	[smem:$0x7FF] =	sst s5  }
0x8: {  	s9 =	smul.u32 $0x3200, s12;
	s6 =	sadd.s32 $0x4000, s0;
	s11 =	sadd.s32 $0xCA800, s0  }
0x9: {  	s22 =	sshll.u32 s12, $0x6;
	s8 =	smul.u32 $0x32000, s1;
	_ =	strace $0x8000004D  }
0xa: {  	s10 =	sshll.u32 s1, $0x4;
	[dreg:$0x5] =	wrdreg s11;
	s22 =	sor.u32 $0x1C09, s22  }
0xb: {  	s10 =	sor.u32 s12, s10;
	s26 =	sshrl.u32 s7, $0x3;
	s18 =	sadd.s32 s7, s3  }
0xc: {  	s7 =	sadd.s32 s7, s4;
	[dreg:$0xc] =	wrdreg s22;
	s8 =	sadd.s32 s9, s8  }
0xd: {  	s9 =	smul.u32 $0x186A0, s10;
	s11 =	sadd.s32 s26, s0;
	[dreg:$0xa] =	wrdreg s18  }
0xe: {  	s1 =	ssub.s32 $0x2, s1;
	[dreg:$0xd] =	wrdreg s7;
	s19 =	sadd.s32 $0xC7600, s11  }
0xf: {  	s15 =	sshrl.u32 s1, $0x1;
	[dreg:$0xb] =	wrdreg s19;
	s10 =	sadd.s32 $0xC80, s9  }
0x10: {  	s1 =	ssub.s32 s1, s15;
	s12 =	sadd.s32 $0xFA0, s9;
	[dreg:$0x12] =	wrdreg s10  }
0x11: {  	s8 =	sshrl.u32 s8, $0x3;
	s15 =	sadd.s32 $0x12C0, s9;
	[dreg:$0x13] =	wrdreg s12  }
0x12: {  	s16 =	sshrl.u32 s9, $0x3;
	s19 =	smax.u32 s1, $0x1;
	[dreg:$0x14] =	wrdreg s15  }
0x13: {  	s0 =	sadd.s32 s8, s0;
	s13 =	sadd.s32 s2, s16;
	[dreg:$0x1a] =	wrdreg s19  }
0x14: {  	s11 =	simm.s32 $0x1E180;
	s18 =	sadd.s32 $0xCDA00, s0;
	[dreg:$0x7] =	wrdreg s13  }
0x15: {  	s1 =	simm.s32 $0x1E500;
	s0 =	sadd.s32 $0xCDA10, s0;
	[dreg:$0x18] =	wrdreg s18  }
0x16: {  	s14 =	sadd.s32 s6, s16;
	s23 =	sadd.s32 $0xC8, s16;
	[dreg:$0x19] =	wrdreg s0  }
0x17: {  	s8 =	simm.s32 $0x6;
	s24 =	sadd.s32 s6, s23;
	[dreg:$0x6] =	wrdreg s14  }
0x18: {  	s25 =	sadd.s32 $0x12C, s16;
	s7 =	sadd.s32 s2, s23;
	[dreg:$0xe] =	wrdreg s24  }
0x19: {  	s17 =	sadd.s32 $0x64, s16;
	s26 =	sadd.s32 s6, s25;
	[dreg:$0xf] =	wrdreg s7  }
0x1a: {  	s13 =	sadd.s32 $0x3070, s16;
	s16 =	sadd.s32 $0x15E0, s9;
	[dreg:$0x10] =	wrdreg s26  }
0x1b: {  	s12 =	simm.s32 $0x1C200;
	s23 =	sadd.s32 $0x61A80, s14;
	[dreg:$0x15] =	wrdreg s16  }
0x1c: {  	s15 =	simm.s32 $0x1C900;
	s20 =	sadd.s32 s6, s17;
	[dreg:$0x1b] =	wrdreg s23  }
0x1d: {  	s19 =	simm.s32 $0x1D380;
	s21 =	sadd.s32 s2, s17;
	[dreg:$0x8] =	wrdreg s20  }
0x1e: {  	s10 =	simm.s32 $0x1DA80;
	s7 =	sadd.s32 s2, s25;
	[dreg:$0x9] =	wrdreg s21  }
0x1f: {  	s18 =	simm.s32 $0x1CC80;
	s17 =	sadd.s32 s6, s13;
	[dreg:$0x11] =	wrdreg s7  }
0x20: {  	s0 =	simm.s32 $0x1DE00;
	s24 =	sadd.s32 $0x61B48, s14;
	[dreg:$0x16] =	wrdreg s17  }
0x21: {  	s9 =	simm.s32 $0x4;
	s25 =	sadd.s32 $0x61BAC, s14;
	[dreg:$0x1d] =	wrdreg s24  }
0x22: {  	s23 =	sadd.s32 $0x61AE4, s14;
	s26 =	sadd.s32 $0x64AF0, s14;
	[dreg:$0x1e] =	wrdreg s25  }
0x23: {  	s16 =	simm.s32 $0x1D000;
	s14 =	simm.s32 $0x8;
	[dreg:$0x1f] =	wrdreg s26  }
0x24: {  	s7 =	sadd.s32 s2, s13;
	s17 =	simm.s32 $0x1C580;
	[dreg:$0x1c] =	wrdreg s23  }
0x25: {  	s25 =	simm.s32 $0x1;
	s24 =	simm.s32 $0x0;
	[dreg:$0x17] =	wrdreg s7  }
0x26: {  	s26 =	simm.s32 $0x3;
	s7 =	simm.s32 $0x2;
	[smem:$0x7FD] =	sst s24  }
.LBB2_1:
0x27: {  	s13 =	rddreg [dreg:$0x6]  }
0x28: {  	[tilespmem:s12], [sflag:$0x1] =	stream.linear.gather [hbm4b:s13+s5], $0x320, $0x38;
	[tilespmem:$0x1EC00] =	vst v63  }
0x29: {  	s24 =	rddreg [dreg:$0x7]  }
0x2a: {  	[tilespmem:s15], [sflag:$0x1] =	stream.linear.gather [hbm4b:s24+s5], $0x320, $0x38;
	[tilespmem:$0x1EC00] =	vst v63  }
0x2b: {  	s24 =	rddreg [dreg:$0x1b]  }
0x2c: {  	[tilespmem:s16], [sflag:$0x3] =	stream.linear.gather [hbm4b:s24+s5], $0x320, $0x38;
	[tilespmem:$0x1EC00] =	vst v63  }
0x2d: {  	s13 =	rddreg [dreg:$0xa]  }
0x2e: {  	[tilespmem:s17], [sflag:$0x2] =	stream.linear.gather [hbm4b:s20+s5], $0x320, $0x38;
	[tilespmem:$0x1EC00] =	vst v63  }
0x2f: {  	s20 =	sshrl.u32 s13, $0x3  }
0x30: {  	[tilespmem:s18], [sflag:$0x2] =	stream.linear.gather [hbm4b:s21+s5], $0x320, $0x38;
	[tilespmem:$0x1EC00] =	vst v63  }
0x31: {  	[smem:$0x7FB] =	sst s20  }
0x32: {  	[tilespmem:s19], [sflag:$0x4] =	stream.linear.gather [hbm4b:s23+s5], $0x320, $0x38;
	[tilespmem:$0x1EC00] =	vst v63  }
0x33: {  	s24 =	simm.s32 $0x9;
	s23 =	rddreg [dreg:$0xb]  }
0x34: {  	[spmem:s20], [sflag:s22] =	dma.local [hbm:s23], $0x320  }
0x35: {  	_ =	swait.ge [sflag:s24], $0x320  }
0x36: {  	s13 =	rddreg [dreg:$0xd]  }
0x37: {  	[sflag:s24] =	ssyncset.done $0x0;
	s21 =	sshrl.u32 s13, $0x3  }
0x38: {  	[sflag:s24] =	ssyncadd.s32 $0xFFFFFCE0;
	[smem:$0x7FC] =	sst s21  }
0x39: {  	[spmem:s21], [sflag:s22] =	dma.local [hbm:s23], $0x320  }
0x3a: {  	_ =	swait.ge [sflag:s24], $0x320  }
0x3b: {  	[sflag:s24] =	ssyncset.done $0x0  }
0x3c: {  	s23 =	rddreg [dreg:$0x5];
	[sflag:s24] =	ssyncadd.s32 $0xFFFFFCE0  }
0x3d: {  	[tilespmem:s5], [sflag:$0x9] =	stream.linear.gather [hbm4b:s23+s5], $0x19000, $0x38;
	[tilespmem:$0x1EC00] =	vst v63  }
0x3e: {  	_ =	swait.ge [sflag:s24], $0x19000  }
0x3f: {  	[sflag:s24] =	ssyncset.done $0x0  }
0x40: {  	[sflag:s24] =	ssyncadd.s32 $0xFFFE7000  }
0x41: {  	[bflag:$0x0] =	sbarrier.arrive $0xFFFF  }
0x42: {  	_ =	swait.ge [sflag:s25], $0x320  }
0x43: {  	[sflag:s25] =	ssyncset.done $0x0  }
0x44: {  	[sflag:s25] =	ssyncadd.s32 $0xFFFFFCE0  }
0x45: {  	_ =	swait.ge [sflag:s25], $0x320  }
0x46: {  	[sflag:s25] =	ssyncset.done $0x0  }
0x47: {  	[sflag:s25] =	ssyncadd.s32 $0xFFFFFCE0  }
0x48: {  	_ =	swait.ge [sflag:s26], $0x320  }
0x49: {  	[sflag:s26] =	ssyncset.done $0x0  }
0x4a: {  	s21 =	simm.s32 $0x0;
	[sflag:s26] =	ssyncadd.s32 $0xFFFFFCE0  }
0x4b: {  	v0 =	vld [tilespmem:s21+$0x1C200];
	_ =	sdelay $0x7  }
0x4c: {  	v0 =	vld.idx.msk [tilespmem:v0+s5+$0x0], $0xffff  }
0x4d: {  	s20 =	simm.s32 $0x10;
	s22 =	simm.s32 $0x80;
	v1 =	vld [tilespmem:s21+$0x1C900]  }
.LBB2_2:
0x4e: {  	p0 =	sne.s32 s22, $0xC40;
	v2 =	vld [tilespmem:s20+$0x1C200];
	_ =	sdelay $0x2  }
0x4f: {  	v3 =	vshll.u32 v0, $0x10;
	v0 =	vand.u32 $0xFFFF0000, v0  }
0x50: {  	v3 =	vmul.f32 v3, v1;
	v0 =	vmul.f32 v0, v1;
	_ =	sdelay $0x1  }
.Ltmp0:
0x51: {  	[tilespmem:s21+$0x1DE00] =	vst v3;
	(pc) =	sbr.rel @p0 .LBB2_2-.Ltmp0, $3  }
0x52: {  	[tilespmem:s21+$0x1E500] =	vst v0;
	s21 =	smov.u32 s20  }
0x53: {  	v0 =	vld.idx.msk [tilespmem:v2+s5+$0x0], $0xffff;
	_ =	sdelay $0x1  }
0x54: {  	s20 =	sshra.s32 s22, $0x2;
	s22 =	sadd.s32 $0x40, s22;
	v1 =	vld [tilespmem:s21+$0x1C900]  }
0x55: {  	v2 =	vld [tilespmem:s20+$0x1C200];
	_ =	sdelay $0x2  }
0x56: {  	v3 =	vshll.u32 v0, $0x10  }
0x57: {  	v0 =	vand.u32 $0xFFFF0000, v0;
	v3 =	vmul.f32 v3, v1  }
0x58: {  	v0 =	vmul.f32 v0, v1  }
0x59: {  	[tilespmem:s21+$0x1DE00] =	vst v3  }
0x5a: {  	[tilespmem:s21+$0x1E500] =	vst v0  }
0x5b: {  	v0 =	vld.idx.msk [tilespmem:v2+s5+$0x0], $0xffff  }
0x5c: {  	v1 =	vld [tilespmem:s20+$0x1C900];
	_ =	sdelay $0x3  }
0x5d: {  	v2 =	vshll.u32 v0, $0x10  }
0x5e: {  	v0 =	vand.u32 $0xFFFF0000, v0;
	v2 =	vmul.f32 v2, v1  }
0x5f: {  	v0 =	vmul.f32 v0, v1  }
0x60: {  	[tilespmem:s20+$0x1DE00] =	vst v2  }
0x61: {  	s13 =	simm.s32 $0x0;
	s22 =	rddreg [dreg:$0xe];
	[tilespmem:s20+$0x1E500] =	vst v0  }
0x62: {  	[tilespmem:s12], [sflag:$0x1] =	stream.linear.gather [hbm4b:s22+s13], $0x320, $0x38;
	[tilespmem:$0x1EC00] =	vst v63  }
0x63: {  	s23 =	rddreg [dreg:$0xf]  }
0x64: {  	[tilespmem:s15], [sflag:$0x1] =	stream.linear.gather [hbm4b:s23+s13], $0x320, $0x38;
	[tilespmem:$0x1EC00] =	vst v63  }
0x65: {  	s24 =	rddreg [dreg:$0x1d]  }
0x66: {  	[tilespmem:s28], [sflag:$0x5] =	stream.linear.gather [hbm4b:s24+s13], $0x320, $0x38;
	[tilespmem:$0x1EC00] =	vst v63  }
0x67: {  	_ = 	snop  }
0x68: {  	[spmem:s3] =	stream.indirect.scatter.add.f32 [tilespmem:s0], [sflag:$0x7], $0x1, s16, s29, $0xb8;
	[tilespmem:$0x1EC00] =	vst v63  }
0x69: {  	_ = 	snop  }
0x6a: {  	[spmem:s4] =	stream.indirect.scatter.add.f32 [tilespmem:s1], [sflag:$0x7], $0x1, s16, s29, $0xb8;
	[tilespmem:$0x1EC00] =	vst v63  }
0x6b: {  	_ =	swait.ge [sflag:s7], $0x320  }
0x6c: {  	[sflag:s7] =	ssyncset.done $0x0  }
0x6d: {  	[sflag:s7] =	ssyncadd.s32 $0xFFFFFCE0  }
0x6e: {  	_ =	swait.ge [sflag:s7], $0x320  }
0x6f: {  	[sflag:s7] =	ssyncset.done $0x0  }
0x70: {  	[sflag:s7] =	ssyncadd.s32 $0xFFFFFCE0  }
0x71: {  	_ =	swait.ge [sflag:s9], $0x320  }
0x72: {  	[sflag:s9] =	ssyncset.done $0x0  }
0x73: {  	s21 =	simm.s32 $0x0;
	[sflag:s9] =	ssyncadd.s32 $0xFFFFFCE0  }
0x74: {  	v0 =	vld [tilespmem:s21+$0x1C580];
	_ =	sdelay $0x7  }
0x75: {  	v0 =	vld.idx.msk [tilespmem:v0+s5+$0x0], $0xffff  }
0x76: {  	s20 =	simm.s32 $0x10;
	s22 =	simm.s32 $0x80;
	s13 =	simm.s32 $0x1E880;
	v1 =	vld [tilespmem:s21+$0x1CC80]  }
.LBB2_4:
0x77: {  	p0 =	sne.s32 s22, $0xC40;
	v2 =	vld [tilespmem:s20+$0x1C580];
	_ =	sdelay $0x2  }
0x78: {  	v3 =	vshll.u32 v0, $0x10;
	v0 =	vand.u32 $0xFFFF0000, v0  }
0x79: {  	v3 =	vmul.f32 v3, v1;
	v0 =	vmul.f32 v0, v1;
	_ =	sdelay $0x1  }
.Ltmp1:
0x7a: {  	[tilespmem:s21+$0x1E180] =	vst v3;
	(pc) =	sbr.rel @p0 .LBB2_4-.Ltmp1, $3  }
0x7b: {  	[tilespmem:s21+$0x1E880] =	vst v0;
	s21 =	smov.u32 s20  }
0x7c: {  	v0 =	vld.idx.msk [tilespmem:v2+s5+$0x0], $0xffff;
	_ =	sdelay $0x1  }
0x7d: {  	s20 =	sshra.s32 s22, $0x2;
	s22 =	sadd.s32 $0x40, s22;
	v1 =	vld [tilespmem:s21+$0x1CC80]  }
0x7e: {  	v2 =	vld [tilespmem:s20+$0x1C580];
	_ =	sdelay $0x2  }
0x7f: {  	v3 =	vshll.u32 v0, $0x10  }
0x80: {  	v62 =	vand.u32 $0xFFFF0000, v0;
	v3 =	vmul.f32 v3, v1  }
0x81: {  	v0 =	vmul.f32 v62, v1  }
0x82: {  	[tilespmem:s21+$0x1E180] =	vst v3  }
0x83: {  	[tilespmem:s21+$0x1E880] =	vst v0  }
0x84: {  	v0 =	vld.idx.msk [tilespmem:v2+s5+$0x0], $0xffff  }
0x85: {  	v63 =	vld [tilespmem:s20+$0x1CC80];
	_ =	sdelay $0x3  }
0x86: {  	v2 =	vshll.u32 v0, $0x10  }
0x87: {  	v0 =	vand.u32 $0xFFFF0000, v0;
	v2 =	vmul.f32 v2, v63  }
0x88: {  	v0 =	vmul.f32 v0, v63  }
0x89: {  	[tilespmem:s20+$0x1E180] =	vst v2  }
0x8a: {  	s24 =	simm.s32 $0x0;
	s21 =	rddreg [dreg:$0x10];
	[tilespmem:s20+$0x1E880] =	vst v0  }
0x8b: {  	[tilespmem:s17], [sflag:$0x2] =	stream.linear.gather [hbm4b:s21+s24], $0x320, $0x38;
	[tilespmem:$0x1EC00] =	vst v63  }
0x8c: {  	s22 =	rddreg [dreg:$0x11]  }
0x8d: {  	[tilespmem:s18], [sflag:$0x2] =	stream.linear.gather [hbm4b:s22+s24], $0x320, $0x38;
	[tilespmem:$0x1EC00] =	vst v63  }
0x8e: {  	s23 =	rddreg [dreg:$0x1e]  }
0x8f: {  	[tilespmem:s10], [sflag:$0x6] =	stream.linear.gather [hbm4b:s23+s24], $0x320, $0x38;
	[tilespmem:$0x1EC00] =	vst v63  }
0x90: {  	_ = 	snop  }
0x91: {  	[spmem:s3] =	stream.indirect.scatter.add.f32 [tilespmem:s11], [sflag:$0x8], $0x1, s19, s29, $0xb8;
	[tilespmem:$0x1EC00] =	vst v63  }
0x92: {  	_ = 	snop  }
0x93: {  	[spmem:s4] =	stream.indirect.scatter.add.f32 [tilespmem:s13], [sflag:$0x8], $0x1, s19, s29, $0xb8;
	[tilespmem:$0x1EC00] =	vst v63  }
.LBB2_6:
0x94: {  	_ =	swait.ge [sflag:s25], $0x320  }
0x95: {  	[sflag:s25] =	ssyncset.done $0x0  }
0x96: {  	[sflag:s25] =	ssyncadd.s32 $0xFFFFFCE0  }
0x97: {  	_ =	swait.ge [sflag:s25], $0x320  }
0x98: {  	[sflag:s25] =	ssyncset.done $0x0  }
0x99: {  	[sflag:s25] =	ssyncadd.s32 $0xFFFFFCE0  }
0x9a: {  	_ =	swait.ge [sflag:s30], $0x320  }
0x9b: {  	[sflag:s30] =	ssyncset.done $0x0  }
0x9c: {  	[sflag:s30] =	ssyncadd.s32 $0xFFFFFCE0  }
0x9d: {  	_ =	swait.ge [sflag:s31], $0x320  }
0x9e: {  	[sflag:s31] =	ssyncset.done $0x0  }
0x9f: {  	[sflag:s31] =	ssyncadd.s32 $0xFFFFFCE0  }
0xa0: {  	_ =	swait.ge [sflag:s31], $0x320  }
0xa1: {  	[sflag:s31] =	ssyncset.done $0x0  }
0xa2: {  	s20 =	simm.s32 $0x0;
	[sflag:s31] =	ssyncadd.s32 $0xFFFFFCE0  }
0xa3: {  	v0 =	vld [tilespmem:s20+$0x1C200];
	_ =	sdelay $0x7  }
0xa4: {  	v0 =	vld.idx.msk [tilespmem:v0+s5+$0x0], $0xffff  }
0xa5: {  	s21 =	simm.s32 $0x10;
	s22 =	simm.s32 $0x80;
	v1 =	vld [tilespmem:s20+$0x1C900]  }
.LBB2_7:
0xa6: {  	p0 =	sne.s32 s22, $0xC40;
	v2 =	vld [tilespmem:s21+$0x1C200];
	_ =	sdelay $0x2  }
0xa7: {  	v3 =	vshll.u32 v0, $0x10;
	v0 =	vand.u32 $0xFFFF0000, v0  }
0xa8: {  	v3 =	vmul.f32 v3, v1;
	v0 =	vmul.f32 v0, v1;
	_ =	sdelay $0x1  }
.Ltmp2:
0xa9: {  	[tilespmem:s20+$0x1DE00] =	vst v3;
	(pc) =	sbr.rel @p0 .LBB2_7-.Ltmp2, $3  }
0xaa: {  	[tilespmem:s20+$0x1E500] =	vst v0;
	s20 =	smov.u32 s21  }
0xab: {  	v0 =	vld.idx.msk [tilespmem:v2+s5+$0x0], $0xffff;
	_ =	sdelay $0x1  }
0xac: {  	s21 =	sshra.s32 s22, $0x2;
	s22 =	sadd.s32 $0x40, s22;
	v1 =	vld [tilespmem:s20+$0x1C900]  }
0xad: {  	v2 =	vld [tilespmem:s21+$0x1C200];
	_ =	sdelay $0x2  }
0xae: {  	v3 =	vshll.u32 v0, $0x10  }
0xaf: {  	v0 =	vand.u32 $0xFFFF0000, v0;
	v3 =	vmul.f32 v3, v1  }
0xb0: {  	v0 =	vmul.f32 v0, v1  }
0xb1: {  	[tilespmem:s20+$0x1DE00] =	vst v3  }
0xb2: {  	[tilespmem:s20+$0x1E500] =	vst v0  }
0xb3: {  	v0 =	vld.idx.msk [tilespmem:v2+s5+$0x0], $0xffff  }
0xb4: {  	v1 =	vld [tilespmem:s21+$0x1C900];
	_ =	sdelay $0x3  }
0xb5: {  	s20 =	smul.u32 $0xC80, s24;
	v2 =	vshll.u32 v0, $0x10  }
0xb6: {  	s22 =	rddreg [dreg:$0x12];
	v0 =	vand.u32 $0xFFFF0000, v0;
	v2 =	vmul.f32 v2, v1  }
0xb7: {  	s22 =	sadd.s32 s20, s22;
	v0 =	vmul.f32 v0, v1  }
0xb8: {  	s22 =	sshrl.u32 s22, $0x3;
	[tilespmem:s21+$0x1DE00] =	vst v2  }
0xb9: {  	s23 =	simm.s32 $0x0;
	[tilespmem:s21+$0x1E500] =	vst v0;
	s21 =	sadd.s32 s6, s22  }
0xba: {  	[tilespmem:s12], [sflag:$0x1] =	stream.linear.gather [hbm4b:s21+s23], $0x320, $0x38;
	[tilespmem:$0x1EC00] =	vst v63  }
0xbb: {  	s22 =	sadd.s32 s2, s22  }
0xbc: {  	[tilespmem:s15], [sflag:$0x1] =	stream.linear.gather [hbm4b:s22+s23], $0x320, $0x38;
	[tilespmem:$0x1EC00] =	vst v63  }
0xbd: {  	s21 =	sadd.s32 $0x61A80, s21  }
0xbe: {  	[tilespmem:s16], [sflag:$0x3] =	stream.linear.gather [hbm4b:s21+s23], $0x320, $0x38;
	[tilespmem:$0x1EC00] =	vst v63  }
0xbf: {  	_ = 	snop  }
0xc0: {  	[spmem:s3] =	stream.indirect.scatter.add.f32 [tilespmem:s0], [sflag:$0x7], $0x1, s28, s29, $0xb8;
	[tilespmem:$0x1EC00] =	vst v63  }
0xc1: {  	_ = 	snop  }
0xc2: {  	[spmem:s4] =	stream.indirect.scatter.add.f32 [tilespmem:s1], [sflag:$0x7], $0x1, s28, s29, $0xb8;
	[tilespmem:$0x1EC00] =	vst v63  }
0xc3: {  	_ =	swait.ge [sflag:s7], $0x320  }
0xc4: {  	[sflag:s7] =	ssyncset.done $0x0  }
0xc5: {  	[sflag:s7] =	ssyncadd.s32 $0xFFFFFCE0  }
0xc6: {  	_ =	swait.ge [sflag:s7], $0x320  }
0xc7: {  	[sflag:s7] =	ssyncset.done $0x0  }
0xc8: {  	[sflag:s7] =	ssyncadd.s32 $0xFFFFFCE0  }
0xc9: {  	_ =	swait.ge [sflag:s8], $0x320  }
0xca: {  	[sflag:s8] =	ssyncset.done $0x0  }
0xcb: {  	[sflag:s8] =	ssyncadd.s32 $0xFFFFFCE0  }
0xcc: {  	_ =	swait.ge [sflag:s14], $0x320  }
0xcd: {  	[sflag:s14] =	ssyncset.done $0x0  }
0xce: {  	[sflag:s14] =	ssyncadd.s32 $0xFFFFFCE0  }
0xcf: {  	_ =	swait.ge [sflag:s14], $0x320  }
0xd0: {  	[sflag:s14] =	ssyncset.done $0x0  }
0xd1: {  	s22 =	simm.s32 $0x0;
	[sflag:s14] =	ssyncadd.s32 $0xFFFFFCE0  }
0xd2: {  	v0 =	vld [tilespmem:s22+$0x1C580];
	_ =	sdelay $0x7  }
0xd3: {  	v0 =	vld.idx.msk [tilespmem:v0+s5+$0x0], $0xffff  }
0xd4: {  	s21 =	simm.s32 $0x10;
	s23 =	simm.s32 $0x80;
	v1 =	vld [tilespmem:s22+$0x1CC80]  }
.LBB2_9:
0xd5: {  	p0 =	sne.s32 s23, $0xC40;
	v2 =	vld [tilespmem:s21+$0x1C580];
	_ =	sdelay $0x2  }
0xd6: {  	v3 =	vshll.u32 v0, $0x10;
	v0 =	vand.u32 $0xFFFF0000, v0  }
0xd7: {  	v3 =	vmul.f32 v3, v1;
	v0 =	vmul.f32 v0, v1;
	_ =	sdelay $0x1  }
.Ltmp3:
0xd8: {  	[tilespmem:s22+$0x1E180] =	vst v3;
	(pc) =	sbr.rel @p0 .LBB2_9-.Ltmp3, $3  }
0xd9: {  	[tilespmem:s22+$0x1E880] =	vst v0;
	s22 =	smov.u32 s21  }
0xda: {  	v0 =	vld.idx.msk [tilespmem:v2+s5+$0x0], $0xffff;
	_ =	sdelay $0x1  }
0xdb: {  	s21 =	sshra.s32 s23, $0x2;
	s23 =	sadd.s32 $0x40, s23;
	v1 =	vld [tilespmem:s22+$0x1CC80]  }
0xdc: {  	v2 =	vld [tilespmem:s21+$0x1C580];
	_ =	sdelay $0x2  }
0xdd: {  	v3 =	vshll.u32 v0, $0x10  }
0xde: {  	v0 =	vand.u32 $0xFFFF0000, v0;
	v3 =	vmul.f32 v3, v1  }
0xdf: {  	v0 =	vmul.f32 v0, v1  }
0xe0: {  	[tilespmem:s22+$0x1E180] =	vst v3  }
0xe1: {  	[tilespmem:s22+$0x1E880] =	vst v0  }
0xe2: {  	v0 =	vld.idx.msk [tilespmem:v2+s5+$0x0], $0xffff  }
0xe3: {  	v1 =	vld [tilespmem:s21+$0x1CC80];
	_ =	sdelay $0x3  }
0xe4: {  	v2 =	vshll.u32 v0, $0x10  }
0xe5: {  	s23 =	rddreg [dreg:$0x13];
	v0 =	vand.u32 $0xFFFF0000, v0;
	v2 =	vmul.f32 v2, v1  }
0xe6: {  	s22 =	sadd.s32 s20, s23;
	v0 =	vmul.f32 v0, v1  }
0xe7: {  	s22 =	sshrl.u32 s22, $0x3;
	[tilespmem:s21+$0x1E180] =	vst v2  }
0xe8: {  	s23 =	simm.s32 $0x0;
	[tilespmem:s21+$0x1E880] =	vst v0;
	s21 =	sadd.s32 s6, s22  }
0xe9: {  	[tilespmem:s17], [sflag:$0x2] =	stream.linear.gather [hbm4b:s21+s23], $0x320, $0x38;
	[tilespmem:$0x1EC00] =	vst v63  }
0xea: {  	s22 =	sadd.s32 s2, s22  }
0xeb: {  	[tilespmem:s18], [sflag:$0x2] =	stream.linear.gather [hbm4b:s22+s23], $0x320, $0x38;
	[tilespmem:$0x1EC00] =	vst v63  }
0xec: {  	s21 =	sadd.s32 $0x61A80, s21  }
0xed: {  	[tilespmem:s19], [sflag:$0x4] =	stream.linear.gather [hbm4b:s21+s23], $0x320, $0x38;
	[tilespmem:$0x1EC00] =	vst v63  }
0xee: {  	_ = 	snop  }
0xef: {  	[spmem:s3] =	stream.indirect.scatter.add.f32 [tilespmem:s11], [sflag:$0x8], $0x1, s10, s29, $0xb8;
	[tilespmem:$0x1EC00] =	vst v63  }
0xf0: {  	_ = 	snop  }
0xf1: {  	[spmem:s4] =	stream.indirect.scatter.add.f32 [tilespmem:s13], [sflag:$0x8], $0x1, s10, s29, $0xb8;
	[tilespmem:$0x1EC00] =	vst v63  }
0xf2: {  	_ =	swait.ge [sflag:s25], $0x320  }
0xf3: {  	[sflag:s25] =	ssyncset.done $0x0  }
0xf4: {  	[sflag:s25] =	ssyncadd.s32 $0xFFFFFCE0  }
0xf5: {  	_ =	swait.ge [sflag:s25], $0x320  }
0xf6: {  	[sflag:s25] =	ssyncset.done $0x0  }
0xf7: {  	[sflag:s25] =	ssyncadd.s32 $0xFFFFFCE0  }
0xf8: {  	_ =	swait.ge [sflag:s26], $0x320  }
0xf9: {  	[sflag:s26] =	ssyncset.done $0x0  }
0xfa: {  	[sflag:s26] =	ssyncadd.s32 $0xFFFFFCE0  }
0xfb: {  	_ =	swait.ge [sflag:s31], $0x320  }
0xfc: {  	[sflag:s31] =	ssyncset.done $0x0  }
0xfd: {  	[sflag:s31] =	ssyncadd.s32 $0xFFFFFCE0  }
0xfe: {  	_ =	swait.ge [sflag:s31], $0x320  }
0xff: {  	[sflag:s31] =	ssyncset.done $0x0  }
0x100: {  	s22 =	simm.s32 $0x0;
	[sflag:s31] =	ssyncadd.s32 $0xFFFFFCE0  }
0x101: {  	v0 =	vld [tilespmem:s22+$0x1C200];
	_ =	sdelay $0x7  }
0x102: {  	v0 =	vld.idx.msk [tilespmem:v0+s5+$0x0], $0xffff  }
0x103: {  	s21 =	simm.s32 $0x10;
	s23 =	simm.s32 $0x80;
	v1 =	vld [tilespmem:s22+$0x1C900]  }
.LBB2_11:
0x104: {  	p0 =	sne.s32 s23, $0xC40;
	v2 =	vld [tilespmem:s21+$0x1C200];
	_ =	sdelay $0x2  }
0x105: {  	v3 =	vshll.u32 v0, $0x10;
	v0 =	vand.u32 $0xFFFF0000, v0  }
0x106: {  	v3 =	vmul.f32 v3, v1;
	v0 =	vmul.f32 v0, v1;
	_ =	sdelay $0x1  }
.Ltmp4:
0x107: {  	[tilespmem:s22+$0x1DE00] =	vst v3;
	(pc) =	sbr.rel @p0 .LBB2_11-.Ltmp4, $3  }
0x108: {  	[tilespmem:s22+$0x1E500] =	vst v0;
	s22 =	smov.u32 s21  }
0x109: {  	v0 =	vld.idx.msk [tilespmem:v2+s5+$0x0], $0xffff;
	_ =	sdelay $0x1  }
0x10a: {  	s21 =	sshra.s32 s23, $0x2;
	s23 =	sadd.s32 $0x40, s23;
	v1 =	vld [tilespmem:s22+$0x1C900]  }
0x10b: {  	v2 =	vld [tilespmem:s21+$0x1C200];
	_ =	sdelay $0x2  }
0x10c: {  	v3 =	vshll.u32 v0, $0x10  }
0x10d: {  	v0 =	vand.u32 $0xFFFF0000, v0;
	v3 =	vmul.f32 v3, v1  }
0x10e: {  	v0 =	vmul.f32 v0, v1  }
0x10f: {  	[tilespmem:s22+$0x1DE00] =	vst v3  }
0x110: {  	[tilespmem:s22+$0x1E500] =	vst v0  }
0x111: {  	v0 =	vld.idx.msk [tilespmem:v2+s5+$0x0], $0xffff  }
0x112: {  	v1 =	vld [tilespmem:s21+$0x1C900];
	_ =	sdelay $0x3  }
0x113: {  	v2 =	vshll.u32 v0, $0x10  }
0x114: {  	s23 =	rddreg [dreg:$0x14];
	v0 =	vand.u32 $0xFFFF0000, v0;
	v2 =	vmul.f32 v2, v1  }
0x115: {  	s22 =	sadd.s32 s20, s23;
	v0 =	vmul.f32 v0, v1  }
0x116: {  	s22 =	sshrl.u32 s22, $0x3;
	[tilespmem:s21+$0x1DE00] =	vst v2  }
0x117: {  	s23 =	simm.s32 $0x0;
	[tilespmem:s21+$0x1E500] =	vst v0;
	s21 =	sadd.s32 s6, s22  }
0x118: {  	[tilespmem:s12], [sflag:$0x1] =	stream.linear.gather [hbm4b:s21+s23], $0x320, $0x38;
	[tilespmem:$0x1EC00] =	vst v63  }
0x119: {  	s22 =	sadd.s32 s2, s22  }
0x11a: {  	[tilespmem:s15], [sflag:$0x1] =	stream.linear.gather [hbm4b:s22+s23], $0x320, $0x38;
	[tilespmem:$0x1EC00] =	vst v63  }
0x11b: {  	s21 =	sadd.s32 $0x61A80, s21  }
0x11c: {  	[tilespmem:s28], [sflag:$0x5] =	stream.linear.gather [hbm4b:s21+s23], $0x320, $0x38;
	[tilespmem:$0x1EC00] =	vst v63  }
0x11d: {  	_ = 	snop  }
0x11e: {  	[spmem:s3] =	stream.indirect.scatter.add.f32 [tilespmem:s0], [sflag:$0x7], $0x1, s16, s29, $0xb8;
	[tilespmem:$0x1EC00] =	vst v63  }
0x11f: {  	_ = 	snop  }
0x120: {  	[spmem:s4] =	stream.indirect.scatter.add.f32 [tilespmem:s1], [sflag:$0x7], $0x1, s16, s29, $0xb8;
	[tilespmem:$0x1EC00] =	vst v63  }
0x121: {  	_ =	swait.ge [sflag:s7], $0x320  }
0x122: {  	[sflag:s7] =	ssyncset.done $0x0  }
0x123: {  	[sflag:s7] =	ssyncadd.s32 $0xFFFFFCE0  }
0x124: {  	_ =	swait.ge [sflag:s7], $0x320  }
0x125: {  	[sflag:s7] =	ssyncset.done $0x0  }
0x126: {  	[sflag:s7] =	ssyncadd.s32 $0xFFFFFCE0  }
0x127: {  	_ =	swait.ge [sflag:s9], $0x320  }
0x128: {  	[sflag:s9] =	ssyncset.done $0x0  }
0x129: {  	[sflag:s9] =	ssyncadd.s32 $0xFFFFFCE0  }
0x12a: {  	_ =	swait.ge [sflag:s14], $0x320  }
0x12b: {  	[sflag:s14] =	ssyncset.done $0x0  }
0x12c: {  	[sflag:s14] =	ssyncadd.s32 $0xFFFFFCE0  }
0x12d: {  	_ =	swait.ge [sflag:s14], $0x320  }
0x12e: {  	[sflag:s14] =	ssyncset.done $0x0  }
0x12f: {  	s22 =	simm.s32 $0x0;
	[sflag:s14] =	ssyncadd.s32 $0xFFFFFCE0  }
0x130: {  	v0 =	vld [tilespmem:s22+$0x1C580];
	_ =	sdelay $0x7  }
0x131: {  	v0 =	vld.idx.msk [tilespmem:v0+s5+$0x0], $0xffff  }
0x132: {  	s21 =	simm.s32 $0x10;
	s23 =	simm.s32 $0x80;
	v1 =	vld [tilespmem:s22+$0x1CC80]  }
.LBB2_13:
0x133: {  	p0 =	sne.s32 s23, $0xC40;
	v2 =	vld [tilespmem:s21+$0x1C580];
	_ =	sdelay $0x2  }
0x134: {  	v3 =	vshll.u32 v0, $0x10;
	v0 =	vand.u32 $0xFFFF0000, v0  }
0x135: {  	v3 =	vmul.f32 v3, v1;
	v0 =	vmul.f32 v0, v1;
	_ =	sdelay $0x1  }
.Ltmp5:
0x136: {  	[tilespmem:s22+$0x1E180] =	vst v3;
	(pc) =	sbr.rel @p0 .LBB2_13-.Ltmp5, $3  }
0x137: {  	[tilespmem:s22+$0x1E880] =	vst v0;
	s22 =	smov.u32 s21  }
0x138: {  	v0 =	vld.idx.msk [tilespmem:v2+s5+$0x0], $0xffff;
	_ =	sdelay $0x1  }
0x139: {  	s21 =	sshra.s32 s23, $0x2;
	s23 =	sadd.s32 $0x40, s23;
	v1 =	vld [tilespmem:s22+$0x1CC80]  }
0x13a: {  	v2 =	vld [tilespmem:s21+$0x1C580];
	_ =	sdelay $0x2  }
0x13b: {  	v3 =	vshll.u32 v0, $0x10  }
0x13c: {  	v62 =	vand.u32 $0xFFFF0000, v0;
	v3 =	vmul.f32 v3, v1  }
0x13d: {  	v0 =	vmul.f32 v62, v1  }
0x13e: {  	[tilespmem:s22+$0x1E180] =	vst v3  }
0x13f: {  	[tilespmem:s22+$0x1E880] =	vst v0  }
0x140: {  	v0 =	vld.idx.msk [tilespmem:v2+s5+$0x0], $0xffff  }
0x141: {  	v63 =	vld [tilespmem:s21+$0x1CC80];
	_ =	sdelay $0x3  }
0x142: {  	v2 =	vshll.u32 v0, $0x10  }
0x143: {  	s23 =	rddreg [dreg:$0x15];
	v0 =	vand.u32 $0xFFFF0000, v0;
	v2 =	vmul.f32 v2, v63  }
0x144: {  	s20 =	sadd.s32 s20, s23;
	v0 =	vmul.f32 v0, v63  }
0x145: {  	s20 =	sshrl.u32 s20, $0x3;
	[tilespmem:s21+$0x1E180] =	vst v2  }
0x146: {  	s22 =	sadd.s32 s6, s20;
	[tilespmem:s21+$0x1E880] =	vst v0  }
0x147: {  	[tilespmem:s17], [sflag:$0x2] =	stream.linear.gather [hbm4b:s22+s5], $0x320, $0x38;
	[tilespmem:$0x1EC00] =	vst v63  }
0x148: {  	s24 =	sadd.s32 $0x1, s24;
	s20 =	sadd.s32 s2, s20  }
0x149: {  	[tilespmem:s18], [sflag:$0x2] =	stream.linear.gather [hbm4b:s20+s5], $0x320, $0x38;
	[tilespmem:$0x1EC00] =	vst v63  }
0x14a: {  	p0 =	sne.s32 s24, $0x1E;
	s23 =	sadd.s32 $0x61A80, s22  }
0x14b: {  	[tilespmem:s10], [sflag:$0x6] =	stream.linear.gather [hbm4b:s23+s5], $0x320, $0x38;
	[tilespmem:$0x1EC00] =	vst v63  }
.Ltmp6:
0x14c: {  	_ = 	snop;
	(pc) =	sbr.rel @p0 .LBB2_6-.Ltmp6, $4  }
0x14d: {  	_ = 	snop  }
0x14e: {  	[spmem:s3] =	stream.indirect.scatter.add.f32 [tilespmem:s11], [sflag:$0x8], $0x1, s19, s29, $0xb8;
	[tilespmem:$0x1EC00] =	vst v63  }
0x14f: {  	_ = 	snop  }
0x150: {  	[spmem:s4] =	stream.indirect.scatter.add.f32 [tilespmem:s13], [sflag:$0x8], $0x1, s19, s29, $0xb8;
	[tilespmem:$0x1EC00] =	vst v63  }
0x151: {  	_ =	swait.ge [sflag:s25], $0x320  }
0x152: {  	[sflag:s25] =	ssyncset.done $0x0  }
0x153: {  	[sflag:s25] =	ssyncadd.s32 $0xFFFFFCE0  }
0x154: {  	_ =	swait.ge [sflag:s25], $0x320  }
0x155: {  	[sflag:s25] =	ssyncset.done $0x0  }
0x156: {  	[sflag:s25] =	ssyncadd.s32 $0xFFFFFCE0  }
0x157: {  	_ =	swait.ge [sflag:s30], $0x320  }
0x158: {  	[sflag:s30] =	ssyncset.done $0x0  }
0x159: {  	[sflag:s30] =	ssyncadd.s32 $0xFFFFFCE0  }
0x15a: {  	_ =	swait.ge [sflag:s31], $0x320  }
0x15b: {  	[sflag:s31] =	ssyncset.done $0x0  }
0x15c: {  	[sflag:s31] =	ssyncadd.s32 $0xFFFFFCE0  }
0x15d: {  	_ =	swait.ge [sflag:s31], $0x320  }
0x15e: {  	[sflag:s31] =	ssyncset.done $0x0  }
0x15f: {  	s21 =	simm.s32 $0x0;
	[sflag:s31] =	ssyncadd.s32 $0xFFFFFCE0  }
0x160: {  	v0 =	vld [tilespmem:s21+$0x1C200];
	_ =	sdelay $0x7  }
0x161: {  	v0 =	vld.idx.msk [tilespmem:v0+s5+$0x0], $0xffff  }
0x162: {  	s20 =	simm.s32 $0x10;
	s22 =	simm.s32 $0x80;
	v1 =	vld [tilespmem:s21+$0x1C900]  }
.LBB2_16:
0x163: {  	p0 =	sne.s32 s22, $0xC40;
	v2 =	vld [tilespmem:s20+$0x1C200];
	_ =	sdelay $0x2  }
0x164: {  	v3 =	vshll.u32 v0, $0x10;
	v0 =	vand.u32 $0xFFFF0000, v0  }
0x165: {  	v3 =	vmul.f32 v3, v1;
	v0 =	vmul.f32 v0, v1;
	_ =	sdelay $0x1  }
.Ltmp7:
0x166: {  	[tilespmem:s21+$0x1DE00] =	vst v3;
	(pc) =	sbr.rel @p0 .LBB2_16-.Ltmp7, $3  }
0x167: {  	[tilespmem:s21+$0x1E500] =	vst v0;
	s21 =	smov.u32 s20  }
0x168: {  	v0 =	vld.idx.msk [tilespmem:v2+s5+$0x0], $0xffff;
	_ =	sdelay $0x1  }
0x169: {  	s20 =	sshra.s32 s22, $0x2;
	s22 =	sadd.s32 $0x40, s22;
	v1 =	vld [tilespmem:s21+$0x1C900]  }
0x16a: {  	v2 =	vld [tilespmem:s20+$0x1C200];
	_ =	sdelay $0x2  }
0x16b: {  	v3 =	vshll.u32 v0, $0x10  }
0x16c: {  	v0 =	vand.u32 $0xFFFF0000, v0;
	v3 =	vmul.f32 v3, v1  }
0x16d: {  	v0 =	vmul.f32 v0, v1  }
0x16e: {  	[tilespmem:s21+$0x1DE00] =	vst v3  }
0x16f: {  	[tilespmem:s21+$0x1E500] =	vst v0  }
0x170: {  	v0 =	vld.idx.msk [tilespmem:v2+s5+$0x0], $0xffff  }
0x171: {  	v1 =	vld [tilespmem:s20+$0x1C900];
	_ =	sdelay $0x3  }
0x172: {  	v2 =	vshll.u32 v0, $0x10  }
0x173: {  	v0 =	vand.u32 $0xFFFF0000, v0;
	v2 =	vmul.f32 v2, v1  }
0x174: {  	v0 =	vmul.f32 v0, v1  }
0x175: {  	[tilespmem:s20+$0x1DE00] =	vst v2  }
0x176: {  	s22 =	rddreg [dreg:$0x16];
	[tilespmem:s20+$0x1E500] =	vst v0;
	s20 =	simm.s32 $0x0  }
0x177: {  	[tilespmem:s12], [sflag:$0x1] =	stream.linear.gather [hbm4b:s22+s20], $0x320, $0x38;
	[tilespmem:$0x1EC00] =	vst v63  }
0x178: {  	s23 =	rddreg [dreg:$0x17]  }
0x179: {  	[tilespmem:s15], [sflag:$0x1] =	stream.linear.gather [hbm4b:s23+s20], $0x320, $0x38;
	[tilespmem:$0x1EC00] =	vst v63  }
0x17a: {  	s24 =	rddreg [dreg:$0x1f]  }
0x17b: {  	[tilespmem:s16], [sflag:$0x3] =	stream.linear.gather [hbm4b:s24+s20], $0x320, $0x38;
	[tilespmem:$0x1EC00] =	vst v63  }
0x17c: {  	_ = 	snop  }
0x17d: {  	[spmem:s3] =	stream.indirect.scatter.add.f32 [tilespmem:s0], [sflag:$0x7], $0x1, s28, s29, $0xb8;
	[tilespmem:$0x1EC00] =	vst v63  }
0x17e: {  	_ = 	snop  }
0x17f: {  	[spmem:s4] =	stream.indirect.scatter.add.f32 [tilespmem:s1], [sflag:$0x7], $0x1, s28, s29, $0xb8;
	[tilespmem:$0x1EC00] =	vst v63  }
0x180: {  	_ =	swait.ge [sflag:s7], $0x320  }
0x181: {  	[sflag:s7] =	ssyncset.done $0x0  }
0x182: {  	[sflag:s7] =	ssyncadd.s32 $0xFFFFFCE0  }
0x183: {  	_ =	swait.ge [sflag:s7], $0x320  }
0x184: {  	[sflag:s7] =	ssyncset.done $0x0  }
0x185: {  	[sflag:s7] =	ssyncadd.s32 $0xFFFFFCE0  }
0x186: {  	_ =	swait.ge [sflag:s8], $0x320  }
0x187: {  	[sflag:s8] =	ssyncset.done $0x0  }
0x188: {  	[sflag:s8] =	ssyncadd.s32 $0xFFFFFCE0  }
0x189: {  	_ =	swait.ge [sflag:s14], $0x320  }
0x18a: {  	[sflag:s14] =	ssyncset.done $0x0  }
0x18b: {  	[sflag:s14] =	ssyncadd.s32 $0xFFFFFCE0  }
0x18c: {  	_ =	swait.ge [sflag:s14], $0x320  }
0x18d: {  	[sflag:s14] =	ssyncset.done $0x0  }
0x18e: {  	s21 =	simm.s32 $0x0;
	[sflag:s14] =	ssyncadd.s32 $0xFFFFFCE0  }
0x18f: {  	v0 =	vld [tilespmem:s21+$0x1C580];
	_ =	sdelay $0x7  }
0x190: {  	v0 =	vld.idx.msk [tilespmem:v0+s5+$0x0], $0xffff  }
0x191: {  	s22 =	simm.s32 $0x80;
	s20 =	simm.s32 $0x10;
	s23 =	rddreg [dreg:$0x1c];
	v1 =	vld [tilespmem:s21+$0x1CC80]  }
.LBB2_18:
0x192: {  	p0 =	sne.s32 s22, $0xC40;
	v2 =	vld [tilespmem:s20+$0x1C580];
	_ =	sdelay $0x2  }
0x193: {  	v3 =	vshll.u32 v0, $0x10;
	v0 =	vand.u32 $0xFFFF0000, v0  }
0x194: {  	v3 =	vmul.f32 v3, v1;
	v0 =	vmul.f32 v0, v1;
	_ =	sdelay $0x1  }
.Ltmp8:
0x195: {  	[tilespmem:s21+$0x1E180] =	vst v3;
	(pc) =	sbr.rel @p0 .LBB2_18-.Ltmp8, $3  }
0x196: {  	[tilespmem:s21+$0x1E880] =	vst v0;
	s21 =	smov.u32 s20  }
0x197: {  	v0 =	vld.idx.msk [tilespmem:v2+s5+$0x0], $0xffff;
	_ =	sdelay $0x1  }
0x198: {  	s20 =	sshra.s32 s22, $0x2;
	s22 =	sadd.s32 $0x40, s22;
	v1 =	vld [tilespmem:s21+$0x1CC80]  }
0x199: {  	v2 =	vld [tilespmem:s20+$0x1C580];
	_ =	sdelay $0x2  }
0x19a: {  	v3 =	vshll.u32 v0, $0x10  }
0x19b: {  	v0 =	vand.u32 $0xFFFF0000, v0;
	v3 =	vmul.f32 v3, v1  }
0x19c: {  	v0 =	vmul.f32 v0, v1  }
0x19d: {  	[tilespmem:s21+$0x1E180] =	vst v3  }
0x19e: {  	[tilespmem:s21+$0x1E880] =	vst v0  }
0x19f: {  	v0 =	vld.idx.msk [tilespmem:v2+s5+$0x0], $0xffff  }
0x1a0: {  	v1 =	vld [tilespmem:s20+$0x1CC80];
	_ =	sdelay $0x3  }
0x1a1: {  	v2 =	vshll.u32 v0, $0x10  }
0x1a2: {  	v0 =	vand.u32 $0xFFFF0000, v0;
	v2 =	vmul.f32 v2, v1  }
0x1a3: {  	v0 =	vmul.f32 v0, v1  }
0x1a4: {  	[tilespmem:s20+$0x1E180] =	vst v2  }
0x1a5: {  	s24 =	rddreg [dreg:$0x6];
	[tilespmem:s20+$0x1E880] =	vst v0;
	s20 =	simm.s32 $0x0  }
0x1a6: {  	[tilespmem:s17], [sflag:$0x2] =	stream.linear.gather [hbm4b:s24+s20], $0x320, $0x38;
	[tilespmem:$0x1EC00] =	vst v63  }
0x1a7: {  	s22 =	rddreg [dreg:$0x7]  }
0x1a8: {  	[tilespmem:s18], [sflag:$0x2] =	stream.linear.gather [hbm4b:s22+s20], $0x320, $0x38;
	[tilespmem:$0x1EC00] =	vst v63  }
0x1a9: {  	s24 =	rddreg [dreg:$0x1b]  }
0x1aa: {  	[tilespmem:s19], [sflag:$0x4] =	stream.linear.gather [hbm4b:s24+s20], $0x320, $0x38;
	[tilespmem:$0x1EC00] =	vst v63  }
0x1ab: {  	_ = 	snop  }
0x1ac: {  	[spmem:s3] =	stream.indirect.scatter.add.f32 [tilespmem:s11], [sflag:$0x8], $0x1, s10, s29, $0xb8;
	[tilespmem:$0x1EC00] =	vst v63  }
0x1ad: {  	_ = 	snop  }
0x1ae: {  	[spmem:s4] =	stream.indirect.scatter.add.f32 [tilespmem:s13], [sflag:$0x8], $0x1, s10, s29, $0xb8;
	[tilespmem:$0x1EC00] =	vst v63  }
0x1af: {  	_ =	swait.ge [sflag:s25], $0x320  }
0x1b0: {  	[sflag:s25] =	ssyncset.done $0x0  }
0x1b1: {  	[sflag:s25] =	ssyncadd.s32 $0xFFFFFCE0  }
0x1b2: {  	_ =	swait.ge [sflag:s25], $0x320  }
0x1b3: {  	[sflag:s25] =	ssyncset.done $0x0  }
0x1b4: {  	[sflag:s25] =	ssyncadd.s32 $0xFFFFFCE0  }
0x1b5: {  	_ =	swait.ge [sflag:s26], $0x320  }
0x1b6: {  	[sflag:s26] =	ssyncset.done $0x0  }
0x1b7: {  	[sflag:s26] =	ssyncadd.s32 $0xFFFFFCE0  }
0x1b8: {  	_ =	swait.ge [sflag:s31], $0x320  }
0x1b9: {  	[sflag:s31] =	ssyncset.done $0x0  }
0x1ba: {  	[sflag:s31] =	ssyncadd.s32 $0xFFFFFCE0  }
0x1bb: {  	_ =	swait.ge [sflag:s31], $0x320  }
0x1bc: {  	[sflag:s31] =	ssyncset.done $0x0  }
0x1bd: {  	s21 =	simm.s32 $0x0;
	[sflag:s31] =	ssyncadd.s32 $0xFFFFFCE0  }
0x1be: {  	v0 =	vld [tilespmem:s21+$0x1C200];
	_ =	sdelay $0x7  }
0x1bf: {  	v0 =	vld.idx.msk [tilespmem:v0+s5+$0x0], $0xffff  }
0x1c0: {  	s22 =	simm.s32 $0x80;
	s20 =	simm.s32 $0x10;
	v1 =	vld [tilespmem:s21+$0x1C900]  }
.LBB2_20:
0x1c1: {  	p0 =	sne.s32 s22, $0xC40;
	v2 =	vld [tilespmem:s20+$0x1C200];
	_ =	sdelay $0x2  }
0x1c2: {  	v3 =	vshll.u32 v0, $0x10;
	v0 =	vand.u32 $0xFFFF0000, v0  }
0x1c3: {  	v3 =	vmul.f32 v3, v1;
	v0 =	vmul.f32 v0, v1;
	_ =	sdelay $0x1  }
.Ltmp9:
0x1c4: {  	[tilespmem:s21+$0x1DE00] =	vst v3;
	(pc) =	sbr.rel @p0 .LBB2_20-.Ltmp9, $3  }
0x1c5: {  	[tilespmem:s21+$0x1E500] =	vst v0;
	s21 =	smov.u32 s20  }
0x1c6: {  	v0 =	vld.idx.msk [tilespmem:v2+s5+$0x0], $0xffff;
	_ =	sdelay $0x1  }
0x1c7: {  	s20 =	sshra.s32 s22, $0x2;
	s22 =	sadd.s32 $0x40, s22;
	v1 =	vld [tilespmem:s21+$0x1C900]  }
0x1c8: {  	v2 =	vld [tilespmem:s20+$0x1C200];
	_ =	sdelay $0x2  }
0x1c9: {  	v3 =	vshll.u32 v0, $0x10  }
0x1ca: {  	v62 =	vand.u32 $0xFFFF0000, v0;
	v3 =	vmul.f32 v3, v1  }
0x1cb: {  	v0 =	vmul.f32 v62, v1  }
0x1cc: {  	[tilespmem:s21+$0x1DE00] =	vst v3  }
0x1cd: {  	[tilespmem:s21+$0x1E500] =	vst v0  }
0x1ce: {  	v0 =	vld.idx.msk [tilespmem:v2+s5+$0x0], $0xffff  }
0x1cf: {  	v63 =	vld [tilespmem:s20+$0x1C900];
	_ =	sdelay $0x3  }
0x1d0: {  	v2 =	vshll.u32 v0, $0x10  }
0x1d1: {  	v0 =	vand.u32 $0xFFFF0000, v0;
	v2 =	vmul.f32 v2, v63  }
0x1d2: {  	v0 =	vmul.f32 v0, v63  }
0x1d3: {  	[tilespmem:s20+$0x1DE00] =	vst v2  }
0x1d4: {  	[tilespmem:s20+$0x1E500] =	vst v0;
	s20 =	rddreg [dreg:$0x8]  }
0x1d5: {  	[tilespmem:s12], [sflag:$0x1] =	stream.linear.gather [hbm4b:s20+s5], $0x320, $0x38;
	[tilespmem:$0x1EC00] =	vst v63  }
0x1d6: {  	s21 =	rddreg [dreg:$0x9]  }
0x1d7: {  	[tilespmem:s15], [sflag:$0x1] =	stream.linear.gather [hbm4b:s21+s5], $0x320, $0x38;
	[tilespmem:$0x1EC00] =	vst v63  }
0x1d8: {  	_ = 	snop  }
0x1d9: {  	[tilespmem:s28], [sflag:$0x5] =	stream.linear.gather [hbm4b:s23+s5], $0x320, $0x38;
	[tilespmem:$0x1EC00] =	vst v63  }
0x1da: {  	_ = 	snop  }
0x1db: {  	[spmem:s3] =	stream.indirect.scatter.add.f32 [tilespmem:s0], [sflag:$0x7], $0x1, s16, s29, $0xb8;
	[tilespmem:$0x1EC00] =	vst v63  }
0x1dc: {  	_ = 	snop  }
0x1dd: {  	[spmem:s4] =	stream.indirect.scatter.add.f32 [tilespmem:s1], [sflag:$0x7], $0x1, s16, s29, $0xb8;
	[tilespmem:$0x1EC00] =	vst v63  }
0x1de: {  	_ =	swait.ge [sflag:s14], $0x320  }
0x1df: {  	[sflag:s14] =	ssyncset.done $0x0  }
0x1e0: {  	[sflag:s14] =	ssyncadd.s32 $0xFFFFFCE0  }
0x1e1: {  	_ =	swait.ge [sflag:s14], $0x320  }
0x1e2: {  	[sflag:s14] =	ssyncset.done $0x0  }
0x1e3: {  	[sflag:s14] =	ssyncadd.s32 $0xFFFFFCE0  }
0x1e4: {  	_ =	swait.ge [sflag:s31], $0x320  }
0x1e5: {  	[sflag:s31] =	ssyncset.done $0x0  }
0x1e6: {  	[sflag:s31] =	ssyncadd.s32 $0xFFFFFCE0  }
0x1e7: {  	_ =	swait.ge [sflag:s31], $0x320  }
0x1e8: {  	[sflag:s31] =	ssyncset.done $0x0  }
0x1e9: {  	[sflag:s31] =	ssyncadd.s32 $0xFFFFFCE0  }
0x1ea: {  	_ =	swait.ge [sflag:s7], $0x320  }
0x1eb: {  	[sflag:s7] =	ssyncset.done $0x0  }
0x1ec: {  	[sflag:s7] =	ssyncadd.s32 $0xFFFFFCE0  }
0x1ed: {  	_ =	swait.ge [sflag:s7], $0x320  }
0x1ee: {  	[sflag:s7] =	ssyncset.done $0x0  }
0x1ef: {  	[sflag:s7] =	ssyncadd.s32 $0xFFFFFCE0  }
0x1f0: {  	_ =	swait.ge [sflag:s9], $0x320  }
0x1f1: {  	[sflag:s9] =	ssyncset.done $0x0  }
0x1f2: {  	[sflag:s9] =	ssyncadd.s32 $0xFFFFFCE0  }
0x1f3: {  	_ =	swait.ge [sflag:s25], $0x320  }
0x1f4: {  	[sflag:s25] =	ssyncset.done $0x0  }
0x1f5: {  	[sflag:s25] =	ssyncadd.s32 $0xFFFFFCE0  }
0x1f6: {  	_ =	swait.ge [sflag:s25], $0x320  }
0x1f7: {  	[sflag:s25] =	ssyncset.done $0x0  }
0x1f8: {  	[sflag:s25] =	ssyncadd.s32 $0xFFFFFCE0  }
0x1f9: {  	_ =	swait.ge [sflag:s30], $0x320  }
0x1fa: {  	[sflag:s30] =	ssyncset.done $0x0  }
0x1fb: {  	[sflag:s30] =	ssyncadd.s32 $0xFFFFFCE0  }
0x1fc: {  	[bflag:$0x0] =	sbarrier.arrive $0xFFFF  }
0x1fd: {  	s17 =	sld [smem:$0x7FB]  }
0x1fe: {  	s22 =	rddreg [dreg:$0xc]  }
0x1ff: {  	s18 =	simm.s32 $0x20;
	s11 =	simm.s32 $0x10;
	s24 =	rddreg [dreg:$0x18]  }
0x200: {  	[hbm:s24@s18], [sflag:s22] =	dma.strided [spmem:s17@s11], $0x320, s25, $0x10   }
0x201: {  	s17 =	simm.s32 $0x9  }
0x202: {  	_ =	swait.ge [sflag:s17], $0x320  }
0x203: {  	s13 =	sld [smem:$0x7FC]  }
0x204: {  	[sflag:s17] =	ssyncset.done $0x0  }
0x205: {  	s24 =	rddreg [dreg:$0x19];
	[sflag:s17] =	ssyncadd.s32 $0xFFFFFCE0  }
0x206: {  	[hbm:s24@s18], [sflag:s22] =	dma.strided [spmem:s13@s11], $0x320, s25, $0x10   }
0x207: {  	_ =	swait.ge [sflag:s17], $0x320  }
0x208: {  	s13 =	sld [smem:$0x7FD];
	_ =	sdelay $0x2  }
0x209: {  	s18 =	rddreg [dreg:$0x1a];
	s11 =	sadd.s32 $0x1, s13  }
0x20a: {  	p0 =	sne.s32 s11, s18  }
.Ltmp10:
0x20b: {  	_ = 	snop;
	(pc) =	sbr.rel @p0 .LBB2_1-.Ltmp10, $4  }
0x20c: {  	_ = 	snop  }
0x20d: {  	s24 =	simm.s32 $0x9;
	[sflag:s17] =	ssyncset.done $0x0  }
0x20e: {  	s17 =	simm.s32 $0x1C580;
	[sflag:s24] =	ssyncadd.s32 $0xFFFFFCE0  }
0x20f: {  	[smem:$0x7FD] =	sst s11;
	s18 =	simm.s32 $0x1CC80;
	s11 =	simm.s32 $0x1E180  }
0x210: {  	_ =	sfence.sel $0x180000  }
0x211: {  	[bflag:$0x0] =	sbarrier.arrive $0xFFFF  }
0x212: {  	_ =	strace $0x9000004D  }
0x213: {  	s0 =	stileid.u32;
	[bflag:$0x2] =	sbarrier.arrive $0xFFFF  }
0x214: {  	p0 =	sne.s32 s0, $0x0;
	s0 =	rddreg [dreg:$0x4]  }
0x215: {  	s0 =	sadd.s32 @!p0 $0x100000, s0  }
0x216: {  	[sflag:s0] =	ssyncadd.tile.s32 @!p0 $0x1;
	_ =	shalt  }
.Lfunc_end2:
_tile_overlayer_lowered:
.L_overlay_start_2:
0x217: {  	(tag) =	ssettag $0x2  }
0x218: {  	s0 =	rddreg [dreg:$0x0];
	s2 =	stileid.u32  }
0x219: {  	s1 =	rddreg [dreg:$0x1];
	p0 =	sne.s32 s2, $0x0  }
0x21a: {  	s3 =	rddreg [dreg:$0x2];
	[bflag:$0x3] =	sbarrier.arrive $0xFFFF;
	s2 =	simm.s32 @!p0 $0x1C09  }
0x21b: {  	[timem:s3], [sflag:s2] =	dma.local @!p0 [hbm:s0], s1  }
0x21c: {  	s0 =	simm.s32 @!p0 $0x9  }
0x21d: {  	_ =	swait.ge @!p0 [sflag:s0], s1  }
0x21e: {  	s1 =	ssub.s32 @!p0 $0x0, s1;
	[sflag:s0] =	ssyncset.done @!p0 $0x0  }
0x21f: {  	[sflag:s0] =	ssyncadd.s32 @!p0 s1  }
0x220: {  	[bflag:$0x3] =	sbarrier.arrive $0xFFFF  }
0x221: {  	_ =	shalt  }

// kernel: kernel.19.cloned.1.call-start
scs
__scs_entry_jumppad:
0x0: {  	(pc) =	sbr.rel $0x88, $3  }
0x1: {  	(tag) =	ssettag $0x0;
	lr =	simm.s32 $0x1  }
0x2: {  	[smem:$0x3F94] =	sst lr;
	_ =	strace $0xD0000000  }
0x3: {  	_ = 	snop  }
0x4: {  	_ = 	snop  }
0x5: {  	_ = 	snop  }
0x6: {  	_ = 	snop  }
0x7: {  	_ = 	snop  }
__scs_overlays_trampoline_lowered:
0x8: {  	[smem:$0x3FA3] =	sst s0  }
0x9: {  	[smem:$0x3FA4] =	sst s1  }
0xa: {  	[smem:$0x3FA5] =	sst s2  }
0xb: {  	[smem:$0x3FA6] =	sst s3  }
0xc: {  	[smem:$0x3FA7] =	sst s4  }
0xd: {  	[smem:$0x3FA8] =	sst s5  }
0xe: {  	[smem:$0x3FA9] =	sst s6  }
0xf: {  	[smem:$0x3FAA] =	sst s7  }
0x10: {  	[smem:$0x3FAB] =	sst s8  }
0x11: {  	[smem:$0x3FAC] =	sst s9;
	s0 =	simm.s32 @!p0 $0x0  }
0x12: {  	s1 =	sld [smem:$0x3F92];
	s0 =	simm.s32 @p0 $0x1  }
0x13: {  	[smem:$0x3FAD] =	sst s0;
	s0 =	simm.s32 @!p1 $0x0  }
0x14: {  	s2 =	sld [smem:$0x3F91];
	s0 =	simm.s32 @p1 $0x1  }
0x15: {  	[smem:$0x3FAE] =	sst s0;
	s0 =	simm.s32 @!p2 $0x0  }
0x16: {  	s3 =	sld [smem:$0x3FDB];
	s0 =	simm.s32 @p2 $0x1  }
0x17: {  	s4 =	simm.s32 $0x1BF5;
	[smem:$0x3FB0] =	sst s0  }
0x18: {  	s0 =	sld [smem:$0x3F93];
	_ =	swait.ge [sflag:s4], $0x0  }
0x19: {  	s7 =	sld [smem:$0x3F94]  }
0x1a: {  	s8 =	sadd.s32 $0xFFFFE003, lr  }
0x1b: {  	s9 =	sadd.s32 $0xFFFFFEF7, lr;
	s5 =	simm.s32 $0xFFFFFFFF;
	p2 =	slt.u32 s8, $0xFFFFF086  }
0x1c: {  	p1 =	slt.u32 s9, $0xF7A;
	s5 =	simm.s32 @!p2 $0x0  }
0x1d: {  	s5 =	simm.s32 @p1 $0x1;
	p0 =	seq.s32 s7, s2  }
0x1e: {  	s7 =	smul.u32 @!p0 $0xF7A, s2;
	p2 =	seq.s32 @!p0 s5, $0x0  }
0x1f: {  	s9 =	smul.u32 $0xF7A, s1;
	s8 =	simm.s32 @!p0 $0x1BF5;
	p2 =	por !p2, p0  }
0x20: {  	[sflag:s8] =	ssyncset.s32 @!p0 $0xFFFFF086;
	s6 =	sadd.s32 @!p0 s3, s7;
	s7 =	simm.s32 @!p0 $0x108  }
0x21: {  	s3 =	sadd.s32 s3, s9;
	s6 =	sadd.s32 @!p0 $0x88, s6;
	s7 =	simm.s32 @p2 $0x1082  }
0x22: {  	[simem:s7], [sflag:s8] =	dma.local @!p0 [hbm:s6], $0xF7A  }
0x23: {  	s9 =	sor.u32 $0xD0000000, s2;
	s6 =	simm.s32 $0x108;
	_ =	swait.ge @!p0 [sflag:s8], $0x0  }
0x24: {  	s3 =	sadd.s32 $0x88, s3;
	s6 =	simm.s32 @!p1 $0x1082;
	[sflag:s4] =	ssyncset.s32 $0xFFFFF086  }
0x25: {  	[simem:s6], [sflag:s4] =	dma.local [hbm:s3], $0xF7A  }
0x26: {  	[smem:$0x3F94] =	sst s1;
	(tag) =	ssettag s2;
	_ =	strace s9  }
0x27: {  	s1 =	sld [smem:$0x3FA4]  }
0x28: {  	s2 =	sld [smem:$0x3FA5]  }
0x29: {  	s4 =	sld [smem:$0x3FA7]  }
0x2a: {  	p0 =	seq.s32 s5, $0x0;
	s5 =	sld [smem:$0x3FA8]  }
0x2b: {  	s6 =	sld [smem:$0x3FA9]  }
0x2c: {  	s7 =	sld [smem:$0x3FAA]  }
0x2d: {  	s3 =	simm.s32 $0x108;
	s8 =	sld [smem:$0x3FAB]  }
0x2e: {  	s3 =	simm.s32 @!p0 $0x1082;
	s9 =	sld [smem:$0x3FAC]  }
0x2f: {  	lr =	sadd.s32 s0, s3;
	s0 =	sld [smem:$0x3FA3]  }
0x30: {  	s3 =	sld [smem:$0x3FA6]  }
0x31: {  	[smem:$0x3FAF] =	sst s10  }
0x32: {  	s10 =	sld [smem:$0x3FAD];
	_ =	sdelay $0x3  }
0x33: {  	p0 =	seq.s32 s10, $0x1;
	s10 =	sld [smem:$0x3FAF];
	_ =	sdelay $0x3  }
0x34: {  	[smem:$0x3FAF] =	sst s10  }
0x35: {  	s10 =	sld [smem:$0x3FAE];
	_ =	sdelay $0x3  }
0x36: {  	p1 =	seq.s32 s10, $0x1;
	s10 =	sld [smem:$0x3FAF];
	_ =	sdelay $0x3  }
0x37: {  	[smem:$0x3FAF] =	sst s10  }
0x38: {  	s10 =	sld [smem:$0x3FB0]  }
0x39: {  	_ = 	snop;
	(pc) =	sbr.ind lr, $3  }
0x3a: {  	_ = 	snop  }
0x3b: {  	_ = 	snop  }
0x3c: {  	p2 =	seq.s32 s10, $0x1;
	s10 =	sld [smem:$0x3FAF]  }
0x3d: {  	_ =	shalt  }
0x3e: {  	_ =	shalt  }
0x3f: {  	_ =	shalt  }
0x40: {  	_ =	shalt  }
0x41: {  	_ =	shalt  }
0x42: {  	_ =	shalt  }
0x43: {  	_ =	shalt  }
0x44: {  	_ =	shalt  }
0x45: {  	_ =	shalt  }
0x46: {  	_ =	shalt  }
0x47: {  	_ =	shalt  }
0x48: {  	_ =	shalt  }
0x49: {  	_ =	shalt  }
0x4a: {  	_ =	shalt  }
0x4b: {  	_ =	shalt  }
0x4c: {  	_ =	shalt  }
0x4d: {  	_ =	shalt  }
0x4e: {  	_ =	shalt  }
0x4f: {  	_ =	shalt  }
0x50: {  	_ =	shalt  }
0x51: {  	_ =	shalt  }
0x52: {  	_ =	shalt  }
0x53: {  	_ =	shalt  }
0x54: {  	_ =	shalt  }
0x55: {  	_ =	shalt  }
0x56: {  	_ =	shalt  }
0x57: {  	_ =	shalt  }
0x58: {  	_ =	shalt  }
0x59: {  	_ =	shalt  }
0x5a: {  	_ =	shalt  }
0x5b: {  	_ =	shalt  }
0x5c: {  	_ =	shalt  }
0x5d: {  	_ =	shalt  }
0x5e: {  	_ =	shalt  }
0x5f: {  	_ =	shalt  }
0x60: {  	_ =	shalt  }
0x61: {  	_ =	shalt  }
0x62: {  	_ =	shalt  }
0x63: {  	_ =	shalt  }
0x64: {  	_ =	shalt  }
0x65: {  	_ =	shalt  }
0x66: {  	_ =	shalt  }
0x67: {  	_ =	shalt  }
0x68: {  	_ =	shalt  }
0x69: {  	_ =	shalt  }
0x6a: {  	_ =	shalt  }
0x6b: {  	_ =	shalt  }
0x6c: {  	_ =	shalt  }
0x6d: {  	_ =	shalt  }
0x6e: {  	_ =	shalt  }
0x6f: {  	_ =	shalt  }
0x70: {  	_ =	shalt  }
0x71: {  	_ =	shalt  }
0x72: {  	_ =	shalt  }
0x73: {  	_ =	shalt  }
0x74: {  	_ =	shalt  }
0x75: {  	_ =	shalt  }
0x76: {  	_ =	shalt  }
0x77: {  	_ =	shalt  }
0x78: {  	_ =	shalt  }
0x79: {  	_ =	shalt  }
0x7a: {  	_ =	shalt  }
0x7b: {  	_ =	shalt  }
0x7c: {  	_ =	shalt  }
0x7d: {  	_ =	shalt  }
0x7e: {  	_ =	shalt  }
0x7f: {  	_ =	shalt  }
0x80: {  	_ =	shalt  }
0x81: {  	_ =	shalt  }
0x82: {  	_ =	shalt  }
0x83: {  	_ =	shalt  }
0x84: {  	_ =	shalt  }
0x85: {  	_ =	shalt  }
0x86: {  	_ =	shalt  }
0x87: {  	_ =	shalt  }
.Lfunc_end0:
.L_simem_size_0:
called_computation.3_lowered:
.L_overlay_start_0:
0x88: {  	s2 =	sld [smem:$0x3FD9]  }
0x89: {  	s3 =	sld [smem:$0x3FFE];
	_ =	sdelay $0x1  }
0x8a: {  	s1 =	srdreg.scid  }
0x8b: {  	s0 =	sand.u32 $0x1, s1  }
0x8c: {  	s17 =	sshll.u32 s0, $0xA;
	s2 =	sadd.s32 s3, s2  }
0x8d: {  	s2 =	sadd.s32 s2, s17  }
0x8e: {  	[smem:$0x3FBB] =	sst s2  }
0x8f: {  	_ = 	snop  }
0x90: {  	s2 =	sld [smem:$0x3FC7]  }
0x91: {  	s18 =	sld [smem:$0x3FC6]  }
0x92: {  	s4 =	sld [smem:$0x3FD0];
	(tm) =	ssettm $0x1  }
0x93: {  	s5 =	sld [smem:$0x3FFB];
	_ =	sdelay $0x3  }
0x94: {  	_ =	strace s5  }
0x95: {  	s5 =	sld [smem:$0x3FFC];
	_ =	sdelay $0x3  }
0x96: {  	_ =	strace s5  }
0x97: {  	s5 =	sld [smem:$0x3FFD];
	_ =	sdelay $0x3  }
0x98: {  	_ =	strace s5  }
0x99: {  	_ =	strace $0x8FFFFFFF  }
0x9a: {  	s19 =	sld [smem:$0x3FDB];
	_ =	sdelay $0x1  }
0x9b: {  	s6 =	simm.s32 $_scs_section_size  }
0x9c: {  	s7 =	simm.s32 $_size__tile_overlayer_lowered;
	s8 =	simm.s32 $_tile_overlayer_lowered  }
0x9d: {  	s22 =	simm.s32 $0x1BFF;
	s21 =	sshll.u32 s8, $0x1;
	s5 =	sadd.s32 s6, s19  }
0x9e: {  	s9 =	simm.s32 $0x0;
	s20 =	sshll.u32 s7, $0x1;
	s7 =	sadd.s32 s21, s5  }
0x9f: {  	[timem:s9], [sflag:s22] =	dma.local [hbm:s7], s20  }
0xa0: {  	_ =	swait.ge [sflag:s22], s20  }
0xa1: {  	s6 =	ssub.s32 $0x0, s20;
	[sflag:s22] =	ssyncset.done $0x0  }
0xa2: {  	[sflag:s22] =	ssyncadd.s32 s6;
	_ =	sdelay $0x1  }
0xa3: {  	s23 =	simm.s32 $0x1B8B  }
0xa4: {  	_ =	swait.ge [sflag:s23], $0x1  }
0xa5: {  	[sflag:s23] =	ssyncset.done $0x0  }
0xa6: {  	s25 =	simm.s32 $0x1B8E;
	s24 =	sld [smem:$0x3FFE];
	[sflag:s23] =	ssyncadd.s32 $0xFFFFFFFF  }
0xa7: {  	s26 =	simm.s32 $execute0_lowered;
	[smem:$0x3FD2] =	sst s25  }
0xa8: {  	s7 =	sshll.u32 s26, $0x1;
	_ =	strace $0x8000004F;
	[dreg:$0x1] =	wrdreg $0xFFFFFFFF  }
0xa9: {  	s28 =	simm.s32 $_size_execute0_lowered;
	s5 =	sadd.s32 s5, s7;
	[dreg:$0x0] =	wrdreg $0x0  }
0xaa: {  	s7 =	sshll.u32 s28, $0x1;
	[dreg:$0x2] =	wrdreg s5  }
0xab: {  	[dreg:$0x3] =	wrdreg s7  }
0xac: {  	[dreg:$0x4] =	wrdreg $0xC0  }
0xad: {  	_ =	task [dreg:s9], $0x5FFFF  }
0xae: {  	[dreg:$0x1] =	wrdreg $0xFFFFFFFF  }
0xaf: {  	[dreg:$0x0] =	wrdreg $0x60  }
0xb0: {  	[dreg:$0x2] =	wrdreg s24  }
0xb1: {  	[dreg:$0x3] =	wrdreg s2  }
0xb2: {  	[dreg:$0x4] =	wrdreg s18  }
0xb3: {  	[dreg:$0x5] =	wrdreg s4  }
0xb4: {  	[dreg:$0x6] =	wrdreg $0x9  }
0xb5: {  	_ =	task.clear_ibuf [dreg:s9], $0x7FFFF;
	_ =	strace $0x9000004F  }
0xb6: {  	s29 =	simm.s32 $0x9;
	_ =	strace $0x80000051  }
0xb7: {  	_ =	swait.ge [sflag:s29], $0x1  }
0xb8: {  	[sflag:s29] =	ssyncadd.s32 $0xFFFFFFFF  }
0xb9: {  	_ =	strace $0x90000051  }
0xba: {  	_ =	sfence  }
0xbb: {  	s30 =	sld [smem:$0x0];
	_ =	sdelay $0x2  }
0xbc: {  	s31 =	sshll.u32 s1, $0xD;
	s1 =	sshrl.u32 s1, $0x2  }
0xbd: {  	s3 =	sand.u32 $0x4000, s31;
	s1 =	sadd.s32 s1, s30  }
0xbe: {  	s0 =	sor.u32 s3, s0;
	s1 =	sshll.u32 s1, $0x11  }
0xbf: {  	s0 =	sor.u32 s1, s0  }
0xc0: {  	s0 =	sadd.s32 $0x8F2B, s0  }
0xc1: {  	[sflag:s0] =	ssyncadd.remote.s32 $0x1  }
0xc2: {  	_ =	sfence.sel $0xFFFF  }
0xc3: {  	[dreg:$0x0] =	wrdreg $0xFFFFFFFF;
	(pc) =	sbr.abs _section_cstart, $3  }
0xc4: {  	[dreg:$0x1] =	wrdreg $0xFFFFFFFF  }
0xc5: {  	_ =	task.clear_ibuf [dreg:s9], $0x2FFFF;
	_ =	strace $0x9FFFFFFF  }
0xc6: {  	(tm) =	ssettm $0x7FFFFFFF  }
0xc7: {  	_ =	shalt  }
tec
execute0_lowered:
.L_overlay_start_1:
0x0: {  	(tag) =	ssettag $0x1  }
0x1: {  	s16 =	rddreg [dreg:$0x0]  }
0x2: {  	s3 =	rddreg [dreg:$0x1]  }
0x3: {  	s4 =	rddreg [dreg:$0x2];
	s2 =	srdreg.scid  }
0x4: {  	s14 =	rddreg [dreg:$0x3];
	s1 =	stileid.u32;
	s17 =	sand.u32 $0x1, s2  }
0x5: {  	s2 =	simm.s32 $0x0;
	s6 =	sshll.u32 s1, $0x6;
	s5 =	sshll.u32 s17, $0xA  }
0x6: {  	[smem:$0x7FF] =	sst s2;
	s18 =	sor.u32 s6, s5  }
0x7: {  	s0 =	rddreg [dreg:$0x4];
	_ =	strace $0x80000050;
	s3 =	sadd.s32 s3, s18  }
0x8: {  	[tilespmem:s2], [sflag:$0x1] =	stream.linear.gather [hbm4b:s3+s2], $0x200, $0x38;
	[tilespmem:$0xC00] =	vst v63  }
0x9: {  	s5 =	simm.s32 $0x200;
	s6 =	simm.s32 $0x1;
	s4 =	sadd.s32 s4, s18  }
0xa: {  	[tilespmem:s5], [sflag:$0x1] =	stream.linear.gather [hbm4b:s4+s2], $0x200, $0x38;
	[tilespmem:$0xC00] =	vst v63  }
0xb: {  	_ =	swait.ge [sflag:s6], $0x200  }
0xc: {  	[sflag:s6] =	ssyncset.done $0x0  }
0xd: {  	[sflag:s6] =	ssyncadd.s32 $0xFFFFFE00  }
0xe: {  	_ =	swait.ge [sflag:s6], $0x200  }
0xf: {  	[sflag:s6] =	ssyncset.done $0x0  }
0x10: {  	s8 =	simm.s32 $0x400;
	s7 =	sadd.s32 $0x4000, s16;
	[sflag:s6] =	ssyncadd.s32 $0xFFFFFE00  }
0x11: {  	[tilespmem:s8], [sflag:$0x2] =	stream.indirect.gather [hbm4b:s7+s5], $0x1, s2, s5, $0xb8;
	[tilespmem:$0xC00] =	vst v63  }
0x12: {  	s10 =	simm.s32 $0x600;
	s9 =	sadd.s32 $0x7200, s16  }
0x13: {  	[tilespmem:s10], [sflag:$0x2] =	stream.indirect.gather [hbm4b:s9+s5], $0x1, s2, s5, $0xb8;
	[tilespmem:$0xC00] =	vst v63  }
0x14: {  	s11 =	simm.s32 $0x800  }
0x15: {  	[tilespmem:s11], [sflag:$0x2] =	stream.indirect.gather [hbm4b:s7+s5], $0x1, s5, s5, $0xb8;
	[tilespmem:$0xC00] =	vst v63  }
0x16: {  	s12 =	simm.s32 $0xA00;
	s13 =	simm.s32 $0x2  }
0x17: {  	[tilespmem:s12], [sflag:$0x2] =	stream.indirect.gather [hbm4b:s9+s5], $0x1, s5, s5, $0xb8;
	[tilespmem:$0xC00] =	vst v63  }
0x18: {  	_ =	swait.ge [sflag:s13], $0x200  }
0x19: {  	[sflag:s13] =	ssyncset.done $0x0  }
0x1a: {  	[sflag:s13] =	ssyncadd.s32 $0xFFFFFE00  }
0x1b: {  	_ =	swait.ge [sflag:s13], $0x200  }
0x1c: {  	[sflag:s13] =	ssyncset.done $0x0  }
0x1d: {  	[sflag:s13] =	ssyncadd.s32 $0xFFFFFE00  }
0x1e: {  	_ =	swait.ge [sflag:s13], $0x200  }
0x1f: {  	[sflag:s13] =	ssyncset.done $0x0  }
0x20: {  	[sflag:s13] =	ssyncadd.s32 $0xFFFFFE00  }
0x21: {  	_ =	swait.ge [sflag:s13], $0x200  }
0x22: {  	[sflag:s13] =	ssyncset.done $0x0  }
0x23: {  	s15 =	sadd.s32 s14, s18;
	s14 =	simm.s32 $0x3;
	[sflag:s13] =	ssyncadd.s32 $0xFFFFFE00  }
0x24: {  	[hbm4b:s15+s2] =	stream.linear.scatter [tilespmem:s8], [sflag:$0x3], $0x200, $0x38;
	[tilespmem:$0xC00] =	vst v63  }
0x25: {  	_ =	swait.ge [sflag:s14], $0x200  }
0x26: {  	s18 =	sadd.s32 s18, s16;
	[sflag:s14] =	ssyncset.done $0x0  }
0x27: {  	s19 =	ssub.s32 $0x2, s17;
	s16 =	sadd.s32 $0xA400, s18;
	[sflag:s14] =	ssyncadd.s32 $0xFFFFFE00  }
0x28: {  	[hbm4b:s16+s2] =	stream.linear.scatter [tilespmem:s10], [sflag:$0x3], $0x200, $0x38;
	[tilespmem:$0xC00] =	vst v63  }
0x29: {  	s20 =	sshrl.u32 s19, $0x1;
	_ =	swait.ge [sflag:s14], $0x200  }
0x2a: {  	s19 =	ssub.s32 s19, s20;
	[sflag:s14] =	ssyncset.done $0x0  }
0x2b: {  	s17 =	sadd.s32 $0xAC00, s18;
	s19 =	smax.u32 s19, $0x1;
	[sflag:s14] =	ssyncadd.s32 $0xFFFFFE00  }
0x2c: {  	[hbm4b:s17+s2] =	stream.linear.scatter [tilespmem:s11], [sflag:$0x3], $0x200, $0x38;
	[tilespmem:$0xC00] =	vst v63  }
0x2d: {  	p0 =	sne.s32 s19, $0x1;
	_ =	swait.ge [sflag:s14], $0x200  }
.Ltmp0:
0x2e: {  	[sflag:s14] =	ssyncset.done $0x0;
	(pc) =	sbr.rel @!p0 .LBB2_2-.Ltmp0, $4  }
0x2f: {  	s18 =	sadd.s32 $0xB400, s18;
	[sflag:s14] =	ssyncadd.s32 $0xFFFFFE00  }
0x30: {  	[hbm4b:s18+s2] =	stream.linear.scatter [tilespmem:s12], [sflag:$0x3], $0x200, $0x38;
	[tilespmem:$0xC00] =	vst v63  }
0x31: {  	_ =	swait.ge [sflag:s14], $0x200  }
0x32: {  	s19 =	sadd.s32 $0xFFFFFFFF, s19;
	[sflag:s14] =	ssyncset.done $0x0  }
.LBB2_1:
0x33: {  	p0 =	sne.s32 s19, $0x1;
	s19 =	sadd.s32 $0xFFFFFFFF, s19;
	[sflag:s14] =	ssyncadd.s32 $0xFFFFFE00  }
0x34: {  	[tilespmem:s2], [sflag:$0x1] =	stream.linear.gather [hbm4b:s3+s2], $0x200, $0x38;
	[tilespmem:$0xC00] =	vst v63  }
0x35: {  	_ = 	snop  }
0x36: {  	[tilespmem:s5], [sflag:$0x1] =	stream.linear.gather [hbm4b:s4+s2], $0x200, $0x38;
	[tilespmem:$0xC00] =	vst v63  }
0x37: {  	_ =	swait.ge [sflag:s6], $0x200  }
0x38: {  	[sflag:s6] =	ssyncset.done $0x0  }
0x39: {  	[sflag:s6] =	ssyncadd.s32 $0xFFFFFE00  }
0x3a: {  	_ =	swait.ge [sflag:s6], $0x200  }
0x3b: {  	[sflag:s6] =	ssyncset.done $0x0  }
0x3c: {  	[sflag:s6] =	ssyncadd.s32 $0xFFFFFE00  }
0x3d: {  	[tilespmem:s8], [sflag:$0x2] =	stream.indirect.gather [hbm4b:s7+s5], $0x1, s2, s5, $0xb8;
	[tilespmem:$0xC00] =	vst v63  }
0x3e: {  	_ = 	snop  }
0x3f: {  	[tilespmem:s10], [sflag:$0x2] =	stream.indirect.gather [hbm4b:s9+s5], $0x1, s2, s5, $0xb8;
	[tilespmem:$0xC00] =	vst v63  }
0x40: {  	_ = 	snop  }
0x41: {  	[tilespmem:s11], [sflag:$0x2] =	stream.indirect.gather [hbm4b:s7+s5], $0x1, s5, s5, $0xb8;
	[tilespmem:$0xC00] =	vst v63  }
0x42: {  	_ = 	snop  }
0x43: {  	[tilespmem:s12], [sflag:$0x2] =	stream.indirect.gather [hbm4b:s9+s5], $0x1, s5, s5, $0xb8;
	[tilespmem:$0xC00] =	vst v63  }
0x44: {  	_ =	swait.ge [sflag:s13], $0x200  }
0x45: {  	[sflag:s13] =	ssyncset.done $0x0  }
0x46: {  	[sflag:s13] =	ssyncadd.s32 $0xFFFFFE00  }
0x47: {  	_ =	swait.ge [sflag:s13], $0x200  }
0x48: {  	[sflag:s13] =	ssyncset.done $0x0  }
0x49: {  	[sflag:s13] =	ssyncadd.s32 $0xFFFFFE00  }
0x4a: {  	_ =	swait.ge [sflag:s13], $0x200  }
0x4b: {  	[sflag:s13] =	ssyncset.done $0x0  }
0x4c: {  	[sflag:s13] =	ssyncadd.s32 $0xFFFFFE00  }
0x4d: {  	_ =	swait.ge [sflag:s13], $0x200  }
0x4e: {  	[sflag:s13] =	ssyncset.done $0x0  }
0x4f: {  	[sflag:s13] =	ssyncadd.s32 $0xFFFFFE00  }
0x50: {  	[hbm4b:s15+s2] =	stream.linear.scatter [tilespmem:s8], [sflag:$0x3], $0x200, $0x38;
	[tilespmem:$0xC00] =	vst v63  }
0x51: {  	_ =	swait.ge [sflag:s14], $0x200  }
0x52: {  	[sflag:s14] =	ssyncset.done $0x0  }
0x53: {  	[sflag:s14] =	ssyncadd.s32 $0xFFFFFE00  }
0x54: {  	[hbm4b:s16+s2] =	stream.linear.scatter [tilespmem:s10], [sflag:$0x3], $0x200, $0x38;
	[tilespmem:$0xC00] =	vst v63  }
0x55: {  	_ =	swait.ge [sflag:s14], $0x200  }
0x56: {  	[sflag:s14] =	ssyncset.done $0x0  }
0x57: {  	[sflag:s14] =	ssyncadd.s32 $0xFFFFFE00  }
0x58: {  	[hbm4b:s17+s2] =	stream.linear.scatter [tilespmem:s11], [sflag:$0x3], $0x200, $0x38;
	[tilespmem:$0xC00] =	vst v63  }
0x59: {  	_ =	swait.ge [sflag:s14], $0x200  }
.Ltmp1:
0x5a: {  	[sflag:s14] =	ssyncset.done $0x0;
	(pc) =	sbr.rel @p0 .LBB2_1-.Ltmp1, $4  }
0x5b: {  	[sflag:s14] =	ssyncadd.s32 $0xFFFFFE00  }
0x5c: {  	[hbm4b:s18+s2] =	stream.linear.scatter [tilespmem:s12], [sflag:$0x3], $0x200, $0x38;
	[tilespmem:$0xC00] =	vst v63  }
0x5d: {  	_ =	swait.ge [sflag:s14], $0x200  }
0x5e: {  	[sflag:s14] =	ssyncset.done $0x0  }
.LBB2_2:
0x5f: {  	[sflag:s14] =	ssyncadd.s32 $0xFFFFFE00  }
0x60: {  	_ =	sfence.sel $0x180000  }
0x61: {  	[bflag:$0x0] =	sbarrier.arrive $0xFFFF  }
0x62: {  	p0 =	sne.s32 s1, $0x0;
	_ =	strace $0x90000050  }
0x63: {  	s0 =	sadd.s32 @!p0 $0x100000, s0;
	[bflag:$0x2] =	sbarrier.arrive $0xFFFF  }
0x64: {  	[sflag:s0] =	ssyncadd.tile.s32 @!p0 $0x1;
	_ =	shalt  }
.Lfunc_end2:
_tile_overlayer_lowered:
.L_overlay_start_2:
0x65: {  	(tag) =	ssettag $0x2  }
0x66: {  	s0 =	rddreg [dreg:$0x0];
	s2 =	stileid.u32  }
0x67: {  	s1 =	rddreg [dreg:$0x1];
	p0 =	sne.s32 s2, $0x0  }
0x68: {  	s3 =	rddreg [dreg:$0x2];
	[bflag:$0x3] =	sbarrier.arrive $0xFFFF;
	s2 =	simm.s32 @!p0 $0x1C03  }
0x69: {  	[timem:s3], [sflag:s2] =	dma.local @!p0 [hbm:s0], s1  }
0x6a: {  	s0 =	simm.s32 @!p0 $0x3  }
0x6b: {  	_ =	swait.ge @!p0 [sflag:s0], s1  }
0x6c: {  	s1 =	ssub.s32 @!p0 $0x0, s1;
	[sflag:s0] =	ssyncset.done @!p0 $0x0  }
0x6d: {  	[sflag:s0] =	ssyncadd.s32 @!p0 s1  }
0x6e: {  	[bflag:$0x3] =	sbarrier.arrive $0xFFFF  }
0x6f: {  	_ =	shalt  }

</sc_bundles>
